<compile_context>
chip_gen: v7x
topology: tpu7x:2x2x1
jax: 0.10.2.dev20260603
libtpu: 0.0.44.dev20260713+nightly
codegen_flags: <defaults>
</compile_context>

<pallas_src>
import functools

import jax
import jax.numpy as jnp
from jax import lax
from jax.experimental import pallas as pl
from jax.experimental.pallas import tpu as pltpu
from jax.experimental.pallas import tpu_sc as plsc


def _sc_transpose(embT):
    D, V = embT.shape
    PW = D // 2 + 8
    CW = 512
    NFULL = V // CW
    TAIL = V - NFULL * CW
    assert D % 16 == 0 and TAIL % 16 == 0 and TAIL < 128
    info = plsc.get_sparse_core_info()
    NW = info.num_cores * info.num_subcores
    CPT = (NFULL + NW - 1) // NW
    NC = info.num_cores

    mesh = plsc.VectorSubcoreMesh(core_axis_name="c", subcore_axis_name="s")

    @functools.partial(
        pl.kernel,
        out_type=jax.ShapeDtypeStruct((V * PW,), jnp.int32),
        mesh=mesh,
        compiler_params=pltpu.CompilerParams(use_tc_tiling_on_sc=True,
                                             needs_layout_passes=False),
        scratch_types=[
            pltpu.VMEM((D // 8, 8, CW), jnp.float32),
            pltpu.VMEM((D // 8, 8, CW), jnp.float32),
            pltpu.VMEM((CW * PW,), jnp.int32),
            pltpu.VMEM((CW * PW,), jnp.int32),
            pltpu.SemaphoreType.DMA,
            pltpu.SemaphoreType.DMA,
            pltpu.SemaphoreType.DMA,
            pltpu.SemaphoreType.DMA,
        ],
    )
    def sc_tr(src_hbm, tail_hbm, out_hbm,
              in_v0, in_v1, out_v0, out_v1, isem0, isem1, osem0, osem1):
        wid = lax.axis_index("s") * NC + lax.axis_index("c")
        start = wid * CPT
        n = jnp.minimum(CPT, NFULL - start)
        iota = jnp.arange(16, dtype=jnp.int32)
        lane = iota * PW
        in_bufs = (in_v0, in_v1)
        out_bufs = (out_v0, out_v1)
        isems = (isem0, isem1)
        osems = (osem0, osem1)

        def in_src(k):
            v0 = pl.multiple_of((start + k) * CW, CW)
            return src_hbm.at[:, :, pl.ds(v0, CW)]

        def out_dst(k):
            o0 = pl.multiple_of((start + k) * CW * PW, CW * PW)
            return out_hbm.at[pl.ds(o0, CW * PW)]

        pltpu.async_copy(in_src(0), in_v0, isem0)
        pltpu.async_copy(in_src(1), in_v1, isem1)

        def pair_body(p, carry):
            for b in range(2):
                k = p * 2 + b

                @pl.when(k < n)
                def _():
                    iv, ov = in_bufs[b], out_bufs[b]
                    pltpu.make_async_copy(in_src(k), iv, isems[b]).wait()

                    @pl.when(k >= 2)
                    def _():
                        pltpu.make_async_copy(ov, out_dst(k - 2),
                                              osems[b]).wait()

                    @plsc.parallel_loop(0, D // 2, unroll=8)
                    def m_body(m):
                        tr = m // 4
                        s = 2 * (m - tr * 4)
                        for l16 in range(CW // 16):
                            a = iv[tr, s, pl.ds(l16 * 16, 16)]
                            b = iv[tr, s + 1, pl.ds(l16 * 16, 16)]
                            y = plsc.pack(a, b,
                                          format=plsc.PackFormat.INTERLEAVED)
                            w = plsc.bitcast(y, jnp.int32)
                            idx = lane + (l16 * 16 * PW + m)
                            plsc.store_scatter(ov, [idx], w)
                    pltpu.async_copy(ov, out_dst(k), osems[b])

                    @pl.when(k + 2 < n)
                    def _():
                        pltpu.async_copy(in_src(k + 2), iv, isems[b])
            return carry

        lax.fori_loop(0, (CPT + 1) // 2, pair_body, 0)

        last_parity = (n - 1) % 2
        for b in range(2):
            m = jnp.where(last_parity == b, n - 1, n - 2)
            pltpu.make_async_copy(out_bufs[b], out_dst(m), osems[b]).wait()

        if TAIL:
            @pl.when(wid == NW - 1)
            def _():
                pltpu.sync_copy(tail_hbm, out_v0.at[pl.ds(0, TAIL * PW)])
                pltpu.sync_copy(out_v0.at[pl.ds(0, TAIL * PW)],
                                out_hbm.at[pl.ds(NFULL * CW * PW,
                                                 TAIL * PW)])

    tail_bf = embT[:, NFULL * CW:].T.astype(jnp.bfloat16)
    tail_bf = jnp.pad(tail_bf, ((0, 0), (0, 2 * PW - D))).reshape(TAIL, PW, 2)
    tail_flat = jax.lax.bitcast_convert_type(tail_bf, jnp.int32).reshape(-1)
    return sc_tr(embT.reshape(D // 8, 8, V), tail_flat)


def _sc_gather_sum(text_flat, text_len, emb, B, L, D):
    V, PW = emb.shape
    info = plsc.get_sparse_core_info()
    NC, NS = info.num_cores, info.num_subcores
    NW = NC * NS
    assert B % NW == 0
    TPB = B // NW
    CH0 = min(128, L)
    CH1 = L - CH0
    assert CH0 % 8 == 0 and (CH1 == 0 or CH1 % 8 == 0)
    NG = D // 32

    mesh = plsc.VectorSubcoreMesh(core_axis_name="c", subcore_axis_name="s")

    assert TPB % 4 == 0

    @functools.partial(
        pl.kernel,
        out_type=jax.ShapeDtypeStruct((B, D), jnp.float32),
        mesh=mesh,
        compiler_params=pltpu.CompilerParams(use_tc_tiling_on_sc=False,
                                             needs_layout_passes=False),
        scratch_types=[
            pltpu.VMEM((TPB * L,), jnp.int32),
            pltpu.VMEM((TPB,), jnp.float32),
            pltpu.VMEM((L, PW), jnp.int32),
            pltpu.VMEM((L, PW), jnp.int32),
            pltpu.VMEM((L, PW), jnp.int32),
            pltpu.VMEM((L, PW), jnp.int32),
            pltpu.VMEM((TPB, D), jnp.float32),
            pltpu.SemaphoreType.DMA,
            pltpu.SemaphoreType.DMA,
            pltpu.SemaphoreType.DMA,
            pltpu.SemaphoreType.DMA,
        ],
    )
    def sc_sum(text_hbm, len_hbm, emb_hbm, out_hbm, idx_v, rlen_v,
               rows0, rows1, rows2, rows3, out_v, sem0, sem1, sem2, sem3):
        wid = lax.axis_index("s") * NC + lax.axis_index("c")
        base = pl.multiple_of(wid * TPB, 8)
        pltpu.sync_copy(text_hbm.at[pl.ds(pl.multiple_of(base * L, 8),
                                          TPB * L)], idx_v)
        pltpu.sync_copy(len_hbm.at[pl.ds(base, TPB)], rlen_v)
        bufs = (rows0, rows1, rows2, rows3)
        sems = (sem0, sem1, sem2, sem3)

        def copies(t, buf, sem):
            o0 = pl.multiple_of(t * L, 8)
            yield pltpu.make_async_copy(
                emb_hbm.at[idx_v.at[pl.ds(o0, CH0)]],
                buf.at[pl.ds(0, CH0)], sem)
            if CH1:
                yield pltpu.make_async_copy(
                    emb_hbm.at[idx_v.at[pl.ds(o0 + CH0, CH1)]],
                    buf.at[pl.ds(CH0, CH1)], sem)

        for tp in range(4):
            for c in copies(tp, bufs[tp], sems[tp]):
                c.start()

        def pair_body(p, carry):
            for b in range(4):
                t = p * 4 + b
                buf, sem = bufs[b], sems[b]
                for c in copies(t, buf, sem):
                    c.wait()

                def row_body(j, acc):
                    new = []
                    for g in range(NG):
                        w = buf[j, pl.ds(g * 16, 16)]
                        y = plsc.bitcast(w, jnp.bfloat16)
                        ev, od = plsc.unpack(
                            y, format=plsc.PackFormat.INTERLEAVED,
                            preferred_element_type=jnp.float32)
                        new.append(acc[2 * g] + ev)
                        new.append(acc[2 * g + 1] + od)
                    return tuple(new)

                acc = lax.fori_loop(
                    0, L, row_body,
                    tuple(jnp.zeros((16,), jnp.float32)
                          for _ in range(2 * NG)),
                    unroll=8)
                iota = jnp.arange(16, dtype=jnp.int32)
                trow = t + jnp.zeros((16,), jnp.int32)
                rlen = plsc.load_gather(rlen_v, [trow])
                for g in range(NG):
                    for r in range(2):
                        cidx = 2 * iota + (32 * g + r)
                        plsc.store_scatter(out_v, [trow, cidx],
                                           acc[2 * g + r] * rlen)

                @pl.when(t + 4 < TPB)
                def _():
                    for c in copies(t + 4, buf, sem):
                        c.start()
            return carry

        lax.fori_loop(0, TPB // 4, pair_body, 0)
        pltpu.sync_copy(out_v, out_hbm.at[pl.ds(base, TPB)])

    return sc_sum(text_flat, text_len, emb)


def _mlp_body(avg_ref, w1_ref, b1_ref, w2_ref, b2_ref, out_ref):
    h = lax.dot_general(avg_ref[...], w1_ref[...], (((1,), (1,)), ((), ())),
                        preferred_element_type=jnp.float32) + b1_ref[...]
    h = jnp.maximum(h, 0.0)
    out_ref[...] = lax.dot_general(h, w2_ref[...], (((1,), (1,)), ((), ())),
                                   preferred_element_type=jnp.float32) + b2_ref[...]


def _mlp(avg, W1, b1, W2, b2):
    B, D = avg.shape
    H = W1.shape[0]
    C = W2.shape[0]
    BT = 512
    grid = (B // BT,)
    return pl.pallas_call(
        _mlp_body,
        grid=grid,
        in_specs=[
            pl.BlockSpec((BT, D), lambda i: (i, 0)),
            pl.BlockSpec((H, D), lambda i: (0, 0)),
            pl.BlockSpec((1, H), lambda i: (0, 0)),
            pl.BlockSpec((C, H), lambda i: (0, 0)),
            pl.BlockSpec((1, C), lambda i: (0, 0)),
        ],
        out_specs=pl.BlockSpec((BT, C), lambda i: (i, 0)),
        out_shape=jax.ShapeDtypeStruct((B, C), jnp.float32),
    )(avg, W1, b1.reshape(1, H), W2, b2.reshape(1, C))


def kernel(input_text, text_len, emb, W1, b1, W2, b2):
    B, L = input_text.shape
    V, D = emb.shape
    table = _sc_transpose(emb.T).reshape(V, D // 2 + 8)
    rlen = 1.0 / text_len.astype(jnp.float32)
    avg = _sc_gather_sum(input_text.reshape(-1), rlen, table, B, L, D)
    return _mlp(avg, W1, b1, W2, b2)

# --- scband reference (transcript-rebuilt; emitter-appended) ---
"""Pipeline reference for scband-dan-model-34961033789581 (READ-ONLY COPY).

The authoritative reference and input builder live on the scoring server;
editing this copy changes nothing except your own understanding.
"""

import jax, jax.numpy as jnp
import numpy as np

B, L = 4096, 200
V, D, H, C = 1000000, 64, 128, 1000

def setup_inputs(seed: int = 0) -> dict:
    key = jax.random.key(seed)
    k0, k1, k2, k3, k4 = jax.random.split(key, 5)
    input_text = jax.random.randint(k0, (B, L), 0, V, dtype=jnp.int32)
    # lengths in [1, L] to avoid divide-by-zero (padding lengths are >= 1 in practice)
    text_len = jax.random.randint(k1, (B,), 1, L + 1, dtype=jnp.int32)
    emb = jax.random.normal(k2, (V, D), dtype=jnp.float32) * 0.02
    emb = emb.at[0].set(0.0)  # padding_idx=0
    W1 = jax.random.normal(k3, (H, D), dtype=jnp.float32) * (1.0 / np.sqrt(D))
    b1 = jnp.zeros((H,), dtype=jnp.float32)
    W2 = jax.random.normal(k4, (C, H), dtype=jnp.float32) * (1.0 / np.sqrt(H))
    b2 = jnp.zeros((C,), dtype=jnp.float32)
    return {"input_text": input_text, "text_len": text_len, "emb": emb,
            "W1": W1, "b1": b1, "W2": W2, "b2": b2}

def reference(input_text, text_len, emb, W1, b1, W2, b2):
    # embedding lookup (gather)
    text_embed = jnp.take(emb, input_text, axis=0)        # [B, L, D]
    # average over sequence: sum then divide by length
    summed = text_embed.sum(axis=1)                        # [B, D]
    avg = summed / text_len.astype(jnp.float32)[:, None]   # [B, D]
    # classifier: Linear -> ReLU -> (Dropout is identity in eval) -> Linear
    h = jnp.maximum(avg @ W1.T + b1, 0.0)                  # [B, H]
    logits = h @ W2.T + b2                                 # [B, C]
    return logits

if __name__ == "__main__":
    import jax
    _d = setup_inputs()
    print(jax.jit(kernel)(*tuple(_d.values())))

</pallas_src>

<mosaic_0001>
#map = affine_map<(d0, d1) -> (0)>
#map1 = affine_map<(d0, d1) -> (0, 0)>
module attributes {stable_mosaic.version = 14 : i64} {
  func.func @sc_sum(%arg0: i32, %arg1: i32, %arg2: memref<819200xi32, #tpu.memory_space<hbm>>, %arg3: memref<4096xf32, #tpu.memory_space<hbm>>, %arg4: memref<1000000x40xi32, #tpu.memory_space<hbm>>, %arg5: memref<4096x64xf32, #tpu.memory_space<hbm>>, %arg6: memref<25600xi32, #tpu.memory_space<vmem>>, %arg7: memref<128xf32, #tpu.memory_space<vmem>>, %arg8: memref<200x40xi32, #tpu.memory_space<vmem>>, %arg9: memref<200x40xi32, #tpu.memory_space<vmem>>, %arg10: memref<200x40xi32, #tpu.memory_space<vmem>>, %arg11: memref<200x40xi32, #tpu.memory_space<vmem>>, %arg12: memref<128x64xf32, #tpu.memory_space<vmem>>, %arg13: memref<!tpu.dma_semaphore, #tpu.memory_space<semaphore_mem>>, %arg14: memref<!tpu.dma_semaphore, #tpu.memory_space<semaphore_mem>>, %arg15: memref<!tpu.dma_semaphore, #tpu.memory_space<semaphore_mem>>, %arg16: memref<!tpu.dma_semaphore, #tpu.memory_space<semaphore_mem>>) attributes {dimension_semantics = [#tpu.dimension_semantics<core_parallel>, #tpu.dimension_semantics<subcore_parallel>], iteration_bounds = array<i64: 2, 16>, scalar_prefetch = 0 : i64, scratch_operands = 11 : i64, tpu.core_type = #tpu.core_type<sc_vector_subcore>, window_params = [{transform_indices = #map}, {transform_indices = #map}, {transform_indices = #map1}, {transform_indices = #map1}]} {
    %mul3A = arith.constant 2 : i32
    %mul3A_0 = arith.muli %arg1, %mul3A : i32
    %add3A = arith.addi %mul3A_0, %arg0 : i32
    %mul3A_1 = arith.constant 128 : i32
    %mul3A_2 = arith.muli %add3A, %mul3A_1 : i32
    %multiple_of3A = tpu.assume_multiple %mul3A_2, 8 : i32
    %mul3A_3 = arith.constant 200 : i32
    %mul3A_4 = arith.muli %multiple_of3A, %mul3A_3 : i32
    %multiple_of3A_5 = tpu.assume_multiple %mul3A_4, 8 : i32
    "tpu.region"() ({
      %run_scoped3A = tpu.sem_alloc : memref<!tpu.dma_semaphore, #tpu.memory_space<semaphore_mem>>
      %dma_start3A_82 = tpu.memref_slice %arg2[%multiple_of3A_5] : memref<819200xi32, #tpu.memory_space<hbm>> -> memref<25600xi32, #tpu.memory_space<hbm>>
      %dma_start3A_83 = tpu.memref_slice %arg2[%multiple_of3A_5] : memref<819200xi32, #tpu.memory_space<hbm>> -> memref<25600xi32, #tpu.memory_space<hbm>>
      tpu.enqueue_dma source(%dma_start3A_83 : memref<25600xi32, #tpu.memory_space<hbm>>) target(%arg6 : memref<25600xi32, #tpu.memory_space<vmem>>) target_semaphore(%run_scoped3A : memref<!tpu.dma_semaphore, #tpu.memory_space<semaphore_mem>>)
      %dma_wait3A = tpu.memref_slice %arg2[%multiple_of3A_5] : memref<819200xi32, #tpu.memory_space<hbm>> -> memref<25600xi32, #tpu.memory_space<hbm>>
      %dma_wait3A_84 = tpu.memref_slice %arg2[%multiple_of3A_5] : memref<819200xi32, #tpu.memory_space<hbm>> -> memref<25600xi32, #tpu.memory_space<hbm>>
      tpu.wait_dma2 semaphore(%run_scoped3A : memref<!tpu.dma_semaphore, #tpu.memory_space<semaphore_mem>>) src(%dma_wait3A_84 : memref<25600xi32, #tpu.memory_space<hbm>>) dst(%arg6 : memref<25600xi32, #tpu.memory_space<vmem>>)
      tpu.yield
    }) : () -> ()
    "tpu.region"() ({
      %run_scoped3A = tpu.sem_alloc : memref<!tpu.dma_semaphore, #tpu.memory_space<semaphore_mem>>
      %dma_start3A_82 = tpu.memref_slice %arg3[%multiple_of3A] : memref<4096xf32, #tpu.memory_space<hbm>> -> memref<128xf32, #tpu.memory_space<hbm>>
      %dma_start3A_83 = tpu.memref_slice %arg3[%multiple_of3A] : memref<4096xf32, #tpu.memory_space<hbm>> -> memref<128xf32, #tpu.memory_space<hbm>>
      tpu.enqueue_dma source(%dma_start3A_83 : memref<128xf32, #tpu.memory_space<hbm>>) target(%arg7 : memref<128xf32, #tpu.memory_space<vmem>>) target_semaphore(%run_scoped3A : memref<!tpu.dma_semaphore, #tpu.memory_space<semaphore_mem>>)
      %dma_wait3A = tpu.memref_slice %arg3[%multiple_of3A] : memref<4096xf32, #tpu.memory_space<hbm>> -> memref<128xf32, #tpu.memory_space<hbm>>
      %dma_wait3A_84 = tpu.memref_slice %arg3[%multiple_of3A] : memref<4096xf32, #tpu.memory_space<hbm>> -> memref<128xf32, #tpu.memory_space<hbm>>
      tpu.wait_dma2 semaphore(%run_scoped3A : memref<!tpu.dma_semaphore, #tpu.memory_space<semaphore_mem>>) src(%dma_wait3A_84 : memref<128xf32, #tpu.memory_space<hbm>>) dst(%arg7 : memref<128xf32, #tpu.memory_space<vmem>>)
      tpu.yield
    }) : () -> ()
    %multiple_of3A_6 = arith.constant 0 : i32
    %multiple_of3A_7 = tpu.assume_multiple %multiple_of3A_6, 8 : i32
    %dma_start3A = arith.constant 0 : i32
    %dma_start3A_8 = arith.constant 0 : i32
    %dma_start3A_9 = tpu.memref_slice %arg8[%dma_start3A, %dma_start3A_8] : memref<200x40xi32, #tpu.memory_space<vmem>> -> memref<128x40xi32, #tpu.memory_space<vmem>>
    %dma_start3A_10 = tpu.memref_slice %arg6[%multiple_of3A_7] : memref<25600xi32, #tpu.memory_space<vmem>> -> memref<128xi32, #tpu.memory_space<vmem>>
    %dma_start3A_11 = arith.constant 0 : i32
    %dma_start3A_12 = arith.constant 0 : i32
    %dma_start3A_13 = tpu.memref_slice %arg4[%dma_start3A_11, %dma_start3A_12] : memref<1000000x40xi32, #tpu.memory_space<hbm>> -> memref<1000000x40xi32, #tpu.memory_space<hbm>>
    tpu.enqueue_indirect_dma source(%dma_start3A_13 : memref<1000000x40xi32, #tpu.memory_space<hbm>>) target(%dma_start3A_9 : memref<128x40xi32, #tpu.memory_space<vmem>>) offsets(%dma_start3A_10 : memref<128xi32, #tpu.memory_space<vmem>>) semaphore(%arg13 : memref<!tpu.dma_semaphore, #tpu.memory_space<semaphore_mem>>)
    %add3A_14 = arith.constant 128 : i32
    %add3A_15 = arith.addi %multiple_of3A_7, %add3A_14 : i32
    %dma_start3A_16 = arith.constant 128 : i32
    %dma_start3A_17 = arith.constant 0 : i32
    %dma_start3A_18 = tpu.memref_slice %arg8[%dma_start3A_16, %dma_start3A_17] : memref<200x40xi32, #tpu.memory_space<vmem>> -> memref<72x40xi32, #tpu.memory_space<vmem>>
    %dma_start3A_19 = tpu.memref_slice %arg6[%add3A_15] : memref<25600xi32, #tpu.memory_space<vmem>> -> memref<72xi32, #tpu.memory_space<vmem>>
    %dma_start3A_20 = arith.constant 0 : i32
    %dma_start3A_21 = arith.constant 0 : i32
    %dma_start3A_22 = tpu.memref_slice %arg4[%dma_start3A_20, %dma_start3A_21] : memref<1000000x40xi32, #tpu.memory_space<hbm>> -> memref<1000000x40xi32, #tpu.memory_space<hbm>>
    tpu.enqueue_indirect_dma source(%dma_start3A_22 : memref<1000000x40xi32, #tpu.memory_space<hbm>>) target(%dma_start3A_18 : memref<72x40xi32, #tpu.memory_space<vmem>>) offsets(%dma_start3A_19 : memref<72xi32, #tpu.memory_space<vmem>>) semaphore(%arg13 : memref<!tpu.dma_semaphore, #tpu.memory_space<semaphore_mem>>)
    %multiple_of3A_23 = arith.constant 200 : i32
    %multiple_of3A_24 = tpu.assume_multiple %multiple_of3A_23, 8 : i32
    %dma_start3A_25 = arith.constant 0 : i32
    %dma_start3A_26 = arith.constant 0 : i32
    %dma_start3A_27 = tpu.memref_slice %arg9[%dma_start3A_25, %dma_start3A_26] : memref<200x40xi32, #tpu.memory_space<vmem>> -> memref<128x40xi32, #tpu.memory_space<vmem>>
    %dma_start3A_28 = tpu.memref_slice %arg6[%multiple_of3A_24] : memref<25600xi32, #tpu.memory_space<vmem>> -> memref<128xi32, #tpu.memory_space<vmem>>
    %dma_start3A_29 = arith.constant 0 : i32
    %dma_start3A_30 = arith.constant 0 : i32
    %dma_start3A_31 = tpu.memref_slice %arg4[%dma_start3A_29, %dma_start3A_30] : memref<1000000x40xi32, #tpu.memory_space<hbm>> -> memref<1000000x40xi32, #tpu.memory_space<hbm>>
    tpu.enqueue_indirect_dma source(%dma_start3A_31 : memref<1000000x40xi32, #tpu.memory_space<hbm>>) target(%dma_start3A_27 : memref<128x40xi32, #tpu.memory_space<vmem>>) offsets(%dma_start3A_28 : memref<128xi32, #tpu.memory_space<vmem>>) semaphore(%arg14 : memref<!tpu.dma_semaphore, #tpu.memory_space<semaphore_mem>>)
    %add3A_32 = arith.constant 128 : i32
    %add3A_33 = arith.addi %multiple_of3A_24, %add3A_32 : i32
    %dma_start3A_34 = arith.constant 128 : i32
    %dma_start3A_35 = arith.constant 0 : i32
    %dma_start3A_36 = tpu.memref_slice %arg9[%dma_start3A_34, %dma_start3A_35] : memref<200x40xi32, #tpu.memory_space<vmem>> -> memref<72x40xi32, #tpu.memory_space<vmem>>
    %dma_start3A_37 = tpu.memref_slice %arg6[%add3A_33] : memref<25600xi32, #tpu.memory_space<vmem>> -> memref<72xi32, #tpu.memory_space<vmem>>
    %dma_start3A_38 = arith.constant 0 : i32
    %dma_start3A_39 = arith.constant 0 : i32
    %dma_start3A_40 = tpu.memref_slice %arg4[%dma_start3A_38, %dma_start3A_39] : memref<1000000x40xi32, #tpu.memory_space<hbm>> -> memref<1000000x40xi32, #tpu.memory_space<hbm>>
    tpu.enqueue_indirect_dma source(%dma_start3A_40 : memref<1000000x40xi32, #tpu.memory_space<hbm>>) target(%dma_start3A_36 : memref<72x40xi32, #tpu.memory_space<vmem>>) offsets(%dma_start3A_37 : memref<72xi32, #tpu.memory_space<vmem>>) semaphore(%arg14 : memref<!tpu.dma_semaphore, #tpu.memory_space<semaphore_mem>>)
    %multiple_of3A_41 = arith.constant 400 : i32
    %multiple_of3A_42 = tpu.assume_multiple %multiple_of3A_41, 8 : i32
    %dma_start3A_43 = arith.constant 0 : i32
    %dma_start3A_44 = arith.constant 0 : i32
    %dma_start3A_45 = tpu.memref_slice %arg10[%dma_start3A_43, %dma_start3A_44] : memref<200x40xi32, #tpu.memory_space<vmem>> -> memref<128x40xi32, #tpu.memory_space<vmem>>
    %dma_start3A_46 = tpu.memref_slice %arg6[%multiple_of3A_42] : memref<25600xi32, #tpu.memory_space<vmem>> -> memref<128xi32, #tpu.memory_space<vmem>>
    %dma_start3A_47 = arith.constant 0 : i32
    %dma_start3A_48 = arith.constant 0 : i32
    %dma_start3A_49 = tpu.memref_slice %arg4[%dma_start3A_47, %dma_start3A_48] : memref<1000000x40xi32, #tpu.memory_space<hbm>> -> memref<1000000x40xi32, #tpu.memory_space<hbm>>
    tpu.enqueue_indirect_dma source(%dma_start3A_49 : memref<1000000x40xi32, #tpu.memory_space<hbm>>) target(%dma_start3A_45 : memref<128x40xi32, #tpu.memory_space<vmem>>) offsets(%dma_start3A_46 : memref<128xi32, #tpu.memory_space<vmem>>) semaphore(%arg15 : memref<!tpu.dma_semaphore, #tpu.memory_space<semaphore_mem>>)
    %add3A_50 = arith.constant 128 : i32
    %add3A_51 = arith.addi %multiple_of3A_42, %add3A_50 : i32
    %dma_start3A_52 = arith.constant 128 : i32
    %dma_start3A_53 = arith.constant 0 : i32
    %dma_start3A_54 = tpu.memref_slice %arg10[%dma_start3A_52, %dma_start3A_53] : memref<200x40xi32, #tpu.memory_space<vmem>> -> memref<72x40xi32, #tpu.memory_space<vmem>>
    %dma_start3A_55 = tpu.memref_slice %arg6[%add3A_51] : memref<25600xi32, #tpu.memory_space<vmem>> -> memref<72xi32, #tpu.memory_space<vmem>>
    %dma_start3A_56 = arith.constant 0 : i32
    %dma_start3A_57 = arith.constant 0 : i32
    %dma_start3A_58 = tpu.memref_slice %arg4[%dma_start3A_56, %dma_start3A_57] : memref<1000000x40xi32, #tpu.memory_space<hbm>> -> memref<1000000x40xi32, #tpu.memory_space<hbm>>
    tpu.enqueue_indirect_dma source(%dma_start3A_58 : memref<1000000x40xi32, #tpu.memory_space<hbm>>) target(%dma_start3A_54 : memref<72x40xi32, #tpu.memory_space<vmem>>) offsets(%dma_start3A_55 : memref<72xi32, #tpu.memory_space<vmem>>) semaphore(%arg15 : memref<!tpu.dma_semaphore, #tpu.memory_space<semaphore_mem>>)
    %multiple_of3A_59 = arith.constant 600 : i32
    %multiple_of3A_60 = tpu.assume_multiple %multiple_of3A_59, 8 : i32
    %dma_start3A_61 = arith.constant 0 : i32
    %dma_start3A_62 = arith.constant 0 : i32
    %dma_start3A_63 = tpu.memref_slice %arg11[%dma_start3A_61, %dma_start3A_62] : memref<200x40xi32, #tpu.memory_space<vmem>> -> memref<128x40xi32, #tpu.memory_space<vmem>>
    %dma_start3A_64 = tpu.memref_slice %arg6[%multiple_of3A_60] : memref<25600xi32, #tpu.memory_space<vmem>> -> memref<128xi32, #tpu.memory_space<vmem>>
    %dma_start3A_65 = arith.constant 0 : i32
    %dma_start3A_66 = arith.constant 0 : i32
    %dma_start3A_67 = tpu.memref_slice %arg4[%dma_start3A_65, %dma_start3A_66] : memref<1000000x40xi32, #tpu.memory_space<hbm>> -> memref<1000000x40xi32, #tpu.memory_space<hbm>>
    tpu.enqueue_indirect_dma source(%dma_start3A_67 : memref<1000000x40xi32, #tpu.memory_space<hbm>>) target(%dma_start3A_63 : memref<128x40xi32, #tpu.memory_space<vmem>>) offsets(%dma_start3A_64 : memref<128xi32, #tpu.memory_space<vmem>>) semaphore(%arg16 : memref<!tpu.dma_semaphore, #tpu.memory_space<semaphore_mem>>)
    %add3A_68 = arith.constant 128 : i32
    %add3A_69 = arith.addi %multiple_of3A_60, %add3A_68 : i32
    %dma_start3A_70 = arith.constant 128 : i32
    %dma_start3A_71 = arith.constant 0 : i32
    %dma_start3A_72 = tpu.memref_slice %arg11[%dma_start3A_70, %dma_start3A_71] : memref<200x40xi32, #tpu.memory_space<vmem>> -> memref<72x40xi32, #tpu.memory_space<vmem>>
    %dma_start3A_73 = tpu.memref_slice %arg6[%add3A_69] : memref<25600xi32, #tpu.memory_space<vmem>> -> memref<72xi32, #tpu.memory_space<vmem>>
    %dma_start3A_74 = arith.constant 0 : i32
    %dma_start3A_75 = arith.constant 0 : i32
    %dma_start3A_76 = tpu.memref_slice %arg4[%dma_start3A_74, %dma_start3A_75] : memref<1000000x40xi32, #tpu.memory_space<hbm>> -> memref<1000000x40xi32, #tpu.memory_space<hbm>>
    tpu.enqueue_indirect_dma source(%dma_start3A_76 : memref<1000000x40xi32, #tpu.memory_space<hbm>>) target(%dma_start3A_72 : memref<72x40xi32, #tpu.memory_space<vmem>>) offsets(%dma_start3A_73 : memref<72xi32, #tpu.memory_space<vmem>>) semaphore(%arg16 : memref<!tpu.dma_semaphore, #tpu.memory_space<semaphore_mem>>)
    %scan3A = arith.constant 0 : i32
    %scan3A_77 = arith.constant 0 : i32
    %scan3A_78 = arith.constant 32 : i32
    %scan3A_79 = arith.addi %scan3A_77, %scan3A_78 : i32
    %scan3A_80 = arith.constant 1 : i32
    scf.for %scan3A_82 = %scan3A_77 to %scan3A_79 step %scan3A_80  : i32 {
      %mul3A_83 = arith.constant 4 : i32
      %mul3A_84 = arith.muli %scan3A_82, %mul3A_83 : i32
      %add3A_85 = arith.constant 0 : i32
      %add3A_86 = arith.addi %mul3A_84, %add3A_85 : i32
      %mul3A_87 = arith.constant 200 : i32
      %mul3A_88 = arith.muli %add3A_86, %mul3A_87 : i32
      %multiple_of3A_89 = tpu.assume_multiple %mul3A_88, 8 : i32
      %dma_wait3A = arith.constant 0 : i32
      %dma_wait3A_90 = arith.constant 0 : i32
      %dma_wait3A_91 = tpu.memref_slice %arg8[%dma_wait3A, %dma_wait3A_90] : memref<200x40xi32, #tpu.memory_space<vmem>> -> memref<128x40xi32, #tpu.memory_space<vmem>>
      %dma_wait3A_92 = tpu.memref_slice %arg6[%multiple_of3A_89] : memref<25600xi32, #tpu.memory_space<vmem>> -> memref<128xi32, #tpu.memory_space<vmem>>
      %dma_wait3A_93 = arith.constant 0 : i32
      %dma_wait3A_94 = arith.constant 0 : i32
      %dma_wait3A_95 = tpu.memref_slice %arg4[%dma_wait3A_93, %dma_wait3A_94] : memref<1000000x40xi32, #tpu.memory_space<hbm>> -> memref<1000000x40xi32, #tpu.memory_space<hbm>>
      tpu.wait_indirect_dma semaphore(%arg13 : memref<!tpu.dma_semaphore, #tpu.memory_space<semaphore_mem>>) src(%dma_wait3A_95 : memref<1000000x40xi32, #tpu.memory_space<hbm>>) dst(%dma_wait3A_91 : memref<128x40xi32, #tpu.memory_space<vmem>>)
      %add3A_96 = arith.constant 128 : i32
      %add3A_97 = arith.addi %multiple_of3A_89, %add3A_96 : i32
      %dma_wait3A_98 = arith.constant 128 : i32
      %dma_wait3A_99 = arith.constant 0 : i32
      %dma_wait3A_100 = tpu.memref_slice %arg8[%dma_wait3A_98, %dma_wait3A_99] : memref<200x40xi32, #tpu.memory_space<vmem>> -> memref<72x40xi32, #tpu.memory_space<vmem>>
      %dma_wait3A_101 = tpu.memref_slice %arg6[%add3A_97] : memref<25600xi32, #tpu.memory_space<vmem>> -> memref<72xi32, #tpu.memory_space<vmem>>
      %dma_wait3A_102 = arith.constant 0 : i32
      %dma_wait3A_103 = arith.constant 0 : i32
      %dma_wait3A_104 = tpu.memref_slice %arg4[%dma_wait3A_102, %dma_wait3A_103] : memref<1000000x40xi32, #tpu.memory_space<hbm>> -> memref<1000000x40xi32, #tpu.memory_space<hbm>>
      tpu.wait_indirect_dma semaphore(%arg13 : memref<!tpu.dma_semaphore, #tpu.memory_space<semaphore_mem>>) src(%dma_wait3A_104 : memref<1000000x40xi32, #tpu.memory_space<hbm>>) dst(%dma_wait3A_100 : memref<72x40xi32, #tpu.memory_space<vmem>>)
      %broadcast_in_dim3A = arith.constant 0.000000e+00 : f32
      %broadcast_in_dim3A_105 = vector.broadcast %broadcast_in_dim3A : f32 to vector<16xf32>
      %broadcast_in_dim3A_106 = arith.constant 0.000000e+00 : f32
      %broadcast_in_dim3A_107 = vector.broadcast %broadcast_in_dim3A_106 : f32 to vector<16xf32>
      %broadcast_in_dim3A_108 = arith.constant 0.000000e+00 : f32
      %broadcast_in_dim3A_109 = vector.broadcast %broadcast_in_dim3A_108 : f32 to vector<16xf32>
      %broadcast_in_dim3A_110 = arith.constant 0.000000e+00 : f32
      %broadcast_in_dim3A_111 = vector.broadcast %broadcast_in_dim3A_110 : f32 to vector<16xf32>
      %scan3A_112 = arith.constant 0 : i32
      %scan3A_113 = arith.constant 200 : i32
      %scan3A_114 = arith.addi %scan3A_112, %scan3A_113 : i32
      %scan3A_115 = arith.constant 8 : i32
      %scan3A_116:4 = scf.for %scan3A_388 = %scan3A_112 to %scan3A_114 step %scan3A_115 iter_args(%scan3A_389 = %broadcast_in_dim3A_105, %scan3A_390 = %broadcast_in_dim3A_107, %scan3A_391 = %broadcast_in_dim3A_109, %scan3A_392 = %broadcast_in_dim3A_111) -> (vector<16xf32>, vector<16xf32>, vector<16xf32>, vector<16xf32>)  : i32 {
        %get3A = arith.index_cast %scan3A_388 : i32 to index
        %get3A_393 = arith.constant 0 : index
        %get3A_394 = tpu.vector_load %arg8[%get3A, %get3A_393] {strides = array<i32>} : memref<200x40xi32, #tpu.memory_space<vmem>>, vector<16xi32>,
        %bitcast3A = vector.bitcast %get3A_394 : vector<16xi32> to vector<32xbf16>
        %unpack3A = tpu.unpack_subelements %bitcast3A, 0 {pack_format = #tpu.pack_format<interleaved>} : vector<32xbf16> -> vector<16xf32>
        %unpack3A_395 = tpu.unpack_subelements %bitcast3A, 1 {pack_format = #tpu.pack_format<interleaved>} : vector<32xbf16> -> vector<16xf32>
        %add3A_396 = arith.addf %scan3A_389, %unpack3A : vector<16xf32>
        %add3A_397 = arith.addf %scan3A_390, %unpack3A_395 : vector<16xf32>
        %get3A_398 = arith.index_cast %scan3A_388 : i32 to index
        %get3A_399 = arith.constant 16 : index
        %get3A_400 = tpu.vector_load %arg8[%get3A_398, %get3A_399] {strides = array<i32>} : memref<200x40xi32, #tpu.memory_space<vmem>>, vector<16xi32>,
        %bitcast3A_401 = vector.bitcast %get3A_400 : vector<16xi32> to vector<32xbf16>
        %unpack3A_402 = tpu.unpack_subelements %bitcast3A_401, 0 {pack_format = #tpu.pack_format<interleaved>} : vector<32xbf16> -> vector<16xf32>
        %unpack3A_403 = tpu.unpack_subelements %bitcast3A_401, 1 {pack_format = #tpu.pack_format<interleaved>} : vector<32xbf16> -> vector<16xf32>
        %add3A_404 = arith.addf %scan3A_391, %unpack3A_402 : vector<16xf32>
        %add3A_405 = arith.addf %scan3A_392, %unpack3A_403 : vector<16xf32>
        %scan3A_406 = arith.constant 1 : i32
        %scan3A_407 = arith.addi %scan3A_388, %scan3A_406 : i32
        %get3A_408 = arith.index_cast %scan3A_407 : i32 to index
        %get3A_409 = arith.constant 0 : index
        %get3A_410 = tpu.vector_load %arg8[%get3A_408, %get3A_409] {strides = array<i32>} : memref<200x40xi32, #tpu.memory_space<vmem>>, vector<16xi32>,
        %bitcast3A_411 = vector.bitcast %get3A_410 : vector<16xi32> to vector<32xbf16>
        %unpack3A_412 = tpu.unpack_subelements %bitcast3A_411, 0 {pack_format = #tpu.pack_format<interleaved>} : vector<32xbf16> -> vector<16xf32>
        %unpack3A_413 = tpu.unpack_subelements %bitcast3A_411, 1 {pack_format = #tpu.pack_format<interleaved>} : vector<32xbf16> -> vector<16xf32>
        %add3A_414 = arith.addf %add3A_396, %unpack3A_412 : vector<16xf32>
        %add3A_415 = arith.addf %add3A_397, %unpack3A_413 : vector<16xf32>
        %get3A_416 = arith.index_cast %scan3A_407 : i32 to index
        %get3A_417 = arith.constant 16 : index
        %get3A_418 = tpu.vector_load %arg8[%get3A_416, %get3A_417] {strides = array<i32>} : memref<200x40xi32, #tpu.memory_space<vmem>>, vector<16xi32>,
        %bitcast3A_419 = vector.bitcast %get3A_418 : vector<16xi32> to vector<32xbf16>
        %unpack3A_420 = tpu.unpack_subelements %bitcast3A_419, 0 {pack_format = #tpu.pack_format<interleaved>} : vector<32xbf16> -> vector<16xf32>
        %unpack3A_421 = tpu.unpack_subelements %bitcast3A_419, 1 {pack_format = #tpu.pack_format<interleaved>} : vector<32xbf16> -> vector<16xf32>
        %add3A_422 = arith.addf %add3A_404, %unpack3A_420 : vector<16xf32>
        %add3A_423 = arith.addf %add3A_405, %unpack3A_421 : vector<16xf32>
        %scan3A_424 = arith.constant 2 : i32
        %scan3A_425 = arith.addi %scan3A_388, %scan3A_424 : i32
        %get3A_426 = arith.index_cast %scan3A_425 : i32 to index
        %get3A_427 = arith.constant 0 : index
        %get3A_428 = tpu.vector_load %arg8[%get3A_426, %get3A_427] {strides = array<i32>} : memref<200x40xi32, #tpu.memory_space<vmem>>, vector<16xi32>,
        %bitcast3A_429 = vector.bitcast %get3A_428 : vector<16xi32> to vector<32xbf16>
        %unpack3A_430 = tpu.unpack_subelements %bitcast3A_429, 0 {pack_format = #tpu.pack_format<interleaved>} : vector<32xbf16> -> vector<16xf32>
        %unpack3A_431 = tpu.unpack_subelements %bitcast3A_429, 1 {pack_format = #tpu.pack_format<interleaved>} : vector<32xbf16> -> vector<16xf32>
        %add3A_432 = arith.addf %add3A_414, %unpack3A_430 : vector<16xf32>
        %add3A_433 = arith.addf %add3A_415, %unpack3A_431 : vector<16xf32>
        %get3A_434 = arith.index_cast %scan3A_425 : i32 to index
        %get3A_435 = arith.constant 16 : index
        %get3A_436 = tpu.vector_load %arg8[%get3A_434, %get3A_435] {strides = array<i32>} : memref<200x40xi32, #tpu.memory_space<vmem>>, vector<16xi32>,
        %bitcast3A_437 = vector.bitcast %get3A_436 : vector<16xi32> to vector<32xbf16>
        %unpack3A_438 = tpu.unpack_subelements %bitcast3A_437, 0 {pack_format = #tpu.pack_format<interleaved>} : vector<32xbf16> -> vector<16xf32>
        %unpack3A_439 = tpu.unpack_subelements %bitcast3A_437, 1 {pack_format = #tpu.pack_format<interleaved>} : vector<32xbf16> -> vector<16xf32>
        %add3A_440 = arith.addf %add3A_422, %unpack3A_438 : vector<16xf32>
        %add3A_441 = arith.addf %add3A_423, %unpack3A_439 : vector<16xf32>
        %scan3A_442 = arith.constant 3 : i32
        %scan3A_443 = arith.addi %scan3A_388, %scan3A_442 : i32
        %get3A_444 = arith.index_cast %scan3A_443 : i32 to index
        %get3A_445 = arith.constant 0 : index
        %get3A_446 = tpu.vector_load %arg8[%get3A_444, %get3A_445] {strides = array<i32>} : memref<200x40xi32, #tpu.memory_space<vmem>>, vector<16xi32>,
        %bitcast3A_447 = vector.bitcast %get3A_446 : vector<16xi32> to vector<32xbf16>
        %unpack3A_448 = tpu.unpack_subelements %bitcast3A_447, 0 {pack_format = #tpu.pack_format<interleaved>} : vector<32xbf16> -> vector<16xf32>
        %unpack3A_449 = tpu.unpack_subelements %bitcast3A_447, 1 {pack_format = #tpu.pack_format<interleaved>} : vector<32xbf16> -> vector<16xf32>
        %add3A_450 = arith.addf %add3A_432, %unpack3A_448 : vector<16xf32>
        %add3A_451 = arith.addf %add3A_433, %unpack3A_449 : vector<16xf32>
        %get3A_452 = arith.index_cast %scan3A_443 : i32 to index
        %get3A_453 = arith.constant 16 : index
        %get3A_454 = tpu.vector_load %arg8[%get3A_452, %get3A_453] {strides = array<i32>} : memref<200x40xi32, #tpu.memory_space<vmem>>, vector<16xi32>,
        %bitcast3A_455 = vector.bitcast %get3A_454 : vector<16xi32> to vector<32xbf16>
        %unpack3A_456 = tpu.unpack_subelements %bitcast3A_455, 0 {pack_format = #tpu.pack_format<interleaved>} : vector<32xbf16> -> vector<16xf32>
        %unpack3A_457 = tpu.unpack_subelements %bitcast3A_455, 1 {pack_format = #tpu.pack_format<interleaved>} : vector<32xbf16> -> vector<16xf32>
        %add3A_458 = arith.addf %add3A_440, %unpack3A_456 : vector<16xf32>
        %add3A_459 = arith.addf %add3A_441, %unpack3A_457 : vector<16xf32>
        %scan3A_460 = arith.constant 4 : i32
        %scan3A_461 = arith.addi %scan3A_388, %scan3A_460 : i32
        %get3A_462 = arith.index_cast %scan3A_461 : i32 to index
        %get3A_463 = arith.constant 0 : index
        %get3A_464 = tpu.vector_load %arg8[%get3A_462, %get3A_463] {strides = array<i32>} : memref<200x40xi32, #tpu.memory_space<vmem>>, vector<16xi32>,
        %bitcast3A_465 = vector.bitcast %get3A_464 : vector<16xi32> to vector<32xbf16>
        %unpack3A_466 = tpu.unpack_subelements %bitcast3A_465, 0 {pack_format = #tpu.pack_format<interleaved>} : vector<32xbf16> -> vector<16xf32>
        %unpack3A_467 = tpu.unpack_subelements %bitcast3A_465, 1 {pack_format = #tpu.pack_format<interleaved>} : vector<32xbf16> -> vector<16xf32>
        %add3A_468 = arith.addf %add3A_450, %unpack3A_466 : vector<16xf32>
        %add3A_469 = arith.addf %add3A_451, %unpack3A_467 : vector<16xf32>
        %get3A_470 = arith.index_cast %scan3A_461 : i32 to index
        %get3A_471 = arith.constant 16 : index
        %get3A_472 = tpu.vector_load %arg8[%get3A_470, %get3A_471] {strides = array<i32>} : memref<200x40xi32, #tpu.memory_space<vmem>>, vector<16xi32>,
        %bitcast3A_473 = vector.bitcast %get3A_472 : vector<16xi32> to vector<32xbf16>
        %unpack3A_474 = tpu.unpack_subelements %bitcast3A_473, 0 {pack_format = #tpu.pack_format<interleaved>} : vector<32xbf16> -> vector<16xf32>
        %unpack3A_475 = tpu.unpack_subelements %bitcast3A_473, 1 {pack_format = #tpu.pack_format<interleaved>} : vector<32xbf16> -> vector<16xf32>
        %add3A_476 = arith.addf %add3A_458, %unpack3A_474 : vector<16xf32>
        %add3A_477 = arith.addf %add3A_459, %unpack3A_475 : vector<16xf32>
        %scan3A_478 = arith.constant 5 : i32
        %scan3A_479 = arith.addi %scan3A_388, %scan3A_478 : i32
        %get3A_480 = arith.index_cast %scan3A_479 : i32 to index
        %get3A_481 = arith.constant 0 : index
        %get3A_482 = tpu.vector_load %arg8[%get3A_480, %get3A_481] {strides = array<i32>} : memref<200x40xi32, #tpu.memory_space<vmem>>, vector<16xi32>,
        %bitcast3A_483 = vector.bitcast %get3A_482 : vector<16xi32> to vector<32xbf16>
        %unpack3A_484 = tpu.unpack_subelements %bitcast3A_483, 0 {pack_format = #tpu.pack_format<interleaved>} : vector<32xbf16> -> vector<16xf32>
        %unpack3A_485 = tpu.unpack_subelements %bitcast3A_483, 1 {pack_format = #tpu.pack_format<interleaved>} : vector<32xbf16> -> vector<16xf32>
        %add3A_486 = arith.addf %add3A_468, %unpack3A_484 : vector<16xf32>
        %add3A_487 = arith.addf %add3A_469, %unpack3A_485 : vector<16xf32>
        %get3A_488 = arith.index_cast %scan3A_479 : i32 to index
        %get3A_489 = arith.constant 16 : index
        %get3A_490 = tpu.vector_load %arg8[%get3A_488, %get3A_489] {strides = array<i32>} : memref<200x40xi32, #tpu.memory_space<vmem>>, vector<16xi32>,
        %bitcast3A_491 = vector.bitcast %get3A_490 : vector<16xi32> to vector<32xbf16>
        %unpack3A_492 = tpu.unpack_subelements %bitcast3A_491, 0 {pack_format = #tpu.pack_format<interleaved>} : vector<32xbf16> -> vector<16xf32>
        %unpack3A_493 = tpu.unpack_subelements %bitcast3A_491, 1 {pack_format = #tpu.pack_format<interleaved>} : vector<32xbf16> -> vector<16xf32>
        %add3A_494 = arith.addf %add3A_476, %unpack3A_492 : vector<16xf32>
        %add3A_495 = arith.addf %add3A_477, %unpack3A_493 : vector<16xf32>
        %scan3A_496 = arith.constant 6 : i32
        %scan3A_497 = arith.addi %scan3A_388, %scan3A_496 : i32
        %get3A_498 = arith.index_cast %scan3A_497 : i32 to index
        %get3A_499 = arith.constant 0 : index
        %get3A_500 = tpu.vector_load %arg8[%get3A_498, %get3A_499] {strides = array<i32>} : memref<200x40xi32, #tpu.memory_space<vmem>>, vector<16xi32>,
        %bitcast3A_501 = vector.bitcast %get3A_500 : vector<16xi32> to vector<32xbf16>
        %unpack3A_502 = tpu.unpack_subelements %bitcast3A_501, 0 {pack_format = #tpu.pack_format<interleaved>} : vector<32xbf16> -> vector<16xf32>
        %unpack3A_503 = tpu.unpack_subelements %bitcast3A_501, 1 {pack_format = #tpu.pack_format<interleaved>} : vector<32xbf16> -> vector<16xf32>
        %add3A_504 = arith.addf %add3A_486, %unpack3A_502 : vector<16xf32>
        %add3A_505 = arith.addf %add3A_487, %unpack3A_503 : vector<16xf32>
        %get3A_506 = arith.index_cast %scan3A_497 : i32 to index
        %get3A_507 = arith.constant 16 : index
        %get3A_508 = tpu.vector_load %arg8[%get3A_506, %get3A_507] {strides = array<i32>} : memref<200x40xi32, #tpu.memory_space<vmem>>, vector<16xi32>,
        %bitcast3A_509 = vector.bitcast %get3A_508 : vector<16xi32> to vector<32xbf16>
        %unpack3A_510 = tpu.unpack_subelements %bitcast3A_509, 0 {pack_format = #tpu.pack_format<interleaved>} : vector<32xbf16> -> vector<16xf32>
        %unpack3A_511 = tpu.unpack_subelements %bitcast3A_509, 1 {pack_format = #tpu.pack_format<interleaved>} : vector<32xbf16> -> vector<16xf32>
        %add3A_512 = arith.addf %add3A_494, %unpack3A_510 : vector<16xf32>
        %add3A_513 = arith.addf %add3A_495, %unpack3A_511 : vector<16xf32>
        %scan3A_514 = arith.constant 7 : i32
        %scan3A_515 = arith.addi %scan3A_388, %scan3A_514 : i32
        %get3A_516 = arith.index_cast %scan3A_515 : i32 to index
        %get3A_517 = arith.constant 0 : index
        %get3A_518 = tpu.vector_load %arg8[%get3A_516, %get3A_517] {strides = array<i32>} : memref<200x40xi32, #tpu.memory_space<vmem>>, vector<16xi32>,
        %bitcast3A_519 = vector.bitcast %get3A_518 : vector<16xi32> to vector<32xbf16>
        %unpack3A_520 = tpu.unpack_subelements %bitcast3A_519, 0 {pack_format = #tpu.pack_format<interleaved>} : vector<32xbf16> -> vector<16xf32>
        %unpack3A_521 = tpu.unpack_subelements %bitcast3A_519, 1 {pack_format = #tpu.pack_format<interleaved>} : vector<32xbf16> -> vector<16xf32>
        %add3A_522 = arith.addf %add3A_504, %unpack3A_520 : vector<16xf32>
        %add3A_523 = arith.addf %add3A_505, %unpack3A_521 : vector<16xf32>
        %get3A_524 = arith.index_cast %scan3A_515 : i32 to index
        %get3A_525 = arith.constant 16 : index
        %get3A_526 = tpu.vector_load %arg8[%get3A_524, %get3A_525] {strides = array<i32>} : memref<200x40xi32, #tpu.memory_space<vmem>>, vector<16xi32>,
        %bitcast3A_527 = vector.bitcast %get3A_526 : vector<16xi32> to vector<32xbf16>
        %unpack3A_528 = tpu.unpack_subelements %bitcast3A_527, 0 {pack_format = #tpu.pack_format<interleaved>} : vector<32xbf16> -> vector<16xf32>
        %unpack3A_529 = tpu.unpack_subelements %bitcast3A_527, 1 {pack_format = #tpu.pack_format<interleaved>} : vector<32xbf16> -> vector<16xf32>
        %add3A_530 = arith.addf %add3A_512, %unpack3A_528 : vector<16xf32>
        %add3A_531 = arith.addf %add3A_513, %unpack3A_529 : vector<16xf32>
        scf.yield %add3A_522, %add3A_523, %add3A_530, %add3A_531 : vector<16xf32>, vector<16xf32>, vector<16xf32>, vector<16xf32>
      }
      %scan3A_117 = arith.constant 200 : i32
      %iota3A = tpu.iota {dimensions = array<i32: 0>} : vector<16xi32>
      %broadcast_in_dim3A_118 = arith.constant 0 : i32
      %broadcast_in_dim3A_119 = vector.broadcast %broadcast_in_dim3A_118 : i32 to vector<16xi32>
      %add3A_120 = vector.broadcast %add3A_86 : i32 to vector<16xi32>
      %add3A_121 = arith.addi %add3A_120, %broadcast_in_dim3A_119 : vector<16xi32>
      %gather3A = tpu.vector_load_idx %arg7[%add3A_121] : memref<128xf32, #tpu.memory_space<vmem>>[vector<16xi32>], vector<16xf32>,
      %mul3A_122 = arith.constant 2 : i32
      %mul3A_123 = vector.broadcast %mul3A_122 : i32 to vector<16xi32>
      %mul3A_124 = arith.muli %mul3A_123, %iota3A : vector<16xi32>
      %add3A_125 = arith.constant 0 : i32
      %add3A_126 = vector.broadcast %add3A_125 : i32 to vector<16xi32>
      %add3A_127 = arith.addi %mul3A_124, %add3A_126 : vector<16xi32>
      %mul3A_128 = arith.mulf %scan3A_116#0, %gather3A : vector<16xf32>
      tpu.vector_store_idx %arg12[%add3A_121, %add3A_127], %mul3A_128 : memref<128x64xf32, #tpu.memory_space<vmem>>[vector<16xi32>, vector<16xi32>], vector<16xf32>,
      %mul3A_129 = arith.constant 2 : i32
      %mul3A_130 = vector.broadcast %mul3A_129 : i32 to vector<16xi32>
      %mul3A_131 = arith.muli %mul3A_130, %iota3A : vector<16xi32>
      %add3A_132 = arith.constant 1 : i32
      %add3A_133 = vector.broadcast %add3A_132 : i32 to vector<16xi32>
      %add3A_134 = arith.addi %mul3A_131, %add3A_133 : vector<16xi32>
      %mul3A_135 = arith.mulf %scan3A_116#1, %gather3A : vector<16xf32>
      tpu.vector_store_idx %arg12[%add3A_121, %add3A_134], %mul3A_135 : memref<128x64xf32, #tpu.memory_space<vmem>>[vector<16xi32>, vector<16xi32>], vector<16xf32>,
      %mul3A_136 = arith.constant 2 : i32
      %mul3A_137 = vector.broadcast %mul3A_136 : i32 to vector<16xi32>
      %mul3A_138 = arith.muli %mul3A_137, %iota3A : vector<16xi32>
      %add3A_139 = arith.constant 32 : i32
      %add3A_140 = vector.broadcast %add3A_139 : i32 to vector<16xi32>
      %add3A_141 = arith.addi %mul3A_138, %add3A_140 : vector<16xi32>
      %mul3A_142 = arith.mulf %scan3A_116#2, %gather3A : vector<16xf32>
      tpu.vector_store_idx %arg12[%add3A_121, %add3A_141], %mul3A_142 : memref<128x64xf32, #tpu.memory_space<vmem>>[vector<16xi32>, vector<16xi32>], vector<16xf32>,
      %mul3A_143 = arith.constant 2 : i32
      %mul3A_144 = vector.broadcast %mul3A_143 : i32 to vector<16xi32>
      %mul3A_145 = arith.muli %mul3A_144, %iota3A : vector<16xi32>
      %add3A_146 = arith.constant 33 : i32
      %add3A_147 = vector.broadcast %add3A_146 : i32 to vector<16xi32>
      %add3A_148 = arith.addi %mul3A_145, %add3A_147 : vector<16xi32>
      %mul3A_149 = arith.mulf %scan3A_116#3, %gather3A : vector<16xf32>
      tpu.vector_store_idx %arg12[%add3A_121, %add3A_148], %mul3A_149 : memref<128x64xf32, #tpu.memory_space<vmem>>[vector<16xi32>, vector<16xi32>], vector<16xf32>,
      %add3A_150 = arith.constant 4 : i32
      %add3A_151 = arith.addi %add3A_86, %add3A_150 : i32
      %lt3A = arith.constant 128 : i32
      %lt3A_152 = arith.cmpi slt, %add3A_151, %lt3A : i32
      %convert_element_type3A = arith.extui %lt3A_152 : i1 to i32
      %cond3A = arith.constant 0 : i32
      %cond3A_153 = arith.cmpi ne, %convert_element_type3A, %cond3A : i32
      scf.if %cond3A_153 {
        %add3A_388 = arith.constant 4 : i32
        %add3A_389 = arith.addi %add3A_86, %add3A_388 : i32
        %mul3A_390 = arith.constant 200 : i32
        %mul3A_391 = arith.muli %add3A_389, %mul3A_390 : i32
        %multiple_of3A_392 = tpu.assume_multiple %mul3A_391, 8 : i32
        %dma_start3A_393 = arith.constant 0 : i32
        %dma_start3A_394 = arith.constant 0 : i32
        %dma_start3A_395 = tpu.memref_slice %arg8[%dma_start3A_393, %dma_start3A_394] : memref<200x40xi32, #tpu.memory_space<vmem>> -> memref<128x40xi32, #tpu.memory_space<vmem>>
        %dma_start3A_396 = tpu.memref_slice %arg6[%multiple_of3A_392] : memref<25600xi32, #tpu.memory_space<vmem>> -> memref<128xi32, #tpu.memory_space<vmem>>
        %dma_start3A_397 = arith.constant 0 : i32
        %dma_start3A_398 = arith.constant 0 : i32
        %dma_start3A_399 = tpu.memref_slice %arg4[%dma_start3A_397, %dma_start3A_398] : memref<1000000x40xi32, #tpu.memory_space<hbm>> -> memref<1000000x40xi32, #tpu.memory_space<hbm>>
        tpu.enqueue_indirect_dma source(%dma_start3A_399 : memref<1000000x40xi32, #tpu.memory_space<hbm>>) target(%dma_start3A_395 : memref<128x40xi32, #tpu.memory_space<vmem>>) offsets(%dma_start3A_396 : memref<128xi32, #tpu.memory_space<vmem>>) semaphore(%arg13 : memref<!tpu.dma_semaphore, #tpu.memory_space<semaphore_mem>>)
        %add3A_400 = arith.constant 128 : i32
        %add3A_401 = arith.addi %multiple_of3A_392, %add3A_400 : i32
        %dma_start3A_402 = arith.constant 128 : i32
        %dma_start3A_403 = arith.constant 0 : i32
        %dma_start3A_404 = tpu.memref_slice %arg8[%dma_start3A_402, %dma_start3A_403] : memref<200x40xi32, #tpu.memory_space<vmem>> -> memref<72x40xi32, #tpu.memory_space<vmem>>
        %dma_start3A_405 = tpu.memref_slice %arg6[%add3A_401] : memref<25600xi32, #tpu.memory_space<vmem>> -> memref<72xi32, #tpu.memory_space<vmem>>
        %dma_start3A_406 = arith.constant 0 : i32
        %dma_start3A_407 = arith.constant 0 : i32
        %dma_start3A_408 = tpu.memref_slice %arg4[%dma_start3A_406, %dma_start3A_407] : memref<1000000x40xi32, #tpu.memory_space<hbm>> -> memref<1000000x40xi32, #tpu.memory_space<hbm>>
        tpu.enqueue_indirect_dma source(%dma_start3A_408 : memref<1000000x40xi32, #tpu.memory_space<hbm>>) target(%dma_start3A_404 : memref<72x40xi32, #tpu.memory_space<vmem>>) offsets(%dma_start3A_405 : memref<72xi32, #tpu.memory_space<vmem>>) semaphore(%arg13 : memref<!tpu.dma_semaphore, #tpu.memory_space<semaphore_mem>>)
      } else {
      }
      %mul3A_154 = arith.constant 4 : i32
      %mul3A_155 = arith.muli %scan3A_82, %mul3A_154 : i32
      %add3A_156 = arith.constant 1 : i32
      %add3A_157 = arith.addi %mul3A_155, %add3A_156 : i32
      %mul3A_158 = arith.constant 200 : i32
      %mul3A_159 = arith.muli %add3A_157, %mul3A_158 : i32
      %multiple_of3A_160 = tpu.assume_multiple %mul3A_159, 8 : i32
      %dma_wait3A_161 = arith.constant 0 : i32
      %dma_wait3A_162 = arith.constant 0 : i32
      %dma_wait3A_163 = tpu.memref_slice %arg9[%dma_wait3A_161, %dma_wait3A_162] : memref<200x40xi32, #tpu.memory_space<vmem>> -> memref<128x40xi32, #tpu.memory_space<vmem>>
      %dma_wait3A_164 = tpu.memref_slice %arg6[%multiple_of3A_160] : memref<25600xi32, #tpu.memory_space<vmem>> -> memref<128xi32, #tpu.memory_space<vmem>>
      %dma_wait3A_165 = arith.constant 0 : i32
      %dma_wait3A_166 = arith.constant 0 : i32
      %dma_wait3A_167 = tpu.memref_slice %arg4[%dma_wait3A_165, %dma_wait3A_166] : memref<1000000x40xi32, #tpu.memory_space<hbm>> -> memref<1000000x40xi32, #tpu.memory_space<hbm>>
      tpu.wait_indirect_dma semaphore(%arg14 : memref<!tpu.dma_semaphore, #tpu.memory_space<semaphore_mem>>) src(%dma_wait3A_167 : memref<1000000x40xi32, #tpu.memory_space<hbm>>) dst(%dma_wait3A_163 : memref<128x40xi32, #tpu.memory_space<vmem>>)
      %add3A_168 = arith.constant 128 : i32
      %add3A_169 = arith.addi %multiple_of3A_160, %add3A_168 : i32
      %dma_wait3A_170 = arith.constant 128 : i32
      %dma_wait3A_171 = arith.constant 0 : i32
      %dma_wait3A_172 = tpu.memref_slice %arg9[%dma_wait3A_170, %dma_wait3A_171] : memref<200x40xi32, #tpu.memory_space<vmem>> -> memref<72x40xi32, #tpu.memory_space<vmem>>
      %dma_wait3A_173 = tpu.memref_slice %arg6[%add3A_169] : memref<25600xi32, #tpu.memory_space<vmem>> -> memref<72xi32, #tpu.memory_space<vmem>>
      %dma_wait3A_174 = arith.constant 0 : i32
      %dma_wait3A_175 = arith.constant 0 : i32
      %dma_wait3A_176 = tpu.memref_slice %arg4[%dma_wait3A_174, %dma_wait3A_175] : memref<1000000x40xi32, #tpu.memory_space<hbm>> -> memref<1000000x40xi32, #tpu.memory_space<hbm>>
      tpu.wait_indirect_dma semaphore(%arg14 : memref<!tpu.dma_semaphore, #tpu.memory_space<semaphore_mem>>) src(%dma_wait3A_176 : memref<1000000x40xi32, #tpu.memory_space<hbm>>) dst(%dma_wait3A_172 : memref<72x40xi32, #tpu.memory_space<vmem>>)
      %broadcast_in_dim3A_177 = arith.constant 0.000000e+00 : f32
      %broadcast_in_dim3A_178 = vector.broadcast %broadcast_in_dim3A_177 : f32 to vector<16xf32>
      %broadcast_in_dim3A_179 = arith.constant 0.000000e+00 : f32
      %broadcast_in_dim3A_180 = vector.broadcast %broadcast_in_dim3A_179 : f32 to vector<16xf32>
      %broadcast_in_dim3A_181 = arith.constant 0.000000e+00 : f32
      %broadcast_in_dim3A_182 = vector.broadcast %broadcast_in_dim3A_181 : f32 to vector<16xf32>
      %broadcast_in_dim3A_183 = arith.constant 0.000000e+00 : f32
      %broadcast_in_dim3A_184 = vector.broadcast %broadcast_in_dim3A_183 : f32 to vector<16xf32>
      %scan3A_185 = arith.constant 0 : i32
      %scan3A_186 = arith.constant 200 : i32
      %scan3A_187 = arith.addi %scan3A_185, %scan3A_186 : i32
      %scan3A_188 = arith.constant 8 : i32
      %scan3A_189:4 = scf.for %scan3A_388 = %scan3A_185 to %scan3A_187 step %scan3A_188 iter_args(%scan3A_389 = %broadcast_in_dim3A_178, %scan3A_390 = %broadcast_in_dim3A_180, %scan3A_391 = %broadcast_in_dim3A_182, %scan3A_392 = %broadcast_in_dim3A_184) -> (vector<16xf32>, vector<16xf32>, vector<16xf32>, vector<16xf32>)  : i32 {
        %get3A = arith.index_cast %scan3A_388 : i32 to index
        %get3A_393 = arith.constant 0 : index
        %get3A_394 = tpu.vector_load %arg9[%get3A, %get3A_393] {strides = array<i32>} : memref<200x40xi32, #tpu.memory_space<vmem>>, vector<16xi32>,
        %bitcast3A = vector.bitcast %get3A_394 : vector<16xi32> to vector<32xbf16>
        %unpack3A = tpu.unpack_subelements %bitcast3A, 0 {pack_format = #tpu.pack_format<interleaved>} : vector<32xbf16> -> vector<16xf32>
        %unpack3A_395 = tpu.unpack_subelements %bitcast3A, 1 {pack_format = #tpu.pack_format<interleaved>} : vector<32xbf16> -> vector<16xf32>
        %add3A_396 = arith.addf %scan3A_389, %unpack3A : vector<16xf32>
        %add3A_397 = arith.addf %scan3A_390, %unpack3A_395 : vector<16xf32>
        %get3A_398 = arith.index_cast %scan3A_388 : i32 to index
        %get3A_399 = arith.constant 16 : index
        %get3A_400 = tpu.vector_load %arg9[%get3A_398, %get3A_399] {strides = array<i32>} : memref<200x40xi32, #tpu.memory_space<vmem>>, vector<16xi32>,
        %bitcast3A_401 = vector.bitcast %get3A_400 : vector<16xi32> to vector<32xbf16>
        %unpack3A_402 = tpu.unpack_subelements %bitcast3A_401, 0 {pack_format = #tpu.pack_format<interleaved>} : vector<32xbf16> -> vector<16xf32>
        %unpack3A_403 = tpu.unpack_subelements %bitcast3A_401, 1 {pack_format = #tpu.pack_format<interleaved>} : vector<32xbf16> -> vector<16xf32>
        %add3A_404 = arith.addf %scan3A_391, %unpack3A_402 : vector<16xf32>
        %add3A_405 = arith.addf %scan3A_392, %unpack3A_403 : vector<16xf32>
        %scan3A_406 = arith.constant 1 : i32
        %scan3A_407 = arith.addi %scan3A_388, %scan3A_406 : i32
        %get3A_408 = arith.index_cast %scan3A_407 : i32 to index
        %get3A_409 = arith.constant 0 : index
        %get3A_410 = tpu.vector_load %arg9[%get3A_408, %get3A_409] {strides = array<i32>} : memref<200x40xi32, #tpu.memory_space<vmem>>, vector<16xi32>,
        %bitcast3A_411 = vector.bitcast %get3A_410 : vector<16xi32> to vector<32xbf16>
        %unpack3A_412 = tpu.unpack_subelements %bitcast3A_411, 0 {pack_format = #tpu.pack_format<interleaved>} : vector<32xbf16> -> vector<16xf32>
        %unpack3A_413 = tpu.unpack_subelements %bitcast3A_411, 1 {pack_format = #tpu.pack_format<interleaved>} : vector<32xbf16> -> vector<16xf32>
        %add3A_414 = arith.addf %add3A_396, %unpack3A_412 : vector<16xf32>
        %add3A_415 = arith.addf %add3A_397, %unpack3A_413 : vector<16xf32>
        %get3A_416 = arith.index_cast %scan3A_407 : i32 to index
        %get3A_417 = arith.constant 16 : index
        %get3A_418 = tpu.vector_load %arg9[%get3A_416, %get3A_417] {strides = array<i32>} : memref<200x40xi32, #tpu.memory_space<vmem>>, vector<16xi32>,
        %bitcast3A_419 = vector.bitcast %get3A_418 : vector<16xi32> to vector<32xbf16>
        %unpack3A_420 = tpu.unpack_subelements %bitcast3A_419, 0 {pack_format = #tpu.pack_format<interleaved>} : vector<32xbf16> -> vector<16xf32>
        %unpack3A_421 = tpu.unpack_subelements %bitcast3A_419, 1 {pack_format = #tpu.pack_format<interleaved>} : vector<32xbf16> -> vector<16xf32>
        %add3A_422 = arith.addf %add3A_404, %unpack3A_420 : vector<16xf32>
        %add3A_423 = arith.addf %add3A_405, %unpack3A_421 : vector<16xf32>
        %scan3A_424 = arith.constant 2 : i32
        %scan3A_425 = arith.addi %scan3A_388, %scan3A_424 : i32
        %get3A_426 = arith.index_cast %scan3A_425 : i32 to index
        %get3A_427 = arith.constant 0 : index
        %get3A_428 = tpu.vector_load %arg9[%get3A_426, %get3A_427] {strides = array<i32>} : memref<200x40xi32, #tpu.memory_space<vmem>>, vector<16xi32>,
        %bitcast3A_429 = vector.bitcast %get3A_428 : vector<16xi32> to vector<32xbf16>
        %unpack3A_430 = tpu.unpack_subelements %bitcast3A_429, 0 {pack_format = #tpu.pack_format<interleaved>} : vector<32xbf16> -> vector<16xf32>
        %unpack3A_431 = tpu.unpack_subelements %bitcast3A_429, 1 {pack_format = #tpu.pack_format<interleaved>} : vector<32xbf16> -> vector<16xf32>
        %add3A_432 = arith.addf %add3A_414, %unpack3A_430 : vector<16xf32>
        %add3A_433 = arith.addf %add3A_415, %unpack3A_431 : vector<16xf32>
        %get3A_434 = arith.index_cast %scan3A_425 : i32 to index
        %get3A_435 = arith.constant 16 : index
        %get3A_436 = tpu.vector_load %arg9[%get3A_434, %get3A_435] {strides = array<i32>} : memref<200x40xi32, #tpu.memory_space<vmem>>, vector<16xi32>,
        %bitcast3A_437 = vector.bitcast %get3A_436 : vector<16xi32> to vector<32xbf16>
        %unpack3A_438 = tpu.unpack_subelements %bitcast3A_437, 0 {pack_format = #tpu.pack_format<interleaved>} : vector<32xbf16> -> vector<16xf32>
        %unpack3A_439 = tpu.unpack_subelements %bitcast3A_437, 1 {pack_format = #tpu.pack_format<interleaved>} : vector<32xbf16> -> vector<16xf32>
        %add3A_440 = arith.addf %add3A_422, %unpack3A_438 : vector<16xf32>
        %add3A_441 = arith.addf %add3A_423, %unpack3A_439 : vector<16xf32>
        %scan3A_442 = arith.constant 3 : i32
        %scan3A_443 = arith.addi %scan3A_388, %scan3A_442 : i32
        %get3A_444 = arith.index_cast %scan3A_443 : i32 to index
        %get3A_445 = arith.constant 0 : index
        %get3A_446 = tpu.vector_load %arg9[%get3A_444, %get3A_445] {strides = array<i32>} : memref<200x40xi32, #tpu.memory_space<vmem>>, vector<16xi32>,
        %bitcast3A_447 = vector.bitcast %get3A_446 : vector<16xi32> to vector<32xbf16>
        %unpack3A_448 = tpu.unpack_subelements %bitcast3A_447, 0 {pack_format = #tpu.pack_format<interleaved>} : vector<32xbf16> -> vector<16xf32>
        %unpack3A_449 = tpu.unpack_subelements %bitcast3A_447, 1 {pack_format = #tpu.pack_format<interleaved>} : vector<32xbf16> -> vector<16xf32>
        %add3A_450 = arith.addf %add3A_432, %unpack3A_448 : vector<16xf32>
        %add3A_451 = arith.addf %add3A_433, %unpack3A_449 : vector<16xf32>
        %get3A_452 = arith.index_cast %scan3A_443 : i32 to index
        %get3A_453 = arith.constant 16 : index
        %get3A_454 = tpu.vector_load %arg9[%get3A_452, %get3A_453] {strides = array<i32>} : memref<200x40xi32, #tpu.memory_space<vmem>>, vector<16xi32>,
        %bitcast3A_455 = vector.bitcast %get3A_454 : vector<16xi32> to vector<32xbf16>
        %unpack3A_456 = tpu.unpack_subelements %bitcast3A_455, 0 {pack_format = #tpu.pack_format<interleaved>} : vector<32xbf16> -> vector<16xf32>
        %unpack3A_457 = tpu.unpack_subelements %bitcast3A_455, 1 {pack_format = #tpu.pack_format<interleaved>} : vector<32xbf16> -> vector<16xf32>
        %add3A_458 = arith.addf %add3A_440, %unpack3A_456 : vector<16xf32>
        %add3A_459 = arith.addf %add3A_441, %unpack3A_457 : vector<16xf32>
        %scan3A_460 = arith.constant 4 : i32
        %scan3A_461 = arith.addi %scan3A_388, %scan3A_460 : i32
        %get3A_462 = arith.index_cast %scan3A_461 : i32 to index
        %get3A_463 = arith.constant 0 : index
        %get3A_464 = tpu.vector_load %arg9[%get3A_462, %get3A_463] {strides = array<i32>} : memref<200x40xi32, #tpu.memory_space<vmem>>, vector<16xi32>,
        %bitcast3A_465 = vector.bitcast %get3A_464 : vector<16xi32> to vector<32xbf16>
        %unpack3A_466 = tpu.unpack_subelements %bitcast3A_465, 0 {pack_format = #tpu.pack_format<interleaved>} : vector<32xbf16> -> vector<16xf32>
        %unpack3A_467 = tpu.unpack_subelements %bitcast3A_465, 1 {pack_format = #tpu.pack_format<interleaved>} : vector<32xbf16> -> vector<16xf32>
        %add3A_468 = arith.addf %add3A_450, %unpack3A_466 : vector<16xf32>
        %add3A_469 = arith.addf %add3A_451, %unpack3A_467 : vector<16xf32>
        %get3A_470 = arith.index_cast %scan3A_461 : i32 to index
        %get3A_471 = arith.constant 16 : index
        %get3A_472 = tpu.vector_load %arg9[%get3A_470, %get3A_471] {strides = array<i32>} : memref<200x40xi32, #tpu.memory_space<vmem>>, vector<16xi32>,
        %bitcast3A_473 = vector.bitcast %get3A_472 : vector<16xi32> to vector<32xbf16>
        %unpack3A_474 = tpu.unpack_subelements %bitcast3A_473, 0 {pack_format = #tpu.pack_format<interleaved>} : vector<32xbf16> -> vector<16xf32>
        %unpack3A_475 = tpu.unpack_subelements %bitcast3A_473, 1 {pack_format = #tpu.pack_format<interleaved>} : vector<32xbf16> -> vector<16xf32>
        %add3A_476 = arith.addf %add3A_458, %unpack3A_474 : vector<16xf32>
        %add3A_477 = arith.addf %add3A_459, %unpack3A_475 : vector<16xf32>
        %scan3A_478 = arith.constant 5 : i32
        %scan3A_479 = arith.addi %scan3A_388, %scan3A_478 : i32
        %get3A_480 = arith.index_cast %scan3A_479 : i32 to index
        %get3A_481 = arith.constant 0 : index
        %get3A_482 = tpu.vector_load %arg9[%get3A_480, %get3A_481] {strides = array<i32>} : memref<200x40xi32, #tpu.memory_space<vmem>>, vector<16xi32>,
        %bitcast3A_483 = vector.bitcast %get3A_482 : vector<16xi32> to vector<32xbf16>
        %unpack3A_484 = tpu.unpack_subelements %bitcast3A_483, 0 {pack_format = #tpu.pack_format<interleaved>} : vector<32xbf16> -> vector<16xf32>
        %unpack3A_485 = tpu.unpack_subelements %bitcast3A_483, 1 {pack_format = #tpu.pack_format<interleaved>} : vector<32xbf16> -> vector<16xf32>
        %add3A_486 = arith.addf %add3A_468, %unpack3A_484 : vector<16xf32>
        %add3A_487 = arith.addf %add3A_469, %unpack3A_485 : vector<16xf32>
        %get3A_488 = arith.index_cast %scan3A_479 : i32 to index
        %get3A_489 = arith.constant 16 : index
        %get3A_490 = tpu.vector_load %arg9[%get3A_488, %get3A_489] {strides = array<i32>} : memref<200x40xi32, #tpu.memory_space<vmem>>, vector<16xi32>,
        %bitcast3A_491 = vector.bitcast %get3A_490 : vector<16xi32> to vector<32xbf16>
        %unpack3A_492 = tpu.unpack_subelements %bitcast3A_491, 0 {pack_format = #tpu.pack_format<interleaved>} : vector<32xbf16> -> vector<16xf32>
        %unpack3A_493 = tpu.unpack_subelements %bitcast3A_491, 1 {pack_format = #tpu.pack_format<interleaved>} : vector<32xbf16> -> vector<16xf32>
        %add3A_494 = arith.addf %add3A_476, %unpack3A_492 : vector<16xf32>
        %add3A_495 = arith.addf %add3A_477, %unpack3A_493 : vector<16xf32>
        %scan3A_496 = arith.constant 6 : i32
        %scan3A_497 = arith.addi %scan3A_388, %scan3A_496 : i32
        %get3A_498 = arith.index_cast %scan3A_497 : i32 to index
        %get3A_499 = arith.constant 0 : index
        %get3A_500 = tpu.vector_load %arg9[%get3A_498, %get3A_499] {strides = array<i32>} : memref<200x40xi32, #tpu.memory_space<vmem>>, vector<16xi32>,
        %bitcast3A_501 = vector.bitcast %get3A_500 : vector<16xi32> to vector<32xbf16>
        %unpack3A_502 = tpu.unpack_subelements %bitcast3A_501, 0 {pack_format = #tpu.pack_format<interleaved>} : vector<32xbf16> -> vector<16xf32>
        %unpack3A_503 = tpu.unpack_subelements %bitcast3A_501, 1 {pack_format = #tpu.pack_format<interleaved>} : vector<32xbf16> -> vector<16xf32>
        %add3A_504 = arith.addf %add3A_486, %unpack3A_502 : vector<16xf32>
        %add3A_505 = arith.addf %add3A_487, %unpack3A_503 : vector<16xf32>
        %get3A_506 = arith.index_cast %scan3A_497 : i32 to index
        %get3A_507 = arith.constant 16 : index
        %get3A_508 = tpu.vector_load %arg9[%get3A_506, %get3A_507] {strides = array<i32>} : memref<200x40xi32, #tpu.memory_space<vmem>>, vector<16xi32>,
        %bitcast3A_509 = vector.bitcast %get3A_508 : vector<16xi32> to vector<32xbf16>
        %unpack3A_510 = tpu.unpack_subelements %bitcast3A_509, 0 {pack_format = #tpu.pack_format<interleaved>} : vector<32xbf16> -> vector<16xf32>
        %unpack3A_511 = tpu.unpack_subelements %bitcast3A_509, 1 {pack_format = #tpu.pack_format<interleaved>} : vector<32xbf16> -> vector<16xf32>
        %add3A_512 = arith.addf %add3A_494, %unpack3A_510 : vector<16xf32>
        %add3A_513 = arith.addf %add3A_495, %unpack3A_511 : vector<16xf32>
        %scan3A_514 = arith.constant 7 : i32
        %scan3A_515 = arith.addi %scan3A_388, %scan3A_514 : i32
        %get3A_516 = arith.index_cast %scan3A_515 : i32 to index
        %get3A_517 = arith.constant 0 : index
        %get3A_518 = tpu.vector_load %arg9[%get3A_516, %get3A_517] {strides = array<i32>} : memref<200x40xi32, #tpu.memory_space<vmem>>, vector<16xi32>,
        %bitcast3A_519 = vector.bitcast %get3A_518 : vector<16xi32> to vector<32xbf16>
        %unpack3A_520 = tpu.unpack_subelements %bitcast3A_519, 0 {pack_format = #tpu.pack_format<interleaved>} : vector<32xbf16> -> vector<16xf32>
        %unpack3A_521 = tpu.unpack_subelements %bitcast3A_519, 1 {pack_format = #tpu.pack_format<interleaved>} : vector<32xbf16> -> vector<16xf32>
        %add3A_522 = arith.addf %add3A_504, %unpack3A_520 : vector<16xf32>
        %add3A_523 = arith.addf %add3A_505, %unpack3A_521 : vector<16xf32>
        %get3A_524 = arith.index_cast %scan3A_515 : i32 to index
        %get3A_525 = arith.constant 16 : index
        %get3A_526 = tpu.vector_load %arg9[%get3A_524, %get3A_525] {strides = array<i32>} : memref<200x40xi32, #tpu.memory_space<vmem>>, vector<16xi32>,
        %bitcast3A_527 = vector.bitcast %get3A_526 : vector<16xi32> to vector<32xbf16>
        %unpack3A_528 = tpu.unpack_subelements %bitcast3A_527, 0 {pack_format = #tpu.pack_format<interleaved>} : vector<32xbf16> -> vector<16xf32>
        %unpack3A_529 = tpu.unpack_subelements %bitcast3A_527, 1 {pack_format = #tpu.pack_format<interleaved>} : vector<32xbf16> -> vector<16xf32>
        %add3A_530 = arith.addf %add3A_512, %unpack3A_528 : vector<16xf32>
        %add3A_531 = arith.addf %add3A_513, %unpack3A_529 : vector<16xf32>
        scf.yield %add3A_522, %add3A_523, %add3A_530, %add3A_531 : vector<16xf32>, vector<16xf32>, vector<16xf32>, vector<16xf32>
      }
      %scan3A_190 = arith.constant 200 : i32
      %iota3A_191 = tpu.iota {dimensions = array<i32: 0>} : vector<16xi32>
      %broadcast_in_dim3A_192 = arith.constant 0 : i32
      %broadcast_in_dim3A_193 = vector.broadcast %broadcast_in_dim3A_192 : i32 to vector<16xi32>
      %add3A_194 = vector.broadcast %add3A_157 : i32 to vector<16xi32>
      %add3A_195 = arith.addi %add3A_194, %broadcast_in_dim3A_193 : vector<16xi32>
      %gather3A_196 = tpu.vector_load_idx %arg7[%add3A_195] : memref<128xf32, #tpu.memory_space<vmem>>[vector<16xi32>], vector<16xf32>,
      %mul3A_197 = arith.constant 2 : i32
      %mul3A_198 = vector.broadcast %mul3A_197 : i32 to vector<16xi32>
      %mul3A_199 = arith.muli %mul3A_198, %iota3A_191 : vector<16xi32>
      %add3A_200 = arith.constant 0 : i32
      %add3A_201 = vector.broadcast %add3A_200 : i32 to vector<16xi32>
      %add3A_202 = arith.addi %mul3A_199, %add3A_201 : vector<16xi32>
      %mul3A_203 = arith.mulf %scan3A_189#0, %gather3A_196 : vector<16xf32>
      tpu.vector_store_idx %arg12[%add3A_195, %add3A_202], %mul3A_203 : memref<128x64xf32, #tpu.memory_space<vmem>>[vector<16xi32>, vector<16xi32>], vector<16xf32>,
      %mul3A_204 = arith.constant 2 : i32
      %mul3A_205 = vector.broadcast %mul3A_204 : i32 to vector<16xi32>
      %mul3A_206 = arith.muli %mul3A_205, %iota3A_191 : vector<16xi32>
      %add3A_207 = arith.constant 1 : i32
      %add3A_208 = vector.broadcast %add3A_207 : i32 to vector<16xi32>
      %add3A_209 = arith.addi %mul3A_206, %add3A_208 : vector<16xi32>
      %mul3A_210 = arith.mulf %scan3A_189#1, %gather3A_196 : vector<16xf32>
      tpu.vector_store_idx %arg12[%add3A_195, %add3A_209], %mul3A_210 : memref<128x64xf32, #tpu.memory_space<vmem>>[vector<16xi32>, vector<16xi32>], vector<16xf32>,
      %mul3A_211 = arith.constant 2 : i32
      %mul3A_212 = vector.broadcast %mul3A_211 : i32 to vector<16xi32>
      %mul3A_213 = arith.muli %mul3A_212, %iota3A_191 : vector<16xi32>
      %add3A_214 = arith.constant 32 : i32
      %add3A_215 = vector.broadcast %add3A_214 : i32 to vector<16xi32>
      %add3A_216 = arith.addi %mul3A_213, %add3A_215 : vector<16xi32>
      %mul3A_217 = arith.mulf %scan3A_189#2, %gather3A_196 : vector<16xf32>
      tpu.vector_store_idx %arg12[%add3A_195, %add3A_216], %mul3A_217 : memref<128x64xf32, #tpu.memory_space<vmem>>[vector<16xi32>, vector<16xi32>], vector<16xf32>,
      %mul3A_218 = arith.constant 2 : i32
      %mul3A_219 = vector.broadcast %mul3A_218 : i32 to vector<16xi32>
      %mul3A_220 = arith.muli %mul3A_219, %iota3A_191 : vector<16xi32>
      %add3A_221 = arith.constant 33 : i32
      %add3A_222 = vector.broadcast %add3A_221 : i32 to vector<16xi32>
      %add3A_223 = arith.addi %mul3A_220, %add3A_222 : vector<16xi32>
      %mul3A_224 = arith.mulf %scan3A_189#3, %gather3A_196 : vector<16xf32>
      tpu.vector_store_idx %arg12[%add3A_195, %add3A_223], %mul3A_224 : memref<128x64xf32, #tpu.memory_space<vmem>>[vector<16xi32>, vector<16xi32>], vector<16xf32>,
      %add3A_225 = arith.constant 4 : i32
      %add3A_226 = arith.addi %add3A_157, %add3A_225 : i32
      %lt3A_227 = arith.constant 128 : i32
      %lt3A_228 = arith.cmpi slt, %add3A_226, %lt3A_227 : i32
      %convert_element_type3A_229 = arith.extui %lt3A_228 : i1 to i32
      %cond3A_230 = arith.constant 0 : i32
      %cond3A_231 = arith.cmpi ne, %convert_element_type3A_229, %cond3A_230 : i32
      scf.if %cond3A_231 {
        %add3A_388 = arith.constant 4 : i32
        %add3A_389 = arith.addi %add3A_157, %add3A_388 : i32
        %mul3A_390 = arith.constant 200 : i32
        %mul3A_391 = arith.muli %add3A_389, %mul3A_390 : i32
        %multiple_of3A_392 = tpu.assume_multiple %mul3A_391, 8 : i32
        %dma_start3A_393 = arith.constant 0 : i32
        %dma_start3A_394 = arith.constant 0 : i32
        %dma_start3A_395 = tpu.memref_slice %arg9[%dma_start3A_393, %dma_start3A_394] : memref<200x40xi32, #tpu.memory_space<vmem>> -> memref<128x40xi32, #tpu.memory_space<vmem>>
        %dma_start3A_396 = tpu.memref_slice %arg6[%multiple_of3A_392] : memref<25600xi32, #tpu.memory_space<vmem>> -> memref<128xi32, #tpu.memory_space<vmem>>
        %dma_start3A_397 = arith.constant 0 : i32
        %dma_start3A_398 = arith.constant 0 : i32
        %dma_start3A_399 = tpu.memref_slice %arg4[%dma_start3A_397, %dma_start3A_398] : memref<1000000x40xi32, #tpu.memory_space<hbm>> -> memref<1000000x40xi32, #tpu.memory_space<hbm>>
        tpu.enqueue_indirect_dma source(%dma_start3A_399 : memref<1000000x40xi32, #tpu.memory_space<hbm>>) target(%dma_start3A_395 : memref<128x40xi32, #tpu.memory_space<vmem>>) offsets(%dma_start3A_396 : memref<128xi32, #tpu.memory_space<vmem>>) semaphore(%arg14 : memref<!tpu.dma_semaphore, #tpu.memory_space<semaphore_mem>>)
        %add3A_400 = arith.constant 128 : i32
        %add3A_401 = arith.addi %multiple_of3A_392, %add3A_400 : i32
        %dma_start3A_402 = arith.constant 128 : i32
        %dma_start3A_403 = arith.constant 0 : i32
        %dma_start3A_404 = tpu.memref_slice %arg9[%dma_start3A_402, %dma_start3A_403] : memref<200x40xi32, #tpu.memory_space<vmem>> -> memref<72x40xi32, #tpu.memory_space<vmem>>
        %dma_start3A_405 = tpu.memref_slice %arg6[%add3A_401] : memref<25600xi32, #tpu.memory_space<vmem>> -> memref<72xi32, #tpu.memory_space<vmem>>
        %dma_start3A_406 = arith.constant 0 : i32
        %dma_start3A_407 = arith.constant 0 : i32
        %dma_start3A_408 = tpu.memref_slice %arg4[%dma_start3A_406, %dma_start3A_407] : memref<1000000x40xi32, #tpu.memory_space<hbm>> -> memref<1000000x40xi32, #tpu.memory_space<hbm>>
        tpu.enqueue_indirect_dma source(%dma_start3A_408 : memref<1000000x40xi32, #tpu.memory_space<hbm>>) target(%dma_start3A_404 : memref<72x40xi32, #tpu.memory_space<vmem>>) offsets(%dma_start3A_405 : memref<72xi32, #tpu.memory_space<vmem>>) semaphore(%arg14 : memref<!tpu.dma_semaphore, #tpu.memory_space<semaphore_mem>>)
      } else {
      }
      %mul3A_232 = arith.constant 4 : i32
      %mul3A_233 = arith.muli %scan3A_82, %mul3A_232 : i32
      %add3A_234 = arith.constant 2 : i32
      %add3A_235 = arith.addi %mul3A_233, %add3A_234 : i32
      %mul3A_236 = arith.constant 200 : i32
      %mul3A_237 = arith.muli %add3A_235, %mul3A_236 : i32
      %multiple_of3A_238 = tpu.assume_multiple %mul3A_237, 8 : i32
      %dma_wait3A_239 = arith.constant 0 : i32
      %dma_wait3A_240 = arith.constant 0 : i32
      %dma_wait3A_241 = tpu.memref_slice %arg10[%dma_wait3A_239, %dma_wait3A_240] : memref<200x40xi32, #tpu.memory_space<vmem>> -> memref<128x40xi32, #tpu.memory_space<vmem>>
      %dma_wait3A_242 = tpu.memref_slice %arg6[%multiple_of3A_238] : memref<25600xi32, #tpu.memory_space<vmem>> -> memref<128xi32, #tpu.memory_space<vmem>>
      %dma_wait3A_243 = arith.constant 0 : i32
      %dma_wait3A_244 = arith.constant 0 : i32
      %dma_wait3A_245 = tpu.memref_slice %arg4[%dma_wait3A_243, %dma_wait3A_244] : memref<1000000x40xi32, #tpu.memory_space<hbm>> -> memref<1000000x40xi32, #tpu.memory_space<hbm>>
      tpu.wait_indirect_dma semaphore(%arg15 : memref<!tpu.dma_semaphore, #tpu.memory_space<semaphore_mem>>) src(%dma_wait3A_245 : memref<1000000x40xi32, #tpu.memory_space<hbm>>) dst(%dma_wait3A_241 : memref<128x40xi32, #tpu.memory_space<vmem>>)
      %add3A_246 = arith.constant 128 : i32
      %add3A_247 = arith.addi %multiple_of3A_238, %add3A_246 : i32
      %dma_wait3A_248 = arith.constant 128 : i32
      %dma_wait3A_249 = arith.constant 0 : i32
      %dma_wait3A_250 = tpu.memref_slice %arg10[%dma_wait3A_248, %dma_wait3A_249] : memref<200x40xi32, #tpu.memory_space<vmem>> -> memref<72x40xi32, #tpu.memory_space<vmem>>
      %dma_wait3A_251 = tpu.memref_slice %arg6[%add3A_247] : memref<25600xi32, #tpu.memory_space<vmem>> -> memref<72xi32, #tpu.memory_space<vmem>>
      %dma_wait3A_252 = arith.constant 0 : i32
      %dma_wait3A_253 = arith.constant 0 : i32
      %dma_wait3A_254 = tpu.memref_slice %arg4[%dma_wait3A_252, %dma_wait3A_253] : memref<1000000x40xi32, #tpu.memory_space<hbm>> -> memref<1000000x40xi32, #tpu.memory_space<hbm>>
      tpu.wait_indirect_dma semaphore(%arg15 : memref<!tpu.dma_semaphore, #tpu.memory_space<semaphore_mem>>) src(%dma_wait3A_254 : memref<1000000x40xi32, #tpu.memory_space<hbm>>) dst(%dma_wait3A_250 : memref<72x40xi32, #tpu.memory_space<vmem>>)
      %broadcast_in_dim3A_255 = arith.constant 0.000000e+00 : f32
      %broadcast_in_dim3A_256 = vector.broadcast %broadcast_in_dim3A_255 : f32 to vector<16xf32>
      %broadcast_in_dim3A_257 = arith.constant 0.000000e+00 : f32
      %broadcast_in_dim3A_258 = vector.broadcast %broadcast_in_dim3A_257 : f32 to vector<16xf32>
      %broadcast_in_dim3A_259 = arith.constant 0.000000e+00 : f32
      %broadcast_in_dim3A_260 = vector.broadcast %broadcast_in_dim3A_259 : f32 to vector<16xf32>
      %broadcast_in_dim3A_261 = arith.constant 0.000000e+00 : f32
      %broadcast_in_dim3A_262 = vector.broadcast %broadcast_in_dim3A_261 : f32 to vector<16xf32>
      %scan3A_263 = arith.constant 0 : i32
      %scan3A_264 = arith.constant 200 : i32
      %scan3A_265 = arith.addi %scan3A_263, %scan3A_264 : i32
      %scan3A_266 = arith.constant 8 : i32
      %scan3A_267:4 = scf.for %scan3A_388 = %scan3A_263 to %scan3A_265 step %scan3A_266 iter_args(%scan3A_389 = %broadcast_in_dim3A_256, %scan3A_390 = %broadcast_in_dim3A_258, %scan3A_391 = %broadcast_in_dim3A_260, %scan3A_392 = %broadcast_in_dim3A_262) -> (vector<16xf32>, vector<16xf32>, vector<16xf32>, vector<16xf32>)  : i32 {
        %get3A = arith.index_cast %scan3A_388 : i32 to index
        %get3A_393 = arith.constant 0 : index
        %get3A_394 = tpu.vector_load %arg10[%get3A, %get3A_393] {strides = array<i32>} : memref<200x40xi32, #tpu.memory_space<vmem>>, vector<16xi32>,
        %bitcast3A = vector.bitcast %get3A_394 : vector<16xi32> to vector<32xbf16>
        %unpack3A = tpu.unpack_subelements %bitcast3A, 0 {pack_format = #tpu.pack_format<interleaved>} : vector<32xbf16> -> vector<16xf32>
        %unpack3A_395 = tpu.unpack_subelements %bitcast3A, 1 {pack_format = #tpu.pack_format<interleaved>} : vector<32xbf16> -> vector<16xf32>
        %add3A_396 = arith.addf %scan3A_389, %unpack3A : vector<16xf32>
        %add3A_397 = arith.addf %scan3A_390, %unpack3A_395 : vector<16xf32>
        %get3A_398 = arith.index_cast %scan3A_388 : i32 to index
        %get3A_399 = arith.constant 16 : index
        %get3A_400 = tpu.vector_load %arg10[%get3A_398, %get3A_399] {strides = array<i32>} : memref<200x40xi32, #tpu.memory_space<vmem>>, vector<16xi32>,
        %bitcast3A_401 = vector.bitcast %get3A_400 : vector<16xi32> to vector<32xbf16>
        %unpack3A_402 = tpu.unpack_subelements %bitcast3A_401, 0 {pack_format = #tpu.pack_format<interleaved>} : vector<32xbf16> -> vector<16xf32>
        %unpack3A_403 = tpu.unpack_subelements %bitcast3A_401, 1 {pack_format = #tpu.pack_format<interleaved>} : vector<32xbf16> -> vector<16xf32>
        %add3A_404 = arith.addf %scan3A_391, %unpack3A_402 : vector<16xf32>
        %add3A_405 = arith.addf %scan3A_392, %unpack3A_403 : vector<16xf32>
        %scan3A_406 = arith.constant 1 : i32
        %scan3A_407 = arith.addi %scan3A_388, %scan3A_406 : i32
        %get3A_408 = arith.index_cast %scan3A_407 : i32 to index
        %get3A_409 = arith.constant 0 : index
        %get3A_410 = tpu.vector_load %arg10[%get3A_408, %get3A_409] {strides = array<i32>} : memref<200x40xi32, #tpu.memory_space<vmem>>, vector<16xi32>,
        %bitcast3A_411 = vector.bitcast %get3A_410 : vector<16xi32> to vector<32xbf16>
        %unpack3A_412 = tpu.unpack_subelements %bitcast3A_411, 0 {pack_format = #tpu.pack_format<interleaved>} : vector<32xbf16> -> vector<16xf32>
        %unpack3A_413 = tpu.unpack_subelements %bitcast3A_411, 1 {pack_format = #tpu.pack_format<interleaved>} : vector<32xbf16> -> vector<16xf32>
        %add3A_414 = arith.addf %add3A_396, %unpack3A_412 : vector<16xf32>
        %add3A_415 = arith.addf %add3A_397, %unpack3A_413 : vector<16xf32>
        %get3A_416 = arith.index_cast %scan3A_407 : i32 to index
        %get3A_417 = arith.constant 16 : index
        %get3A_418 = tpu.vector_load %arg10[%get3A_416, %get3A_417] {strides = array<i32>} : memref<200x40xi32, #tpu.memory_space<vmem>>, vector<16xi32>,
        %bitcast3A_419 = vector.bitcast %get3A_418 : vector<16xi32> to vector<32xbf16>
        %unpack3A_420 = tpu.unpack_subelements %bitcast3A_419, 0 {pack_format = #tpu.pack_format<interleaved>} : vector<32xbf16> -> vector<16xf32>
        %unpack3A_421 = tpu.unpack_subelements %bitcast3A_419, 1 {pack_format = #tpu.pack_format<interleaved>} : vector<32xbf16> -> vector<16xf32>
        %add3A_422 = arith.addf %add3A_404, %unpack3A_420 : vector<16xf32>
        %add3A_423 = arith.addf %add3A_405, %unpack3A_421 : vector<16xf32>
        %scan3A_424 = arith.constant 2 : i32
        %scan3A_425 = arith.addi %scan3A_388, %scan3A_424 : i32
        %get3A_426 = arith.index_cast %scan3A_425 : i32 to index
        %get3A_427 = arith.constant 0 : index
        %get3A_428 = tpu.vector_load %arg10[%get3A_426, %get3A_427] {strides = array<i32>} : memref<200x40xi32, #tpu.memory_space<vmem>>, vector<16xi32>,
        %bitcast3A_429 = vector.bitcast %get3A_428 : vector<16xi32> to vector<32xbf16>
        %unpack3A_430 = tpu.unpack_subelements %bitcast3A_429, 0 {pack_format = #tpu.pack_format<interleaved>} : vector<32xbf16> -> vector<16xf32>
        %unpack3A_431 = tpu.unpack_subelements %bitcast3A_429, 1 {pack_format = #tpu.pack_format<interleaved>} : vector<32xbf16> -> vector<16xf32>
        %add3A_432 = arith.addf %add3A_414, %unpack3A_430 : vector<16xf32>
        %add3A_433 = arith.addf %add3A_415, %unpack3A_431 : vector<16xf32>
        %get3A_434 = arith.index_cast %scan3A_425 : i32 to index
        %get3A_435 = arith.constant 16 : index
        %get3A_436 = tpu.vector_load %arg10[%get3A_434, %get3A_435] {strides = array<i32>} : memref<200x40xi32, #tpu.memory_space<vmem>>, vector<16xi32>,
        %bitcast3A_437 = vector.bitcast %get3A_436 : vector<16xi32> to vector<32xbf16>
        %unpack3A_438 = tpu.unpack_subelements %bitcast3A_437, 0 {pack_format = #tpu.pack_format<interleaved>} : vector<32xbf16> -> vector<16xf32>
        %unpack3A_439 = tpu.unpack_subelements %bitcast3A_437, 1 {pack_format = #tpu.pack_format<interleaved>} : vector<32xbf16> -> vector<16xf32>
        %add3A_440 = arith.addf %add3A_422, %unpack3A_438 : vector<16xf32>
        %add3A_441 = arith.addf %add3A_423, %unpack3A_439 : vector<16xf32>
        %scan3A_442 = arith.constant 3 : i32
        %scan3A_443 = arith.addi %scan3A_388, %scan3A_442 : i32
        %get3A_444 = arith.index_cast %scan3A_443 : i32 to index
        %get3A_445 = arith.constant 0 : index
        %get3A_446 = tpu.vector_load %arg10[%get3A_444, %get3A_445] {strides = array<i32>} : memref<200x40xi32, #tpu.memory_space<vmem>>, vector<16xi32>,
        %bitcast3A_447 = vector.bitcast %get3A_446 : vector<16xi32> to vector<32xbf16>
        %unpack3A_448 = tpu.unpack_subelements %bitcast3A_447, 0 {pack_format = #tpu.pack_format<interleaved>} : vector<32xbf16> -> vector<16xf32>
        %unpack3A_449 = tpu.unpack_subelements %bitcast3A_447, 1 {pack_format = #tpu.pack_format<interleaved>} : vector<32xbf16> -> vector<16xf32>
        %add3A_450 = arith.addf %add3A_432, %unpack3A_448 : vector<16xf32>
        %add3A_451 = arith.addf %add3A_433, %unpack3A_449 : vector<16xf32>
        %get3A_452 = arith.index_cast %scan3A_443 : i32 to index
        %get3A_453 = arith.constant 16 : index
        %get3A_454 = tpu.vector_load %arg10[%get3A_452, %get3A_453] {strides = array<i32>} : memref<200x40xi32, #tpu.memory_space<vmem>>, vector<16xi32>,
        %bitcast3A_455 = vector.bitcast %get3A_454 : vector<16xi32> to vector<32xbf16>
        %unpack3A_456 = tpu.unpack_subelements %bitcast3A_455, 0 {pack_format = #tpu.pack_format<interleaved>} : vector<32xbf16> -> vector<16xf32>
        %unpack3A_457 = tpu.unpack_subelements %bitcast3A_455, 1 {pack_format = #tpu.pack_format<interleaved>} : vector<32xbf16> -> vector<16xf32>
        %add3A_458 = arith.addf %add3A_440, %unpack3A_456 : vector<16xf32>
        %add3A_459 = arith.addf %add3A_441, %unpack3A_457 : vector<16xf32>
        %scan3A_460 = arith.constant 4 : i32
        %scan3A_461 = arith.addi %scan3A_388, %scan3A_460 : i32
        %get3A_462 = arith.index_cast %scan3A_461 : i32 to index
        %get3A_463 = arith.constant 0 : index
        %get3A_464 = tpu.vector_load %arg10[%get3A_462, %get3A_463] {strides = array<i32>} : memref<200x40xi32, #tpu.memory_space<vmem>>, vector<16xi32>,
        %bitcast3A_465 = vector.bitcast %get3A_464 : vector<16xi32> to vector<32xbf16>
        %unpack3A_466 = tpu.unpack_subelements %bitcast3A_465, 0 {pack_format = #tpu.pack_format<interleaved>} : vector<32xbf16> -> vector<16xf32>
        %unpack3A_467 = tpu.unpack_subelements %bitcast3A_465, 1 {pack_format = #tpu.pack_format<interleaved>} : vector<32xbf16> -> vector<16xf32>
        %add3A_468 = arith.addf %add3A_450, %unpack3A_466 : vector<16xf32>
        %add3A_469 = arith.addf %add3A_451, %unpack3A_467 : vector<16xf32>
        %get3A_470 = arith.index_cast %scan3A_461 : i32 to index
        %get3A_471 = arith.constant 16 : index
        %get3A_472 = tpu.vector_load %arg10[%get3A_470, %get3A_471] {strides = array<i32>} : memref<200x40xi32, #tpu.memory_space<vmem>>, vector<16xi32>,
        %bitcast3A_473 = vector.bitcast %get3A_472 : vector<16xi32> to vector<32xbf16>
        %unpack3A_474 = tpu.unpack_subelements %bitcast3A_473, 0 {pack_format = #tpu.pack_format<interleaved>} : vector<32xbf16> -> vector<16xf32>
        %unpack3A_475 = tpu.unpack_subelements %bitcast3A_473, 1 {pack_format = #tpu.pack_format<interleaved>} : vector<32xbf16> -> vector<16xf32>
        %add3A_476 = arith.addf %add3A_458, %unpack3A_474 : vector<16xf32>
        %add3A_477 = arith.addf %add3A_459, %unpack3A_475 : vector<16xf32>
        %scan3A_478 = arith.constant 5 : i32
        %scan3A_479 = arith.addi %scan3A_388, %scan3A_478 : i32
        %get3A_480 = arith.index_cast %scan3A_479 : i32 to index
        %get3A_481 = arith.constant 0 : index
        %get3A_482 = tpu.vector_load %arg10[%get3A_480, %get3A_481] {strides = array<i32>} : memref<200x40xi32, #tpu.memory_space<vmem>>, vector<16xi32>,
        %bitcast3A_483 = vector.bitcast %get3A_482 : vector<16xi32> to vector<32xbf16>
        %unpack3A_484 = tpu.unpack_subelements %bitcast3A_483, 0 {pack_format = #tpu.pack_format<interleaved>} : vector<32xbf16> -> vector<16xf32>
        %unpack3A_485 = tpu.unpack_subelements %bitcast3A_483, 1 {pack_format = #tpu.pack_format<interleaved>} : vector<32xbf16> -> vector<16xf32>
        %add3A_486 = arith.addf %add3A_468, %unpack3A_484 : vector<16xf32>
        %add3A_487 = arith.addf %add3A_469, %unpack3A_485 : vector<16xf32>
        %get3A_488 = arith.index_cast %scan3A_479 : i32 to index
        %get3A_489 = arith.constant 16 : index
        %get3A_490 = tpu.vector_load %arg10[%get3A_488, %get3A_489] {strides = array<i32>} : memref<200x40xi32, #tpu.memory_space<vmem>>, vector<16xi32>,
        %bitcast3A_491 = vector.bitcast %get3A_490 : vector<16xi32> to vector<32xbf16>
        %unpack3A_492 = tpu.unpack_subelements %bitcast3A_491, 0 {pack_format = #tpu.pack_format<interleaved>} : vector<32xbf16> -> vector<16xf32>
        %unpack3A_493 = tpu.unpack_subelements %bitcast3A_491, 1 {pack_format = #tpu.pack_format<interleaved>} : vector<32xbf16> -> vector<16xf32>
        %add3A_494 = arith.addf %add3A_476, %unpack3A_492 : vector<16xf32>
        %add3A_495 = arith.addf %add3A_477, %unpack3A_493 : vector<16xf32>
        %scan3A_496 = arith.constant 6 : i32
        %scan3A_497 = arith.addi %scan3A_388, %scan3A_496 : i32
        %get3A_498 = arith.index_cast %scan3A_497 : i32 to index
        %get3A_499 = arith.constant 0 : index
        %get3A_500 = tpu.vector_load %arg10[%get3A_498, %get3A_499] {strides = array<i32>} : memref<200x40xi32, #tpu.memory_space<vmem>>, vector<16xi32>,
        %bitcast3A_501 = vector.bitcast %get3A_500 : vector<16xi32> to vector<32xbf16>
        %unpack3A_502 = tpu.unpack_subelements %bitcast3A_501, 0 {pack_format = #tpu.pack_format<interleaved>} : vector<32xbf16> -> vector<16xf32>
        %unpack3A_503 = tpu.unpack_subelements %bitcast3A_501, 1 {pack_format = #tpu.pack_format<interleaved>} : vector<32xbf16> -> vector<16xf32>
        %add3A_504 = arith.addf %add3A_486, %unpack3A_502 : vector<16xf32>
        %add3A_505 = arith.addf %add3A_487, %unpack3A_503 : vector<16xf32>
        %get3A_506 = arith.index_cast %scan3A_497 : i32 to index
        %get3A_507 = arith.constant 16 : index
        %get3A_508 = tpu.vector_load %arg10[%get3A_506, %get3A_507] {strides = array<i32>} : memref<200x40xi32, #tpu.memory_space<vmem>>, vector<16xi32>,
        %bitcast3A_509 = vector.bitcast %get3A_508 : vector<16xi32> to vector<32xbf16>
        %unpack3A_510 = tpu.unpack_subelements %bitcast3A_509, 0 {pack_format = #tpu.pack_format<interleaved>} : vector<32xbf16> -> vector<16xf32>
        %unpack3A_511 = tpu.unpack_subelements %bitcast3A_509, 1 {pack_format = #tpu.pack_format<interleaved>} : vector<32xbf16> -> vector<16xf32>
        %add3A_512 = arith.addf %add3A_494, %unpack3A_510 : vector<16xf32>
        %add3A_513 = arith.addf %add3A_495, %unpack3A_511 : vector<16xf32>
        %scan3A_514 = arith.constant 7 : i32
        %scan3A_515 = arith.addi %scan3A_388, %scan3A_514 : i32
        %get3A_516 = arith.index_cast %scan3A_515 : i32 to index
        %get3A_517 = arith.constant 0 : index
        %get3A_518 = tpu.vector_load %arg10[%get3A_516, %get3A_517] {strides = array<i32>} : memref<200x40xi32, #tpu.memory_space<vmem>>, vector<16xi32>,
        %bitcast3A_519 = vector.bitcast %get3A_518 : vector<16xi32> to vector<32xbf16>
        %unpack3A_520 = tpu.unpack_subelements %bitcast3A_519, 0 {pack_format = #tpu.pack_format<interleaved>} : vector<32xbf16> -> vector<16xf32>
        %unpack3A_521 = tpu.unpack_subelements %bitcast3A_519, 1 {pack_format = #tpu.pack_format<interleaved>} : vector<32xbf16> -> vector<16xf32>
        %add3A_522 = arith.addf %add3A_504, %unpack3A_520 : vector<16xf32>
        %add3A_523 = arith.addf %add3A_505, %unpack3A_521 : vector<16xf32>
        %get3A_524 = arith.index_cast %scan3A_515 : i32 to index
        %get3A_525 = arith.constant 16 : index
        %get3A_526 = tpu.vector_load %arg10[%get3A_524, %get3A_525] {strides = array<i32>} : memref<200x40xi32, #tpu.memory_space<vmem>>, vector<16xi32>,
        %bitcast3A_527 = vector.bitcast %get3A_526 : vector<16xi32> to vector<32xbf16>
        %unpack3A_528 = tpu.unpack_subelements %bitcast3A_527, 0 {pack_format = #tpu.pack_format<interleaved>} : vector<32xbf16> -> vector<16xf32>
        %unpack3A_529 = tpu.unpack_subelements %bitcast3A_527, 1 {pack_format = #tpu.pack_format<interleaved>} : vector<32xbf16> -> vector<16xf32>
        %add3A_530 = arith.addf %add3A_512, %unpack3A_528 : vector<16xf32>
        %add3A_531 = arith.addf %add3A_513, %unpack3A_529 : vector<16xf32>
        scf.yield %add3A_522, %add3A_523, %add3A_530, %add3A_531 : vector<16xf32>, vector<16xf32>, vector<16xf32>, vector<16xf32>
      }
      %scan3A_268 = arith.constant 200 : i32
      %iota3A_269 = tpu.iota {dimensions = array<i32: 0>} : vector<16xi32>
      %broadcast_in_dim3A_270 = arith.constant 0 : i32
      %broadcast_in_dim3A_271 = vector.broadcast %broadcast_in_dim3A_270 : i32 to vector<16xi32>
      %add3A_272 = vector.broadcast %add3A_235 : i32 to vector<16xi32>
      %add3A_273 = arith.addi %add3A_272, %broadcast_in_dim3A_271 : vector<16xi32>
      %gather3A_274 = tpu.vector_load_idx %arg7[%add3A_273] : memref<128xf32, #tpu.memory_space<vmem>>[vector<16xi32>], vector<16xf32>,
      %mul3A_275 = arith.constant 2 : i32
      %mul3A_276 = vector.broadcast %mul3A_275 : i32 to vector<16xi32>
      %mul3A_277 = arith.muli %mul3A_276, %iota3A_269 : vector<16xi32>
      %add3A_278 = arith.constant 0 : i32
      %add3A_279 = vector.broadcast %add3A_278 : i32 to vector<16xi32>
      %add3A_280 = arith.addi %mul3A_277, %add3A_279 : vector<16xi32>
      %mul3A_281 = arith.mulf %scan3A_267#0, %gather3A_274 : vector<16xf32>
      tpu.vector_store_idx %arg12[%add3A_273, %add3A_280], %mul3A_281 : memref<128x64xf32, #tpu.memory_space<vmem>>[vector<16xi32>, vector<16xi32>], vector<16xf32>,
      %mul3A_282 = arith.constant 2 : i32
      %mul3A_283 = vector.broadcast %mul3A_282 : i32 to vector<16xi32>
      %mul3A_284 = arith.muli %mul3A_283, %iota3A_269 : vector<16xi32>
      %add3A_285 = arith.constant 1 : i32
      %add3A_286 = vector.broadcast %add3A_285 : i32 to vector<16xi32>
      %add3A_287 = arith.addi %mul3A_284, %add3A_286 : vector<16xi32>
      %mul3A_288 = arith.mulf %scan3A_267#1, %gather3A_274 : vector<16xf32>
      tpu.vector_store_idx %arg12[%add3A_273, %add3A_287], %mul3A_288 : memref<128x64xf32, #tpu.memory_space<vmem>>[vector<16xi32>, vector<16xi32>], vector<16xf32>,
      %mul3A_289 = arith.constant 2 : i32
      %mul3A_290 = vector.broadcast %mul3A_289 : i32 to vector<16xi32>
      %mul3A_291 = arith.muli %mul3A_290, %iota3A_269 : vector<16xi32>
      %add3A_292 = arith.constant 32 : i32
      %add3A_293 = vector.broadcast %add3A_292 : i32 to vector<16xi32>
      %add3A_294 = arith.addi %mul3A_291, %add3A_293 : vector<16xi32>
      %mul3A_295 = arith.mulf %scan3A_267#2, %gather3A_274 : vector<16xf32>
      tpu.vector_store_idx %arg12[%add3A_273, %add3A_294], %mul3A_295 : memref<128x64xf32, #tpu.memory_space<vmem>>[vector<16xi32>, vector<16xi32>], vector<16xf32>,
      %mul3A_296 = arith.constant 2 : i32
      %mul3A_297 = vector.broadcast %mul3A_296 : i32 to vector<16xi32>
      %mul3A_298 = arith.muli %mul3A_297, %iota3A_269 : vector<16xi32>
      %add3A_299 = arith.constant 33 : i32
      %add3A_300 = vector.broadcast %add3A_299 : i32 to vector<16xi32>
      %add3A_301 = arith.addi %mul3A_298, %add3A_300 : vector<16xi32>
      %mul3A_302 = arith.mulf %scan3A_267#3, %gather3A_274 : vector<16xf32>
      tpu.vector_store_idx %arg12[%add3A_273, %add3A_301], %mul3A_302 : memref<128x64xf32, #tpu.memory_space<vmem>>[vector<16xi32>, vector<16xi32>], vector<16xf32>,
      %add3A_303 = arith.constant 4 : i32
      %add3A_304 = arith.addi %add3A_235, %add3A_303 : i32
      %lt3A_305 = arith.constant 128 : i32
      %lt3A_306 = arith.cmpi slt, %add3A_304, %lt3A_305 : i32
      %convert_element_type3A_307 = arith.extui %lt3A_306 : i1 to i32
      %cond3A_308 = arith.constant 0 : i32
      %cond3A_309 = arith.cmpi ne, %convert_element_type3A_307, %cond3A_308 : i32
      scf.if %cond3A_309 {
        %add3A_388 = arith.constant 4 : i32
        %add3A_389 = arith.addi %add3A_235, %add3A_388 : i32
        %mul3A_390 = arith.constant 200 : i32
        %mul3A_391 = arith.muli %add3A_389, %mul3A_390 : i32
        %multiple_of3A_392 = tpu.assume_multiple %mul3A_391, 8 : i32
        %dma_start3A_393 = arith.constant 0 : i32
        %dma_start3A_394 = arith.constant 0 : i32
        %dma_start3A_395 = tpu.memref_slice %arg10[%dma_start3A_393, %dma_start3A_394] : memref<200x40xi32, #tpu.memory_space<vmem>> -> memref<128x40xi32, #tpu.memory_space<vmem>>
        %dma_start3A_396 = tpu.memref_slice %arg6[%multiple_of3A_392] : memref<25600xi32, #tpu.memory_space<vmem>> -> memref<128xi32, #tpu.memory_space<vmem>>
        %dma_start3A_397 = arith.constant 0 : i32
        %dma_start3A_398 = arith.constant 0 : i32
        %dma_start3A_399 = tpu.memref_slice %arg4[%dma_start3A_397, %dma_start3A_398] : memref<1000000x40xi32, #tpu.memory_space<hbm>> -> memref<1000000x40xi32, #tpu.memory_space<hbm>>
        tpu.enqueue_indirect_dma source(%dma_start3A_399 : memref<1000000x40xi32, #tpu.memory_space<hbm>>) target(%dma_start3A_395 : memref<128x40xi32, #tpu.memory_space<vmem>>) offsets(%dma_start3A_396 : memref<128xi32, #tpu.memory_space<vmem>>) semaphore(%arg15 : memref<!tpu.dma_semaphore, #tpu.memory_space<semaphore_mem>>)
        %add3A_400 = arith.constant 128 : i32
        %add3A_401 = arith.addi %multiple_of3A_392, %add3A_400 : i32
        %dma_start3A_402 = arith.constant 128 : i32
        %dma_start3A_403 = arith.constant 0 : i32
        %dma_start3A_404 = tpu.memref_slice %arg10[%dma_start3A_402, %dma_start3A_403] : memref<200x40xi32, #tpu.memory_space<vmem>> -> memref<72x40xi32, #tpu.memory_space<vmem>>
        %dma_start3A_405 = tpu.memref_slice %arg6[%add3A_401] : memref<25600xi32, #tpu.memory_space<vmem>> -> memref<72xi32, #tpu.memory_space<vmem>>
        %dma_start3A_406 = arith.constant 0 : i32
        %dma_start3A_407 = arith.constant 0 : i32
        %dma_start3A_408 = tpu.memref_slice %arg4[%dma_start3A_406, %dma_start3A_407] : memref<1000000x40xi32, #tpu.memory_space<hbm>> -> memref<1000000x40xi32, #tpu.memory_space<hbm>>
        tpu.enqueue_indirect_dma source(%dma_start3A_408 : memref<1000000x40xi32, #tpu.memory_space<hbm>>) target(%dma_start3A_404 : memref<72x40xi32, #tpu.memory_space<vmem>>) offsets(%dma_start3A_405 : memref<72xi32, #tpu.memory_space<vmem>>) semaphore(%arg15 : memref<!tpu.dma_semaphore, #tpu.memory_space<semaphore_mem>>)
      } else {
      }
      %mul3A_310 = arith.constant 4 : i32
      %mul3A_311 = arith.muli %scan3A_82, %mul3A_310 : i32
      %add3A_312 = arith.constant 3 : i32
      %add3A_313 = arith.addi %mul3A_311, %add3A_312 : i32
      %mul3A_314 = arith.constant 200 : i32
      %mul3A_315 = arith.muli %add3A_313, %mul3A_314 : i32
      %multiple_of3A_316 = tpu.assume_multiple %mul3A_315, 8 : i32
      %dma_wait3A_317 = arith.constant 0 : i32
      %dma_wait3A_318 = arith.constant 0 : i32
      %dma_wait3A_319 = tpu.memref_slice %arg11[%dma_wait3A_317, %dma_wait3A_318] : memref<200x40xi32, #tpu.memory_space<vmem>> -> memref<128x40xi32, #tpu.memory_space<vmem>>
      %dma_wait3A_320 = tpu.memref_slice %arg6[%multiple_of3A_316] : memref<25600xi32, #tpu.memory_space<vmem>> -> memref<128xi32, #tpu.memory_space<vmem>>
      %dma_wait3A_321 = arith.constant 0 : i32
      %dma_wait3A_322 = arith.constant 0 : i32
      %dma_wait3A_323 = tpu.memref_slice %arg4[%dma_wait3A_321, %dma_wait3A_322] : memref<1000000x40xi32, #tpu.memory_space<hbm>> -> memref<1000000x40xi32, #tpu.memory_space<hbm>>
      tpu.wait_indirect_dma semaphore(%arg16 : memref<!tpu.dma_semaphore, #tpu.memory_space<semaphore_mem>>) src(%dma_wait3A_323 : memref<1000000x40xi32, #tpu.memory_space<hbm>>) dst(%dma_wait3A_319 : memref<128x40xi32, #tpu.memory_space<vmem>>)
      %add3A_324 = arith.constant 128 : i32
      %add3A_325 = arith.addi %multiple_of3A_316, %add3A_324 : i32
      %dma_wait3A_326 = arith.constant 128 : i32
      %dma_wait3A_327 = arith.constant 0 : i32
      %dma_wait3A_328 = tpu.memref_slice %arg11[%dma_wait3A_326, %dma_wait3A_327] : memref<200x40xi32, #tpu.memory_space<vmem>> -> memref<72x40xi32, #tpu.memory_space<vmem>>
      %dma_wait3A_329 = tpu.memref_slice %arg6[%add3A_325] : memref<25600xi32, #tpu.memory_space<vmem>> -> memref<72xi32, #tpu.memory_space<vmem>>
      %dma_wait3A_330 = arith.constant 0 : i32
      %dma_wait3A_331 = arith.constant 0 : i32
      %dma_wait3A_332 = tpu.memref_slice %arg4[%dma_wait3A_330, %dma_wait3A_331] : memref<1000000x40xi32, #tpu.memory_space<hbm>> -> memref<1000000x40xi32, #tpu.memory_space<hbm>>
      tpu.wait_indirect_dma semaphore(%arg16 : memref<!tpu.dma_semaphore, #tpu.memory_space<semaphore_mem>>) src(%dma_wait3A_332 : memref<1000000x40xi32, #tpu.memory_space<hbm>>) dst(%dma_wait3A_328 : memref<72x40xi32, #tpu.memory_space<vmem>>)
      %broadcast_in_dim3A_333 = arith.constant 0.000000e+00 : f32
      %broadcast_in_dim3A_334 = vector.broadcast %broadcast_in_dim3A_333 : f32 to vector<16xf32>
      %broadcast_in_dim3A_335 = arith.constant 0.000000e+00 : f32
      %broadcast_in_dim3A_336 = vector.broadcast %broadcast_in_dim3A_335 : f32 to vector<16xf32>
      %broadcast_in_dim3A_337 = arith.constant 0.000000e+00 : f32
      %broadcast_in_dim3A_338 = vector.broadcast %broadcast_in_dim3A_337 : f32 to vector<16xf32>
      %broadcast_in_dim3A_339 = arith.constant 0.000000e+00 : f32
      %broadcast_in_dim3A_340 = vector.broadcast %broadcast_in_dim3A_339 : f32 to vector<16xf32>
      %scan3A_341 = arith.constant 0 : i32
      %scan3A_342 = arith.constant 200 : i32
      %scan3A_343 = arith.addi %scan3A_341, %scan3A_342 : i32
      %scan3A_344 = arith.constant 8 : i32
      %scan3A_345:4 = scf.for %scan3A_388 = %scan3A_341 to %scan3A_343 step %scan3A_344 iter_args(%scan3A_389 = %broadcast_in_dim3A_334, %scan3A_390 = %broadcast_in_dim3A_336, %scan3A_391 = %broadcast_in_dim3A_338, %scan3A_392 = %broadcast_in_dim3A_340) -> (vector<16xf32>, vector<16xf32>, vector<16xf32>, vector<16xf32>)  : i32 {
        %get3A = arith.index_cast %scan3A_388 : i32 to index
        %get3A_393 = arith.constant 0 : index
        %get3A_394 = tpu.vector_load %arg11[%get3A, %get3A_393] {strides = array<i32>} : memref<200x40xi32, #tpu.memory_space<vmem>>, vector<16xi32>,
        %bitcast3A = vector.bitcast %get3A_394 : vector<16xi32> to vector<32xbf16>
        %unpack3A = tpu.unpack_subelements %bitcast3A, 0 {pack_format = #tpu.pack_format<interleaved>} : vector<32xbf16> -> vector<16xf32>
        %unpack3A_395 = tpu.unpack_subelements %bitcast3A, 1 {pack_format = #tpu.pack_format<interleaved>} : vector<32xbf16> -> vector<16xf32>
        %add3A_396 = arith.addf %scan3A_389, %unpack3A : vector<16xf32>
        %add3A_397 = arith.addf %scan3A_390, %unpack3A_395 : vector<16xf32>
        %get3A_398 = arith.index_cast %scan3A_388 : i32 to index
        %get3A_399 = arith.constant 16 : index
        %get3A_400 = tpu.vector_load %arg11[%get3A_398, %get3A_399] {strides = array<i32>} : memref<200x40xi32, #tpu.memory_space<vmem>>, vector<16xi32>,
        %bitcast3A_401 = vector.bitcast %get3A_400 : vector<16xi32> to vector<32xbf16>
        %unpack3A_402 = tpu.unpack_subelements %bitcast3A_401, 0 {pack_format = #tpu.pack_format<interleaved>} : vector<32xbf16> -> vector<16xf32>
        %unpack3A_403 = tpu.unpack_subelements %bitcast3A_401, 1 {pack_format = #tpu.pack_format<interleaved>} : vector<32xbf16> -> vector<16xf32>
        %add3A_404 = arith.addf %scan3A_391, %unpack3A_402 : vector<16xf32>
        %add3A_405 = arith.addf %scan3A_392, %unpack3A_403 : vector<16xf32>
        %scan3A_406 = arith.constant 1 : i32
        %scan3A_407 = arith.addi %scan3A_388, %scan3A_406 : i32
        %get3A_408 = arith.index_cast %scan3A_407 : i32 to index
        %get3A_409 = arith.constant 0 : index
        %get3A_410 = tpu.vector_load %arg11[%get3A_408, %get3A_409] {strides = array<i32>} : memref<200x40xi32, #tpu.memory_space<vmem>>, vector<16xi32>,
        %bitcast3A_411 = vector.bitcast %get3A_410 : vector<16xi32> to vector<32xbf16>
        %unpack3A_412 = tpu.unpack_subelements %bitcast3A_411, 0 {pack_format = #tpu.pack_format<interleaved>} : vector<32xbf16> -> vector<16xf32>
        %unpack3A_413 = tpu.unpack_subelements %bitcast3A_411, 1 {pack_format = #tpu.pack_format<interleaved>} : vector<32xbf16> -> vector<16xf32>
        %add3A_414 = arith.addf %add3A_396, %unpack3A_412 : vector<16xf32>
        %add3A_415 = arith.addf %add3A_397, %unpack3A_413 : vector<16xf32>
        %get3A_416 = arith.index_cast %scan3A_407 : i32 to index
        %get3A_417 = arith.constant 16 : index
        %get3A_418 = tpu.vector_load %arg11[%get3A_416, %get3A_417] {strides = array<i32>} : memref<200x40xi32, #tpu.memory_space<vmem>>, vector<16xi32>,
        %bitcast3A_419 = vector.bitcast %get3A_418 : vector<16xi32> to vector<32xbf16>
        %unpack3A_420 = tpu.unpack_subelements %bitcast3A_419, 0 {pack_format = #tpu.pack_format<interleaved>} : vector<32xbf16> -> vector<16xf32>
        %unpack3A_421 = tpu.unpack_subelements %bitcast3A_419, 1 {pack_format = #tpu.pack_format<interleaved>} : vector<32xbf16> -> vector<16xf32>
        %add3A_422 = arith.addf %add3A_404, %unpack3A_420 : vector<16xf32>
        %add3A_423 = arith.addf %add3A_405, %unpack3A_421 : vector<16xf32>
        %scan3A_424 = arith.constant 2 : i32
        %scan3A_425 = arith.addi %scan3A_388, %scan3A_424 : i32
        %get3A_426 = arith.index_cast %scan3A_425 : i32 to index
        %get3A_427 = arith.constant 0 : index
        %get3A_428 = tpu.vector_load %arg11[%get3A_426, %get3A_427] {strides = array<i32>} : memref<200x40xi32, #tpu.memory_space<vmem>>, vector<16xi32>,
        %bitcast3A_429 = vector.bitcast %get3A_428 : vector<16xi32> to vector<32xbf16>
        %unpack3A_430 = tpu.unpack_subelements %bitcast3A_429, 0 {pack_format = #tpu.pack_format<interleaved>} : vector<32xbf16> -> vector<16xf32>
        %unpack3A_431 = tpu.unpack_subelements %bitcast3A_429, 1 {pack_format = #tpu.pack_format<interleaved>} : vector<32xbf16> -> vector<16xf32>
        %add3A_432 = arith.addf %add3A_414, %unpack3A_430 : vector<16xf32>
        %add3A_433 = arith.addf %add3A_415, %unpack3A_431 : vector<16xf32>
        %get3A_434 = arith.index_cast %scan3A_425 : i32 to index
        %get3A_435 = arith.constant 16 : index
        %get3A_436 = tpu.vector_load %arg11[%get3A_434, %get3A_435] {strides = array<i32>} : memref<200x40xi32, #tpu.memory_space<vmem>>, vector<16xi32>,
        %bitcast3A_437 = vector.bitcast %get3A_436 : vector<16xi32> to vector<32xbf16>
        %unpack3A_438 = tpu.unpack_subelements %bitcast3A_437, 0 {pack_format = #tpu.pack_format<interleaved>} : vector<32xbf16> -> vector<16xf32>
        %unpack3A_439 = tpu.unpack_subelements %bitcast3A_437, 1 {pack_format = #tpu.pack_format<interleaved>} : vector<32xbf16> -> vector<16xf32>
        %add3A_440 = arith.addf %add3A_422, %unpack3A_438 : vector<16xf32>
        %add3A_441 = arith.addf %add3A_423, %unpack3A_439 : vector<16xf32>
        %scan3A_442 = arith.constant 3 : i32
        %scan3A_443 = arith.addi %scan3A_388, %scan3A_442 : i32
        %get3A_444 = arith.index_cast %scan3A_443 : i32 to index
        %get3A_445 = arith.constant 0 : index
        %get3A_446 = tpu.vector_load %arg11[%get3A_444, %get3A_445] {strides = array<i32>} : memref<200x40xi32, #tpu.memory_space<vmem>>, vector<16xi32>,
        %bitcast3A_447 = vector.bitcast %get3A_446 : vector<16xi32> to vector<32xbf16>
        %unpack3A_448 = tpu.unpack_subelements %bitcast3A_447, 0 {pack_format = #tpu.pack_format<interleaved>} : vector<32xbf16> -> vector<16xf32>
        %unpack3A_449 = tpu.unpack_subelements %bitcast3A_447, 1 {pack_format = #tpu.pack_format<interleaved>} : vector<32xbf16> -> vector<16xf32>
        %add3A_450 = arith.addf %add3A_432, %unpack3A_448 : vector<16xf32>
        %add3A_451 = arith.addf %add3A_433, %unpack3A_449 : vector<16xf32>
        %get3A_452 = arith.index_cast %scan3A_443 : i32 to index
        %get3A_453 = arith.constant 16 : index
        %get3A_454 = tpu.vector_load %arg11[%get3A_452, %get3A_453] {strides = array<i32>} : memref<200x40xi32, #tpu.memory_space<vmem>>, vector<16xi32>,
        %bitcast3A_455 = vector.bitcast %get3A_454 : vector<16xi32> to vector<32xbf16>
        %unpack3A_456 = tpu.unpack_subelements %bitcast3A_455, 0 {pack_format = #tpu.pack_format<interleaved>} : vector<32xbf16> -> vector<16xf32>
        %unpack3A_457 = tpu.unpack_subelements %bitcast3A_455, 1 {pack_format = #tpu.pack_format<interleaved>} : vector<32xbf16> -> vector<16xf32>
        %add3A_458 = arith.addf %add3A_440, %unpack3A_456 : vector<16xf32>
        %add3A_459 = arith.addf %add3A_441, %unpack3A_457 : vector<16xf32>
        %scan3A_460 = arith.constant 4 : i32
        %scan3A_461 = arith.addi %scan3A_388, %scan3A_460 : i32
        %get3A_462 = arith.index_cast %scan3A_461 : i32 to index
        %get3A_463 = arith.constant 0 : index
        %get3A_464 = tpu.vector_load %arg11[%get3A_462, %get3A_463] {strides = array<i32>} : memref<200x40xi32, #tpu.memory_space<vmem>>, vector<16xi32>,
        %bitcast3A_465 = vector.bitcast %get3A_464 : vector<16xi32> to vector<32xbf16>
        %unpack3A_466 = tpu.unpack_subelements %bitcast3A_465, 0 {pack_format = #tpu.pack_format<interleaved>} : vector<32xbf16> -> vector<16xf32>
        %unpack3A_467 = tpu.unpack_subelements %bitcast3A_465, 1 {pack_format = #tpu.pack_format<interleaved>} : vector<32xbf16> -> vector<16xf32>
        %add3A_468 = arith.addf %add3A_450, %unpack3A_466 : vector<16xf32>
        %add3A_469 = arith.addf %add3A_451, %unpack3A_467 : vector<16xf32>
        %get3A_470 = arith.index_cast %scan3A_461 : i32 to index
        %get3A_471 = arith.constant 16 : index
        %get3A_472 = tpu.vector_load %arg11[%get3A_470, %get3A_471] {strides = array<i32>} : memref<200x40xi32, #tpu.memory_space<vmem>>, vector<16xi32>,
        %bitcast3A_473 = vector.bitcast %get3A_472 : vector<16xi32> to vector<32xbf16>
        %unpack3A_474 = tpu.unpack_subelements %bitcast3A_473, 0 {pack_format = #tpu.pack_format<interleaved>} : vector<32xbf16> -> vector<16xf32>
        %unpack3A_475 = tpu.unpack_subelements %bitcast3A_473, 1 {pack_format = #tpu.pack_format<interleaved>} : vector<32xbf16> -> vector<16xf32>
        %add3A_476 = arith.addf %add3A_458, %unpack3A_474 : vector<16xf32>
        %add3A_477 = arith.addf %add3A_459, %unpack3A_475 : vector<16xf32>
        %scan3A_478 = arith.constant 5 : i32
        %scan3A_479 = arith.addi %scan3A_388, %scan3A_478 : i32
        %get3A_480 = arith.index_cast %scan3A_479 : i32 to index
        %get3A_481 = arith.constant 0 : index
        %get3A_482 = tpu.vector_load %arg11[%get3A_480, %get3A_481] {strides = array<i32>} : memref<200x40xi32, #tpu.memory_space<vmem>>, vector<16xi32>,
        %bitcast3A_483 = vector.bitcast %get3A_482 : vector<16xi32> to vector<32xbf16>
        %unpack3A_484 = tpu.unpack_subelements %bitcast3A_483, 0 {pack_format = #tpu.pack_format<interleaved>} : vector<32xbf16> -> vector<16xf32>
        %unpack3A_485 = tpu.unpack_subelements %bitcast3A_483, 1 {pack_format = #tpu.pack_format<interleaved>} : vector<32xbf16> -> vector<16xf32>
        %add3A_486 = arith.addf %add3A_468, %unpack3A_484 : vector<16xf32>
        %add3A_487 = arith.addf %add3A_469, %unpack3A_485 : vector<16xf32>
        %get3A_488 = arith.index_cast %scan3A_479 : i32 to index
        %get3A_489 = arith.constant 16 : index
        %get3A_490 = tpu.vector_load %arg11[%get3A_488, %get3A_489] {strides = array<i32>} : memref<200x40xi32, #tpu.memory_space<vmem>>, vector<16xi32>,
        %bitcast3A_491 = vector.bitcast %get3A_490 : vector<16xi32> to vector<32xbf16>
        %unpack3A_492 = tpu.unpack_subelements %bitcast3A_491, 0 {pack_format = #tpu.pack_format<interleaved>} : vector<32xbf16> -> vector<16xf32>
        %unpack3A_493 = tpu.unpack_subelements %bitcast3A_491, 1 {pack_format = #tpu.pack_format<interleaved>} : vector<32xbf16> -> vector<16xf32>
        %add3A_494 = arith.addf %add3A_476, %unpack3A_492 : vector<16xf32>
        %add3A_495 = arith.addf %add3A_477, %unpack3A_493 : vector<16xf32>
        %scan3A_496 = arith.constant 6 : i32
        %scan3A_497 = arith.addi %scan3A_388, %scan3A_496 : i32
        %get3A_498 = arith.index_cast %scan3A_497 : i32 to index
        %get3A_499 = arith.constant 0 : index
        %get3A_500 = tpu.vector_load %arg11[%get3A_498, %get3A_499] {strides = array<i32>} : memref<200x40xi32, #tpu.memory_space<vmem>>, vector<16xi32>,
        %bitcast3A_501 = vector.bitcast %get3A_500 : vector<16xi32> to vector<32xbf16>
        %unpack3A_502 = tpu.unpack_subelements %bitcast3A_501, 0 {pack_format = #tpu.pack_format<interleaved>} : vector<32xbf16> -> vector<16xf32>
        %unpack3A_503 = tpu.unpack_subelements %bitcast3A_501, 1 {pack_format = #tpu.pack_format<interleaved>} : vector<32xbf16> -> vector<16xf32>
        %add3A_504 = arith.addf %add3A_486, %unpack3A_502 : vector<16xf32>
        %add3A_505 = arith.addf %add3A_487, %unpack3A_503 : vector<16xf32>
        %get3A_506 = arith.index_cast %scan3A_497 : i32 to index
        %get3A_507 = arith.constant 16 : index
        %get3A_508 = tpu.vector_load %arg11[%get3A_506, %get3A_507] {strides = array<i32>} : memref<200x40xi32, #tpu.memory_space<vmem>>, vector<16xi32>,
        %bitcast3A_509 = vector.bitcast %get3A_508 : vector<16xi32> to vector<32xbf16>
        %unpack3A_510 = tpu.unpack_subelements %bitcast3A_509, 0 {pack_format = #tpu.pack_format<interleaved>} : vector<32xbf16> -> vector<16xf32>
        %unpack3A_511 = tpu.unpack_subelements %bitcast3A_509, 1 {pack_format = #tpu.pack_format<interleaved>} : vector<32xbf16> -> vector<16xf32>
        %add3A_512 = arith.addf %add3A_494, %unpack3A_510 : vector<16xf32>
        %add3A_513 = arith.addf %add3A_495, %unpack3A_511 : vector<16xf32>
        %scan3A_514 = arith.constant 7 : i32
        %scan3A_515 = arith.addi %scan3A_388, %scan3A_514 : i32
        %get3A_516 = arith.index_cast %scan3A_515 : i32 to index
        %get3A_517 = arith.constant 0 : index
        %get3A_518 = tpu.vector_load %arg11[%get3A_516, %get3A_517] {strides = array<i32>} : memref<200x40xi32, #tpu.memory_space<vmem>>, vector<16xi32>,
        %bitcast3A_519 = vector.bitcast %get3A_518 : vector<16xi32> to vector<32xbf16>
        %unpack3A_520 = tpu.unpack_subelements %bitcast3A_519, 0 {pack_format = #tpu.pack_format<interleaved>} : vector<32xbf16> -> vector<16xf32>
        %unpack3A_521 = tpu.unpack_subelements %bitcast3A_519, 1 {pack_format = #tpu.pack_format<interleaved>} : vector<32xbf16> -> vector<16xf32>
        %add3A_522 = arith.addf %add3A_504, %unpack3A_520 : vector<16xf32>
        %add3A_523 = arith.addf %add3A_505, %unpack3A_521 : vector<16xf32>
        %get3A_524 = arith.index_cast %scan3A_515 : i32 to index
        %get3A_525 = arith.constant 16 : index
        %get3A_526 = tpu.vector_load %arg11[%get3A_524, %get3A_525] {strides = array<i32>} : memref<200x40xi32, #tpu.memory_space<vmem>>, vector<16xi32>,
        %bitcast3A_527 = vector.bitcast %get3A_526 : vector<16xi32> to vector<32xbf16>
        %unpack3A_528 = tpu.unpack_subelements %bitcast3A_527, 0 {pack_format = #tpu.pack_format<interleaved>} : vector<32xbf16> -> vector<16xf32>
        %unpack3A_529 = tpu.unpack_subelements %bitcast3A_527, 1 {pack_format = #tpu.pack_format<interleaved>} : vector<32xbf16> -> vector<16xf32>
        %add3A_530 = arith.addf %add3A_512, %unpack3A_528 : vector<16xf32>
        %add3A_531 = arith.addf %add3A_513, %unpack3A_529 : vector<16xf32>
        scf.yield %add3A_522, %add3A_523, %add3A_530, %add3A_531 : vector<16xf32>, vector<16xf32>, vector<16xf32>, vector<16xf32>
      }
      %scan3A_346 = arith.constant 200 : i32
      %iota3A_347 = tpu.iota {dimensions = array<i32: 0>} : vector<16xi32>
      %broadcast_in_dim3A_348 = arith.constant 0 : i32
      %broadcast_in_dim3A_349 = vector.broadcast %broadcast_in_dim3A_348 : i32 to vector<16xi32>
      %add3A_350 = vector.broadcast %add3A_313 : i32 to vector<16xi32>
      %add3A_351 = arith.addi %add3A_350, %broadcast_in_dim3A_349 : vector<16xi32>
      %gather3A_352 = tpu.vector_load_idx %arg7[%add3A_351] : memref<128xf32, #tpu.memory_space<vmem>>[vector<16xi32>], vector<16xf32>,
      %mul3A_353 = arith.constant 2 : i32
      %mul3A_354 = vector.broadcast %mul3A_353 : i32 to vector<16xi32>
      %mul3A_355 = arith.muli %mul3A_354, %iota3A_347 : vector<16xi32>
      %add3A_356 = arith.constant 0 : i32
      %add3A_357 = vector.broadcast %add3A_356 : i32 to vector<16xi32>
      %add3A_358 = arith.addi %mul3A_355, %add3A_357 : vector<16xi32>
      %mul3A_359 = arith.mulf %scan3A_345#0, %gather3A_352 : vector<16xf32>
      tpu.vector_store_idx %arg12[%add3A_351, %add3A_358], %mul3A_359 : memref<128x64xf32, #tpu.memory_space<vmem>>[vector<16xi32>, vector<16xi32>], vector<16xf32>,
      %mul3A_360 = arith.constant 2 : i32
      %mul3A_361 = vector.broadcast %mul3A_360 : i32 to vector<16xi32>
      %mul3A_362 = arith.muli %mul3A_361, %iota3A_347 : vector<16xi32>
      %add3A_363 = arith.constant 1 : i32
      %add3A_364 = vector.broadcast %add3A_363 : i32 to vector<16xi32>
      %add3A_365 = arith.addi %mul3A_362, %add3A_364 : vector<16xi32>
      %mul3A_366 = arith.mulf %scan3A_345#1, %gather3A_352 : vector<16xf32>
      tpu.vector_store_idx %arg12[%add3A_351, %add3A_365], %mul3A_366 : memref<128x64xf32, #tpu.memory_space<vmem>>[vector<16xi32>, vector<16xi32>], vector<16xf32>,
      %mul3A_367 = arith.constant 2 : i32
      %mul3A_368 = vector.broadcast %mul3A_367 : i32 to vector<16xi32>
      %mul3A_369 = arith.muli %mul3A_368, %iota3A_347 : vector<16xi32>
      %add3A_370 = arith.constant 32 : i32
      %add3A_371 = vector.broadcast %add3A_370 : i32 to vector<16xi32>
      %add3A_372 = arith.addi %mul3A_369, %add3A_371 : vector<16xi32>
      %mul3A_373 = arith.mulf %scan3A_345#2, %gather3A_352 : vector<16xf32>
      tpu.vector_store_idx %arg12[%add3A_351, %add3A_372], %mul3A_373 : memref<128x64xf32, #tpu.memory_space<vmem>>[vector<16xi32>, vector<16xi32>], vector<16xf32>,
      %mul3A_374 = arith.constant 2 : i32
      %mul3A_375 = vector.broadcast %mul3A_374 : i32 to vector<16xi32>
      %mul3A_376 = arith.muli %mul3A_375, %iota3A_347 : vector<16xi32>
      %add3A_377 = arith.constant 33 : i32
      %add3A_378 = vector.broadcast %add3A_377 : i32 to vector<16xi32>
      %add3A_379 = arith.addi %mul3A_376, %add3A_378 : vector<16xi32>
      %mul3A_380 = arith.mulf %scan3A_345#3, %gather3A_352 : vector<16xf32>
      tpu.vector_store_idx %arg12[%add3A_351, %add3A_379], %mul3A_380 : memref<128x64xf32, #tpu.memory_space<vmem>>[vector<16xi32>, vector<16xi32>], vector<16xf32>,
      %add3A_381 = arith.constant 4 : i32
      %add3A_382 = arith.addi %add3A_313, %add3A_381 : i32
      %lt3A_383 = arith.constant 128 : i32
      %lt3A_384 = arith.cmpi slt, %add3A_382, %lt3A_383 : i32
      %convert_element_type3A_385 = arith.extui %lt3A_384 : i1 to i32
      %cond3A_386 = arith.constant 0 : i32
      %cond3A_387 = arith.cmpi ne, %convert_element_type3A_385, %cond3A_386 : i32
      scf.if %cond3A_387 {
        %add3A_388 = arith.constant 4 : i32
        %add3A_389 = arith.addi %add3A_313, %add3A_388 : i32
        %mul3A_390 = arith.constant 200 : i32
        %mul3A_391 = arith.muli %add3A_389, %mul3A_390 : i32
        %multiple_of3A_392 = tpu.assume_multiple %mul3A_391, 8 : i32
        %dma_start3A_393 = arith.constant 0 : i32
        %dma_start3A_394 = arith.constant 0 : i32
        %dma_start3A_395 = tpu.memref_slice %arg11[%dma_start3A_393, %dma_start3A_394] : memref<200x40xi32, #tpu.memory_space<vmem>> -> memref<128x40xi32, #tpu.memory_space<vmem>>
        %dma_start3A_396 = tpu.memref_slice %arg6[%multiple_of3A_392] : memref<25600xi32, #tpu.memory_space<vmem>> -> memref<128xi32, #tpu.memory_space<vmem>>
        %dma_start3A_397 = arith.constant 0 : i32
        %dma_start3A_398 = arith.constant 0 : i32
        %dma_start3A_399 = tpu.memref_slice %arg4[%dma_start3A_397, %dma_start3A_398] : memref<1000000x40xi32, #tpu.memory_space<hbm>> -> memref<1000000x40xi32, #tpu.memory_space<hbm>>
        tpu.enqueue_indirect_dma source(%dma_start3A_399 : memref<1000000x40xi32, #tpu.memory_space<hbm>>) target(%dma_start3A_395 : memref<128x40xi32, #tpu.memory_space<vmem>>) offsets(%dma_start3A_396 : memref<128xi32, #tpu.memory_space<vmem>>) semaphore(%arg16 : memref<!tpu.dma_semaphore, #tpu.memory_space<semaphore_mem>>)
        %add3A_400 = arith.constant 128 : i32
        %add3A_401 = arith.addi %multiple_of3A_392, %add3A_400 : i32
        %dma_start3A_402 = arith.constant 128 : i32
        %dma_start3A_403 = arith.constant 0 : i32
        %dma_start3A_404 = tpu.memref_slice %arg11[%dma_start3A_402, %dma_start3A_403] : memref<200x40xi32, #tpu.memory_space<vmem>> -> memref<72x40xi32, #tpu.memory_space<vmem>>
        %dma_start3A_405 = tpu.memref_slice %arg6[%add3A_401] : memref<25600xi32, #tpu.memory_space<vmem>> -> memref<72xi32, #tpu.memory_space<vmem>>
        %dma_start3A_406 = arith.constant 0 : i32
        %dma_start3A_407 = arith.constant 0 : i32
        %dma_start3A_408 = tpu.memref_slice %arg4[%dma_start3A_406, %dma_start3A_407] : memref<1000000x40xi32, #tpu.memory_space<hbm>> -> memref<1000000x40xi32, #tpu.memory_space<hbm>>
        tpu.enqueue_indirect_dma source(%dma_start3A_408 : memref<1000000x40xi32, #tpu.memory_space<hbm>>) target(%dma_start3A_404 : memref<72x40xi32, #tpu.memory_space<vmem>>) offsets(%dma_start3A_405 : memref<72xi32, #tpu.memory_space<vmem>>) semaphore(%arg16 : memref<!tpu.dma_semaphore, #tpu.memory_space<semaphore_mem>>)
      } else {
      }
    }
    %scan3A_81 = arith.constant 32 : i32
    "tpu.region"() ({
      %run_scoped3A = tpu.sem_alloc : memref<!tpu.dma_semaphore, #tpu.memory_space<semaphore_mem>>
      %dma_start3A_82 = arith.constant 0 : i32
      %dma_start3A_83 = tpu.memref_slice %arg5[%multiple_of3A, %dma_start3A_82] : memref<4096x64xf32, #tpu.memory_space<hbm>> -> memref<128x64xf32, #tpu.memory_space<hbm>>
      %dma_start3A_84 = arith.constant 0 : i32
      %dma_start3A_85 = tpu.memref_slice %arg5[%multiple_of3A, %dma_start3A_84] : memref<4096x64xf32, #tpu.memory_space<hbm>> -> memref<128x64xf32, #tpu.memory_space<hbm>>
      tpu.enqueue_dma source(%arg12 : memref<128x64xf32, #tpu.memory_space<vmem>>) target(%dma_start3A_85 : memref<128x64xf32, #tpu.memory_space<hbm>>) target_semaphore(%run_scoped3A : memref<!tpu.dma_semaphore, #tpu.memory_space<semaphore_mem>>)
      %dma_wait3A = arith.constant 0 : i32
      %dma_wait3A_86 = tpu.memref_slice %arg5[%multiple_of3A, %dma_wait3A] : memref<4096x64xf32, #tpu.memory_space<hbm>> -> memref<128x64xf32, #tpu.memory_space<hbm>>
      %dma_wait3A_87 = arith.constant 0 : i32
      %dma_wait3A_88 = tpu.memref_slice %arg5[%multiple_of3A, %dma_wait3A_87] : memref<4096x64xf32, #tpu.memory_space<hbm>> -> memref<128x64xf32, #tpu.memory_space<hbm>>
      tpu.wait_dma2 semaphore(%run_scoped3A : memref<!tpu.dma_semaphore, #tpu.memory_space<semaphore_mem>>) src(%arg12 : memref<128x64xf32, #tpu.memory_space<vmem>>) dst(%dma_wait3A_88 : memref<128x64xf32, #tpu.memory_space<hbm>>)
      tpu.yield
    }) : () -> ()
    return
  }
}

#map = affine_map<(d0, d1) -> (0, 0, 0)>
#map1 = affine_map<(d0, d1) -> (0)>
module attributes {stable_mosaic.version = 14 : i64} {
  func.func @sc_tr(%arg0: i32, %arg1: i32, %arg2: memref<8x8x1000000xf32, #tpu.memory_space<hbm>>, %arg3: memref<2560xi32, #tpu.memory_space<hbm>>, %arg4: memref<40000000xi32, #tpu.memory_space<hbm>>, %arg5: memref<8x8x512xf32, #tpu.memory_space<vmem>>, %arg6: memref<8x8x512xf32, #tpu.memory_space<vmem>>, %arg7: memref<20480xi32, #tpu.memory_space<vmem>>, %arg8: memref<20480xi32, #tpu.memory_space<vmem>>, %arg9: memref<!tpu.dma_semaphore, #tpu.memory_space<semaphore_mem>>, %arg10: memref<!tpu.dma_semaphore, #tpu.memory_space<semaphore_mem>>, %arg11: memref<!tpu.dma_semaphore, #tpu.memory_space<semaphore_mem>>, %arg12: memref<!tpu.dma_semaphore, #tpu.memory_space<semaphore_mem>>) attributes {dimension_semantics = [#tpu.dimension_semantics<core_parallel>, #tpu.dimension_semantics<subcore_parallel>], iteration_bounds = array<i64: 2, 16>, scalar_prefetch = 0 : i64, scratch_operands = 8 : i64, tpu.core_type = #tpu.core_type<sc_vector_subcore>, window_params = [{transform_indices = #map}, {transform_indices = #map1}, {transform_indices = #map1}]} {
    %mul3A = arith.constant 2 : i32
    %mul3A_0 = arith.muli %arg1, %mul3A : i32
    %add3A = arith.addi %mul3A_0, %arg0 : i32
    %mul3A_1 = arith.constant 62 : i32
    %mul3A_2 = arith.muli %add3A, %mul3A_1 : i32
    %sub3A = arith.constant 1953 : i32
    %sub3A_3 = arith.subi %sub3A, %mul3A_2 : i32
    %min3A = arith.constant 62 : i32
    %min3A_4 = arith.minsi %min3A, %sub3A_3 : i32
    %iota3A = tpu.iota {dimensions = array<i32: 0>} : vector<16xi32>
    %mul3A_5 = arith.constant 40 : i32
    %mul3A_6 = vector.broadcast %mul3A_5 : i32 to vector<16xi32>
    %mul3A_7 = arith.muli %iota3A, %mul3A_6 : vector<16xi32>
    %add3A_8 = arith.constant 0 : i32
    %add3A_9 = arith.addi %mul3A_2, %add3A_8 : i32
    %mul3A_10 = arith.constant 512 : i32
    %mul3A_11 = arith.muli %add3A_9, %mul3A_10 : i32
    %multiple_of3A = tpu.assume_multiple %mul3A_11, 512 : i32
    %dma_start3A = arith.constant 0 : i32
    %dma_start3A_12 = arith.constant 0 : i32
    %dma_start3A_13 = tpu.memref_slice %arg2[%dma_start3A, %dma_start3A_12, %multiple_of3A] : memref<8x8x1000000xf32, #tpu.memory_space<hbm>> -> memref<8x8x512xf32, #tpu.memory_space<hbm>>
    %dma_start3A_14 = arith.constant 0 : i32
    %dma_start3A_15 = arith.constant 0 : i32
    %dma_start3A_16 = tpu.memref_slice %arg2[%dma_start3A_14, %dma_start3A_15, %multiple_of3A] : memref<8x8x1000000xf32, #tpu.memory_space<hbm>> -> memref<8x8x512xf32, #tpu.memory_space<hbm>>
    tpu.enqueue_dma source(%dma_start3A_16 : memref<8x8x512xf32, #tpu.memory_space<hbm>>) target(%arg5 : memref<8x8x512xf32, #tpu.memory_space<vmem>>) target_semaphore(%arg9 : memref<!tpu.dma_semaphore, #tpu.memory_space<semaphore_mem>>)
    %add3A_17 = arith.constant 1 : i32
    %add3A_18 = arith.addi %mul3A_2, %add3A_17 : i32
    %mul3A_19 = arith.constant 512 : i32
    %mul3A_20 = arith.muli %add3A_18, %mul3A_19 : i32
    %multiple_of3A_21 = tpu.assume_multiple %mul3A_20, 512 : i32
    %dma_start3A_22 = arith.constant 0 : i32
    %dma_start3A_23 = arith.constant 0 : i32
    %dma_start3A_24 = tpu.memref_slice %arg2[%dma_start3A_22, %dma_start3A_23, %multiple_of3A_21] : memref<8x8x1000000xf32, #tpu.memory_space<hbm>> -> memref<8x8x512xf32, #tpu.memory_space<hbm>>
    %dma_start3A_25 = arith.constant 0 : i32
    %dma_start3A_26 = arith.constant 0 : i32
    %dma_start3A_27 = tpu.memref_slice %arg2[%dma_start3A_25, %dma_start3A_26, %multiple_of3A_21] : memref<8x8x1000000xf32, #tpu.memory_space<hbm>> -> memref<8x8x512xf32, #tpu.memory_space<hbm>>
    tpu.enqueue_dma source(%dma_start3A_27 : memref<8x8x512xf32, #tpu.memory_space<hbm>>) target(%arg6 : memref<8x8x512xf32, #tpu.memory_space<vmem>>) target_semaphore(%arg10 : memref<!tpu.dma_semaphore, #tpu.memory_space<semaphore_mem>>)
    %scan3A = arith.constant 0 : i32
    %scan3A_28 = arith.constant 0 : i32
    %scan3A_29 = arith.constant 31 : i32
    %scan3A_30 = arith.addi %scan3A_28, %scan3A_29 : i32
    %scan3A_31 = arith.constant 1 : i32
    scf.for %scan3A_76 = %scan3A_28 to %scan3A_30 step %scan3A_31  : i32 {
      %mul3A_77 = arith.constant 2 : i32
      %mul3A_78 = arith.muli %scan3A_76, %mul3A_77 : i32
      %add3A_79 = arith.constant 0 : i32
      %add3A_80 = arith.addi %mul3A_78, %add3A_79 : i32
      %lt3A_81 = arith.cmpi slt, %add3A_80, %min3A_4 : i32
      %convert_element_type3A_82 = arith.extui %lt3A_81 : i1 to i32
      %cond3A_83 = arith.constant 0 : i32
      %cond3A_84 = arith.cmpi ne, %convert_element_type3A_82, %cond3A_83 : i32
      scf.if %cond3A_84 {
        %add3A_93 = arith.addi %mul3A_2, %add3A_80 : i32
        %mul3A_94 = arith.constant 512 : i32
        %mul3A_95 = arith.muli %add3A_93, %mul3A_94 : i32
        %multiple_of3A_96 = tpu.assume_multiple %mul3A_95, 512 : i32
        %dma_wait3A_97 = arith.constant 0 : i32
        %dma_wait3A_98 = arith.constant 0 : i32
        %dma_wait3A_99 = tpu.memref_slice %arg2[%dma_wait3A_97, %dma_wait3A_98, %multiple_of3A_96] : memref<8x8x1000000xf32, #tpu.memory_space<hbm>> -> memref<8x8x512xf32, #tpu.memory_space<hbm>>
        %dma_wait3A_100 = arith.constant 0 : i32
        %dma_wait3A_101 = arith.constant 0 : i32
        %dma_wait3A_102 = tpu.memref_slice %arg2[%dma_wait3A_100, %dma_wait3A_101, %multiple_of3A_96] : memref<8x8x1000000xf32, #tpu.memory_space<hbm>> -> memref<8x8x512xf32, #tpu.memory_space<hbm>>
        tpu.wait_dma2 semaphore(%arg9 : memref<!tpu.dma_semaphore, #tpu.memory_space<semaphore_mem>>) src(%dma_wait3A_102 : memref<8x8x512xf32, #tpu.memory_space<hbm>>) dst(%arg5 : memref<8x8x512xf32, #tpu.memory_space<vmem>>)
        %ge3A = arith.constant 2 : i32
        %ge3A_103 = arith.cmpi sge, %add3A_80, %ge3A : i32
        %convert_element_type3A_104 = arith.extui %ge3A_103 : i1 to i32
        %cond3A_105 = arith.constant 0 : i32
        %cond3A_106 = arith.cmpi ne, %convert_element_type3A_104, %cond3A_105 : i32
        scf.if %cond3A_106 {
          %sub3A_123 = arith.constant 2 : i32
          %sub3A_124 = arith.subi %add3A_80, %sub3A_123 : i32
          %add3A_125 = arith.addi %mul3A_2, %sub3A_124 : i32
          %mul3A_126 = arith.constant 512 : i32
          %mul3A_127 = arith.muli %add3A_125, %mul3A_126 : i32
          %mul3A_128 = arith.constant 40 : i32
          %mul3A_129 = arith.muli %mul3A_127, %mul3A_128 : i32
          %multiple_of3A_130 = tpu.assume_multiple %mul3A_129, 20480 : i32
          %dma_wait3A_131 = tpu.memref_slice %arg4[%multiple_of3A_130] : memref<40000000xi32, #tpu.memory_space<hbm>> -> memref<20480xi32, #tpu.memory_space<hbm>>
          %dma_wait3A_132 = tpu.memref_slice %arg4[%multiple_of3A_130] : memref<40000000xi32, #tpu.memory_space<hbm>> -> memref<20480xi32, #tpu.memory_space<hbm>>
          tpu.wait_dma2 semaphore(%arg11 : memref<!tpu.dma_semaphore, #tpu.memory_space<semaphore_mem>>) src(%arg7 : memref<20480xi32, #tpu.memory_space<vmem>>) dst(%dma_wait3A_132 : memref<20480xi32, #tpu.memory_space<hbm>>)
        } else {
        }
        %parallel_loop3A = arith.constant 0 : i32
        %parallel_loop3A_107 = arith.constant 32 : i32
        %parallel_loop3A_108 = arith.constant 1 : i32
        scf.for %parallel_loop3A_123 = %parallel_loop3A to %parallel_loop3A_107 step %parallel_loop3A_108  : i32 {
          %parallel_loop3A_124 = arith.constant 4 : i32
          %parallel_loop3A_125 = arith.divsi %parallel_loop3A_123, %parallel_loop3A_124 : i32
          %parallel_loop3A_126 = arith.constant 0 : i32
          %parallel_loop3A_127 = arith.cmpi sgt, %parallel_loop3A_123, %parallel_loop3A_126 : i32
          %parallel_loop3A_128 = arith.extui %parallel_loop3A_127 : i1 to i32
          %parallel_loop3A_129 = arith.constant 0 : i32
          %parallel_loop3A_130 = arith.cmpi slt, %parallel_loop3A_123, %parallel_loop3A_129 : i32
          %parallel_loop3A_131 = arith.extui %parallel_loop3A_130 : i1 to i32
          %parallel_loop3A_132 = arith.subi %parallel_loop3A_128, %parallel_loop3A_131 : i32
          %parallel_loop3A_133 = arith.constant 0 : i32
          %parallel_loop3A_134 = arith.cmpi sgt, %parallel_loop3A_124, %parallel_loop3A_133 : i32
          %parallel_loop3A_135 = arith.extui %parallel_loop3A_134 : i1 to i32
          %parallel_loop3A_136 = arith.constant 0 : i32
          %parallel_loop3A_137 = arith.cmpi slt, %parallel_loop3A_124, %parallel_loop3A_136 : i32
          %parallel_loop3A_138 = arith.extui %parallel_loop3A_137 : i1 to i32
          %parallel_loop3A_139 = arith.subi %parallel_loop3A_135, %parallel_loop3A_138 : i32
          %parallel_loop3A_140 = arith.cmpi ne, %parallel_loop3A_132, %parallel_loop3A_139 : i32
          %parallel_loop3A_141 = arith.remsi %parallel_loop3A_123, %parallel_loop3A_124 : i32
          %parallel_loop3A_142 = arith.constant 0 : i32
          %parallel_loop3A_143 = arith.cmpi ne, %parallel_loop3A_141, %parallel_loop3A_142 : i32
          %parallel_loop3A_144 = arith.andi %parallel_loop3A_140, %parallel_loop3A_143 : i1
          %parallel_loop3A_145 = arith.constant 1 : i32
          %parallel_loop3A_146 = arith.subi %parallel_loop3A_125, %parallel_loop3A_145 : i32
          %parallel_loop3A_147 = arith.select %parallel_loop3A_144, %parallel_loop3A_146, %parallel_loop3A_125 : i32
          %parallel_loop3A_148 = arith.constant 4 : i32
          %parallel_loop3A_149 = arith.muli %parallel_loop3A_147, %parallel_loop3A_148 : i32
          %parallel_loop3A_150 = arith.subi %parallel_loop3A_123, %parallel_loop3A_149 : i32
          %parallel_loop3A_151 = arith.constant 2 : i32
          %parallel_loop3A_152 = arith.muli %parallel_loop3A_151, %parallel_loop3A_150 : i32
          %parallel_loop3A_153 = arith.index_cast %parallel_loop3A_147 : i32 to index
          %parallel_loop3A_154 = arith.index_cast %parallel_loop3A_152 : i32 to index
          %parallel_loop3A_155 = arith.constant 0 : index
          %parallel_loop3A_156 = tpu.vector_load %arg5[%parallel_loop3A_153, %parallel_loop3A_154, %parallel_loop3A_155] {strides = array<i32>} : memref<8x8x512xf32, #tpu.memory_space<vmem>>, vector<16xf32>,
          %parallel_loop3A_157 = arith.constant 1 : i32
          %parallel_loop3A_158 = arith.addi %parallel_loop3A_152, %parallel_loop3A_157 : i32
          %parallel_loop3A_159 = arith.index_cast %parallel_loop3A_147 : i32 to index
          %parallel_loop3A_160 = arith.index_cast %parallel_loop3A_158 : i32 to index
          %parallel_loop3A_161 = arith.constant 0 : index
          %parallel_loop3A_162 = tpu.vector_load %arg5[%parallel_loop3A_159, %parallel_loop3A_160, %parallel_loop3A_161] {strides = array<i32>} : memref<8x8x512xf32, #tpu.memory_space<vmem>>, vector<16xf32>,
          %parallel_loop3A_163 = tpu.pack_subelements %parallel_loop3A_156, %parallel_loop3A_162 {pack_format = #tpu.pack_format<interleaved>, positions = array<i32: 0, 1>} : vector<16xf32>, vector<16xf32> -> vector<32xbf16>
          %parallel_loop3A_164 = vector.bitcast %parallel_loop3A_163 : vector<32xbf16> to vector<16xi32>
          %parallel_loop3A_165 = arith.constant 0 : i32
          %parallel_loop3A_166 = arith.addi %parallel_loop3A_165, %parallel_loop3A_123 : i32
          %parallel_loop3A_167 = vector.broadcast %parallel_loop3A_166 : i32 to vector<16xi32>
          %parallel_loop3A_168 = arith.addi %mul3A_7, %parallel_loop3A_167 : vector<16xi32>
          tpu.vector_store_idx %arg7[%parallel_loop3A_168], %parallel_loop3A_164 : memref<20480xi32, #tpu.memory_space<vmem>>[vector<16xi32>], vector<16xi32>,
          %parallel_loop3A_169 = arith.index_cast %parallel_loop3A_147 : i32 to index
          %parallel_loop3A_170 = arith.index_cast %parallel_loop3A_152 : i32 to index
          %parallel_loop3A_171 = arith.constant 16 : index
          %parallel_loop3A_172 = tpu.vector_load %arg5[%parallel_loop3A_169, %parallel_loop3A_170, %parallel_loop3A_171] {strides = array<i32>} : memref<8x8x512xf32, #tpu.memory_space<vmem>>, vector<16xf32>,
          %parallel_loop3A_173 = arith.constant 1 : i32
          %parallel_loop3A_174 = arith.addi %parallel_loop3A_152, %parallel_loop3A_173 : i32
          %parallel_loop3A_175 = arith.index_cast %parallel_loop3A_147 : i32 to index
          %parallel_loop3A_176 = arith.index_cast %parallel_loop3A_174 : i32 to index
          %parallel_loop3A_177 = arith.constant 16 : index
          %parallel_loop3A_178 = tpu.vector_load %arg5[%parallel_loop3A_175, %parallel_loop3A_176, %parallel_loop3A_177] {strides = array<i32>} : memref<8x8x512xf32, #tpu.memory_space<vmem>>, vector<16xf32>,
          %parallel_loop3A_179 = tpu.pack_subelements %parallel_loop3A_172, %parallel_loop3A_178 {pack_format = #tpu.pack_format<interleaved>, positions = array<i32: 0, 1>} : vector<16xf32>, vector<16xf32> -> vector<32xbf16>
          %parallel_loop3A_180 = vector.bitcast %parallel_loop3A_179 : vector<32xbf16> to vector<16xi32>
          %parallel_loop3A_181 = arith.constant 640 : i32
          %parallel_loop3A_182 = arith.addi %parallel_loop3A_181, %parallel_loop3A_123 : i32
          %parallel_loop3A_183 = vector.broadcast %parallel_loop3A_182 : i32 to vector<16xi32>
          %parallel_loop3A_184 = arith.addi %mul3A_7, %parallel_loop3A_183 : vector<16xi32>
          tpu.vector_store_idx %arg7[%parallel_loop3A_184], %parallel_loop3A_180 : memref<20480xi32, #tpu.memory_space<vmem>>[vector<16xi32>], vector<16xi32>,
          %parallel_loop3A_185 = arith.index_cast %parallel_loop3A_147 : i32 to index
          %parallel_loop3A_186 = arith.index_cast %parallel_loop3A_152 : i32 to index
          %parallel_loop3A_187 = arith.constant 32 : index
          %parallel_loop3A_188 = tpu.vector_load %arg5[%parallel_loop3A_185, %parallel_loop3A_186, %parallel_loop3A_187] {strides = array<i32>} : memref<8x8x512xf32, #tpu.memory_space<vmem>>, vector<16xf32>,
          %parallel_loop3A_189 = arith.constant 1 : i32
          %parallel_loop3A_190 = arith.addi %parallel_loop3A_152, %parallel_loop3A_189 : i32
          %parallel_loop3A_191 = arith.index_cast %parallel_loop3A_147 : i32 to index
          %parallel_loop3A_192 = arith.index_cast %parallel_loop3A_190 : i32 to index
          %parallel_loop3A_193 = arith.constant 32 : index
          %parallel_loop3A_194 = tpu.vector_load %arg5[%parallel_loop3A_191, %parallel_loop3A_192, %parallel_loop3A_193] {strides = array<i32>} : memref<8x8x512xf32, #tpu.memory_space<vmem>>, vector<16xf32>,
          %parallel_loop3A_195 = tpu.pack_subelements %parallel_loop3A_188, %parallel_loop3A_194 {pack_format = #tpu.pack_format<interleaved>, positions = array<i32: 0, 1>} : vector<16xf32>, vector<16xf32> -> vector<32xbf16>
          %parallel_loop3A_196 = vector.bitcast %parallel_loop3A_195 : vector<32xbf16> to vector<16xi32>
          %parallel_loop3A_197 = arith.constant 1280 : i32
          %parallel_loop3A_198 = arith.addi %parallel_loop3A_197, %parallel_loop3A_123 : i32
          %parallel_loop3A_199 = vector.broadcast %parallel_loop3A_198 : i32 to vector<16xi32>
          %parallel_loop3A_200 = arith.addi %mul3A_7, %parallel_loop3A_199 : vector<16xi32>
          tpu.vector_store_idx %arg7[%parallel_loop3A_200], %parallel_loop3A_196 : memref<20480xi32, #tpu.memory_space<vmem>>[vector<16xi32>], vector<16xi32>,
          %parallel_loop3A_201 = arith.index_cast %parallel_loop3A_147 : i32 to index
          %parallel_loop3A_202 = arith.index_cast %parallel_loop3A_152 : i32 to index
          %parallel_loop3A_203 = arith.constant 48 : index
          %parallel_loop3A_204 = tpu.vector_load %arg5[%parallel_loop3A_201, %parallel_loop3A_202, %parallel_loop3A_203] {strides = array<i32>} : memref<8x8x512xf32, #tpu.memory_space<vmem>>, vector<16xf32>,
          %parallel_loop3A_205 = arith.constant 1 : i32
          %parallel_loop3A_206 = arith.addi %parallel_loop3A_152, %parallel_loop3A_205 : i32
          %parallel_loop3A_207 = arith.index_cast %parallel_loop3A_147 : i32 to index
          %parallel_loop3A_208 = arith.index_cast %parallel_loop3A_206 : i32 to index
          %parallel_loop3A_209 = arith.constant 48 : index
          %parallel_loop3A_210 = tpu.vector_load %arg5[%parallel_loop3A_207, %parallel_loop3A_208, %parallel_loop3A_209] {strides = array<i32>} : memref<8x8x512xf32, #tpu.memory_space<vmem>>, vector<16xf32>,
          %parallel_loop3A_211 = tpu.pack_subelements %parallel_loop3A_204, %parallel_loop3A_210 {pack_format = #tpu.pack_format<interleaved>, positions = array<i32: 0, 1>} : vector<16xf32>, vector<16xf32> -> vector<32xbf16>
          %parallel_loop3A_212 = vector.bitcast %parallel_loop3A_211 : vector<32xbf16> to vector<16xi32>
          %parallel_loop3A_213 = arith.constant 1920 : i32
          %parallel_loop3A_214 = arith.addi %parallel_loop3A_213, %parallel_loop3A_123 : i32
          %parallel_loop3A_215 = vector.broadcast %parallel_loop3A_214 : i32 to vector<16xi32>
          %parallel_loop3A_216 = arith.addi %mul3A_7, %parallel_loop3A_215 : vector<16xi32>
          tpu.vector_store_idx %arg7[%parallel_loop3A_216], %parallel_loop3A_212 : memref<20480xi32, #tpu.memory_space<vmem>>[vector<16xi32>], vector<16xi32>,
          %parallel_loop3A_217 = arith.index_cast %parallel_loop3A_147 : i32 to index
          %parallel_loop3A_218 = arith.index_cast %parallel_loop3A_152 : i32 to index
          %parallel_loop3A_219 = arith.constant 64 : index
          %parallel_loop3A_220 = tpu.vector_load %arg5[%parallel_loop3A_217, %parallel_loop3A_218, %parallel_loop3A_219] {strides = array<i32>} : memref<8x8x512xf32, #tpu.memory_space<vmem>>, vector<16xf32>,
          %parallel_loop3A_221 = arith.constant 1 : i32
          %parallel_loop3A_222 = arith.addi %parallel_loop3A_152, %parallel_loop3A_221 : i32
          %parallel_loop3A_223 = arith.index_cast %parallel_loop3A_147 : i32 to index
          %parallel_loop3A_224 = arith.index_cast %parallel_loop3A_222 : i32 to index
          %parallel_loop3A_225 = arith.constant 64 : index
          %parallel_loop3A_226 = tpu.vector_load %arg5[%parallel_loop3A_223, %parallel_loop3A_224, %parallel_loop3A_225] {strides = array<i32>} : memref<8x8x512xf32, #tpu.memory_space<vmem>>, vector<16xf32>,
          %parallel_loop3A_227 = tpu.pack_subelements %parallel_loop3A_220, %parallel_loop3A_226 {pack_format = #tpu.pack_format<interleaved>, positions = array<i32: 0, 1>} : vector<16xf32>, vector<16xf32> -> vector<32xbf16>
          %parallel_loop3A_228 = vector.bitcast %parallel_loop3A_227 : vector<32xbf16> to vector<16xi32>
          %parallel_loop3A_229 = arith.constant 2560 : i32
          %parallel_loop3A_230 = arith.addi %parallel_loop3A_229, %parallel_loop3A_123 : i32
          %parallel_loop3A_231 = vector.broadcast %parallel_loop3A_230 : i32 to vector<16xi32>
          %parallel_loop3A_232 = arith.addi %mul3A_7, %parallel_loop3A_231 : vector<16xi32>
          tpu.vector_store_idx %arg7[%parallel_loop3A_232], %parallel_loop3A_228 : memref<20480xi32, #tpu.memory_space<vmem>>[vector<16xi32>], vector<16xi32>,
          %parallel_loop3A_233 = arith.index_cast %parallel_loop3A_147 : i32 to index
          %parallel_loop3A_234 = arith.index_cast %parallel_loop3A_152 : i32 to index
          %parallel_loop3A_235 = arith.constant 80 : index
          %parallel_loop3A_236 = tpu.vector_load %arg5[%parallel_loop3A_233, %parallel_loop3A_234, %parallel_loop3A_235] {strides = array<i32>} : memref<8x8x512xf32, #tpu.memory_space<vmem>>, vector<16xf32>,
          %parallel_loop3A_237 = arith.constant 1 : i32
          %parallel_loop3A_238 = arith.addi %parallel_loop3A_152, %parallel_loop3A_237 : i32
          %parallel_loop3A_239 = arith.index_cast %parallel_loop3A_147 : i32 to index
          %parallel_loop3A_240 = arith.index_cast %parallel_loop3A_238 : i32 to index
          %parallel_loop3A_241 = arith.constant 80 : index
          %parallel_loop3A_242 = tpu.vector_load %arg5[%parallel_loop3A_239, %parallel_loop3A_240, %parallel_loop3A_241] {strides = array<i32>} : memref<8x8x512xf32, #tpu.memory_space<vmem>>, vector<16xf32>,
          %parallel_loop3A_243 = tpu.pack_subelements %parallel_loop3A_236, %parallel_loop3A_242 {pack_format = #tpu.pack_format<interleaved>, positions = array<i32: 0, 1>} : vector<16xf32>, vector<16xf32> -> vector<32xbf16>
          %parallel_loop3A_244 = vector.bitcast %parallel_loop3A_243 : vector<32xbf16> to vector<16xi32>
          %parallel_loop3A_245 = arith.constant 3200 : i32
          %parallel_loop3A_246 = arith.addi %parallel_loop3A_245, %parallel_loop3A_123 : i32
          %parallel_loop3A_247 = vector.broadcast %parallel_loop3A_246 : i32 to vector<16xi32>
          %parallel_loop3A_248 = arith.addi %mul3A_7, %parallel_loop3A_247 : vector<16xi32>
          tpu.vector_store_idx %arg7[%parallel_loop3A_248], %parallel_loop3A_244 : memref<20480xi32, #tpu.memory_space<vmem>>[vector<16xi32>], vector<16xi32>,
          %parallel_loop3A_249 = arith.index_cast %parallel_loop3A_147 : i32 to index
          %parallel_loop3A_250 = arith.index_cast %parallel_loop3A_152 : i32 to index
          %parallel_loop3A_251 = arith.constant 96 : index
          %parallel_loop3A_252 = tpu.vector_load %arg5[%parallel_loop3A_249, %parallel_loop3A_250, %parallel_loop3A_251] {strides = array<i32>} : memref<8x8x512xf32, #tpu.memory_space<vmem>>, vector<16xf32>,
          %parallel_loop3A_253 = arith.constant 1 : i32
          %parallel_loop3A_254 = arith.addi %parallel_loop3A_152, %parallel_loop3A_253 : i32
          %parallel_loop3A_255 = arith.index_cast %parallel_loop3A_147 : i32 to index
          %parallel_loop3A_256 = arith.index_cast %parallel_loop3A_254 : i32 to index
          %parallel_loop3A_257 = arith.constant 96 : index
          %parallel_loop3A_258 = tpu.vector_load %arg5[%parallel_loop3A_255, %parallel_loop3A_256, %parallel_loop3A_257] {strides = array<i32>} : memref<8x8x512xf32, #tpu.memory_space<vmem>>, vector<16xf32>,
          %parallel_loop3A_259 = tpu.pack_subelements %parallel_loop3A_252, %parallel_loop3A_258 {pack_format = #tpu.pack_format<interleaved>, positions = array<i32: 0, 1>} : vector<16xf32>, vector<16xf32> -> vector<32xbf16>
          %parallel_loop3A_260 = vector.bitcast %parallel_loop3A_259 : vector<32xbf16> to vector<16xi32>
          %parallel_loop3A_261 = arith.constant 3840 : i32
          %parallel_loop3A_262 = arith.addi %parallel_loop3A_261, %parallel_loop3A_123 : i32
          %parallel_loop3A_263 = vector.broadcast %parallel_loop3A_262 : i32 to vector<16xi32>
          %parallel_loop3A_264 = arith.addi %mul3A_7, %parallel_loop3A_263 : vector<16xi32>
          tpu.vector_store_idx %arg7[%parallel_loop3A_264], %parallel_loop3A_260 : memref<20480xi32, #tpu.memory_space<vmem>>[vector<16xi32>], vector<16xi32>,
          %parallel_loop3A_265 = arith.index_cast %parallel_loop3A_147 : i32 to index
          %parallel_loop3A_266 = arith.index_cast %parallel_loop3A_152 : i32 to index
          %parallel_loop3A_267 = arith.constant 112 : index
          %parallel_loop3A_268 = tpu.vector_load %arg5[%parallel_loop3A_265, %parallel_loop3A_266, %parallel_loop3A_267] {strides = array<i32>} : memref<8x8x512xf32, #tpu.memory_space<vmem>>, vector<16xf32>,
          %parallel_loop3A_269 = arith.constant 1 : i32
          %parallel_loop3A_270 = arith.addi %parallel_loop3A_152, %parallel_loop3A_269 : i32
          %parallel_loop3A_271 = arith.index_cast %parallel_loop3A_147 : i32 to index
          %parallel_loop3A_272 = arith.index_cast %parallel_loop3A_270 : i32 to index
          %parallel_loop3A_273 = arith.constant 112 : index
          %parallel_loop3A_274 = tpu.vector_load %arg5[%parallel_loop3A_271, %parallel_loop3A_272, %parallel_loop3A_273] {strides = array<i32>} : memref<8x8x512xf32, #tpu.memory_space<vmem>>, vector<16xf32>,
          %parallel_loop3A_275 = tpu.pack_subelements %parallel_loop3A_268, %parallel_loop3A_274 {pack_format = #tpu.pack_format<interleaved>, positions = array<i32: 0, 1>} : vector<16xf32>, vector<16xf32> -> vector<32xbf16>
          %parallel_loop3A_276 = vector.bitcast %parallel_loop3A_275 : vector<32xbf16> to vector<16xi32>
          %parallel_loop3A_277 = arith.constant 4480 : i32
          %parallel_loop3A_278 = arith.addi %parallel_loop3A_277, %parallel_loop3A_123 : i32
          %parallel_loop3A_279 = vector.broadcast %parallel_loop3A_278 : i32 to vector<16xi32>
          %parallel_loop3A_280 = arith.addi %mul3A_7, %parallel_loop3A_279 : vector<16xi32>
          tpu.vector_store_idx %arg7[%parallel_loop3A_280], %parallel_loop3A_276 : memref<20480xi32, #tpu.memory_space<vmem>>[vector<16xi32>], vector<16xi32>,
          %parallel_loop3A_281 = arith.index_cast %parallel_loop3A_147 : i32 to index
          %parallel_loop3A_282 = arith.index_cast %parallel_loop3A_152 : i32 to index
          %parallel_loop3A_283 = arith.constant 128 : index
          %parallel_loop3A_284 = tpu.vector_load %arg5[%parallel_loop3A_281, %parallel_loop3A_282, %parallel_loop3A_283] {strides = array<i32>} : memref<8x8x512xf32, #tpu.memory_space<vmem>>, vector<16xf32>,
          %parallel_loop3A_285 = arith.constant 1 : i32
          %parallel_loop3A_286 = arith.addi %parallel_loop3A_152, %parallel_loop3A_285 : i32
          %parallel_loop3A_287 = arith.index_cast %parallel_loop3A_147 : i32 to index
          %parallel_loop3A_288 = arith.index_cast %parallel_loop3A_286 : i32 to index
          %parallel_loop3A_289 = arith.constant 128 : index
          %parallel_loop3A_290 = tpu.vector_load %arg5[%parallel_loop3A_287, %parallel_loop3A_288, %parallel_loop3A_289] {strides = array<i32>} : memref<8x8x512xf32, #tpu.memory_space<vmem>>, vector<16xf32>,
          %parallel_loop3A_291 = tpu.pack_subelements %parallel_loop3A_284, %parallel_loop3A_290 {pack_format = #tpu.pack_format<interleaved>, positions = array<i32: 0, 1>} : vector<16xf32>, vector<16xf32> -> vector<32xbf16>
          %parallel_loop3A_292 = vector.bitcast %parallel_loop3A_291 : vector<32xbf16> to vector<16xi32>
          %parallel_loop3A_293 = arith.constant 5120 : i32
          %parallel_loop3A_294 = arith.addi %parallel_loop3A_293, %parallel_loop3A_123 : i32
          %parallel_loop3A_295 = vector.broadcast %parallel_loop3A_294 : i32 to vector<16xi32>
          %parallel_loop3A_296 = arith.addi %mul3A_7, %parallel_loop3A_295 : vector<16xi32>
          tpu.vector_store_idx %arg7[%parallel_loop3A_296], %parallel_loop3A_292 : memref<20480xi32, #tpu.memory_space<vmem>>[vector<16xi32>], vector<16xi32>,
          %parallel_loop3A_297 = arith.index_cast %parallel_loop3A_147 : i32 to index
          %parallel_loop3A_298 = arith.index_cast %parallel_loop3A_152 : i32 to index
          %parallel_loop3A_299 = arith.constant 144 : index
          %parallel_loop3A_300 = tpu.vector_load %arg5[%parallel_loop3A_297, %parallel_loop3A_298, %parallel_loop3A_299] {strides = array<i32>} : memref<8x8x512xf32, #tpu.memory_space<vmem>>, vector<16xf32>,
          %parallel_loop3A_301 = arith.constant 1 : i32
          %parallel_loop3A_302 = arith.addi %parallel_loop3A_152, %parallel_loop3A_301 : i32
          %parallel_loop3A_303 = arith.index_cast %parallel_loop3A_147 : i32 to index
          %parallel_loop3A_304 = arith.index_cast %parallel_loop3A_302 : i32 to index
          %parallel_loop3A_305 = arith.constant 144 : index
          %parallel_loop3A_306 = tpu.vector_load %arg5[%parallel_loop3A_303, %parallel_loop3A_304, %parallel_loop3A_305] {strides = array<i32>} : memref<8x8x512xf32, #tpu.memory_space<vmem>>, vector<16xf32>,
          %parallel_loop3A_307 = tpu.pack_subelements %parallel_loop3A_300, %parallel_loop3A_306 {pack_format = #tpu.pack_format<interleaved>, positions = array<i32: 0, 1>} : vector<16xf32>, vector<16xf32> -> vector<32xbf16>
          %parallel_loop3A_308 = vector.bitcast %parallel_loop3A_307 : vector<32xbf16> to vector<16xi32>
          %parallel_loop3A_309 = arith.constant 5760 : i32
          %parallel_loop3A_310 = arith.addi %parallel_loop3A_309, %parallel_loop3A_123 : i32
          %parallel_loop3A_311 = vector.broadcast %parallel_loop3A_310 : i32 to vector<16xi32>
          %parallel_loop3A_312 = arith.addi %mul3A_7, %parallel_loop3A_311 : vector<16xi32>
          tpu.vector_store_idx %arg7[%parallel_loop3A_312], %parallel_loop3A_308 : memref<20480xi32, #tpu.memory_space<vmem>>[vector<16xi32>], vector<16xi32>,
          %parallel_loop3A_313 = arith.index_cast %parallel_loop3A_147 : i32 to index
          %parallel_loop3A_314 = arith.index_cast %parallel_loop3A_152 : i32 to index
          %parallel_loop3A_315 = arith.constant 160 : index
          %parallel_loop3A_316 = tpu.vector_load %arg5[%parallel_loop3A_313, %parallel_loop3A_314, %parallel_loop3A_315] {strides = array<i32>} : memref<8x8x512xf32, #tpu.memory_space<vmem>>, vector<16xf32>,
          %parallel_loop3A_317 = arith.constant 1 : i32
          %parallel_loop3A_318 = arith.addi %parallel_loop3A_152, %parallel_loop3A_317 : i32
          %parallel_loop3A_319 = arith.index_cast %parallel_loop3A_147 : i32 to index
          %parallel_loop3A_320 = arith.index_cast %parallel_loop3A_318 : i32 to index
          %parallel_loop3A_321 = arith.constant 160 : index
          %parallel_loop3A_322 = tpu.vector_load %arg5[%parallel_loop3A_319, %parallel_loop3A_320, %parallel_loop3A_321] {strides = array<i32>} : memref<8x8x512xf32, #tpu.memory_space<vmem>>, vector<16xf32>,
          %parallel_loop3A_323 = tpu.pack_subelements %parallel_loop3A_316, %parallel_loop3A_322 {pack_format = #tpu.pack_format<interleaved>, positions = array<i32: 0, 1>} : vector<16xf32>, vector<16xf32> -> vector<32xbf16>
          %parallel_loop3A_324 = vector.bitcast %parallel_loop3A_323 : vector<32xbf16> to vector<16xi32>
          %parallel_loop3A_325 = arith.constant 6400 : i32
          %parallel_loop3A_326 = arith.addi %parallel_loop3A_325, %parallel_loop3A_123 : i32
          %parallel_loop3A_327 = vector.broadcast %parallel_loop3A_326 : i32 to vector<16xi32>
          %parallel_loop3A_328 = arith.addi %mul3A_7, %parallel_loop3A_327 : vector<16xi32>
          tpu.vector_store_idx %arg7[%parallel_loop3A_328], %parallel_loop3A_324 : memref<20480xi32, #tpu.memory_space<vmem>>[vector<16xi32>], vector<16xi32>,
          %parallel_loop3A_329 = arith.index_cast %parallel_loop3A_147 : i32 to index
          %parallel_loop3A_330 = arith.index_cast %parallel_loop3A_152 : i32 to index
          %parallel_loop3A_331 = arith.constant 176 : index
          %parallel_loop3A_332 = tpu.vector_load %arg5[%parallel_loop3A_329, %parallel_loop3A_330, %parallel_loop3A_331] {strides = array<i32>} : memref<8x8x512xf32, #tpu.memory_space<vmem>>, vector<16xf32>,
          %parallel_loop3A_333 = arith.constant 1 : i32
          %parallel_loop3A_334 = arith.addi %parallel_loop3A_152, %parallel_loop3A_333 : i32
          %parallel_loop3A_335 = arith.index_cast %parallel_loop3A_147 : i32 to index
          %parallel_loop3A_336 = arith.index_cast %parallel_loop3A_334 : i32 to index
          %parallel_loop3A_337 = arith.constant 176 : index
          %parallel_loop3A_338 = tpu.vector_load %arg5[%parallel_loop3A_335, %parallel_loop3A_336, %parallel_loop3A_337] {strides = array<i32>} : memref<8x8x512xf32, #tpu.memory_space<vmem>>, vector<16xf32>,
          %parallel_loop3A_339 = tpu.pack_subelements %parallel_loop3A_332, %parallel_loop3A_338 {pack_format = #tpu.pack_format<interleaved>, positions = array<i32: 0, 1>} : vector<16xf32>, vector<16xf32> -> vector<32xbf16>
          %parallel_loop3A_340 = vector.bitcast %parallel_loop3A_339 : vector<32xbf16> to vector<16xi32>
          %parallel_loop3A_341 = arith.constant 7040 : i32
          %parallel_loop3A_342 = arith.addi %parallel_loop3A_341, %parallel_loop3A_123 : i32
          %parallel_loop3A_343 = vector.broadcast %parallel_loop3A_342 : i32 to vector<16xi32>
          %parallel_loop3A_344 = arith.addi %mul3A_7, %parallel_loop3A_343 : vector<16xi32>
          tpu.vector_store_idx %arg7[%parallel_loop3A_344], %parallel_loop3A_340 : memref<20480xi32, #tpu.memory_space<vmem>>[vector<16xi32>], vector<16xi32>,
          %parallel_loop3A_345 = arith.index_cast %parallel_loop3A_147 : i32 to index
          %parallel_loop3A_346 = arith.index_cast %parallel_loop3A_152 : i32 to index
          %parallel_loop3A_347 = arith.constant 192 : index
          %parallel_loop3A_348 = tpu.vector_load %arg5[%parallel_loop3A_345, %parallel_loop3A_346, %parallel_loop3A_347] {strides = array<i32>} : memref<8x8x512xf32, #tpu.memory_space<vmem>>, vector<16xf32>,
          %parallel_loop3A_349 = arith.constant 1 : i32
          %parallel_loop3A_350 = arith.addi %parallel_loop3A_152, %parallel_loop3A_349 : i32
          %parallel_loop3A_351 = arith.index_cast %parallel_loop3A_147 : i32 to index
          %parallel_loop3A_352 = arith.index_cast %parallel_loop3A_350 : i32 to index
          %parallel_loop3A_353 = arith.constant 192 : index
          %parallel_loop3A_354 = tpu.vector_load %arg5[%parallel_loop3A_351, %parallel_loop3A_352, %parallel_loop3A_353] {strides = array<i32>} : memref<8x8x512xf32, #tpu.memory_space<vmem>>, vector<16xf32>,
          %parallel_loop3A_355 = tpu.pack_subelements %parallel_loop3A_348, %parallel_loop3A_354 {pack_format = #tpu.pack_format<interleaved>, positions = array<i32: 0, 1>} : vector<16xf32>, vector<16xf32> -> vector<32xbf16>
          %parallel_loop3A_356 = vector.bitcast %parallel_loop3A_355 : vector<32xbf16> to vector<16xi32>
          %parallel_loop3A_357 = arith.constant 7680 : i32
          %parallel_loop3A_358 = arith.addi %parallel_loop3A_357, %parallel_loop3A_123 : i32
          %parallel_loop3A_359 = vector.broadcast %parallel_loop3A_358 : i32 to vector<16xi32>
          %parallel_loop3A_360 = arith.addi %mul3A_7, %parallel_loop3A_359 : vector<16xi32>
          tpu.vector_store_idx %arg7[%parallel_loop3A_360], %parallel_loop3A_356 : memref<20480xi32, #tpu.memory_space<vmem>>[vector<16xi32>], vector<16xi32>,
          %parallel_loop3A_361 = arith.index_cast %parallel_loop3A_147 : i32 to index
          %parallel_loop3A_362 = arith.index_cast %parallel_loop3A_152 : i32 to index
          %parallel_loop3A_363 = arith.constant 208 : index
          %parallel_loop3A_364 = tpu.vector_load %arg5[%parallel_loop3A_361, %parallel_loop3A_362, %parallel_loop3A_363] {strides = array<i32>} : memref<8x8x512xf32, #tpu.memory_space<vmem>>, vector<16xf32>,
          %parallel_loop3A_365 = arith.constant 1 : i32
          %parallel_loop3A_366 = arith.addi %parallel_loop3A_152, %parallel_loop3A_365 : i32
          %parallel_loop3A_367 = arith.index_cast %parallel_loop3A_147 : i32 to index
          %parallel_loop3A_368 = arith.index_cast %parallel_loop3A_366 : i32 to index
          %parallel_loop3A_369 = arith.constant 208 : index
          %parallel_loop3A_370 = tpu.vector_load %arg5[%parallel_loop3A_367, %parallel_loop3A_368, %parallel_loop3A_369] {strides = array<i32>} : memref<8x8x512xf32, #tpu.memory_space<vmem>>, vector<16xf32>,
          %parallel_loop3A_371 = tpu.pack_subelements %parallel_loop3A_364, %parallel_loop3A_370 {pack_format = #tpu.pack_format<interleaved>, positions = array<i32: 0, 1>} : vector<16xf32>, vector<16xf32> -> vector<32xbf16>
          %parallel_loop3A_372 = vector.bitcast %parallel_loop3A_371 : vector<32xbf16> to vector<16xi32>
          %parallel_loop3A_373 = arith.constant 8320 : i32
          %parallel_loop3A_374 = arith.addi %parallel_loop3A_373, %parallel_loop3A_123 : i32
          %parallel_loop3A_375 = vector.broadcast %parallel_loop3A_374 : i32 to vector<16xi32>
          %parallel_loop3A_376 = arith.addi %mul3A_7, %parallel_loop3A_375 : vector<16xi32>
          tpu.vector_store_idx %arg7[%parallel_loop3A_376], %parallel_loop3A_372 : memref<20480xi32, #tpu.memory_space<vmem>>[vector<16xi32>], vector<16xi32>,
          %parallel_loop3A_377 = arith.index_cast %parallel_loop3A_147 : i32 to index
          %parallel_loop3A_378 = arith.index_cast %parallel_loop3A_152 : i32 to index
          %parallel_loop3A_379 = arith.constant 224 : index
          %parallel_loop3A_380 = tpu.vector_load %arg5[%parallel_loop3A_377, %parallel_loop3A_378, %parallel_loop3A_379] {strides = array<i32>} : memref<8x8x512xf32, #tpu.memory_space<vmem>>, vector<16xf32>,
          %parallel_loop3A_381 = arith.constant 1 : i32
          %parallel_loop3A_382 = arith.addi %parallel_loop3A_152, %parallel_loop3A_381 : i32
          %parallel_loop3A_383 = arith.index_cast %parallel_loop3A_147 : i32 to index
          %parallel_loop3A_384 = arith.index_cast %parallel_loop3A_382 : i32 to index
          %parallel_loop3A_385 = arith.constant 224 : index
          %parallel_loop3A_386 = tpu.vector_load %arg5[%parallel_loop3A_383, %parallel_loop3A_384, %parallel_loop3A_385] {strides = array<i32>} : memref<8x8x512xf32, #tpu.memory_space<vmem>>, vector<16xf32>,
          %parallel_loop3A_387 = tpu.pack_subelements %parallel_loop3A_380, %parallel_loop3A_386 {pack_format = #tpu.pack_format<interleaved>, positions = array<i32: 0, 1>} : vector<16xf32>, vector<16xf32> -> vector<32xbf16>
          %parallel_loop3A_388 = vector.bitcast %parallel_loop3A_387 : vector<32xbf16> to vector<16xi32>
          %parallel_loop3A_389 = arith.constant 8960 : i32
          %parallel_loop3A_390 = arith.addi %parallel_loop3A_389, %parallel_loop3A_123 : i32
          %parallel_loop3A_391 = vector.broadcast %parallel_loop3A_390 : i32 to vector<16xi32>
          %parallel_loop3A_392 = arith.addi %mul3A_7, %parallel_loop3A_391 : vector<16xi32>
          tpu.vector_store_idx %arg7[%parallel_loop3A_392], %parallel_loop3A_388 : memref<20480xi32, #tpu.memory_space<vmem>>[vector<16xi32>], vector<16xi32>,
          %parallel_loop3A_393 = arith.index_cast %parallel_loop3A_147 : i32 to index
          %parallel_loop3A_394 = arith.index_cast %parallel_loop3A_152 : i32 to index
          %parallel_loop3A_395 = arith.constant 240 : index
          %parallel_loop3A_396 = tpu.vector_load %arg5[%parallel_loop3A_393, %parallel_loop3A_394, %parallel_loop3A_395] {strides = array<i32>} : memref<8x8x512xf32, #tpu.memory_space<vmem>>, vector<16xf32>,
          %parallel_loop3A_397 = arith.constant 1 : i32
          %parallel_loop3A_398 = arith.addi %parallel_loop3A_152, %parallel_loop3A_397 : i32
          %parallel_loop3A_399 = arith.index_cast %parallel_loop3A_147 : i32 to index
          %parallel_loop3A_400 = arith.index_cast %parallel_loop3A_398 : i32 to index
          %parallel_loop3A_401 = arith.constant 240 : index
          %parallel_loop3A_402 = tpu.vector_load %arg5[%parallel_loop3A_399, %parallel_loop3A_400, %parallel_loop3A_401] {strides = array<i32>} : memref<8x8x512xf32, #tpu.memory_space<vmem>>, vector<16xf32>,
          %parallel_loop3A_403 = tpu.pack_subelements %parallel_loop3A_396, %parallel_loop3A_402 {pack_format = #tpu.pack_format<interleaved>, positions = array<i32: 0, 1>} : vector<16xf32>, vector<16xf32> -> vector<32xbf16>
          %parallel_loop3A_404 = vector.bitcast %parallel_loop3A_403 : vector<32xbf16> to vector<16xi32>
          %parallel_loop3A_405 = arith.constant 9600 : i32
          %parallel_loop3A_406 = arith.addi %parallel_loop3A_405, %parallel_loop3A_123 : i32
          %parallel_loop3A_407 = vector.broadcast %parallel_loop3A_406 : i32 to vector<16xi32>
          %parallel_loop3A_408 = arith.addi %mul3A_7, %parallel_loop3A_407 : vector<16xi32>
          tpu.vector_store_idx %arg7[%parallel_loop3A_408], %parallel_loop3A_404 : memref<20480xi32, #tpu.memory_space<vmem>>[vector<16xi32>], vector<16xi32>,
          %parallel_loop3A_409 = arith.index_cast %parallel_loop3A_147 : i32 to index
          %parallel_loop3A_410 = arith.index_cast %parallel_loop3A_152 : i32 to index
          %parallel_loop3A_411 = arith.constant 256 : index
          %parallel_loop3A_412 = tpu.vector_load %arg5[%parallel_loop3A_409, %parallel_loop3A_410, %parallel_loop3A_411] {strides = array<i32>} : memref<8x8x512xf32, #tpu.memory_space<vmem>>, vector<16xf32>,
          %parallel_loop3A_413 = arith.constant 1 : i32
          %parallel_loop3A_414 = arith.addi %parallel_loop3A_152, %parallel_loop3A_413 : i32
          %parallel_loop3A_415 = arith.index_cast %parallel_loop3A_147 : i32 to index
          %parallel_loop3A_416 = arith.index_cast %parallel_loop3A_414 : i32 to index
          %parallel_loop3A_417 = arith.constant 256 : index
          %parallel_loop3A_418 = tpu.vector_load %arg5[%parallel_loop3A_415, %parallel_loop3A_416, %parallel_loop3A_417] {strides = array<i32>} : memref<8x8x512xf32, #tpu.memory_space<vmem>>, vector<16xf32>,
          %parallel_loop3A_419 = tpu.pack_subelements %parallel_loop3A_412, %parallel_loop3A_418 {pack_format = #tpu.pack_format<interleaved>, positions = array<i32: 0, 1>} : vector<16xf32>, vector<16xf32> -> vector<32xbf16>
          %parallel_loop3A_420 = vector.bitcast %parallel_loop3A_419 : vector<32xbf16> to vector<16xi32>
          %parallel_loop3A_421 = arith.constant 10240 : i32
          %parallel_loop3A_422 = arith.addi %parallel_loop3A_421, %parallel_loop3A_123 : i32
          %parallel_loop3A_423 = vector.broadcast %parallel_loop3A_422 : i32 to vector<16xi32>
          %parallel_loop3A_424 = arith.addi %mul3A_7, %parallel_loop3A_423 : vector<16xi32>
          tpu.vector_store_idx %arg7[%parallel_loop3A_424], %parallel_loop3A_420 : memref<20480xi32, #tpu.memory_space<vmem>>[vector<16xi32>], vector<16xi32>,
          %parallel_loop3A_425 = arith.index_cast %parallel_loop3A_147 : i32 to index
          %parallel_loop3A_426 = arith.index_cast %parallel_loop3A_152 : i32 to index
          %parallel_loop3A_427 = arith.constant 272 : index
          %parallel_loop3A_428 = tpu.vector_load %arg5[%parallel_loop3A_425, %parallel_loop3A_426, %parallel_loop3A_427] {strides = array<i32>} : memref<8x8x512xf32, #tpu.memory_space<vmem>>, vector<16xf32>,
          %parallel_loop3A_429 = arith.constant 1 : i32
          %parallel_loop3A_430 = arith.addi %parallel_loop3A_152, %parallel_loop3A_429 : i32
          %parallel_loop3A_431 = arith.index_cast %parallel_loop3A_147 : i32 to index
          %parallel_loop3A_432 = arith.index_cast %parallel_loop3A_430 : i32 to index
          %parallel_loop3A_433 = arith.constant 272 : index
          %parallel_loop3A_434 = tpu.vector_load %arg5[%parallel_loop3A_431, %parallel_loop3A_432, %parallel_loop3A_433] {strides = array<i32>} : memref<8x8x512xf32, #tpu.memory_space<vmem>>, vector<16xf32>,
          %parallel_loop3A_435 = tpu.pack_subelements %parallel_loop3A_428, %parallel_loop3A_434 {pack_format = #tpu.pack_format<interleaved>, positions = array<i32: 0, 1>} : vector<16xf32>, vector<16xf32> -> vector<32xbf16>
          %parallel_loop3A_436 = vector.bitcast %parallel_loop3A_435 : vector<32xbf16> to vector<16xi32>
          %parallel_loop3A_437 = arith.constant 10880 : i32
          %parallel_loop3A_438 = arith.addi %parallel_loop3A_437, %parallel_loop3A_123 : i32
          %parallel_loop3A_439 = vector.broadcast %parallel_loop3A_438 : i32 to vector<16xi32>
          %parallel_loop3A_440 = arith.addi %mul3A_7, %parallel_loop3A_439 : vector<16xi32>
          tpu.vector_store_idx %arg7[%parallel_loop3A_440], %parallel_loop3A_436 : memref<20480xi32, #tpu.memory_space<vmem>>[vector<16xi32>], vector<16xi32>,
          %parallel_loop3A_441 = arith.index_cast %parallel_loop3A_147 : i32 to index
          %parallel_loop3A_442 = arith.index_cast %parallel_loop3A_152 : i32 to index
          %parallel_loop3A_443 = arith.constant 288 : index
          %parallel_loop3A_444 = tpu.vector_load %arg5[%parallel_loop3A_441, %parallel_loop3A_442, %parallel_loop3A_443] {strides = array<i32>} : memref<8x8x512xf32, #tpu.memory_space<vmem>>, vector<16xf32>,
          %parallel_loop3A_445 = arith.constant 1 : i32
          %parallel_loop3A_446 = arith.addi %parallel_loop3A_152, %parallel_loop3A_445 : i32
          %parallel_loop3A_447 = arith.index_cast %parallel_loop3A_147 : i32 to index
          %parallel_loop3A_448 = arith.index_cast %parallel_loop3A_446 : i32 to index
          %parallel_loop3A_449 = arith.constant 288 : index
          %parallel_loop3A_450 = tpu.vector_load %arg5[%parallel_loop3A_447, %parallel_loop3A_448, %parallel_loop3A_449] {strides = array<i32>} : memref<8x8x512xf32, #tpu.memory_space<vmem>>, vector<16xf32>,
          %parallel_loop3A_451 = tpu.pack_subelements %parallel_loop3A_444, %parallel_loop3A_450 {pack_format = #tpu.pack_format<interleaved>, positions = array<i32: 0, 1>} : vector<16xf32>, vector<16xf32> -> vector<32xbf16>
          %parallel_loop3A_452 = vector.bitcast %parallel_loop3A_451 : vector<32xbf16> to vector<16xi32>
          %parallel_loop3A_453 = arith.constant 11520 : i32
          %parallel_loop3A_454 = arith.addi %parallel_loop3A_453, %parallel_loop3A_123 : i32
          %parallel_loop3A_455 = vector.broadcast %parallel_loop3A_454 : i32 to vector<16xi32>
          %parallel_loop3A_456 = arith.addi %mul3A_7, %parallel_loop3A_455 : vector<16xi32>
          tpu.vector_store_idx %arg7[%parallel_loop3A_456], %parallel_loop3A_452 : memref<20480xi32, #tpu.memory_space<vmem>>[vector<16xi32>], vector<16xi32>,
          %parallel_loop3A_457 = arith.index_cast %parallel_loop3A_147 : i32 to index
          %parallel_loop3A_458 = arith.index_cast %parallel_loop3A_152 : i32 to index
          %parallel_loop3A_459 = arith.constant 304 : index
          %parallel_loop3A_460 = tpu.vector_load %arg5[%parallel_loop3A_457, %parallel_loop3A_458, %parallel_loop3A_459] {strides = array<i32>} : memref<8x8x512xf32, #tpu.memory_space<vmem>>, vector<16xf32>,
          %parallel_loop3A_461 = arith.constant 1 : i32
          %parallel_loop3A_462 = arith.addi %parallel_loop3A_152, %parallel_loop3A_461 : i32
          %parallel_loop3A_463 = arith.index_cast %parallel_loop3A_147 : i32 to index
          %parallel_loop3A_464 = arith.index_cast %parallel_loop3A_462 : i32 to index
          %parallel_loop3A_465 = arith.constant 304 : index
          %parallel_loop3A_466 = tpu.vector_load %arg5[%parallel_loop3A_463, %parallel_loop3A_464, %parallel_loop3A_465] {strides = array<i32>} : memref<8x8x512xf32, #tpu.memory_space<vmem>>, vector<16xf32>,
          %parallel_loop3A_467 = tpu.pack_subelements %parallel_loop3A_460, %parallel_loop3A_466 {pack_format = #tpu.pack_format<interleaved>, positions = array<i32: 0, 1>} : vector<16xf32>, vector<16xf32> -> vector<32xbf16>
          %parallel_loop3A_468 = vector.bitcast %parallel_loop3A_467 : vector<32xbf16> to vector<16xi32>
          %parallel_loop3A_469 = arith.constant 12160 : i32
          %parallel_loop3A_470 = arith.addi %parallel_loop3A_469, %parallel_loop3A_123 : i32
          %parallel_loop3A_471 = vector.broadcast %parallel_loop3A_470 : i32 to vector<16xi32>
          %parallel_loop3A_472 = arith.addi %mul3A_7, %parallel_loop3A_471 : vector<16xi32>
          tpu.vector_store_idx %arg7[%parallel_loop3A_472], %parallel_loop3A_468 : memref<20480xi32, #tpu.memory_space<vmem>>[vector<16xi32>], vector<16xi32>,
          %parallel_loop3A_473 = arith.index_cast %parallel_loop3A_147 : i32 to index
          %parallel_loop3A_474 = arith.index_cast %parallel_loop3A_152 : i32 to index
          %parallel_loop3A_475 = arith.constant 320 : index
          %parallel_loop3A_476 = tpu.vector_load %arg5[%parallel_loop3A_473, %parallel_loop3A_474, %parallel_loop3A_475] {strides = array<i32>} : memref<8x8x512xf32, #tpu.memory_space<vmem>>, vector<16xf32>,
          %parallel_loop3A_477 = arith.constant 1 : i32
          %parallel_loop3A_478 = arith.addi %parallel_loop3A_152, %parallel_loop3A_477 : i32
          %parallel_loop3A_479 = arith.index_cast %parallel_loop3A_147 : i32 to index
          %parallel_loop3A_480 = arith.index_cast %parallel_loop3A_478 : i32 to index
          %parallel_loop3A_481 = arith.constant 320 : index
          %parallel_loop3A_482 = tpu.vector_load %arg5[%parallel_loop3A_479, %parallel_loop3A_480, %parallel_loop3A_481] {strides = array<i32>} : memref<8x8x512xf32, #tpu.memory_space<vmem>>, vector<16xf32>,
          %parallel_loop3A_483 = tpu.pack_subelements %parallel_loop3A_476, %parallel_loop3A_482 {pack_format = #tpu.pack_format<interleaved>, positions = array<i32: 0, 1>} : vector<16xf32>, vector<16xf32> -> vector<32xbf16>
          %parallel_loop3A_484 = vector.bitcast %parallel_loop3A_483 : vector<32xbf16> to vector<16xi32>
          %parallel_loop3A_485 = arith.constant 12800 : i32
          %parallel_loop3A_486 = arith.addi %parallel_loop3A_485, %parallel_loop3A_123 : i32
          %parallel_loop3A_487 = vector.broadcast %parallel_loop3A_486 : i32 to vector<16xi32>
          %parallel_loop3A_488 = arith.addi %mul3A_7, %parallel_loop3A_487 : vector<16xi32>
          tpu.vector_store_idx %arg7[%parallel_loop3A_488], %parallel_loop3A_484 : memref<20480xi32, #tpu.memory_space<vmem>>[vector<16xi32>], vector<16xi32>,
          %parallel_loop3A_489 = arith.index_cast %parallel_loop3A_147 : i32 to index
          %parallel_loop3A_490 = arith.index_cast %parallel_loop3A_152 : i32 to index
          %parallel_loop3A_491 = arith.constant 336 : index
          %parallel_loop3A_492 = tpu.vector_load %arg5[%parallel_loop3A_489, %parallel_loop3A_490, %parallel_loop3A_491] {strides = array<i32>} : memref<8x8x512xf32, #tpu.memory_space<vmem>>, vector<16xf32>,
          %parallel_loop3A_493 = arith.constant 1 : i32
          %parallel_loop3A_494 = arith.addi %parallel_loop3A_152, %parallel_loop3A_493 : i32
          %parallel_loop3A_495 = arith.index_cast %parallel_loop3A_147 : i32 to index
          %parallel_loop3A_496 = arith.index_cast %parallel_loop3A_494 : i32 to index
          %parallel_loop3A_497 = arith.constant 336 : index
          %parallel_loop3A_498 = tpu.vector_load %arg5[%parallel_loop3A_495, %parallel_loop3A_496, %parallel_loop3A_497] {strides = array<i32>} : memref<8x8x512xf32, #tpu.memory_space<vmem>>, vector<16xf32>,
          %parallel_loop3A_499 = tpu.pack_subelements %parallel_loop3A_492, %parallel_loop3A_498 {pack_format = #tpu.pack_format<interleaved>, positions = array<i32: 0, 1>} : vector<16xf32>, vector<16xf32> -> vector<32xbf16>
          %parallel_loop3A_500 = vector.bitcast %parallel_loop3A_499 : vector<32xbf16> to vector<16xi32>
          %parallel_loop3A_501 = arith.constant 13440 : i32
          %parallel_loop3A_502 = arith.addi %parallel_loop3A_501, %parallel_loop3A_123 : i32
          %parallel_loop3A_503 = vector.broadcast %parallel_loop3A_502 : i32 to vector<16xi32>
          %parallel_loop3A_504 = arith.addi %mul3A_7, %parallel_loop3A_503 : vector<16xi32>
          tpu.vector_store_idx %arg7[%parallel_loop3A_504], %parallel_loop3A_500 : memref<20480xi32, #tpu.memory_space<vmem>>[vector<16xi32>], vector<16xi32>,
          %parallel_loop3A_505 = arith.index_cast %parallel_loop3A_147 : i32 to index
          %parallel_loop3A_506 = arith.index_cast %parallel_loop3A_152 : i32 to index
          %parallel_loop3A_507 = arith.constant 352 : index
          %parallel_loop3A_508 = tpu.vector_load %arg5[%parallel_loop3A_505, %parallel_loop3A_506, %parallel_loop3A_507] {strides = array<i32>} : memref<8x8x512xf32, #tpu.memory_space<vmem>>, vector<16xf32>,
          %parallel_loop3A_509 = arith.constant 1 : i32
          %parallel_loop3A_510 = arith.addi %parallel_loop3A_152, %parallel_loop3A_509 : i32
          %parallel_loop3A_511 = arith.index_cast %parallel_loop3A_147 : i32 to index
          %parallel_loop3A_512 = arith.index_cast %parallel_loop3A_510 : i32 to index
          %parallel_loop3A_513 = arith.constant 352 : index
          %parallel_loop3A_514 = tpu.vector_load %arg5[%parallel_loop3A_511, %parallel_loop3A_512, %parallel_loop3A_513] {strides = array<i32>} : memref<8x8x512xf32, #tpu.memory_space<vmem>>, vector<16xf32>,
          %parallel_loop3A_515 = tpu.pack_subelements %parallel_loop3A_508, %parallel_loop3A_514 {pack_format = #tpu.pack_format<interleaved>, positions = array<i32: 0, 1>} : vector<16xf32>, vector<16xf32> -> vector<32xbf16>
          %parallel_loop3A_516 = vector.bitcast %parallel_loop3A_515 : vector<32xbf16> to vector<16xi32>
          %parallel_loop3A_517 = arith.constant 14080 : i32
          %parallel_loop3A_518 = arith.addi %parallel_loop3A_517, %parallel_loop3A_123 : i32
          %parallel_loop3A_519 = vector.broadcast %parallel_loop3A_518 : i32 to vector<16xi32>
          %parallel_loop3A_520 = arith.addi %mul3A_7, %parallel_loop3A_519 : vector<16xi32>
          tpu.vector_store_idx %arg7[%parallel_loop3A_520], %parallel_loop3A_516 : memref<20480xi32, #tpu.memory_space<vmem>>[vector<16xi32>], vector<16xi32>,
          %parallel_loop3A_521 = arith.index_cast %parallel_loop3A_147 : i32 to index
          %parallel_loop3A_522 = arith.index_cast %parallel_loop3A_152 : i32 to index
          %parallel_loop3A_523 = arith.constant 368 : index
          %parallel_loop3A_524 = tpu.vector_load %arg5[%parallel_loop3A_521, %parallel_loop3A_522, %parallel_loop3A_523] {strides = array<i32>} : memref<8x8x512xf32, #tpu.memory_space<vmem>>, vector<16xf32>,
          %parallel_loop3A_525 = arith.constant 1 : i32
          %parallel_loop3A_526 = arith.addi %parallel_loop3A_152, %parallel_loop3A_525 : i32
          %parallel_loop3A_527 = arith.index_cast %parallel_loop3A_147 : i32 to index
          %parallel_loop3A_528 = arith.index_cast %parallel_loop3A_526 : i32 to index
          %parallel_loop3A_529 = arith.constant 368 : index
          %parallel_loop3A_530 = tpu.vector_load %arg5[%parallel_loop3A_527, %parallel_loop3A_528, %parallel_loop3A_529] {strides = array<i32>} : memref<8x8x512xf32, #tpu.memory_space<vmem>>, vector<16xf32>,
          %parallel_loop3A_531 = tpu.pack_subelements %parallel_loop3A_524, %parallel_loop3A_530 {pack_format = #tpu.pack_format<interleaved>, positions = array<i32: 0, 1>} : vector<16xf32>, vector<16xf32> -> vector<32xbf16>
          %parallel_loop3A_532 = vector.bitcast %parallel_loop3A_531 : vector<32xbf16> to vector<16xi32>
          %parallel_loop3A_533 = arith.constant 14720 : i32
          %parallel_loop3A_534 = arith.addi %parallel_loop3A_533, %parallel_loop3A_123 : i32
          %parallel_loop3A_535 = vector.broadcast %parallel_loop3A_534 : i32 to vector<16xi32>
          %parallel_loop3A_536 = arith.addi %mul3A_7, %parallel_loop3A_535 : vector<16xi32>
          tpu.vector_store_idx %arg7[%parallel_loop3A_536], %parallel_loop3A_532 : memref<20480xi32, #tpu.memory_space<vmem>>[vector<16xi32>], vector<16xi32>,
          %parallel_loop3A_537 = arith.index_cast %parallel_loop3A_147 : i32 to index
          %parallel_loop3A_538 = arith.index_cast %parallel_loop3A_152 : i32 to index
          %parallel_loop3A_539 = arith.constant 384 : index
          %parallel_loop3A_540 = tpu.vector_load %arg5[%parallel_loop3A_537, %parallel_loop3A_538, %parallel_loop3A_539] {strides = array<i32>} : memref<8x8x512xf32, #tpu.memory_space<vmem>>, vector<16xf32>,
          %parallel_loop3A_541 = arith.constant 1 : i32
          %parallel_loop3A_542 = arith.addi %parallel_loop3A_152, %parallel_loop3A_541 : i32
          %parallel_loop3A_543 = arith.index_cast %parallel_loop3A_147 : i32 to index
          %parallel_loop3A_544 = arith.index_cast %parallel_loop3A_542 : i32 to index
          %parallel_loop3A_545 = arith.constant 384 : index
          %parallel_loop3A_546 = tpu.vector_load %arg5[%parallel_loop3A_543, %parallel_loop3A_544, %parallel_loop3A_545] {strides = array<i32>} : memref<8x8x512xf32, #tpu.memory_space<vmem>>, vector<16xf32>,
          %parallel_loop3A_547 = tpu.pack_subelements %parallel_loop3A_540, %parallel_loop3A_546 {pack_format = #tpu.pack_format<interleaved>, positions = array<i32: 0, 1>} : vector<16xf32>, vector<16xf32> -> vector<32xbf16>
          %parallel_loop3A_548 = vector.bitcast %parallel_loop3A_547 : vector<32xbf16> to vector<16xi32>
          %parallel_loop3A_549 = arith.constant 15360 : i32
          %parallel_loop3A_550 = arith.addi %parallel_loop3A_549, %parallel_loop3A_123 : i32
          %parallel_loop3A_551 = vector.broadcast %parallel_loop3A_550 : i32 to vector<16xi32>
          %parallel_loop3A_552 = arith.addi %mul3A_7, %parallel_loop3A_551 : vector<16xi32>
          tpu.vector_store_idx %arg7[%parallel_loop3A_552], %parallel_loop3A_548 : memref<20480xi32, #tpu.memory_space<vmem>>[vector<16xi32>], vector<16xi32>,
          %parallel_loop3A_553 = arith.index_cast %parallel_loop3A_147 : i32 to index
          %parallel_loop3A_554 = arith.index_cast %parallel_loop3A_152 : i32 to index
          %parallel_loop3A_555 = arith.constant 400 : index
          %parallel_loop3A_556 = tpu.vector_load %arg5[%parallel_loop3A_553, %parallel_loop3A_554, %parallel_loop3A_555] {strides = array<i32>} : memref<8x8x512xf32, #tpu.memory_space<vmem>>, vector<16xf32>,
          %parallel_loop3A_557 = arith.constant 1 : i32
          %parallel_loop3A_558 = arith.addi %parallel_loop3A_152, %parallel_loop3A_557 : i32
          %parallel_loop3A_559 = arith.index_cast %parallel_loop3A_147 : i32 to index
          %parallel_loop3A_560 = arith.index_cast %parallel_loop3A_558 : i32 to index
          %parallel_loop3A_561 = arith.constant 400 : index
          %parallel_loop3A_562 = tpu.vector_load %arg5[%parallel_loop3A_559, %parallel_loop3A_560, %parallel_loop3A_561] {strides = array<i32>} : memref<8x8x512xf32, #tpu.memory_space<vmem>>, vector<16xf32>,
          %parallel_loop3A_563 = tpu.pack_subelements %parallel_loop3A_556, %parallel_loop3A_562 {pack_format = #tpu.pack_format<interleaved>, positions = array<i32: 0, 1>} : vector<16xf32>, vector<16xf32> -> vector<32xbf16>
          %parallel_loop3A_564 = vector.bitcast %parallel_loop3A_563 : vector<32xbf16> to vector<16xi32>
          %parallel_loop3A_565 = arith.constant 16000 : i32
          %parallel_loop3A_566 = arith.addi %parallel_loop3A_565, %parallel_loop3A_123 : i32
          %parallel_loop3A_567 = vector.broadcast %parallel_loop3A_566 : i32 to vector<16xi32>
          %parallel_loop3A_568 = arith.addi %mul3A_7, %parallel_loop3A_567 : vector<16xi32>
          tpu.vector_store_idx %arg7[%parallel_loop3A_568], %parallel_loop3A_564 : memref<20480xi32, #tpu.memory_space<vmem>>[vector<16xi32>], vector<16xi32>,
          %parallel_loop3A_569 = arith.index_cast %parallel_loop3A_147 : i32 to index
          %parallel_loop3A_570 = arith.index_cast %parallel_loop3A_152 : i32 to index
          %parallel_loop3A_571 = arith.constant 416 : index
          %parallel_loop3A_572 = tpu.vector_load %arg5[%parallel_loop3A_569, %parallel_loop3A_570, %parallel_loop3A_571] {strides = array<i32>} : memref<8x8x512xf32, #tpu.memory_space<vmem>>, vector<16xf32>,
          %parallel_loop3A_573 = arith.constant 1 : i32
          %parallel_loop3A_574 = arith.addi %parallel_loop3A_152, %parallel_loop3A_573 : i32
          %parallel_loop3A_575 = arith.index_cast %parallel_loop3A_147 : i32 to index
          %parallel_loop3A_576 = arith.index_cast %parallel_loop3A_574 : i32 to index
          %parallel_loop3A_577 = arith.constant 416 : index
          %parallel_loop3A_578 = tpu.vector_load %arg5[%parallel_loop3A_575, %parallel_loop3A_576, %parallel_loop3A_577] {strides = array<i32>} : memref<8x8x512xf32, #tpu.memory_space<vmem>>, vector<16xf32>,
          %parallel_loop3A_579 = tpu.pack_subelements %parallel_loop3A_572, %parallel_loop3A_578 {pack_format = #tpu.pack_format<interleaved>, positions = array<i32: 0, 1>} : vector<16xf32>, vector<16xf32> -> vector<32xbf16>
          %parallel_loop3A_580 = vector.bitcast %parallel_loop3A_579 : vector<32xbf16> to vector<16xi32>
          %parallel_loop3A_581 = arith.constant 16640 : i32
          %parallel_loop3A_582 = arith.addi %parallel_loop3A_581, %parallel_loop3A_123 : i32
          %parallel_loop3A_583 = vector.broadcast %parallel_loop3A_582 : i32 to vector<16xi32>
          %parallel_loop3A_584 = arith.addi %mul3A_7, %parallel_loop3A_583 : vector<16xi32>
          tpu.vector_store_idx %arg7[%parallel_loop3A_584], %parallel_loop3A_580 : memref<20480xi32, #tpu.memory_space<vmem>>[vector<16xi32>], vector<16xi32>,
          %parallel_loop3A_585 = arith.index_cast %parallel_loop3A_147 : i32 to index
          %parallel_loop3A_586 = arith.index_cast %parallel_loop3A_152 : i32 to index
          %parallel_loop3A_587 = arith.constant 432 : index
          %parallel_loop3A_588 = tpu.vector_load %arg5[%parallel_loop3A_585, %parallel_loop3A_586, %parallel_loop3A_587] {strides = array<i32>} : memref<8x8x512xf32, #tpu.memory_space<vmem>>, vector<16xf32>,
          %parallel_loop3A_589 = arith.constant 1 : i32
          %parallel_loop3A_590 = arith.addi %parallel_loop3A_152, %parallel_loop3A_589 : i32
          %parallel_loop3A_591 = arith.index_cast %parallel_loop3A_147 : i32 to index
          %parallel_loop3A_592 = arith.index_cast %parallel_loop3A_590 : i32 to index
          %parallel_loop3A_593 = arith.constant 432 : index
          %parallel_loop3A_594 = tpu.vector_load %arg5[%parallel_loop3A_591, %parallel_loop3A_592, %parallel_loop3A_593] {strides = array<i32>} : memref<8x8x512xf32, #tpu.memory_space<vmem>>, vector<16xf32>,
          %parallel_loop3A_595 = tpu.pack_subelements %parallel_loop3A_588, %parallel_loop3A_594 {pack_format = #tpu.pack_format<interleaved>, positions = array<i32: 0, 1>} : vector<16xf32>, vector<16xf32> -> vector<32xbf16>
          %parallel_loop3A_596 = vector.bitcast %parallel_loop3A_595 : vector<32xbf16> to vector<16xi32>
          %parallel_loop3A_597 = arith.constant 17280 : i32
          %parallel_loop3A_598 = arith.addi %parallel_loop3A_597, %parallel_loop3A_123 : i32
          %parallel_loop3A_599 = vector.broadcast %parallel_loop3A_598 : i32 to vector<16xi32>
          %parallel_loop3A_600 = arith.addi %mul3A_7, %parallel_loop3A_599 : vector<16xi32>
          tpu.vector_store_idx %arg7[%parallel_loop3A_600], %parallel_loop3A_596 : memref<20480xi32, #tpu.memory_space<vmem>>[vector<16xi32>], vector<16xi32>,
          %parallel_loop3A_601 = arith.index_cast %parallel_loop3A_147 : i32 to index
          %parallel_loop3A_602 = arith.index_cast %parallel_loop3A_152 : i32 to index
          %parallel_loop3A_603 = arith.constant 448 : index
          %parallel_loop3A_604 = tpu.vector_load %arg5[%parallel_loop3A_601, %parallel_loop3A_602, %parallel_loop3A_603] {strides = array<i32>} : memref<8x8x512xf32, #tpu.memory_space<vmem>>, vector<16xf32>,
          %parallel_loop3A_605 = arith.constant 1 : i32
          %parallel_loop3A_606 = arith.addi %parallel_loop3A_152, %parallel_loop3A_605 : i32
          %parallel_loop3A_607 = arith.index_cast %parallel_loop3A_147 : i32 to index
          %parallel_loop3A_608 = arith.index_cast %parallel_loop3A_606 : i32 to index
          %parallel_loop3A_609 = arith.constant 448 : index
          %parallel_loop3A_610 = tpu.vector_load %arg5[%parallel_loop3A_607, %parallel_loop3A_608, %parallel_loop3A_609] {strides = array<i32>} : memref<8x8x512xf32, #tpu.memory_space<vmem>>, vector<16xf32>,
          %parallel_loop3A_611 = tpu.pack_subelements %parallel_loop3A_604, %parallel_loop3A_610 {pack_format = #tpu.pack_format<interleaved>, positions = array<i32: 0, 1>} : vector<16xf32>, vector<16xf32> -> vector<32xbf16>
          %parallel_loop3A_612 = vector.bitcast %parallel_loop3A_611 : vector<32xbf16> to vector<16xi32>
          %parallel_loop3A_613 = arith.constant 17920 : i32
          %parallel_loop3A_614 = arith.addi %parallel_loop3A_613, %parallel_loop3A_123 : i32
          %parallel_loop3A_615 = vector.broadcast %parallel_loop3A_614 : i32 to vector<16xi32>
          %parallel_loop3A_616 = arith.addi %mul3A_7, %parallel_loop3A_615 : vector<16xi32>
          tpu.vector_store_idx %arg7[%parallel_loop3A_616], %parallel_loop3A_612 : memref<20480xi32, #tpu.memory_space<vmem>>[vector<16xi32>], vector<16xi32>,
          %parallel_loop3A_617 = arith.index_cast %parallel_loop3A_147 : i32 to index
          %parallel_loop3A_618 = arith.index_cast %parallel_loop3A_152 : i32 to index
          %parallel_loop3A_619 = arith.constant 464 : index
          %parallel_loop3A_620 = tpu.vector_load %arg5[%parallel_loop3A_617, %parallel_loop3A_618, %parallel_loop3A_619] {strides = array<i32>} : memref<8x8x512xf32, #tpu.memory_space<vmem>>, vector<16xf32>,
          %parallel_loop3A_621 = arith.constant 1 : i32
          %parallel_loop3A_622 = arith.addi %parallel_loop3A_152, %parallel_loop3A_621 : i32
          %parallel_loop3A_623 = arith.index_cast %parallel_loop3A_147 : i32 to index
          %parallel_loop3A_624 = arith.index_cast %parallel_loop3A_622 : i32 to index
          %parallel_loop3A_625 = arith.constant 464 : index
          %parallel_loop3A_626 = tpu.vector_load %arg5[%parallel_loop3A_623, %parallel_loop3A_624, %parallel_loop3A_625] {strides = array<i32>} : memref<8x8x512xf32, #tpu.memory_space<vmem>>, vector<16xf32>,
          %parallel_loop3A_627 = tpu.pack_subelements %parallel_loop3A_620, %parallel_loop3A_626 {pack_format = #tpu.pack_format<interleaved>, positions = array<i32: 0, 1>} : vector<16xf32>, vector<16xf32> -> vector<32xbf16>
          %parallel_loop3A_628 = vector.bitcast %parallel_loop3A_627 : vector<32xbf16> to vector<16xi32>
          %parallel_loop3A_629 = arith.constant 18560 : i32
          %parallel_loop3A_630 = arith.addi %parallel_loop3A_629, %parallel_loop3A_123 : i32
          %parallel_loop3A_631 = vector.broadcast %parallel_loop3A_630 : i32 to vector<16xi32>
          %parallel_loop3A_632 = arith.addi %mul3A_7, %parallel_loop3A_631 : vector<16xi32>
          tpu.vector_store_idx %arg7[%parallel_loop3A_632], %parallel_loop3A_628 : memref<20480xi32, #tpu.memory_space<vmem>>[vector<16xi32>], vector<16xi32>,
          %parallel_loop3A_633 = arith.index_cast %parallel_loop3A_147 : i32 to index
          %parallel_loop3A_634 = arith.index_cast %parallel_loop3A_152 : i32 to index
          %parallel_loop3A_635 = arith.constant 480 : index
          %parallel_loop3A_636 = tpu.vector_load %arg5[%parallel_loop3A_633, %parallel_loop3A_634, %parallel_loop3A_635] {strides = array<i32>} : memref<8x8x512xf32, #tpu.memory_space<vmem>>, vector<16xf32>,
          %parallel_loop3A_637 = arith.constant 1 : i32
          %parallel_loop3A_638 = arith.addi %parallel_loop3A_152, %parallel_loop3A_637 : i32
          %parallel_loop3A_639 = arith.index_cast %parallel_loop3A_147 : i32 to index
          %parallel_loop3A_640 = arith.index_cast %parallel_loop3A_638 : i32 to index
          %parallel_loop3A_641 = arith.constant 480 : index
          %parallel_loop3A_642 = tpu.vector_load %arg5[%parallel_loop3A_639, %parallel_loop3A_640, %parallel_loop3A_641] {strides = array<i32>} : memref<8x8x512xf32, #tpu.memory_space<vmem>>, vector<16xf32>,
          %parallel_loop3A_643 = tpu.pack_subelements %parallel_loop3A_636, %parallel_loop3A_642 {pack_format = #tpu.pack_format<interleaved>, positions = array<i32: 0, 1>} : vector<16xf32>, vector<16xf32> -> vector<32xbf16>
          %parallel_loop3A_644 = vector.bitcast %parallel_loop3A_643 : vector<32xbf16> to vector<16xi32>
          %parallel_loop3A_645 = arith.constant 19200 : i32
          %parallel_loop3A_646 = arith.addi %parallel_loop3A_645, %parallel_loop3A_123 : i32
          %parallel_loop3A_647 = vector.broadcast %parallel_loop3A_646 : i32 to vector<16xi32>
          %parallel_loop3A_648 = arith.addi %mul3A_7, %parallel_loop3A_647 : vector<16xi32>
          tpu.vector_store_idx %arg7[%parallel_loop3A_648], %parallel_loop3A_644 : memref<20480xi32, #tpu.memory_space<vmem>>[vector<16xi32>], vector<16xi32>,
          %parallel_loop3A_649 = arith.index_cast %parallel_loop3A_147 : i32 to index
          %parallel_loop3A_650 = arith.index_cast %parallel_loop3A_152 : i32 to index
          %parallel_loop3A_651 = arith.constant 496 : index
          %parallel_loop3A_652 = tpu.vector_load %arg5[%parallel_loop3A_649, %parallel_loop3A_650, %parallel_loop3A_651] {strides = array<i32>} : memref<8x8x512xf32, #tpu.memory_space<vmem>>, vector<16xf32>,
          %parallel_loop3A_653 = arith.constant 1 : i32
          %parallel_loop3A_654 = arith.addi %parallel_loop3A_152, %parallel_loop3A_653 : i32
          %parallel_loop3A_655 = arith.index_cast %parallel_loop3A_147 : i32 to index
          %parallel_loop3A_656 = arith.index_cast %parallel_loop3A_654 : i32 to index
          %parallel_loop3A_657 = arith.constant 496 : index
          %parallel_loop3A_658 = tpu.vector_load %arg5[%parallel_loop3A_655, %parallel_loop3A_656, %parallel_loop3A_657] {strides = array<i32>} : memref<8x8x512xf32, #tpu.memory_space<vmem>>, vector<16xf32>,
          %parallel_loop3A_659 = tpu.pack_subelements %parallel_loop3A_652, %parallel_loop3A_658 {pack_format = #tpu.pack_format<interleaved>, positions = array<i32: 0, 1>} : vector<16xf32>, vector<16xf32> -> vector<32xbf16>
          %parallel_loop3A_660 = vector.bitcast %parallel_loop3A_659 : vector<32xbf16> to vector<16xi32>
          %parallel_loop3A_661 = arith.constant 19840 : i32
          %parallel_loop3A_662 = arith.addi %parallel_loop3A_661, %parallel_loop3A_123 : i32
          %parallel_loop3A_663 = vector.broadcast %parallel_loop3A_662 : i32 to vector<16xi32>
          %parallel_loop3A_664 = arith.addi %mul3A_7, %parallel_loop3A_663 : vector<16xi32>
          tpu.vector_store_idx %arg7[%parallel_loop3A_664], %parallel_loop3A_660 : memref<20480xi32, #tpu.memory_space<vmem>>[vector<16xi32>], vector<16xi32>,
        } {sc.loop_unroll_factor = 8 : i64, sc.parallel_access}
        %add3A_109 = arith.addi %mul3A_2, %add3A_80 : i32
        %mul3A_110 = arith.constant 512 : i32
        %mul3A_111 = arith.muli %add3A_109, %mul3A_110 : i32
        %mul3A_112 = arith.constant 40 : i32
        %mul3A_113 = arith.muli %mul3A_111, %mul3A_112 : i32
        %multiple_of3A_114 = tpu.assume_multiple %mul3A_113, 20480 : i32
        %dma_start3A_115 = tpu.memref_slice %arg4[%multiple_of3A_114] : memref<40000000xi32, #tpu.memory_space<hbm>> -> memref<20480xi32, #tpu.memory_space<hbm>>
        %dma_start3A_116 = tpu.memref_slice %arg4[%multiple_of3A_114] : memref<40000000xi32, #tpu.memory_space<hbm>> -> memref<20480xi32, #tpu.memory_space<hbm>>
        tpu.enqueue_dma source(%arg7 : memref<20480xi32, #tpu.memory_space<vmem>>) target(%dma_start3A_116 : memref<20480xi32, #tpu.memory_space<hbm>>) target_semaphore(%arg11 : memref<!tpu.dma_semaphore, #tpu.memory_space<semaphore_mem>>)
        %add3A_117 = arith.constant 2 : i32
        %add3A_118 = arith.addi %add3A_80, %add3A_117 : i32
        %lt3A_119 = arith.cmpi slt, %add3A_118, %min3A_4 : i32
        %convert_element_type3A_120 = arith.extui %lt3A_119 : i1 to i32
        %cond3A_121 = arith.constant 0 : i32
        %cond3A_122 = arith.cmpi ne, %convert_element_type3A_120, %cond3A_121 : i32
        scf.if %cond3A_122 {
          %add3A_123 = arith.constant 2 : i32
          %add3A_124 = arith.addi %add3A_80, %add3A_123 : i32
          %add3A_125 = arith.addi %mul3A_2, %add3A_124 : i32
          %mul3A_126 = arith.constant 512 : i32
          %mul3A_127 = arith.muli %add3A_125, %mul3A_126 : i32
          %multiple_of3A_128 = tpu.assume_multiple %mul3A_127, 512 : i32
          %dma_start3A_129 = arith.constant 0 : i32
          %dma_start3A_130 = arith.constant 0 : i32
          %dma_start3A_131 = tpu.memref_slice %arg2[%dma_start3A_129, %dma_start3A_130, %multiple_of3A_128] : memref<8x8x1000000xf32, #tpu.memory_space<hbm>> -> memref<8x8x512xf32, #tpu.memory_space<hbm>>
          %dma_start3A_132 = arith.constant 0 : i32
          %dma_start3A_133 = arith.constant 0 : i32
          %dma_start3A_134 = tpu.memref_slice %arg2[%dma_start3A_132, %dma_start3A_133, %multiple_of3A_128] : memref<8x8x1000000xf32, #tpu.memory_space<hbm>> -> memref<8x8x512xf32, #tpu.memory_space<hbm>>
          tpu.enqueue_dma source(%dma_start3A_134 : memref<8x8x512xf32, #tpu.memory_space<hbm>>) target(%arg5 : memref<8x8x512xf32, #tpu.memory_space<vmem>>) target_semaphore(%arg9 : memref<!tpu.dma_semaphore, #tpu.memory_space<semaphore_mem>>)
        } else {
        }
      } else {
      }
      %mul3A_85 = arith.constant 2 : i32
      %mul3A_86 = arith.muli %scan3A_76, %mul3A_85 : i32
      %add3A_87 = arith.constant 1 : i32
      %add3A_88 = arith.addi %mul3A_86, %add3A_87 : i32
      %lt3A_89 = arith.cmpi slt, %add3A_88, %min3A_4 : i32
      %convert_element_type3A_90 = arith.extui %lt3A_89 : i1 to i32
      %cond3A_91 = arith.constant 0 : i32
      %cond3A_92 = arith.cmpi ne, %convert_element_type3A_90, %cond3A_91 : i32
      scf.if %cond3A_92 {
        %add3A_93 = arith.addi %mul3A_2, %add3A_88 : i32
        %mul3A_94 = arith.constant 512 : i32
        %mul3A_95 = arith.muli %add3A_93, %mul3A_94 : i32
        %multiple_of3A_96 = tpu.assume_multiple %mul3A_95, 512 : i32
        %dma_wait3A_97 = arith.constant 0 : i32
        %dma_wait3A_98 = arith.constant 0 : i32
        %dma_wait3A_99 = tpu.memref_slice %arg2[%dma_wait3A_97, %dma_wait3A_98, %multiple_of3A_96] : memref<8x8x1000000xf32, #tpu.memory_space<hbm>> -> memref<8x8x512xf32, #tpu.memory_space<hbm>>
        %dma_wait3A_100 = arith.constant 0 : i32
        %dma_wait3A_101 = arith.constant 0 : i32
        %dma_wait3A_102 = tpu.memref_slice %arg2[%dma_wait3A_100, %dma_wait3A_101, %multiple_of3A_96] : memref<8x8x1000000xf32, #tpu.memory_space<hbm>> -> memref<8x8x512xf32, #tpu.memory_space<hbm>>
        tpu.wait_dma2 semaphore(%arg10 : memref<!tpu.dma_semaphore, #tpu.memory_space<semaphore_mem>>) src(%dma_wait3A_102 : memref<8x8x512xf32, #tpu.memory_space<hbm>>) dst(%arg6 : memref<8x8x512xf32, #tpu.memory_space<vmem>>)
        %ge3A = arith.constant 2 : i32
        %ge3A_103 = arith.cmpi sge, %add3A_88, %ge3A : i32
        %convert_element_type3A_104 = arith.extui %ge3A_103 : i1 to i32
        %cond3A_105 = arith.constant 0 : i32
        %cond3A_106 = arith.cmpi ne, %convert_element_type3A_104, %cond3A_105 : i32
        scf.if %cond3A_106 {
          %sub3A_123 = arith.constant 2 : i32
          %sub3A_124 = arith.subi %add3A_88, %sub3A_123 : i32
          %add3A_125 = arith.addi %mul3A_2, %sub3A_124 : i32
          %mul3A_126 = arith.constant 512 : i32
          %mul3A_127 = arith.muli %add3A_125, %mul3A_126 : i32
          %mul3A_128 = arith.constant 40 : i32
          %mul3A_129 = arith.muli %mul3A_127, %mul3A_128 : i32
          %multiple_of3A_130 = tpu.assume_multiple %mul3A_129, 20480 : i32
          %dma_wait3A_131 = tpu.memref_slice %arg4[%multiple_of3A_130] : memref<40000000xi32, #tpu.memory_space<hbm>> -> memref<20480xi32, #tpu.memory_space<hbm>>
          %dma_wait3A_132 = tpu.memref_slice %arg4[%multiple_of3A_130] : memref<40000000xi32, #tpu.memory_space<hbm>> -> memref<20480xi32, #tpu.memory_space<hbm>>
          tpu.wait_dma2 semaphore(%arg12 : memref<!tpu.dma_semaphore, #tpu.memory_space<semaphore_mem>>) src(%arg8 : memref<20480xi32, #tpu.memory_space<vmem>>) dst(%dma_wait3A_132 : memref<20480xi32, #tpu.memory_space<hbm>>)
        } else {
        }
        %parallel_loop3A = arith.constant 0 : i32
        %parallel_loop3A_107 = arith.constant 32 : i32
        %parallel_loop3A_108 = arith.constant 1 : i32
        scf.for %parallel_loop3A_123 = %parallel_loop3A to %parallel_loop3A_107 step %parallel_loop3A_108  : i32 {
          %parallel_loop3A_124 = arith.constant 4 : i32
          %parallel_loop3A_125 = arith.divsi %parallel_loop3A_123, %parallel_loop3A_124 : i32
          %parallel_loop3A_126 = arith.constant 0 : i32
          %parallel_loop3A_127 = arith.cmpi sgt, %parallel_loop3A_123, %parallel_loop3A_126 : i32
          %parallel_loop3A_128 = arith.extui %parallel_loop3A_127 : i1 to i32
          %parallel_loop3A_129 = arith.constant 0 : i32
          %parallel_loop3A_130 = arith.cmpi slt, %parallel_loop3A_123, %parallel_loop3A_129 : i32
          %parallel_loop3A_131 = arith.extui %parallel_loop3A_130 : i1 to i32
          %parallel_loop3A_132 = arith.subi %parallel_loop3A_128, %parallel_loop3A_131 : i32
          %parallel_loop3A_133 = arith.constant 0 : i32
          %parallel_loop3A_134 = arith.cmpi sgt, %parallel_loop3A_124, %parallel_loop3A_133 : i32
          %parallel_loop3A_135 = arith.extui %parallel_loop3A_134 : i1 to i32
          %parallel_loop3A_136 = arith.constant 0 : i32
          %parallel_loop3A_137 = arith.cmpi slt, %parallel_loop3A_124, %parallel_loop3A_136 : i32
          %parallel_loop3A_138 = arith.extui %parallel_loop3A_137 : i1 to i32
          %parallel_loop3A_139 = arith.subi %parallel_loop3A_135, %parallel_loop3A_138 : i32
          %parallel_loop3A_140 = arith.cmpi ne, %parallel_loop3A_132, %parallel_loop3A_139 : i32
          %parallel_loop3A_141 = arith.remsi %parallel_loop3A_123, %parallel_loop3A_124 : i32
          %parallel_loop3A_142 = arith.constant 0 : i32
          %parallel_loop3A_143 = arith.cmpi ne, %parallel_loop3A_141, %parallel_loop3A_142 : i32
          %parallel_loop3A_144 = arith.andi %parallel_loop3A_140, %parallel_loop3A_143 : i1
          %parallel_loop3A_145 = arith.constant 1 : i32
          %parallel_loop3A_146 = arith.subi %parallel_loop3A_125, %parallel_loop3A_145 : i32
          %parallel_loop3A_147 = arith.select %parallel_loop3A_144, %parallel_loop3A_146, %parallel_loop3A_125 : i32
          %parallel_loop3A_148 = arith.constant 4 : i32
          %parallel_loop3A_149 = arith.muli %parallel_loop3A_147, %parallel_loop3A_148 : i32
          %parallel_loop3A_150 = arith.subi %parallel_loop3A_123, %parallel_loop3A_149 : i32
          %parallel_loop3A_151 = arith.constant 2 : i32
          %parallel_loop3A_152 = arith.muli %parallel_loop3A_151, %parallel_loop3A_150 : i32
          %parallel_loop3A_153 = arith.index_cast %parallel_loop3A_147 : i32 to index
          %parallel_loop3A_154 = arith.index_cast %parallel_loop3A_152 : i32 to index
          %parallel_loop3A_155 = arith.constant 0 : index
          %parallel_loop3A_156 = tpu.vector_load %arg6[%parallel_loop3A_153, %parallel_loop3A_154, %parallel_loop3A_155] {strides = array<i32>} : memref<8x8x512xf32, #tpu.memory_space<vmem>>, vector<16xf32>,
          %parallel_loop3A_157 = arith.constant 1 : i32
          %parallel_loop3A_158 = arith.addi %parallel_loop3A_152, %parallel_loop3A_157 : i32
          %parallel_loop3A_159 = arith.index_cast %parallel_loop3A_147 : i32 to index
          %parallel_loop3A_160 = arith.index_cast %parallel_loop3A_158 : i32 to index
          %parallel_loop3A_161 = arith.constant 0 : index
          %parallel_loop3A_162 = tpu.vector_load %arg6[%parallel_loop3A_159, %parallel_loop3A_160, %parallel_loop3A_161] {strides = array<i32>} : memref<8x8x512xf32, #tpu.memory_space<vmem>>, vector<16xf32>,
          %parallel_loop3A_163 = tpu.pack_subelements %parallel_loop3A_156, %parallel_loop3A_162 {pack_format = #tpu.pack_format<interleaved>, positions = array<i32: 0, 1>} : vector<16xf32>, vector<16xf32> -> vector<32xbf16>
          %parallel_loop3A_164 = vector.bitcast %parallel_loop3A_163 : vector<32xbf16> to vector<16xi32>
          %parallel_loop3A_165 = arith.constant 0 : i32
          %parallel_loop3A_166 = arith.addi %parallel_loop3A_165, %parallel_loop3A_123 : i32
          %parallel_loop3A_167 = vector.broadcast %parallel_loop3A_166 : i32 to vector<16xi32>
          %parallel_loop3A_168 = arith.addi %mul3A_7, %parallel_loop3A_167 : vector<16xi32>
          tpu.vector_store_idx %arg8[%parallel_loop3A_168], %parallel_loop3A_164 : memref<20480xi32, #tpu.memory_space<vmem>>[vector<16xi32>], vector<16xi32>,
          %parallel_loop3A_169 = arith.index_cast %parallel_loop3A_147 : i32 to index
          %parallel_loop3A_170 = arith.index_cast %parallel_loop3A_152 : i32 to index
          %parallel_loop3A_171 = arith.constant 16 : index
          %parallel_loop3A_172 = tpu.vector_load %arg6[%parallel_loop3A_169, %parallel_loop3A_170, %parallel_loop3A_171] {strides = array<i32>} : memref<8x8x512xf32, #tpu.memory_space<vmem>>, vector<16xf32>,
          %parallel_loop3A_173 = arith.constant 1 : i32
          %parallel_loop3A_174 = arith.addi %parallel_loop3A_152, %parallel_loop3A_173 : i32
          %parallel_loop3A_175 = arith.index_cast %parallel_loop3A_147 : i32 to index
          %parallel_loop3A_176 = arith.index_cast %parallel_loop3A_174 : i32 to index
          %parallel_loop3A_177 = arith.constant 16 : index
          %parallel_loop3A_178 = tpu.vector_load %arg6[%parallel_loop3A_175, %parallel_loop3A_176, %parallel_loop3A_177] {strides = array<i32>} : memref<8x8x512xf32, #tpu.memory_space<vmem>>, vector<16xf32>,
          %parallel_loop3A_179 = tpu.pack_subelements %parallel_loop3A_172, %parallel_loop3A_178 {pack_format = #tpu.pack_format<interleaved>, positions = array<i32: 0, 1>} : vector<16xf32>, vector<16xf32> -> vector<32xbf16>
          %parallel_loop3A_180 = vector.bitcast %parallel_loop3A_179 : vector<32xbf16> to vector<16xi32>
          %parallel_loop3A_181 = arith.constant 640 : i32
          %parallel_loop3A_182 = arith.addi %parallel_loop3A_181, %parallel_loop3A_123 : i32
          %parallel_loop3A_183 = vector.broadcast %parallel_loop3A_182 : i32 to vector<16xi32>
          %parallel_loop3A_184 = arith.addi %mul3A_7, %parallel_loop3A_183 : vector<16xi32>
          tpu.vector_store_idx %arg8[%parallel_loop3A_184], %parallel_loop3A_180 : memref<20480xi32, #tpu.memory_space<vmem>>[vector<16xi32>], vector<16xi32>,
          %parallel_loop3A_185 = arith.index_cast %parallel_loop3A_147 : i32 to index
          %parallel_loop3A_186 = arith.index_cast %parallel_loop3A_152 : i32 to index
          %parallel_loop3A_187 = arith.constant 32 : index
          %parallel_loop3A_188 = tpu.vector_load %arg6[%parallel_loop3A_185, %parallel_loop3A_186, %parallel_loop3A_187] {strides = array<i32>} : memref<8x8x512xf32, #tpu.memory_space<vmem>>, vector<16xf32>,
          %parallel_loop3A_189 = arith.constant 1 : i32
          %parallel_loop3A_190 = arith.addi %parallel_loop3A_152, %parallel_loop3A_189 : i32
          %parallel_loop3A_191 = arith.index_cast %parallel_loop3A_147 : i32 to index
          %parallel_loop3A_192 = arith.index_cast %parallel_loop3A_190 : i32 to index
          %parallel_loop3A_193 = arith.constant 32 : index
          %parallel_loop3A_194 = tpu.vector_load %arg6[%parallel_loop3A_191, %parallel_loop3A_192, %parallel_loop3A_193] {strides = array<i32>} : memref<8x8x512xf32, #tpu.memory_space<vmem>>, vector<16xf32>,
          %parallel_loop3A_195 = tpu.pack_subelements %parallel_loop3A_188, %parallel_loop3A_194 {pack_format = #tpu.pack_format<interleaved>, positions = array<i32: 0, 1>} : vector<16xf32>, vector<16xf32> -> vector<32xbf16>
          %parallel_loop3A_196 = vector.bitcast %parallel_loop3A_195 : vector<32xbf16> to vector<16xi32>
          %parallel_loop3A_197 = arith.constant 1280 : i32
          %parallel_loop3A_198 = arith.addi %parallel_loop3A_197, %parallel_loop3A_123 : i32
          %parallel_loop3A_199 = vector.broadcast %parallel_loop3A_198 : i32 to vector<16xi32>
          %parallel_loop3A_200 = arith.addi %mul3A_7, %parallel_loop3A_199 : vector<16xi32>
          tpu.vector_store_idx %arg8[%parallel_loop3A_200], %parallel_loop3A_196 : memref<20480xi32, #tpu.memory_space<vmem>>[vector<16xi32>], vector<16xi32>,
          %parallel_loop3A_201 = arith.index_cast %parallel_loop3A_147 : i32 to index
          %parallel_loop3A_202 = arith.index_cast %parallel_loop3A_152 : i32 to index
          %parallel_loop3A_203 = arith.constant 48 : index
          %parallel_loop3A_204 = tpu.vector_load %arg6[%parallel_loop3A_201, %parallel_loop3A_202, %parallel_loop3A_203] {strides = array<i32>} : memref<8x8x512xf32, #tpu.memory_space<vmem>>, vector<16xf32>,
          %parallel_loop3A_205 = arith.constant 1 : i32
          %parallel_loop3A_206 = arith.addi %parallel_loop3A_152, %parallel_loop3A_205 : i32
          %parallel_loop3A_207 = arith.index_cast %parallel_loop3A_147 : i32 to index
          %parallel_loop3A_208 = arith.index_cast %parallel_loop3A_206 : i32 to index
          %parallel_loop3A_209 = arith.constant 48 : index
          %parallel_loop3A_210 = tpu.vector_load %arg6[%parallel_loop3A_207, %parallel_loop3A_208, %parallel_loop3A_209] {strides = array<i32>} : memref<8x8x512xf32, #tpu.memory_space<vmem>>, vector<16xf32>,
          %parallel_loop3A_211 = tpu.pack_subelements %parallel_loop3A_204, %parallel_loop3A_210 {pack_format = #tpu.pack_format<interleaved>, positions = array<i32: 0, 1>} : vector<16xf32>, vector<16xf32> -> vector<32xbf16>
          %parallel_loop3A_212 = vector.bitcast %parallel_loop3A_211 : vector<32xbf16> to vector<16xi32>
          %parallel_loop3A_213 = arith.constant 1920 : i32
          %parallel_loop3A_214 = arith.addi %parallel_loop3A_213, %parallel_loop3A_123 : i32
          %parallel_loop3A_215 = vector.broadcast %parallel_loop3A_214 : i32 to vector<16xi32>
          %parallel_loop3A_216 = arith.addi %mul3A_7, %parallel_loop3A_215 : vector<16xi32>
          tpu.vector_store_idx %arg8[%parallel_loop3A_216], %parallel_loop3A_212 : memref<20480xi32, #tpu.memory_space<vmem>>[vector<16xi32>], vector<16xi32>,
          %parallel_loop3A_217 = arith.index_cast %parallel_loop3A_147 : i32 to index
          %parallel_loop3A_218 = arith.index_cast %parallel_loop3A_152 : i32 to index
          %parallel_loop3A_219 = arith.constant 64 : index
          %parallel_loop3A_220 = tpu.vector_load %arg6[%parallel_loop3A_217, %parallel_loop3A_218, %parallel_loop3A_219] {strides = array<i32>} : memref<8x8x512xf32, #tpu.memory_space<vmem>>, vector<16xf32>,
          %parallel_loop3A_221 = arith.constant 1 : i32
          %parallel_loop3A_222 = arith.addi %parallel_loop3A_152, %parallel_loop3A_221 : i32
          %parallel_loop3A_223 = arith.index_cast %parallel_loop3A_147 : i32 to index
          %parallel_loop3A_224 = arith.index_cast %parallel_loop3A_222 : i32 to index
          %parallel_loop3A_225 = arith.constant 64 : index
          %parallel_loop3A_226 = tpu.vector_load %arg6[%parallel_loop3A_223, %parallel_loop3A_224, %parallel_loop3A_225] {strides = array<i32>} : memref<8x8x512xf32, #tpu.memory_space<vmem>>, vector<16xf32>,
          %parallel_loop3A_227 = tpu.pack_subelements %parallel_loop3A_220, %parallel_loop3A_226 {pack_format = #tpu.pack_format<interleaved>, positions = array<i32: 0, 1>} : vector<16xf32>, vector<16xf32> -> vector<32xbf16>
          %parallel_loop3A_228 = vector.bitcast %parallel_loop3A_227 : vector<32xbf16> to vector<16xi32>
          %parallel_loop3A_229 = arith.constant 2560 : i32
          %parallel_loop3A_230 = arith.addi %parallel_loop3A_229, %parallel_loop3A_123 : i32
          %parallel_loop3A_231 = vector.broadcast %parallel_loop3A_230 : i32 to vector<16xi32>
          %parallel_loop3A_232 = arith.addi %mul3A_7, %parallel_loop3A_231 : vector<16xi32>
          tpu.vector_store_idx %arg8[%parallel_loop3A_232], %parallel_loop3A_228 : memref<20480xi32, #tpu.memory_space<vmem>>[vector<16xi32>], vector<16xi32>,
          %parallel_loop3A_233 = arith.index_cast %parallel_loop3A_147 : i32 to index
          %parallel_loop3A_234 = arith.index_cast %parallel_loop3A_152 : i32 to index
          %parallel_loop3A_235 = arith.constant 80 : index
          %parallel_loop3A_236 = tpu.vector_load %arg6[%parallel_loop3A_233, %parallel_loop3A_234, %parallel_loop3A_235] {strides = array<i32>} : memref<8x8x512xf32, #tpu.memory_space<vmem>>, vector<16xf32>,
          %parallel_loop3A_237 = arith.constant 1 : i32
          %parallel_loop3A_238 = arith.addi %parallel_loop3A_152, %parallel_loop3A_237 : i32
          %parallel_loop3A_239 = arith.index_cast %parallel_loop3A_147 : i32 to index
          %parallel_loop3A_240 = arith.index_cast %parallel_loop3A_238 : i32 to index
          %parallel_loop3A_241 = arith.constant 80 : index
          %parallel_loop3A_242 = tpu.vector_load %arg6[%parallel_loop3A_239, %parallel_loop3A_240, %parallel_loop3A_241] {strides = array<i32>} : memref<8x8x512xf32, #tpu.memory_space<vmem>>, vector<16xf32>,
          %parallel_loop3A_243 = tpu.pack_subelements %parallel_loop3A_236, %parallel_loop3A_242 {pack_format = #tpu.pack_format<interleaved>, positions = array<i32: 0, 1>} : vector<16xf32>, vector<16xf32> -> vector<32xbf16>
          %parallel_loop3A_244 = vector.bitcast %parallel_loop3A_243 : vector<32xbf16> to vector<16xi32>
          %parallel_loop3A_245 = arith.constant 3200 : i32
          %parallel_loop3A_246 = arith.addi %parallel_loop3A_245, %parallel_loop3A_123 : i32
          %parallel_loop3A_247 = vector.broadcast %parallel_loop3A_246 : i32 to vector<16xi32>
          %parallel_loop3A_248 = arith.addi %mul3A_7, %parallel_loop3A_247 : vector<16xi32>
          tpu.vector_store_idx %arg8[%parallel_loop3A_248], %parallel_loop3A_244 : memref<20480xi32, #tpu.memory_space<vmem>>[vector<16xi32>], vector<16xi32>,
          %parallel_loop3A_249 = arith.index_cast %parallel_loop3A_147 : i32 to index
          %parallel_loop3A_250 = arith.index_cast %parallel_loop3A_152 : i32 to index
          %parallel_loop3A_251 = arith.constant 96 : index
          %parallel_loop3A_252 = tpu.vector_load %arg6[%parallel_loop3A_249, %parallel_loop3A_250, %parallel_loop3A_251] {strides = array<i32>} : memref<8x8x512xf32, #tpu.memory_space<vmem>>, vector<16xf32>,
          %parallel_loop3A_253 = arith.constant 1 : i32
          %parallel_loop3A_254 = arith.addi %parallel_loop3A_152, %parallel_loop3A_253 : i32
          %parallel_loop3A_255 = arith.index_cast %parallel_loop3A_147 : i32 to index
          %parallel_loop3A_256 = arith.index_cast %parallel_loop3A_254 : i32 to index
          %parallel_loop3A_257 = arith.constant 96 : index
          %parallel_loop3A_258 = tpu.vector_load %arg6[%parallel_loop3A_255, %parallel_loop3A_256, %parallel_loop3A_257] {strides = array<i32>} : memref<8x8x512xf32, #tpu.memory_space<vmem>>, vector<16xf32>,
          %parallel_loop3A_259 = tpu.pack_subelements %parallel_loop3A_252, %parallel_loop3A_258 {pack_format = #tpu.pack_format<interleaved>, positions = array<i32: 0, 1>} : vector<16xf32>, vector<16xf32> -> vector<32xbf16>
          %parallel_loop3A_260 = vector.bitcast %parallel_loop3A_259 : vector<32xbf16> to vector<16xi32>
          %parallel_loop3A_261 = arith.constant 3840 : i32
          %parallel_loop3A_262 = arith.addi %parallel_loop3A_261, %parallel_loop3A_123 : i32
          %parallel_loop3A_263 = vector.broadcast %parallel_loop3A_262 : i32 to vector<16xi32>
          %parallel_loop3A_264 = arith.addi %mul3A_7, %parallel_loop3A_263 : vector<16xi32>
          tpu.vector_store_idx %arg8[%parallel_loop3A_264], %parallel_loop3A_260 : memref<20480xi32, #tpu.memory_space<vmem>>[vector<16xi32>], vector<16xi32>,
          %parallel_loop3A_265 = arith.index_cast %parallel_loop3A_147 : i32 to index
          %parallel_loop3A_266 = arith.index_cast %parallel_loop3A_152 : i32 to index
          %parallel_loop3A_267 = arith.constant 112 : index
          %parallel_loop3A_268 = tpu.vector_load %arg6[%parallel_loop3A_265, %parallel_loop3A_266, %parallel_loop3A_267] {strides = array<i32>} : memref<8x8x512xf32, #tpu.memory_space<vmem>>, vector<16xf32>,
          %parallel_loop3A_269 = arith.constant 1 : i32
          %parallel_loop3A_270 = arith.addi %parallel_loop3A_152, %parallel_loop3A_269 : i32
          %parallel_loop3A_271 = arith.index_cast %parallel_loop3A_147 : i32 to index
          %parallel_loop3A_272 = arith.index_cast %parallel_loop3A_270 : i32 to index
          %parallel_loop3A_273 = arith.constant 112 : index
          %parallel_loop3A_274 = tpu.vector_load %arg6[%parallel_loop3A_271, %parallel_loop3A_272, %parallel_loop3A_273] {strides = array<i32>} : memref<8x8x512xf32, #tpu.memory_space<vmem>>, vector<16xf32>,
          %parallel_loop3A_275 = tpu.pack_subelements %parallel_loop3A_268, %parallel_loop3A_274 {pack_format = #tpu.pack_format<interleaved>, positions = array<i32: 0, 1>} : vector<16xf32>, vector<16xf32> -> vector<32xbf16>
          %parallel_loop3A_276 = vector.bitcast %parallel_loop3A_275 : vector<32xbf16> to vector<16xi32>
          %parallel_loop3A_277 = arith.constant 4480 : i32
          %parallel_loop3A_278 = arith.addi %parallel_loop3A_277, %parallel_loop3A_123 : i32
          %parallel_loop3A_279 = vector.broadcast %parallel_loop3A_278 : i32 to vector<16xi32>
          %parallel_loop3A_280 = arith.addi %mul3A_7, %parallel_loop3A_279 : vector<16xi32>
          tpu.vector_store_idx %arg8[%parallel_loop3A_280], %parallel_loop3A_276 : memref<20480xi32, #tpu.memory_space<vmem>>[vector<16xi32>], vector<16xi32>,
          %parallel_loop3A_281 = arith.index_cast %parallel_loop3A_147 : i32 to index
          %parallel_loop3A_282 = arith.index_cast %parallel_loop3A_152 : i32 to index
          %parallel_loop3A_283 = arith.constant 128 : index
          %parallel_loop3A_284 = tpu.vector_load %arg6[%parallel_loop3A_281, %parallel_loop3A_282, %parallel_loop3A_283] {strides = array<i32>} : memref<8x8x512xf32, #tpu.memory_space<vmem>>, vector<16xf32>,
          %parallel_loop3A_285 = arith.constant 1 : i32
          %parallel_loop3A_286 = arith.addi %parallel_loop3A_152, %parallel_loop3A_285 : i32
          %parallel_loop3A_287 = arith.index_cast %parallel_loop3A_147 : i32 to index
          %parallel_loop3A_288 = arith.index_cast %parallel_loop3A_286 : i32 to index
          %parallel_loop3A_289 = arith.constant 128 : index
          %parallel_loop3A_290 = tpu.vector_load %arg6[%parallel_loop3A_287, %parallel_loop3A_288, %parallel_loop3A_289] {strides = array<i32>} : memref<8x8x512xf32, #tpu.memory_space<vmem>>, vector<16xf32>,
          %parallel_loop3A_291 = tpu.pack_subelements %parallel_loop3A_284, %parallel_loop3A_290 {pack_format = #tpu.pack_format<interleaved>, positions = array<i32: 0, 1>} : vector<16xf32>, vector<16xf32> -> vector<32xbf16>
          %parallel_loop3A_292 = vector.bitcast %parallel_loop3A_291 : vector<32xbf16> to vector<16xi32>
          %parallel_loop3A_293 = arith.constant 5120 : i32
          %parallel_loop3A_294 = arith.addi %parallel_loop3A_293, %parallel_loop3A_123 : i32
          %parallel_loop3A_295 = vector.broadcast %parallel_loop3A_294 : i32 to vector<16xi32>
          %parallel_loop3A_296 = arith.addi %mul3A_7, %parallel_loop3A_295 : vector<16xi32>
          tpu.vector_store_idx %arg8[%parallel_loop3A_296], %parallel_loop3A_292 : memref<20480xi32, #tpu.memory_space<vmem>>[vector<16xi32>], vector<16xi32>,
          %parallel_loop3A_297 = arith.index_cast %parallel_loop3A_147 : i32 to index
          %parallel_loop3A_298 = arith.index_cast %parallel_loop3A_152 : i32 to index
          %parallel_loop3A_299 = arith.constant 144 : index
          %parallel_loop3A_300 = tpu.vector_load %arg6[%parallel_loop3A_297, %parallel_loop3A_298, %parallel_loop3A_299] {strides = array<i32>} : memref<8x8x512xf32, #tpu.memory_space<vmem>>, vector<16xf32>,
          %parallel_loop3A_301 = arith.constant 1 : i32
          %parallel_loop3A_302 = arith.addi %parallel_loop3A_152, %parallel_loop3A_301 : i32
          %parallel_loop3A_303 = arith.index_cast %parallel_loop3A_147 : i32 to index
          %parallel_loop3A_304 = arith.index_cast %parallel_loop3A_302 : i32 to index
          %parallel_loop3A_305 = arith.constant 144 : index
          %parallel_loop3A_306 = tpu.vector_load %arg6[%parallel_loop3A_303, %parallel_loop3A_304, %parallel_loop3A_305] {strides = array<i32>} : memref<8x8x512xf32, #tpu.memory_space<vmem>>, vector<16xf32>,
          %parallel_loop3A_307 = tpu.pack_subelements %parallel_loop3A_300, %parallel_loop3A_306 {pack_format = #tpu.pack_format<interleaved>, positions = array<i32: 0, 1>} : vector<16xf32>, vector<16xf32> -> vector<32xbf16>
          %parallel_loop3A_308 = vector.bitcast %parallel_loop3A_307 : vector<32xbf16> to vector<16xi32>
          %parallel_loop3A_309 = arith.constant 5760 : i32
          %parallel_loop3A_310 = arith.addi %parallel_loop3A_309, %parallel_loop3A_123 : i32
          %parallel_loop3A_311 = vector.broadcast %parallel_loop3A_310 : i32 to vector<16xi32>
          %parallel_loop3A_312 = arith.addi %mul3A_7, %parallel_loop3A_311 : vector<16xi32>
          tpu.vector_store_idx %arg8[%parallel_loop3A_312], %parallel_loop3A_308 : memref<20480xi32, #tpu.memory_space<vmem>>[vector<16xi32>], vector<16xi32>,
          %parallel_loop3A_313 = arith.index_cast %parallel_loop3A_147 : i32 to index
          %parallel_loop3A_314 = arith.index_cast %parallel_loop3A_152 : i32 to index
          %parallel_loop3A_315 = arith.constant 160 : index
          %parallel_loop3A_316 = tpu.vector_load %arg6[%parallel_loop3A_313, %parallel_loop3A_314, %parallel_loop3A_315] {strides = array<i32>} : memref<8x8x512xf32, #tpu.memory_space<vmem>>, vector<16xf32>,
          %parallel_loop3A_317 = arith.constant 1 : i32
          %parallel_loop3A_318 = arith.addi %parallel_loop3A_152, %parallel_loop3A_317 : i32
          %parallel_loop3A_319 = arith.index_cast %parallel_loop3A_147 : i32 to index
          %parallel_loop3A_320 = arith.index_cast %parallel_loop3A_318 : i32 to index
          %parallel_loop3A_321 = arith.constant 160 : index
          %parallel_loop3A_322 = tpu.vector_load %arg6[%parallel_loop3A_319, %parallel_loop3A_320, %parallel_loop3A_321] {strides = array<i32>} : memref<8x8x512xf32, #tpu.memory_space<vmem>>, vector<16xf32>,
          %parallel_loop3A_323 = tpu.pack_subelements %parallel_loop3A_316, %parallel_loop3A_322 {pack_format = #tpu.pack_format<interleaved>, positions = array<i32: 0, 1>} : vector<16xf32>, vector<16xf32> -> vector<32xbf16>
          %parallel_loop3A_324 = vector.bitcast %parallel_loop3A_323 : vector<32xbf16> to vector<16xi32>
          %parallel_loop3A_325 = arith.constant 6400 : i32
          %parallel_loop3A_326 = arith.addi %parallel_loop3A_325, %parallel_loop3A_123 : i32
          %parallel_loop3A_327 = vector.broadcast %parallel_loop3A_326 : i32 to vector<16xi32>
          %parallel_loop3A_328 = arith.addi %mul3A_7, %parallel_loop3A_327 : vector<16xi32>
          tpu.vector_store_idx %arg8[%parallel_loop3A_328], %parallel_loop3A_324 : memref<20480xi32, #tpu.memory_space<vmem>>[vector<16xi32>], vector<16xi32>,
          %parallel_loop3A_329 = arith.index_cast %parallel_loop3A_147 : i32 to index
          %parallel_loop3A_330 = arith.index_cast %parallel_loop3A_152 : i32 to index
          %parallel_loop3A_331 = arith.constant 176 : index
          %parallel_loop3A_332 = tpu.vector_load %arg6[%parallel_loop3A_329, %parallel_loop3A_330, %parallel_loop3A_331] {strides = array<i32>} : memref<8x8x512xf32, #tpu.memory_space<vmem>>, vector<16xf32>,
          %parallel_loop3A_333 = arith.constant 1 : i32
          %parallel_loop3A_334 = arith.addi %parallel_loop3A_152, %parallel_loop3A_333 : i32
          %parallel_loop3A_335 = arith.index_cast %parallel_loop3A_147 : i32 to index
          %parallel_loop3A_336 = arith.index_cast %parallel_loop3A_334 : i32 to index
          %parallel_loop3A_337 = arith.constant 176 : index
          %parallel_loop3A_338 = tpu.vector_load %arg6[%parallel_loop3A_335, %parallel_loop3A_336, %parallel_loop3A_337] {strides = array<i32>} : memref<8x8x512xf32, #tpu.memory_space<vmem>>, vector<16xf32>,
          %parallel_loop3A_339 = tpu.pack_subelements %parallel_loop3A_332, %parallel_loop3A_338 {pack_format = #tpu.pack_format<interleaved>, positions = array<i32: 0, 1>} : vector<16xf32>, vector<16xf32> -> vector<32xbf16>
          %parallel_loop3A_340 = vector.bitcast %parallel_loop3A_339 : vector<32xbf16> to vector<16xi32>
          %parallel_loop3A_341 = arith.constant 7040 : i32
          %parallel_loop3A_342 = arith.addi %parallel_loop3A_341, %parallel_loop3A_123 : i32
          %parallel_loop3A_343 = vector.broadcast %parallel_loop3A_342 : i32 to vector<16xi32>
          %parallel_loop3A_344 = arith.addi %mul3A_7, %parallel_loop3A_343 : vector<16xi32>
          tpu.vector_store_idx %arg8[%parallel_loop3A_344], %parallel_loop3A_340 : memref<20480xi32, #tpu.memory_space<vmem>>[vector<16xi32>], vector<16xi32>,
          %parallel_loop3A_345 = arith.index_cast %parallel_loop3A_147 : i32 to index
          %parallel_loop3A_346 = arith.index_cast %parallel_loop3A_152 : i32 to index
          %parallel_loop3A_347 = arith.constant 192 : index
          %parallel_loop3A_348 = tpu.vector_load %arg6[%parallel_loop3A_345, %parallel_loop3A_346, %parallel_loop3A_347] {strides = array<i32>} : memref<8x8x512xf32, #tpu.memory_space<vmem>>, vector<16xf32>,
          %parallel_loop3A_349 = arith.constant 1 : i32
          %parallel_loop3A_350 = arith.addi %parallel_loop3A_152, %parallel_loop3A_349 : i32
          %parallel_loop3A_351 = arith.index_cast %parallel_loop3A_147 : i32 to index
          %parallel_loop3A_352 = arith.index_cast %parallel_loop3A_350 : i32 to index
          %parallel_loop3A_353 = arith.constant 192 : index
          %parallel_loop3A_354 = tpu.vector_load %arg6[%parallel_loop3A_351, %parallel_loop3A_352, %parallel_loop3A_353] {strides = array<i32>} : memref<8x8x512xf32, #tpu.memory_space<vmem>>, vector<16xf32>,
          %parallel_loop3A_355 = tpu.pack_subelements %parallel_loop3A_348, %parallel_loop3A_354 {pack_format = #tpu.pack_format<interleaved>, positions = array<i32: 0, 1>} : vector<16xf32>, vector<16xf32> -> vector<32xbf16>
          %parallel_loop3A_356 = vector.bitcast %parallel_loop3A_355 : vector<32xbf16> to vector<16xi32>
          %parallel_loop3A_357 = arith.constant 7680 : i32
          %parallel_loop3A_358 = arith.addi %parallel_loop3A_357, %parallel_loop3A_123 : i32
          %parallel_loop3A_359 = vector.broadcast %parallel_loop3A_358 : i32 to vector<16xi32>
          %parallel_loop3A_360 = arith.addi %mul3A_7, %parallel_loop3A_359 : vector<16xi32>
          tpu.vector_store_idx %arg8[%parallel_loop3A_360], %parallel_loop3A_356 : memref<20480xi32, #tpu.memory_space<vmem>>[vector<16xi32>], vector<16xi32>,
          %parallel_loop3A_361 = arith.index_cast %parallel_loop3A_147 : i32 to index
          %parallel_loop3A_362 = arith.index_cast %parallel_loop3A_152 : i32 to index
          %parallel_loop3A_363 = arith.constant 208 : index
          %parallel_loop3A_364 = tpu.vector_load %arg6[%parallel_loop3A_361, %parallel_loop3A_362, %parallel_loop3A_363] {strides = array<i32>} : memref<8x8x512xf32, #tpu.memory_space<vmem>>, vector<16xf32>,
          %parallel_loop3A_365 = arith.constant 1 : i32
          %parallel_loop3A_366 = arith.addi %parallel_loop3A_152, %parallel_loop3A_365 : i32
          %parallel_loop3A_367 = arith.index_cast %parallel_loop3A_147 : i32 to index
          %parallel_loop3A_368 = arith.index_cast %parallel_loop3A_366 : i32 to index
          %parallel_loop3A_369 = arith.constant 208 : index
          %parallel_loop3A_370 = tpu.vector_load %arg6[%parallel_loop3A_367, %parallel_loop3A_368, %parallel_loop3A_369] {strides = array<i32>} : memref<8x8x512xf32, #tpu.memory_space<vmem>>, vector<16xf32>,
          %parallel_loop3A_371 = tpu.pack_subelements %parallel_loop3A_364, %parallel_loop3A_370 {pack_format = #tpu.pack_format<interleaved>, positions = array<i32: 0, 1>} : vector<16xf32>, vector<16xf32> -> vector<32xbf16>
          %parallel_loop3A_372 = vector.bitcast %parallel_loop3A_371 : vector<32xbf16> to vector<16xi32>
          %parallel_loop3A_373 = arith.constant 8320 : i32
          %parallel_loop3A_374 = arith.addi %parallel_loop3A_373, %parallel_loop3A_123 : i32
          %parallel_loop3A_375 = vector.broadcast %parallel_loop3A_374 : i32 to vector<16xi32>
          %parallel_loop3A_376 = arith.addi %mul3A_7, %parallel_loop3A_375 : vector<16xi32>
          tpu.vector_store_idx %arg8[%parallel_loop3A_376], %parallel_loop3A_372 : memref<20480xi32, #tpu.memory_space<vmem>>[vector<16xi32>], vector<16xi32>,
          %parallel_loop3A_377 = arith.index_cast %parallel_loop3A_147 : i32 to index
          %parallel_loop3A_378 = arith.index_cast %parallel_loop3A_152 : i32 to index
          %parallel_loop3A_379 = arith.constant 224 : index
          %parallel_loop3A_380 = tpu.vector_load %arg6[%parallel_loop3A_377, %parallel_loop3A_378, %parallel_loop3A_379] {strides = array<i32>} : memref<8x8x512xf32, #tpu.memory_space<vmem>>, vector<16xf32>,
          %parallel_loop3A_381 = arith.constant 1 : i32
          %parallel_loop3A_382 = arith.addi %parallel_loop3A_152, %parallel_loop3A_381 : i32
          %parallel_loop3A_383 = arith.index_cast %parallel_loop3A_147 : i32 to index
          %parallel_loop3A_384 = arith.index_cast %parallel_loop3A_382 : i32 to index
          %parallel_loop3A_385 = arith.constant 224 : index
          %parallel_loop3A_386 = tpu.vector_load %arg6[%parallel_loop3A_383, %parallel_loop3A_384, %parallel_loop3A_385] {strides = array<i32>} : memref<8x8x512xf32, #tpu.memory_space<vmem>>, vector<16xf32>,
          %parallel_loop3A_387 = tpu.pack_subelements %parallel_loop3A_380, %parallel_loop3A_386 {pack_format = #tpu.pack_format<interleaved>, positions = array<i32: 0, 1>} : vector<16xf32>, vector<16xf32> -> vector<32xbf16>
          %parallel_loop3A_388 = vector.bitcast %parallel_loop3A_387 : vector<32xbf16> to vector<16xi32>
          %parallel_loop3A_389 = arith.constant 8960 : i32
          %parallel_loop3A_390 = arith.addi %parallel_loop3A_389, %parallel_loop3A_123 : i32
          %parallel_loop3A_391 = vector.broadcast %parallel_loop3A_390 : i32 to vector<16xi32>
          %parallel_loop3A_392 = arith.addi %mul3A_7, %parallel_loop3A_391 : vector<16xi32>
          tpu.vector_store_idx %arg8[%parallel_loop3A_392], %parallel_loop3A_388 : memref<20480xi32, #tpu.memory_space<vmem>>[vector<16xi32>], vector<16xi32>,
          %parallel_loop3A_393 = arith.index_cast %parallel_loop3A_147 : i32 to index
          %parallel_loop3A_394 = arith.index_cast %parallel_loop3A_152 : i32 to index
          %parallel_loop3A_395 = arith.constant 240 : index
          %parallel_loop3A_396 = tpu.vector_load %arg6[%parallel_loop3A_393, %parallel_loop3A_394, %parallel_loop3A_395] {strides = array<i32>} : memref<8x8x512xf32, #tpu.memory_space<vmem>>, vector<16xf32>,
          %parallel_loop3A_397 = arith.constant 1 : i32
          %parallel_loop3A_398 = arith.addi %parallel_loop3A_152, %parallel_loop3A_397 : i32
          %parallel_loop3A_399 = arith.index_cast %parallel_loop3A_147 : i32 to index
          %parallel_loop3A_400 = arith.index_cast %parallel_loop3A_398 : i32 to index
          %parallel_loop3A_401 = arith.constant 240 : index
          %parallel_loop3A_402 = tpu.vector_load %arg6[%parallel_loop3A_399, %parallel_loop3A_400, %parallel_loop3A_401] {strides = array<i32>} : memref<8x8x512xf32, #tpu.memory_space<vmem>>, vector<16xf32>,
          %parallel_loop3A_403 = tpu.pack_subelements %parallel_loop3A_396, %parallel_loop3A_402 {pack_format = #tpu.pack_format<interleaved>, positions = array<i32: 0, 1>} : vector<16xf32>, vector<16xf32> -> vector<32xbf16>
          %parallel_loop3A_404 = vector.bitcast %parallel_loop3A_403 : vector<32xbf16> to vector<16xi32>
          %parallel_loop3A_405 = arith.constant 9600 : i32
          %parallel_loop3A_406 = arith.addi %parallel_loop3A_405, %parallel_loop3A_123 : i32
          %parallel_loop3A_407 = vector.broadcast %parallel_loop3A_406 : i32 to vector<16xi32>
          %parallel_loop3A_408 = arith.addi %mul3A_7, %parallel_loop3A_407 : vector<16xi32>
          tpu.vector_store_idx %arg8[%parallel_loop3A_408], %parallel_loop3A_404 : memref<20480xi32, #tpu.memory_space<vmem>>[vector<16xi32>], vector<16xi32>,
          %parallel_loop3A_409 = arith.index_cast %parallel_loop3A_147 : i32 to index
          %parallel_loop3A_410 = arith.index_cast %parallel_loop3A_152 : i32 to index
          %parallel_loop3A_411 = arith.constant 256 : index
          %parallel_loop3A_412 = tpu.vector_load %arg6[%parallel_loop3A_409, %parallel_loop3A_410, %parallel_loop3A_411] {strides = array<i32>} : memref<8x8x512xf32, #tpu.memory_space<vmem>>, vector<16xf32>,
          %parallel_loop3A_413 = arith.constant 1 : i32
          %parallel_loop3A_414 = arith.addi %parallel_loop3A_152, %parallel_loop3A_413 : i32
          %parallel_loop3A_415 = arith.index_cast %parallel_loop3A_147 : i32 to index
          %parallel_loop3A_416 = arith.index_cast %parallel_loop3A_414 : i32 to index
          %parallel_loop3A_417 = arith.constant 256 : index
          %parallel_loop3A_418 = tpu.vector_load %arg6[%parallel_loop3A_415, %parallel_loop3A_416, %parallel_loop3A_417] {strides = array<i32>} : memref<8x8x512xf32, #tpu.memory_space<vmem>>, vector<16xf32>,
          %parallel_loop3A_419 = tpu.pack_subelements %parallel_loop3A_412, %parallel_loop3A_418 {pack_format = #tpu.pack_format<interleaved>, positions = array<i32: 0, 1>} : vector<16xf32>, vector<16xf32> -> vector<32xbf16>
          %parallel_loop3A_420 = vector.bitcast %parallel_loop3A_419 : vector<32xbf16> to vector<16xi32>
          %parallel_loop3A_421 = arith.constant 10240 : i32
          %parallel_loop3A_422 = arith.addi %parallel_loop3A_421, %parallel_loop3A_123 : i32
          %parallel_loop3A_423 = vector.broadcast %parallel_loop3A_422 : i32 to vector<16xi32>
          %parallel_loop3A_424 = arith.addi %mul3A_7, %parallel_loop3A_423 : vector<16xi32>
          tpu.vector_store_idx %arg8[%parallel_loop3A_424], %parallel_loop3A_420 : memref<20480xi32, #tpu.memory_space<vmem>>[vector<16xi32>], vector<16xi32>,
          %parallel_loop3A_425 = arith.index_cast %parallel_loop3A_147 : i32 to index
          %parallel_loop3A_426 = arith.index_cast %parallel_loop3A_152 : i32 to index
          %parallel_loop3A_427 = arith.constant 272 : index
          %parallel_loop3A_428 = tpu.vector_load %arg6[%parallel_loop3A_425, %parallel_loop3A_426, %parallel_loop3A_427] {strides = array<i32>} : memref<8x8x512xf32, #tpu.memory_space<vmem>>, vector<16xf32>,
          %parallel_loop3A_429 = arith.constant 1 : i32
          %parallel_loop3A_430 = arith.addi %parallel_loop3A_152, %parallel_loop3A_429 : i32
          %parallel_loop3A_431 = arith.index_cast %parallel_loop3A_147 : i32 to index
          %parallel_loop3A_432 = arith.index_cast %parallel_loop3A_430 : i32 to index
          %parallel_loop3A_433 = arith.constant 272 : index
          %parallel_loop3A_434 = tpu.vector_load %arg6[%parallel_loop3A_431, %parallel_loop3A_432, %parallel_loop3A_433] {strides = array<i32>} : memref<8x8x512xf32, #tpu.memory_space<vmem>>, vector<16xf32>,
          %parallel_loop3A_435 = tpu.pack_subelements %parallel_loop3A_428, %parallel_loop3A_434 {pack_format = #tpu.pack_format<interleaved>, positions = array<i32: 0, 1>} : vector<16xf32>, vector<16xf32> -> vector<32xbf16>
          %parallel_loop3A_436 = vector.bitcast %parallel_loop3A_435 : vector<32xbf16> to vector<16xi32>
          %parallel_loop3A_437 = arith.constant 10880 : i32
          %parallel_loop3A_438 = arith.addi %parallel_loop3A_437, %parallel_loop3A_123 : i32
          %parallel_loop3A_439 = vector.broadcast %parallel_loop3A_438 : i32 to vector<16xi32>
          %parallel_loop3A_440 = arith.addi %mul3A_7, %parallel_loop3A_439 : vector<16xi32>
          tpu.vector_store_idx %arg8[%parallel_loop3A_440], %parallel_loop3A_436 : memref<20480xi32, #tpu.memory_space<vmem>>[vector<16xi32>], vector<16xi32>,
          %parallel_loop3A_441 = arith.index_cast %parallel_loop3A_147 : i32 to index
          %parallel_loop3A_442 = arith.index_cast %parallel_loop3A_152 : i32 to index
          %parallel_loop3A_443 = arith.constant 288 : index
          %parallel_loop3A_444 = tpu.vector_load %arg6[%parallel_loop3A_441, %parallel_loop3A_442, %parallel_loop3A_443] {strides = array<i32>} : memref<8x8x512xf32, #tpu.memory_space<vmem>>, vector<16xf32>,
          %parallel_loop3A_445 = arith.constant 1 : i32
          %parallel_loop3A_446 = arith.addi %parallel_loop3A_152, %parallel_loop3A_445 : i32
          %parallel_loop3A_447 = arith.index_cast %parallel_loop3A_147 : i32 to index
          %parallel_loop3A_448 = arith.index_cast %parallel_loop3A_446 : i32 to index
          %parallel_loop3A_449 = arith.constant 288 : index
          %parallel_loop3A_450 = tpu.vector_load %arg6[%parallel_loop3A_447, %parallel_loop3A_448, %parallel_loop3A_449] {strides = array<i32>} : memref<8x8x512xf32, #tpu.memory_space<vmem>>, vector<16xf32>,
          %parallel_loop3A_451 = tpu.pack_subelements %parallel_loop3A_444, %parallel_loop3A_450 {pack_format = #tpu.pack_format<interleaved>, positions = array<i32: 0, 1>} : vector<16xf32>, vector<16xf32> -> vector<32xbf16>
          %parallel_loop3A_452 = vector.bitcast %parallel_loop3A_451 : vector<32xbf16> to vector<16xi32>
          %parallel_loop3A_453 = arith.constant 11520 : i32
          %parallel_loop3A_454 = arith.addi %parallel_loop3A_453, %parallel_loop3A_123 : i32
          %parallel_loop3A_455 = vector.broadcast %parallel_loop3A_454 : i32 to vector<16xi32>
          %parallel_loop3A_456 = arith.addi %mul3A_7, %parallel_loop3A_455 : vector<16xi32>
          tpu.vector_store_idx %arg8[%parallel_loop3A_456], %parallel_loop3A_452 : memref<20480xi32, #tpu.memory_space<vmem>>[vector<16xi32>], vector<16xi32>,
          %parallel_loop3A_457 = arith.index_cast %parallel_loop3A_147 : i32 to index
          %parallel_loop3A_458 = arith.index_cast %parallel_loop3A_152 : i32 to index
          %parallel_loop3A_459 = arith.constant 304 : index
          %parallel_loop3A_460 = tpu.vector_load %arg6[%parallel_loop3A_457, %parallel_loop3A_458, %parallel_loop3A_459] {strides = array<i32>} : memref<8x8x512xf32, #tpu.memory_space<vmem>>, vector<16xf32>,
          %parallel_loop3A_461 = arith.constant 1 : i32
          %parallel_loop3A_462 = arith.addi %parallel_loop3A_152, %parallel_loop3A_461 : i32
          %parallel_loop3A_463 = arith.index_cast %parallel_loop3A_147 : i32 to index
          %parallel_loop3A_464 = arith.index_cast %parallel_loop3A_462 : i32 to index
          %parallel_loop3A_465 = arith.constant 304 : index
          %parallel_loop3A_466 = tpu.vector_load %arg6[%parallel_loop3A_463, %parallel_loop3A_464, %parallel_loop3A_465] {strides = array<i32>} : memref<8x8x512xf32, #tpu.memory_space<vmem>>, vector<16xf32>,
          %parallel_loop3A_467 = tpu.pack_subelements %parallel_loop3A_460, %parallel_loop3A_466 {pack_format = #tpu.pack_format<interleaved>, positions = array<i32: 0, 1>} : vector<16xf32>, vector<16xf32> -> vector<32xbf16>
          %parallel_loop3A_468 = vector.bitcast %parallel_loop3A_467 : vector<32xbf16> to vector<16xi32>
          %parallel_loop3A_469 = arith.constant 12160 : i32
          %parallel_loop3A_470 = arith.addi %parallel_loop3A_469, %parallel_loop3A_123 : i32
          %parallel_loop3A_471 = vector.broadcast %parallel_loop3A_470 : i32 to vector<16xi32>
          %parallel_loop3A_472 = arith.addi %mul3A_7, %parallel_loop3A_471 : vector<16xi32>
          tpu.vector_store_idx %arg8[%parallel_loop3A_472], %parallel_loop3A_468 : memref<20480xi32, #tpu.memory_space<vmem>>[vector<16xi32>], vector<16xi32>,
          %parallel_loop3A_473 = arith.index_cast %parallel_loop3A_147 : i32 to index
          %parallel_loop3A_474 = arith.index_cast %parallel_loop3A_152 : i32 to index
          %parallel_loop3A_475 = arith.constant 320 : index
          %parallel_loop3A_476 = tpu.vector_load %arg6[%parallel_loop3A_473, %parallel_loop3A_474, %parallel_loop3A_475] {strides = array<i32>} : memref<8x8x512xf32, #tpu.memory_space<vmem>>, vector<16xf32>,
          %parallel_loop3A_477 = arith.constant 1 : i32
          %parallel_loop3A_478 = arith.addi %parallel_loop3A_152, %parallel_loop3A_477 : i32
          %parallel_loop3A_479 = arith.index_cast %parallel_loop3A_147 : i32 to index
          %parallel_loop3A_480 = arith.index_cast %parallel_loop3A_478 : i32 to index
          %parallel_loop3A_481 = arith.constant 320 : index
          %parallel_loop3A_482 = tpu.vector_load %arg6[%parallel_loop3A_479, %parallel_loop3A_480, %parallel_loop3A_481] {strides = array<i32>} : memref<8x8x512xf32, #tpu.memory_space<vmem>>, vector<16xf32>,
          %parallel_loop3A_483 = tpu.pack_subelements %parallel_loop3A_476, %parallel_loop3A_482 {pack_format = #tpu.pack_format<interleaved>, positions = array<i32: 0, 1>} : vector<16xf32>, vector<16xf32> -> vector<32xbf16>
          %parallel_loop3A_484 = vector.bitcast %parallel_loop3A_483 : vector<32xbf16> to vector<16xi32>
          %parallel_loop3A_485 = arith.constant 12800 : i32
          %parallel_loop3A_486 = arith.addi %parallel_loop3A_485, %parallel_loop3A_123 : i32
          %parallel_loop3A_487 = vector.broadcast %parallel_loop3A_486 : i32 to vector<16xi32>
          %parallel_loop3A_488 = arith.addi %mul3A_7, %parallel_loop3A_487 : vector<16xi32>
          tpu.vector_store_idx %arg8[%parallel_loop3A_488], %parallel_loop3A_484 : memref<20480xi32, #tpu.memory_space<vmem>>[vector<16xi32>], vector<16xi32>,
          %parallel_loop3A_489 = arith.index_cast %parallel_loop3A_147 : i32 to index
          %parallel_loop3A_490 = arith.index_cast %parallel_loop3A_152 : i32 to index
          %parallel_loop3A_491 = arith.constant 336 : index
          %parallel_loop3A_492 = tpu.vector_load %arg6[%parallel_loop3A_489, %parallel_loop3A_490, %parallel_loop3A_491] {strides = array<i32>} : memref<8x8x512xf32, #tpu.memory_space<vmem>>, vector<16xf32>,
          %parallel_loop3A_493 = arith.constant 1 : i32
          %parallel_loop3A_494 = arith.addi %parallel_loop3A_152, %parallel_loop3A_493 : i32
          %parallel_loop3A_495 = arith.index_cast %parallel_loop3A_147 : i32 to index
          %parallel_loop3A_496 = arith.index_cast %parallel_loop3A_494 : i32 to index
          %parallel_loop3A_497 = arith.constant 336 : index
          %parallel_loop3A_498 = tpu.vector_load %arg6[%parallel_loop3A_495, %parallel_loop3A_496, %parallel_loop3A_497] {strides = array<i32>} : memref<8x8x512xf32, #tpu.memory_space<vmem>>, vector<16xf32>,
          %parallel_loop3A_499 = tpu.pack_subelements %parallel_loop3A_492, %parallel_loop3A_498 {pack_format = #tpu.pack_format<interleaved>, positions = array<i32: 0, 1>} : vector<16xf32>, vector<16xf32> -> vector<32xbf16>
          %parallel_loop3A_500 = vector.bitcast %parallel_loop3A_499 : vector<32xbf16> to vector<16xi32>
          %parallel_loop3A_501 = arith.constant 13440 : i32
          %parallel_loop3A_502 = arith.addi %parallel_loop3A_501, %parallel_loop3A_123 : i32
          %parallel_loop3A_503 = vector.broadcast %parallel_loop3A_502 : i32 to vector<16xi32>
          %parallel_loop3A_504 = arith.addi %mul3A_7, %parallel_loop3A_503 : vector<16xi32>
          tpu.vector_store_idx %arg8[%parallel_loop3A_504], %parallel_loop3A_500 : memref<20480xi32, #tpu.memory_space<vmem>>[vector<16xi32>], vector<16xi32>,
          %parallel_loop3A_505 = arith.index_cast %parallel_loop3A_147 : i32 to index
          %parallel_loop3A_506 = arith.index_cast %parallel_loop3A_152 : i32 to index
          %parallel_loop3A_507 = arith.constant 352 : index
          %parallel_loop3A_508 = tpu.vector_load %arg6[%parallel_loop3A_505, %parallel_loop3A_506, %parallel_loop3A_507] {strides = array<i32>} : memref<8x8x512xf32, #tpu.memory_space<vmem>>, vector<16xf32>,
          %parallel_loop3A_509 = arith.constant 1 : i32
          %parallel_loop3A_510 = arith.addi %parallel_loop3A_152, %parallel_loop3A_509 : i32
          %parallel_loop3A_511 = arith.index_cast %parallel_loop3A_147 : i32 to index
          %parallel_loop3A_512 = arith.index_cast %parallel_loop3A_510 : i32 to index
          %parallel_loop3A_513 = arith.constant 352 : index
          %parallel_loop3A_514 = tpu.vector_load %arg6[%parallel_loop3A_511, %parallel_loop3A_512, %parallel_loop3A_513] {strides = array<i32>} : memref<8x8x512xf32, #tpu.memory_space<vmem>>, vector<16xf32>,
          %parallel_loop3A_515 = tpu.pack_subelements %parallel_loop3A_508, %parallel_loop3A_514 {pack_format = #tpu.pack_format<interleaved>, positions = array<i32: 0, 1>} : vector<16xf32>, vector<16xf32> -> vector<32xbf16>
          %parallel_loop3A_516 = vector.bitcast %parallel_loop3A_515 : vector<32xbf16> to vector<16xi32>
          %parallel_loop3A_517 = arith.constant 14080 : i32
          %parallel_loop3A_518 = arith.addi %parallel_loop3A_517, %parallel_loop3A_123 : i32
          %parallel_loop3A_519 = vector.broadcast %parallel_loop3A_518 : i32 to vector<16xi32>
          %parallel_loop3A_520 = arith.addi %mul3A_7, %parallel_loop3A_519 : vector<16xi32>
          tpu.vector_store_idx %arg8[%parallel_loop3A_520], %parallel_loop3A_516 : memref<20480xi32, #tpu.memory_space<vmem>>[vector<16xi32>], vector<16xi32>,
          %parallel_loop3A_521 = arith.index_cast %parallel_loop3A_147 : i32 to index
          %parallel_loop3A_522 = arith.index_cast %parallel_loop3A_152 : i32 to index
          %parallel_loop3A_523 = arith.constant 368 : index
          %parallel_loop3A_524 = tpu.vector_load %arg6[%parallel_loop3A_521, %parallel_loop3A_522, %parallel_loop3A_523] {strides = array<i32>} : memref<8x8x512xf32, #tpu.memory_space<vmem>>, vector<16xf32>,
          %parallel_loop3A_525 = arith.constant 1 : i32
          %parallel_loop3A_526 = arith.addi %parallel_loop3A_152, %parallel_loop3A_525 : i32
          %parallel_loop3A_527 = arith.index_cast %parallel_loop3A_147 : i32 to index
          %parallel_loop3A_528 = arith.index_cast %parallel_loop3A_526 : i32 to index
          %parallel_loop3A_529 = arith.constant 368 : index
          %parallel_loop3A_530 = tpu.vector_load %arg6[%parallel_loop3A_527, %parallel_loop3A_528, %parallel_loop3A_529] {strides = array<i32>} : memref<8x8x512xf32, #tpu.memory_space<vmem>>, vector<16xf32>,
          %parallel_loop3A_531 = tpu.pack_subelements %parallel_loop3A_524, %parallel_loop3A_530 {pack_format = #tpu.pack_format<interleaved>, positions = array<i32: 0, 1>} : vector<16xf32>, vector<16xf32> -> vector<32xbf16>
          %parallel_loop3A_532 = vector.bitcast %parallel_loop3A_531 : vector<32xbf16> to vector<16xi32>
          %parallel_loop3A_533 = arith.constant 14720 : i32
          %parallel_loop3A_534 = arith.addi %parallel_loop3A_533, %parallel_loop3A_123 : i32
          %parallel_loop3A_535 = vector.broadcast %parallel_loop3A_534 : i32 to vector<16xi32>
          %parallel_loop3A_536 = arith.addi %mul3A_7, %parallel_loop3A_535 : vector<16xi32>
          tpu.vector_store_idx %arg8[%parallel_loop3A_536], %parallel_loop3A_532 : memref<20480xi32, #tpu.memory_space<vmem>>[vector<16xi32>], vector<16xi32>,
          %parallel_loop3A_537 = arith.index_cast %parallel_loop3A_147 : i32 to index
          %parallel_loop3A_538 = arith.index_cast %parallel_loop3A_152 : i32 to index
          %parallel_loop3A_539 = arith.constant 384 : index
          %parallel_loop3A_540 = tpu.vector_load %arg6[%parallel_loop3A_537, %parallel_loop3A_538, %parallel_loop3A_539] {strides = array<i32>} : memref<8x8x512xf32, #tpu.memory_space<vmem>>, vector<16xf32>,
          %parallel_loop3A_541 = arith.constant 1 : i32
          %parallel_loop3A_542 = arith.addi %parallel_loop3A_152, %parallel_loop3A_541 : i32
          %parallel_loop3A_543 = arith.index_cast %parallel_loop3A_147 : i32 to index
          %parallel_loop3A_544 = arith.index_cast %parallel_loop3A_542 : i32 to index
          %parallel_loop3A_545 = arith.constant 384 : index
          %parallel_loop3A_546 = tpu.vector_load %arg6[%parallel_loop3A_543, %parallel_loop3A_544, %parallel_loop3A_545] {strides = array<i32>} : memref<8x8x512xf32, #tpu.memory_space<vmem>>, vector<16xf32>,
          %parallel_loop3A_547 = tpu.pack_subelements %parallel_loop3A_540, %parallel_loop3A_546 {pack_format = #tpu.pack_format<interleaved>, positions = array<i32: 0, 1>} : vector<16xf32>, vector<16xf32> -> vector<32xbf16>
          %parallel_loop3A_548 = vector.bitcast %parallel_loop3A_547 : vector<32xbf16> to vector<16xi32>
          %parallel_loop3A_549 = arith.constant 15360 : i32
          %parallel_loop3A_550 = arith.addi %parallel_loop3A_549, %parallel_loop3A_123 : i32
          %parallel_loop3A_551 = vector.broadcast %parallel_loop3A_550 : i32 to vector<16xi32>
          %parallel_loop3A_552 = arith.addi %mul3A_7, %parallel_loop3A_551 : vector<16xi32>
          tpu.vector_store_idx %arg8[%parallel_loop3A_552], %parallel_loop3A_548 : memref<20480xi32, #tpu.memory_space<vmem>>[vector<16xi32>], vector<16xi32>,
          %parallel_loop3A_553 = arith.index_cast %parallel_loop3A_147 : i32 to index
          %parallel_loop3A_554 = arith.index_cast %parallel_loop3A_152 : i32 to index
          %parallel_loop3A_555 = arith.constant 400 : index
          %parallel_loop3A_556 = tpu.vector_load %arg6[%parallel_loop3A_553, %parallel_loop3A_554, %parallel_loop3A_555] {strides = array<i32>} : memref<8x8x512xf32, #tpu.memory_space<vmem>>, vector<16xf32>,
          %parallel_loop3A_557 = arith.constant 1 : i32
          %parallel_loop3A_558 = arith.addi %parallel_loop3A_152, %parallel_loop3A_557 : i32
          %parallel_loop3A_559 = arith.index_cast %parallel_loop3A_147 : i32 to index
          %parallel_loop3A_560 = arith.index_cast %parallel_loop3A_558 : i32 to index
          %parallel_loop3A_561 = arith.constant 400 : index
          %parallel_loop3A_562 = tpu.vector_load %arg6[%parallel_loop3A_559, %parallel_loop3A_560, %parallel_loop3A_561] {strides = array<i32>} : memref<8x8x512xf32, #tpu.memory_space<vmem>>, vector<16xf32>,
          %parallel_loop3A_563 = tpu.pack_subelements %parallel_loop3A_556, %parallel_loop3A_562 {pack_format = #tpu.pack_format<interleaved>, positions = array<i32: 0, 1>} : vector<16xf32>, vector<16xf32> -> vector<32xbf16>
          %parallel_loop3A_564 = vector.bitcast %parallel_loop3A_563 : vector<32xbf16> to vector<16xi32>
          %parallel_loop3A_565 = arith.constant 16000 : i32
          %parallel_loop3A_566 = arith.addi %parallel_loop3A_565, %parallel_loop3A_123 : i32
          %parallel_loop3A_567 = vector.broadcast %parallel_loop3A_566 : i32 to vector<16xi32>
          %parallel_loop3A_568 = arith.addi %mul3A_7, %parallel_loop3A_567 : vector<16xi32>
          tpu.vector_store_idx %arg8[%parallel_loop3A_568], %parallel_loop3A_564 : memref<20480xi32, #tpu.memory_space<vmem>>[vector<16xi32>], vector<16xi32>,
          %parallel_loop3A_569 = arith.index_cast %parallel_loop3A_147 : i32 to index
          %parallel_loop3A_570 = arith.index_cast %parallel_loop3A_152 : i32 to index
          %parallel_loop3A_571 = arith.constant 416 : index
          %parallel_loop3A_572 = tpu.vector_load %arg6[%parallel_loop3A_569, %parallel_loop3A_570, %parallel_loop3A_571] {strides = array<i32>} : memref<8x8x512xf32, #tpu.memory_space<vmem>>, vector<16xf32>,
          %parallel_loop3A_573 = arith.constant 1 : i32
          %parallel_loop3A_574 = arith.addi %parallel_loop3A_152, %parallel_loop3A_573 : i32
          %parallel_loop3A_575 = arith.index_cast %parallel_loop3A_147 : i32 to index
          %parallel_loop3A_576 = arith.index_cast %parallel_loop3A_574 : i32 to index
          %parallel_loop3A_577 = arith.constant 416 : index
          %parallel_loop3A_578 = tpu.vector_load %arg6[%parallel_loop3A_575, %parallel_loop3A_576, %parallel_loop3A_577] {strides = array<i32>} : memref<8x8x512xf32, #tpu.memory_space<vmem>>, vector<16xf32>,
          %parallel_loop3A_579 = tpu.pack_subelements %parallel_loop3A_572, %parallel_loop3A_578 {pack_format = #tpu.pack_format<interleaved>, positions = array<i32: 0, 1>} : vector<16xf32>, vector<16xf32> -> vector<32xbf16>
          %parallel_loop3A_580 = vector.bitcast %parallel_loop3A_579 : vector<32xbf16> to vector<16xi32>
          %parallel_loop3A_581 = arith.constant 16640 : i32
          %parallel_loop3A_582 = arith.addi %parallel_loop3A_581, %parallel_loop3A_123 : i32
          %parallel_loop3A_583 = vector.broadcast %parallel_loop3A_582 : i32 to vector<16xi32>
          %parallel_loop3A_584 = arith.addi %mul3A_7, %parallel_loop3A_583 : vector<16xi32>
          tpu.vector_store_idx %arg8[%parallel_loop3A_584], %parallel_loop3A_580 : memref<20480xi32, #tpu.memory_space<vmem>>[vector<16xi32>], vector<16xi32>,
          %parallel_loop3A_585 = arith.index_cast %parallel_loop3A_147 : i32 to index
          %parallel_loop3A_586 = arith.index_cast %parallel_loop3A_152 : i32 to index
          %parallel_loop3A_587 = arith.constant 432 : index
          %parallel_loop3A_588 = tpu.vector_load %arg6[%parallel_loop3A_585, %parallel_loop3A_586, %parallel_loop3A_587] {strides = array<i32>} : memref<8x8x512xf32, #tpu.memory_space<vmem>>, vector<16xf32>,
          %parallel_loop3A_589 = arith.constant 1 : i32
          %parallel_loop3A_590 = arith.addi %parallel_loop3A_152, %parallel_loop3A_589 : i32
          %parallel_loop3A_591 = arith.index_cast %parallel_loop3A_147 : i32 to index
          %parallel_loop3A_592 = arith.index_cast %parallel_loop3A_590 : i32 to index
          %parallel_loop3A_593 = arith.constant 432 : index
          %parallel_loop3A_594 = tpu.vector_load %arg6[%parallel_loop3A_591, %parallel_loop3A_592, %parallel_loop3A_593] {strides = array<i32>} : memref<8x8x512xf32, #tpu.memory_space<vmem>>, vector<16xf32>,
          %parallel_loop3A_595 = tpu.pack_subelements %parallel_loop3A_588, %parallel_loop3A_594 {pack_format = #tpu.pack_format<interleaved>, positions = array<i32: 0, 1>} : vector<16xf32>, vector<16xf32> -> vector<32xbf16>
          %parallel_loop3A_596 = vector.bitcast %parallel_loop3A_595 : vector<32xbf16> to vector<16xi32>
          %parallel_loop3A_597 = arith.constant 17280 : i32
          %parallel_loop3A_598 = arith.addi %parallel_loop3A_597, %parallel_loop3A_123 : i32
          %parallel_loop3A_599 = vector.broadcast %parallel_loop3A_598 : i32 to vector<16xi32>
          %parallel_loop3A_600 = arith.addi %mul3A_7, %parallel_loop3A_599 : vector<16xi32>
          tpu.vector_store_idx %arg8[%parallel_loop3A_600], %parallel_loop3A_596 : memref<20480xi32, #tpu.memory_space<vmem>>[vector<16xi32>], vector<16xi32>,
          %parallel_loop3A_601 = arith.index_cast %parallel_loop3A_147 : i32 to index
          %parallel_loop3A_602 = arith.index_cast %parallel_loop3A_152 : i32 to index
          %parallel_loop3A_603 = arith.constant 448 : index
          %parallel_loop3A_604 = tpu.vector_load %arg6[%parallel_loop3A_601, %parallel_loop3A_602, %parallel_loop3A_603] {strides = array<i32>} : memref<8x8x512xf32, #tpu.memory_space<vmem>>, vector<16xf32>,
          %parallel_loop3A_605 = arith.constant 1 : i32
          %parallel_loop3A_606 = arith.addi %parallel_loop3A_152, %parallel_loop3A_605 : i32
          %parallel_loop3A_607 = arith.index_cast %parallel_loop3A_147 : i32 to index
          %parallel_loop3A_608 = arith.index_cast %parallel_loop3A_606 : i32 to index
          %parallel_loop3A_609 = arith.constant 448 : index
          %parallel_loop3A_610 = tpu.vector_load %arg6[%parallel_loop3A_607, %parallel_loop3A_608, %parallel_loop3A_609] {strides = array<i32>} : memref<8x8x512xf32, #tpu.memory_space<vmem>>, vector<16xf32>,
          %parallel_loop3A_611 = tpu.pack_subelements %parallel_loop3A_604, %parallel_loop3A_610 {pack_format = #tpu.pack_format<interleaved>, positions = array<i32: 0, 1>} : vector<16xf32>, vector<16xf32> -> vector<32xbf16>
          %parallel_loop3A_612 = vector.bitcast %parallel_loop3A_611 : vector<32xbf16> to vector<16xi32>
          %parallel_loop3A_613 = arith.constant 17920 : i32
          %parallel_loop3A_614 = arith.addi %parallel_loop3A_613, %parallel_loop3A_123 : i32
          %parallel_loop3A_615 = vector.broadcast %parallel_loop3A_614 : i32 to vector<16xi32>
          %parallel_loop3A_616 = arith.addi %mul3A_7, %parallel_loop3A_615 : vector<16xi32>
          tpu.vector_store_idx %arg8[%parallel_loop3A_616], %parallel_loop3A_612 : memref<20480xi32, #tpu.memory_space<vmem>>[vector<16xi32>], vector<16xi32>,
          %parallel_loop3A_617 = arith.index_cast %parallel_loop3A_147 : i32 to index
          %parallel_loop3A_618 = arith.index_cast %parallel_loop3A_152 : i32 to index
          %parallel_loop3A_619 = arith.constant 464 : index
          %parallel_loop3A_620 = tpu.vector_load %arg6[%parallel_loop3A_617, %parallel_loop3A_618, %parallel_loop3A_619] {strides = array<i32>} : memref<8x8x512xf32, #tpu.memory_space<vmem>>, vector<16xf32>,
          %parallel_loop3A_621 = arith.constant 1 : i32
          %parallel_loop3A_622 = arith.addi %parallel_loop3A_152, %parallel_loop3A_621 : i32
          %parallel_loop3A_623 = arith.index_cast %parallel_loop3A_147 : i32 to index
          %parallel_loop3A_624 = arith.index_cast %parallel_loop3A_622 : i32 to index
          %parallel_loop3A_625 = arith.constant 464 : index
          %parallel_loop3A_626 = tpu.vector_load %arg6[%parallel_loop3A_623, %parallel_loop3A_624, %parallel_loop3A_625] {strides = array<i32>} : memref<8x8x512xf32, #tpu.memory_space<vmem>>, vector<16xf32>,
          %parallel_loop3A_627 = tpu.pack_subelements %parallel_loop3A_620, %parallel_loop3A_626 {pack_format = #tpu.pack_format<interleaved>, positions = array<i32: 0, 1>} : vector<16xf32>, vector<16xf32> -> vector<32xbf16>
          %parallel_loop3A_628 = vector.bitcast %parallel_loop3A_627 : vector<32xbf16> to vector<16xi32>
          %parallel_loop3A_629 = arith.constant 18560 : i32
          %parallel_loop3A_630 = arith.addi %parallel_loop3A_629, %parallel_loop3A_123 : i32
          %parallel_loop3A_631 = vector.broadcast %parallel_loop3A_630 : i32 to vector<16xi32>
          %parallel_loop3A_632 = arith.addi %mul3A_7, %parallel_loop3A_631 : vector<16xi32>
          tpu.vector_store_idx %arg8[%parallel_loop3A_632], %parallel_loop3A_628 : memref<20480xi32, #tpu.memory_space<vmem>>[vector<16xi32>], vector<16xi32>,
          %parallel_loop3A_633 = arith.index_cast %parallel_loop3A_147 : i32 to index
          %parallel_loop3A_634 = arith.index_cast %parallel_loop3A_152 : i32 to index
          %parallel_loop3A_635 = arith.constant 480 : index
          %parallel_loop3A_636 = tpu.vector_load %arg6[%parallel_loop3A_633, %parallel_loop3A_634, %parallel_loop3A_635] {strides = array<i32>} : memref<8x8x512xf32, #tpu.memory_space<vmem>>, vector<16xf32>,
          %parallel_loop3A_637 = arith.constant 1 : i32
          %parallel_loop3A_638 = arith.addi %parallel_loop3A_152, %parallel_loop3A_637 : i32
          %parallel_loop3A_639 = arith.index_cast %parallel_loop3A_147 : i32 to index
          %parallel_loop3A_640 = arith.index_cast %parallel_loop3A_638 : i32 to index
          %parallel_loop3A_641 = arith.constant 480 : index
          %parallel_loop3A_642 = tpu.vector_load %arg6[%parallel_loop3A_639, %parallel_loop3A_640, %parallel_loop3A_641] {strides = array<i32>} : memref<8x8x512xf32, #tpu.memory_space<vmem>>, vector<16xf32>,
          %parallel_loop3A_643 = tpu.pack_subelements %parallel_loop3A_636, %parallel_loop3A_642 {pack_format = #tpu.pack_format<interleaved>, positions = array<i32: 0, 1>} : vector<16xf32>, vector<16xf32> -> vector<32xbf16>
          %parallel_loop3A_644 = vector.bitcast %parallel_loop3A_643 : vector<32xbf16> to vector<16xi32>
          %parallel_loop3A_645 = arith.constant 19200 : i32
          %parallel_loop3A_646 = arith.addi %parallel_loop3A_645, %parallel_loop3A_123 : i32
          %parallel_loop3A_647 = vector.broadcast %parallel_loop3A_646 : i32 to vector<16xi32>
          %parallel_loop3A_648 = arith.addi %mul3A_7, %parallel_loop3A_647 : vector<16xi32>
          tpu.vector_store_idx %arg8[%parallel_loop3A_648], %parallel_loop3A_644 : memref<20480xi32, #tpu.memory_space<vmem>>[vector<16xi32>], vector<16xi32>,
          %parallel_loop3A_649 = arith.index_cast %parallel_loop3A_147 : i32 to index
          %parallel_loop3A_650 = arith.index_cast %parallel_loop3A_152 : i32 to index
          %parallel_loop3A_651 = arith.constant 496 : index
          %parallel_loop3A_652 = tpu.vector_load %arg6[%parallel_loop3A_649, %parallel_loop3A_650, %parallel_loop3A_651] {strides = array<i32>} : memref<8x8x512xf32, #tpu.memory_space<vmem>>, vector<16xf32>,
          %parallel_loop3A_653 = arith.constant 1 : i32
          %parallel_loop3A_654 = arith.addi %parallel_loop3A_152, %parallel_loop3A_653 : i32
          %parallel_loop3A_655 = arith.index_cast %parallel_loop3A_147 : i32 to index
          %parallel_loop3A_656 = arith.index_cast %parallel_loop3A_654 : i32 to index
          %parallel_loop3A_657 = arith.constant 496 : index
          %parallel_loop3A_658 = tpu.vector_load %arg6[%parallel_loop3A_655, %parallel_loop3A_656, %parallel_loop3A_657] {strides = array<i32>} : memref<8x8x512xf32, #tpu.memory_space<vmem>>, vector<16xf32>,
          %parallel_loop3A_659 = tpu.pack_subelements %parallel_loop3A_652, %parallel_loop3A_658 {pack_format = #tpu.pack_format<interleaved>, positions = array<i32: 0, 1>} : vector<16xf32>, vector<16xf32> -> vector<32xbf16>
          %parallel_loop3A_660 = vector.bitcast %parallel_loop3A_659 : vector<32xbf16> to vector<16xi32>
          %parallel_loop3A_661 = arith.constant 19840 : i32
          %parallel_loop3A_662 = arith.addi %parallel_loop3A_661, %parallel_loop3A_123 : i32
          %parallel_loop3A_663 = vector.broadcast %parallel_loop3A_662 : i32 to vector<16xi32>
          %parallel_loop3A_664 = arith.addi %mul3A_7, %parallel_loop3A_663 : vector<16xi32>
          tpu.vector_store_idx %arg8[%parallel_loop3A_664], %parallel_loop3A_660 : memref<20480xi32, #tpu.memory_space<vmem>>[vector<16xi32>], vector<16xi32>,
        } {sc.loop_unroll_factor = 8 : i64, sc.parallel_access}
        %add3A_109 = arith.addi %mul3A_2, %add3A_88 : i32
        %mul3A_110 = arith.constant 512 : i32
        %mul3A_111 = arith.muli %add3A_109, %mul3A_110 : i32
        %mul3A_112 = arith.constant 40 : i32
        %mul3A_113 = arith.muli %mul3A_111, %mul3A_112 : i32
        %multiple_of3A_114 = tpu.assume_multiple %mul3A_113, 20480 : i32
        %dma_start3A_115 = tpu.memref_slice %arg4[%multiple_of3A_114] : memref<40000000xi32, #tpu.memory_space<hbm>> -> memref<20480xi32, #tpu.memory_space<hbm>>
        %dma_start3A_116 = tpu.memref_slice %arg4[%multiple_of3A_114] : memref<40000000xi32, #tpu.memory_space<hbm>> -> memref<20480xi32, #tpu.memory_space<hbm>>
        tpu.enqueue_dma source(%arg8 : memref<20480xi32, #tpu.memory_space<vmem>>) target(%dma_start3A_116 : memref<20480xi32, #tpu.memory_space<hbm>>) target_semaphore(%arg12 : memref<!tpu.dma_semaphore, #tpu.memory_space<semaphore_mem>>)
        %add3A_117 = arith.constant 2 : i32
        %add3A_118 = arith.addi %add3A_88, %add3A_117 : i32
        %lt3A_119 = arith.cmpi slt, %add3A_118, %min3A_4 : i32
        %convert_element_type3A_120 = arith.extui %lt3A_119 : i1 to i32
        %cond3A_121 = arith.constant 0 : i32
        %cond3A_122 = arith.cmpi ne, %convert_element_type3A_120, %cond3A_121 : i32
        scf.if %cond3A_122 {
          %add3A_123 = arith.constant 2 : i32
          %add3A_124 = arith.addi %add3A_88, %add3A_123 : i32
          %add3A_125 = arith.addi %mul3A_2, %add3A_124 : i32
          %mul3A_126 = arith.constant 512 : i32
          %mul3A_127 = arith.muli %add3A_125, %mul3A_126 : i32
          %multiple_of3A_128 = tpu.assume_multiple %mul3A_127, 512 : i32
          %dma_start3A_129 = arith.constant 0 : i32
          %dma_start3A_130 = arith.constant 0 : i32
          %dma_start3A_131 = tpu.memref_slice %arg2[%dma_start3A_129, %dma_start3A_130, %multiple_of3A_128] : memref<8x8x1000000xf32, #tpu.memory_space<hbm>> -> memref<8x8x512xf32, #tpu.memory_space<hbm>>
          %dma_start3A_132 = arith.constant 0 : i32
          %dma_start3A_133 = arith.constant 0 : i32
          %dma_start3A_134 = tpu.memref_slice %arg2[%dma_start3A_132, %dma_start3A_133, %multiple_of3A_128] : memref<8x8x1000000xf32, #tpu.memory_space<hbm>> -> memref<8x8x512xf32, #tpu.memory_space<hbm>>
          tpu.enqueue_dma source(%dma_start3A_134 : memref<8x8x512xf32, #tpu.memory_space<hbm>>) target(%arg6 : memref<8x8x512xf32, #tpu.memory_space<vmem>>) target_semaphore(%arg10 : memref<!tpu.dma_semaphore, #tpu.memory_space<semaphore_mem>>)
        } else {
        }
      } else {
      }
    }
    %scan3A_32 = arith.constant 31 : i32
    %sub3A_33 = arith.constant 1 : i32
    %sub3A_34 = arith.subi %min3A_4, %sub3A_33 : i32
    %jit3A = arith.constant 2 : i32
    %eq3A = arith.constant 0 : i32
    %eq3A_35 = arith.cmpi eq, %jit3A, %eq3A : i32
    %jit3A_36 = arith.constant 1 : i32
    %select_n3A = arith.select %eq3A_35, %jit3A_36, %jit3A : i32
    %rem3A = arith.remsi %sub3A_34, %select_n3A : i32
    %ne3A = arith.constant 0 : i32
    %ne3A_37 = arith.cmpi ne, %rem3A, %ne3A : i32
    %lt3A = arith.constant 0 : i32
    %lt3A_38 = arith.cmpi slt, %rem3A, %lt3A : i32
    %lt3A_39 = arith.constant 0 : i32
    %lt3A_40 = arith.cmpi slt, %select_n3A, %lt3A_39 : i32
    %ne3A_41 = arith.xori %lt3A_38, %lt3A_40 : i1
    %and3A = arith.andi %ne3A_41, %ne3A_37 : i1
    %add3A_42 = arith.addi %rem3A, %select_n3A : i32
    %select_n3A_43 = arith.select %and3A, %add3A_42, %rem3A : i32
    %eq3A_44 = arith.constant 0 : i32
    %eq3A_45 = arith.cmpi eq, %select_n3A_43, %eq3A_44 : i32
    %sub3A_46 = arith.constant 1 : i32
    %sub3A_47 = arith.subi %min3A_4, %sub3A_46 : i32
    %sub3A_48 = arith.constant 2 : i32
    %sub3A_49 = arith.subi %min3A_4, %sub3A_48 : i32
    %select_n3A_50 = arith.select %eq3A_45, %sub3A_47, %sub3A_49 : i32
    %add3A_51 = arith.addi %mul3A_2, %select_n3A_50 : i32
    %mul3A_52 = arith.constant 512 : i32
    %mul3A_53 = arith.muli %add3A_51, %mul3A_52 : i32
    %mul3A_54 = arith.constant 40 : i32
    %mul3A_55 = arith.muli %mul3A_53, %mul3A_54 : i32
    %multiple_of3A_56 = tpu.assume_multiple %mul3A_55, 20480 : i32
    %dma_wait3A = tpu.memref_slice %arg4[%multiple_of3A_56] : memref<40000000xi32, #tpu.memory_space<hbm>> -> memref<20480xi32, #tpu.memory_space<hbm>>
    %dma_wait3A_57 = tpu.memref_slice %arg4[%multiple_of3A_56] : memref<40000000xi32, #tpu.memory_space<hbm>> -> memref<20480xi32, #tpu.memory_space<hbm>>
    tpu.wait_dma2 semaphore(%arg11 : memref<!tpu.dma_semaphore, #tpu.memory_space<semaphore_mem>>) src(%arg7 : memref<20480xi32, #tpu.memory_space<vmem>>) dst(%dma_wait3A_57 : memref<20480xi32, #tpu.memory_space<hbm>>)
    %eq3A_58 = arith.constant 1 : i32
    %eq3A_59 = arith.cmpi eq, %select_n3A_43, %eq3A_58 : i32
    %sub3A_60 = arith.constant 1 : i32
    %sub3A_61 = arith.subi %min3A_4, %sub3A_60 : i32
    %sub3A_62 = arith.constant 2 : i32
    %sub3A_63 = arith.subi %min3A_4, %sub3A_62 : i32
    %select_n3A_64 = arith.select %eq3A_59, %sub3A_61, %sub3A_63 : i32
    %add3A_65 = arith.addi %mul3A_2, %select_n3A_64 : i32
    %mul3A_66 = arith.constant 512 : i32
    %mul3A_67 = arith.muli %add3A_65, %mul3A_66 : i32
    %mul3A_68 = arith.constant 40 : i32
    %mul3A_69 = arith.muli %mul3A_67, %mul3A_68 : i32
    %multiple_of3A_70 = tpu.assume_multiple %mul3A_69, 20480 : i32
    %dma_wait3A_71 = tpu.memref_slice %arg4[%multiple_of3A_70] : memref<40000000xi32, #tpu.memory_space<hbm>> -> memref<20480xi32, #tpu.memory_space<hbm>>
    %dma_wait3A_72 = tpu.memref_slice %arg4[%multiple_of3A_70] : memref<40000000xi32, #tpu.memory_space<hbm>> -> memref<20480xi32, #tpu.memory_space<hbm>>
    tpu.wait_dma2 semaphore(%arg12 : memref<!tpu.dma_semaphore, #tpu.memory_space<semaphore_mem>>) src(%arg8 : memref<20480xi32, #tpu.memory_space<vmem>>) dst(%dma_wait3A_72 : memref<20480xi32, #tpu.memory_space<hbm>>)
    %eq3A_73 = arith.constant 31 : i32
    %eq3A_74 = arith.cmpi eq, %add3A, %eq3A_73 : i32
    %convert_element_type3A = arith.extui %eq3A_74 : i1 to i32
    %cond3A = arith.constant 0 : i32
    %cond3A_75 = arith.cmpi ne, %convert_element_type3A, %cond3A : i32
    scf.if %cond3A_75 {
      "tpu.region"() ({
        %run_scoped3A = tpu.sem_alloc : memref<!tpu.dma_semaphore, #tpu.memory_space<semaphore_mem>>
        %dma_start3A_76 = arith.constant 0 : i32
        %dma_start3A_77 = tpu.memref_slice %arg7[%dma_start3A_76] : memref<20480xi32, #tpu.memory_space<vmem>> -> memref<2560xi32, #tpu.memory_space<vmem>>
        %dma_start3A_78 = arith.constant 0 : i32
        %dma_start3A_79 = tpu.memref_slice %arg7[%dma_start3A_78] : memref<20480xi32, #tpu.memory_space<vmem>> -> memref<2560xi32, #tpu.memory_space<vmem>>
        tpu.enqueue_dma source(%arg3 : memref<2560xi32, #tpu.memory_space<hbm>>) target(%dma_start3A_79 : memref<2560xi32, #tpu.memory_space<vmem>>) target_semaphore(%run_scoped3A : memref<!tpu.dma_semaphore, #tpu.memory_space<semaphore_mem>>)
        %dma_wait3A_80 = arith.constant 0 : i32
        %dma_wait3A_81 = tpu.memref_slice %arg7[%dma_wait3A_80] : memref<20480xi32, #tpu.memory_space<vmem>> -> memref<2560xi32, #tpu.memory_space<vmem>>
        %dma_wait3A_82 = arith.constant 0 : i32
        %dma_wait3A_83 = tpu.memref_slice %arg7[%dma_wait3A_82] : memref<20480xi32, #tpu.memory_space<vmem>> -> memref<2560xi32, #tpu.memory_space<vmem>>
        tpu.wait_dma2 semaphore(%run_scoped3A : memref<!tpu.dma_semaphore, #tpu.memory_space<semaphore_mem>>) src(%arg3 : memref<2560xi32, #tpu.memory_space<hbm>>) dst(%dma_wait3A_83 : memref<2560xi32, #tpu.memory_space<vmem>>)
        tpu.yield
      }) : () -> ()
      "tpu.region"() ({
        %run_scoped3A = tpu.sem_alloc : memref<!tpu.dma_semaphore, #tpu.memory_space<semaphore_mem>>
        %dma_start3A_76 = arith.constant 0 : i32
        %dma_start3A_77 = tpu.memref_slice %arg7[%dma_start3A_76] : memref<20480xi32, #tpu.memory_space<vmem>> -> memref<2560xi32, #tpu.memory_space<vmem>>
        %dma_start3A_78 = arith.constant 39997440 : i32
        %dma_start3A_79 = tpu.memref_slice %arg4[%dma_start3A_78] : memref<40000000xi32, #tpu.memory_space<hbm>> -> memref<2560xi32, #tpu.memory_space<hbm>>
        %dma_start3A_80 = arith.constant 39997440 : i32
        %dma_start3A_81 = tpu.memref_slice %arg4[%dma_start3A_80] : memref<40000000xi32, #tpu.memory_space<hbm>> -> memref<2560xi32, #tpu.memory_space<hbm>>
        %dma_start3A_82 = arith.constant 0 : i32
        %dma_start3A_83 = tpu.memref_slice %arg7[%dma_start3A_82] : memref<20480xi32, #tpu.memory_space<vmem>> -> memref<2560xi32, #tpu.memory_space<vmem>>
        tpu.enqueue_dma source(%dma_start3A_83 : memref<2560xi32, #tpu.memory_space<vmem>>) target(%dma_start3A_81 : memref<2560xi32, #tpu.memory_space<hbm>>) target_semaphore(%run_scoped3A : memref<!tpu.dma_semaphore, #tpu.memory_space<semaphore_mem>>)
        %dma_wait3A_84 = arith.constant 0 : i32
        %dma_wait3A_85 = tpu.memref_slice %arg7[%dma_wait3A_84] : memref<20480xi32, #tpu.memory_space<vmem>> -> memref<2560xi32, #tpu.memory_space<vmem>>
        %dma_wait3A_86 = arith.constant 39997440 : i32
        %dma_wait3A_87 = tpu.memref_slice %arg4[%dma_wait3A_86] : memref<40000000xi32, #tpu.memory_space<hbm>> -> memref<2560xi32, #tpu.memory_space<hbm>>
        %dma_wait3A_88 = arith.constant 39997440 : i32
        %dma_wait3A_89 = tpu.memref_slice %arg4[%dma_wait3A_88] : memref<40000000xi32, #tpu.memory_space<hbm>> -> memref<2560xi32, #tpu.memory_space<hbm>>
        %dma_wait3A_90 = arith.constant 0 : i32
        %dma_wait3A_91 = tpu.memref_slice %arg7[%dma_wait3A_90] : memref<20480xi32, #tpu.memory_space<vmem>> -> memref<2560xi32, #tpu.memory_space<vmem>>
        tpu.wait_dma2 semaphore(%run_scoped3A : memref<!tpu.dma_semaphore, #tpu.memory_space<semaphore_mem>>) src(%dma_wait3A_91 : memref<2560xi32, #tpu.memory_space<vmem>>) dst(%dma_wait3A_89 : memref<2560xi32, #tpu.memory_space<hbm>>)
        tpu.yield
      }) : () -> ()
    } else {
    }
    return
  }
}

module attributes {stable_mosaic.version = 14 : i64} {
  func.func @_mlp_body(%arg0: i32, %arg1: memref<512x64xf32, #tpu.memory_space<vmem>>, %arg2: memref<128x64xf32, #tpu.memory_space<vmem>>, %arg3: memref<1x128xf32, #tpu.memory_space<vmem>>, %arg4: memref<1000x128xf32, #tpu.memory_space<vmem>>, %arg5: memref<1x1000xf32, #tpu.memory_space<vmem>>, %arg6: memref<512x1000xf32, #tpu.memory_space<vmem>>) attributes {dimension_semantics = [#tpu.dimension_semantics<arbitrary>], iteration_bounds = array<i64: 8>, scalar_prefetch = 0 : i64, scratch_operands = 0 : i64, tpu.core_type = #tpu.core_type<tc>, window_params = [{transform_indices = @transform_0, window_bounds = array<i64: 512, 64>}, {pipeline_mode = #tpu.pipeline_mode<synchronous>, transform_indices = @transform_1, window_bounds = array<i64: 128, 64>}, {pipeline_mode = #tpu.pipeline_mode<synchronous>, transform_indices = @transform_2, window_bounds = array<i64: 1, 128>}, {pipeline_mode = #tpu.pipeline_mode<synchronous>, transform_indices = @transform_3, window_bounds = array<i64: 1000, 128>}, {pipeline_mode = #tpu.pipeline_mode<synchronous>, transform_indices = @transform_4, window_bounds = array<i64: 1, 1000>}, {transform_indices = @transform_5, window_bounds = array<i64: 512, 1000>}]} {
    %get3A = arith.constant 0 : index
    %get3A_0 = arith.constant 0 : index
    %get3A_1 = vector.load %arg1[%get3A, %get3A_0] : memref<512x64xf32, #tpu.memory_space<vmem>>, vector<512x64xf32>
    %get3A_2 = arith.constant 0 : index
    %get3A_3 = arith.constant 0 : index
    %get3A_4 = vector.load %arg2[%get3A_2, %get3A_3] : memref<128x64xf32, #tpu.memory_space<vmem>>, vector<128x64xf32>
    %dot_general3A = arith.constant dense<0.000000e+00> : vector<512x128xf32>
    %dot_general3A_5 = tpu.matmul %get3A_1, %get3A_4, %dot_general3A {dimension_numbers = #tpu.dot_dimension_numbers<[1], [1], [0], [0], [0, 0, 1, 0], [], []>, transpose_lhs_hint = false} : vector<512x64xf32>, vector<128x64xf32>, vector<512x128xf32> -> vector<512x128xf32>
    %get3A_6 = arith.constant 0 : index
    %get3A_7 = arith.constant 0 : index
    %get3A_8 = vector.load %arg3[%get3A_6, %get3A_7] : memref<1x128xf32, #tpu.memory_space<vmem>>, vector<1x128xf32>
    %add3A = vector.broadcast %get3A_8 : vector<1x128xf32> to vector<512x128xf32>
    %add3A_9 = arith.addf %dot_general3A_5, %add3A : vector<512x128xf32>
    %max3A = arith.constant 0.000000e+00 : f32
    %max3A_10 = vector.broadcast %max3A : f32 to vector<512x128xf32>
    %max3A_11 = arith.maximumf %add3A_9, %max3A_10 : vector<512x128xf32>
    %get3A_12 = arith.constant 0 : index
    %get3A_13 = arith.constant 0 : index
    %get3A_14 = vector.load %arg4[%get3A_12, %get3A_13] : memref<1000x128xf32, #tpu.memory_space<vmem>>, vector<1000x128xf32>
    %dot_general3A_15 = arith.constant dense<0.000000e+00> : vector<512x1000xf32>
    %dot_general3A_16 = tpu.matmul %max3A_11, %get3A_14, %dot_general3A_15 {dimension_numbers = #tpu.dot_dimension_numbers<[1], [1], [0], [0], [0, 0, 1, 0], [], []>, transpose_lhs_hint = false} : vector<512x128xf32>, vector<1000x128xf32>, vector<512x1000xf32> -> vector<512x1000xf32>
    %get3A_17 = arith.constant 0 : index
    %get3A_18 = arith.constant 0 : index
    %get3A_19 = vector.load %arg5[%get3A_17, %get3A_18] : memref<1x1000xf32, #tpu.memory_space<vmem>>, vector<1x1000xf32>
    %add3A_20 = vector.broadcast %get3A_19 : vector<1x1000xf32> to vector<512x1000xf32>
    %add3A_21 = arith.addf %dot_general3A_16, %add3A_20 : vector<512x1000xf32>
    %swap3A = arith.constant 0 : index
    %swap3A_22 = arith.constant 0 : index
    %swap3A_23 = vector.load %arg6[%swap3A, %swap3A_22] : memref<512x1000xf32, #tpu.memory_space<vmem>>, vector<512x1000xf32>
    tpu.vector_store %arg6[%swap3A, %swap3A_22], %add3A_21 {strides = array<i32>} : memref<512x1000xf32, #tpu.memory_space<vmem>>, vector<512x1000xf32>,
    return
  }
  func.func @transform_0(%arg0: i32) -> (i32, i32) {
    %c0_i32 = arith.constant 0 : i32
    %c0_i32_0 = arith.constant 0 : i32
    return %arg0, %c0_i32 : i32, i32
  }
  func.func @transform_1(%arg0: i32) -> (i32, i32) {
    %c0_i32 = arith.constant 0 : i32
    %c0_i32_0 = arith.constant 0 : i32
    %c0_i32_1 = arith.constant 0 : i32
    return %c0_i32, %c0_i32_0 : i32, i32
  }
  func.func @transform_2(%arg0: i32) -> (i32, i32) {
    %c0_i32 = arith.constant 0 : i32
    %c0_i32_0 = arith.constant 0 : i32
    %c0_i32_1 = arith.constant 0 : i32
    return %c0_i32, %c0_i32_0 : i32, i32
  }
  func.func @transform_3(%arg0: i32) -> (i32, i32) {
    %c0_i32 = arith.constant 0 : i32
    %c0_i32_0 = arith.constant 0 : i32
    %c0_i32_1 = arith.constant 0 : i32
    return %c0_i32, %c0_i32_0 : i32, i32
  }
  func.func @transform_4(%arg0: i32) -> (i32, i32) {
    %c0_i32 = arith.constant 0 : i32
    %c0_i32_0 = arith.constant 0 : i32
    %c0_i32_1 = arith.constant 0 : i32
    return %c0_i32, %c0_i32_0 : i32, i32
  }
  func.func @transform_5(%arg0: i32) -> (i32, i32) {
    %c0_i32 = arith.constant 0 : i32
    %c0_i32_0 = arith.constant 0 : i32
    return %arg0, %c0_i32 : i32, i32
  }
}

</mosaic_0001>

<sc_bundles>
// kernel: kernel.5.cloned.1.call-start
scs
__scs_entry_jumppad:
0x0: {  	(pc) =	sbr.rel $0x88, $3  }
0x1: {  	(tag) =	ssettag $0x0;
	lr =	simm.s32 $0x1  }
0x2: {  	[smem:$0x3F9A] =	sst lr;
	_ =	strace $0xD0000000  }
0x3: {  	_ = 	snop  }
0x4: {  	_ = 	snop  }
0x5: {  	_ = 	snop  }
0x6: {  	_ = 	snop  }
0x7: {  	_ = 	snop  }
__scs_overlays_trampoline_lowered:
0x8: {  	[smem:$0x3FA9] =	sst s0  }
0x9: {  	[smem:$0x3FAA] =	sst s1  }
0xa: {  	[smem:$0x3FAB] =	sst s2  }
0xb: {  	[smem:$0x3FAC] =	sst s3  }
0xc: {  	[smem:$0x3FAD] =	sst s4  }
0xd: {  	[smem:$0x3FAE] =	sst s5  }
0xe: {  	[smem:$0x3FAF] =	sst s6  }
0xf: {  	[smem:$0x3FB0] =	sst s7  }
0x10: {  	[smem:$0x3FB1] =	sst s8  }
0x11: {  	[smem:$0x3FB2] =	sst s9;
	s0 =	simm.s32 @!p0 $0x0  }
0x12: {  	s1 =	sld [smem:$0x3F98];
	s0 =	simm.s32 @p0 $0x1  }
0x13: {  	[smem:$0x3FB3] =	sst s0;
	s0 =	simm.s32 @!p1 $0x0  }
0x14: {  	s2 =	sld [smem:$0x3F97];
	s0 =	simm.s32 @p1 $0x1  }
0x15: {  	[smem:$0x3FB4] =	sst s0;
	s0 =	simm.s32 @!p2 $0x0  }
0x16: {  	s3 =	sld [smem:$0x3FDB];
	s0 =	simm.s32 @p2 $0x1  }
0x17: {  	s4 =	simm.s32 $0x1BF5;
	[smem:$0x3FB6] =	sst s0  }
0x18: {  	s0 =	sld [smem:$0x3F99];
	_ =	swait.ge [sflag:s4], $0x0  }
0x19: {  	s7 =	sld [smem:$0x3F9A]  }
0x1a: {  	s8 =	sadd.s32 $0xFFFFE003, lr  }
0x1b: {  	s9 =	sadd.s32 $0xFFFFFEF7, lr;
	s5 =	simm.s32 $0xFFFFFFFF;
	p2 =	slt.u32 s8, $0xFFFFF086  }
0x1c: {  	p1 =	slt.u32 s9, $0xF7A;
	s5 =	simm.s32 @!p2 $0x0  }
0x1d: {  	s5 =	simm.s32 @p1 $0x1;
	p0 =	seq.s32 s7, s2  }
0x1e: {  	s7 =	smul.u32 @!p0 $0xF7A, s2;
	p2 =	seq.s32 @!p0 s5, $0x0  }
0x1f: {  	s9 =	smul.u32 $0xF7A, s1;
	s8 =	simm.s32 @!p0 $0x1BF5;
	p2 =	por !p2, p0  }
0x20: {  	[sflag:s8] =	ssyncset.s32 @!p0 $0xFFFFF086;
	s6 =	sadd.s32 @!p0 s3, s7;
	s7 =	simm.s32 @!p0 $0x108  }
0x21: {  	s3 =	sadd.s32 s3, s9;
	s6 =	sadd.s32 @!p0 $0x88, s6;
	s7 =	simm.s32 @p2 $0x1082  }
0x22: {  	[simem:s7], [sflag:s8] =	dma.local @!p0 [hbm:s6], $0xF7A  }
0x23: {  	s9 =	sor.u32 $0xD0000000, s2;
	s6 =	simm.s32 $0x108;
	_ =	swait.ge @!p0 [sflag:s8], $0x0  }
0x24: {  	s3 =	sadd.s32 $0x88, s3;
	s6 =	simm.s32 @!p1 $0x1082;
	[sflag:s4] =	ssyncset.s32 $0xFFFFF086  }
0x25: {  	[simem:s6], [sflag:s4] =	dma.local [hbm:s3], $0xF7A  }
0x26: {  	[smem:$0x3F9A] =	sst s1;
	(tag) =	ssettag s2;
	_ =	strace s9  }
0x27: {  	s1 =	sld [smem:$0x3FAA]  }
0x28: {  	s2 =	sld [smem:$0x3FAB]  }
0x29: {  	s4 =	sld [smem:$0x3FAD]  }
0x2a: {  	p0 =	seq.s32 s5, $0x0;
	s5 =	sld [smem:$0x3FAE]  }
0x2b: {  	s6 =	sld [smem:$0x3FAF]  }
0x2c: {  	s7 =	sld [smem:$0x3FB0]  }
0x2d: {  	s3 =	simm.s32 $0x108;
	s8 =	sld [smem:$0x3FB1]  }
0x2e: {  	s3 =	simm.s32 @!p0 $0x1082;
	s9 =	sld [smem:$0x3FB2]  }
0x2f: {  	lr =	sadd.s32 s0, s3;
	s0 =	sld [smem:$0x3FA9]  }
0x30: {  	s3 =	sld [smem:$0x3FAC]  }
0x31: {  	[smem:$0x3FB5] =	sst s10  }
0x32: {  	s10 =	sld [smem:$0x3FB3];
	_ =	sdelay $0x3  }
0x33: {  	p0 =	seq.s32 s10, $0x1;
	s10 =	sld [smem:$0x3FB5];
	_ =	sdelay $0x3  }
0x34: {  	[smem:$0x3FB5] =	sst s10  }
0x35: {  	s10 =	sld [smem:$0x3FB4];
	_ =	sdelay $0x3  }
0x36: {  	p1 =	seq.s32 s10, $0x1;
	s10 =	sld [smem:$0x3FB5];
	_ =	sdelay $0x3  }
0x37: {  	[smem:$0x3FB5] =	sst s10  }
0x38: {  	s10 =	sld [smem:$0x3FB6]  }
0x39: {  	_ = 	snop;
	(pc) =	sbr.ind lr, $3  }
0x3a: {  	_ = 	snop  }
0x3b: {  	_ = 	snop  }
0x3c: {  	p2 =	seq.s32 s10, $0x1;
	s10 =	sld [smem:$0x3FB5]  }
0x3d: {  	_ =	shalt  }
0x3e: {  	_ =	shalt  }
0x3f: {  	_ =	shalt  }
0x40: {  	_ =	shalt  }
0x41: {  	_ =	shalt  }
0x42: {  	_ =	shalt  }
0x43: {  	_ =	shalt  }
0x44: {  	_ =	shalt  }
0x45: {  	_ =	shalt  }
0x46: {  	_ =	shalt  }
0x47: {  	_ =	shalt  }
0x48: {  	_ =	shalt  }
0x49: {  	_ =	shalt  }
0x4a: {  	_ =	shalt  }
0x4b: {  	_ =	shalt  }
0x4c: {  	_ =	shalt  }
0x4d: {  	_ =	shalt  }
0x4e: {  	_ =	shalt  }
0x4f: {  	_ =	shalt  }
0x50: {  	_ =	shalt  }
0x51: {  	_ =	shalt  }
0x52: {  	_ =	shalt  }
0x53: {  	_ =	shalt  }
0x54: {  	_ =	shalt  }
0x55: {  	_ =	shalt  }
0x56: {  	_ =	shalt  }
0x57: {  	_ =	shalt  }
0x58: {  	_ =	shalt  }
0x59: {  	_ =	shalt  }
0x5a: {  	_ =	shalt  }
0x5b: {  	_ =	shalt  }
0x5c: {  	_ =	shalt  }
0x5d: {  	_ =	shalt  }
0x5e: {  	_ =	shalt  }
0x5f: {  	_ =	shalt  }
0x60: {  	_ =	shalt  }
0x61: {  	_ =	shalt  }
0x62: {  	_ =	shalt  }
0x63: {  	_ =	shalt  }
0x64: {  	_ =	shalt  }
0x65: {  	_ =	shalt  }
0x66: {  	_ =	shalt  }
0x67: {  	_ =	shalt  }
0x68: {  	_ =	shalt  }
0x69: {  	_ =	shalt  }
0x6a: {  	_ =	shalt  }
0x6b: {  	_ =	shalt  }
0x6c: {  	_ =	shalt  }
0x6d: {  	_ =	shalt  }
0x6e: {  	_ =	shalt  }
0x6f: {  	_ =	shalt  }
0x70: {  	_ =	shalt  }
0x71: {  	_ =	shalt  }
0x72: {  	_ =	shalt  }
0x73: {  	_ =	shalt  }
0x74: {  	_ =	shalt  }
0x75: {  	_ =	shalt  }
0x76: {  	_ =	shalt  }
0x77: {  	_ =	shalt  }
0x78: {  	_ =	shalt  }
0x79: {  	_ =	shalt  }
0x7a: {  	_ =	shalt  }
0x7b: {  	_ =	shalt  }
0x7c: {  	_ =	shalt  }
0x7d: {  	_ =	shalt  }
0x7e: {  	_ =	shalt  }
0x7f: {  	_ =	shalt  }
0x80: {  	_ =	shalt  }
0x81: {  	_ =	shalt  }
0x82: {  	_ =	shalt  }
0x83: {  	_ =	shalt  }
0x84: {  	_ =	shalt  }
0x85: {  	_ =	shalt  }
0x86: {  	_ =	shalt  }
0x87: {  	_ =	shalt  }
.Lfunc_end0:
.L_simem_size_0:
called_computation_lowered:
.L_overlay_start_0:
0x88: {  	s2 =	sld [smem:$0x3FD9]  }
0x89: {  	s3 =	sld [smem:$0x3FFE];
	_ =	sdelay $0x1  }
0x8a: {  	s1 =	srdreg.scid  }
0x8b: {  	s0 =	sand.u32 $0x1, s1  }
0x8c: {  	s17 =	sshll.u32 s0, $0xA;
	s2 =	sadd.s32 s3, s2  }
0x8d: {  	s2 =	sadd.s32 s2, s17  }
0x8e: {  	[smem:$0x3FC1] =	sst s2  }
0x8f: {  	_ = 	snop  }
0x90: {  	s2 =	sld [smem:$0x3FC7];
	(tm) =	ssettm $0x1  }
0x91: {  	s18 =	sld [smem:$0x3FFB];
	_ =	sdelay $0x3  }
0x92: {  	_ =	strace s18  }
0x93: {  	s3 =	sld [smem:$0x3FFC];
	_ =	sdelay $0x3  }
0x94: {  	_ =	strace s3  }
0x95: {  	s3 =	sld [smem:$0x3FFD];
	_ =	sdelay $0x3  }
0x96: {  	_ =	strace s3  }
0x97: {  	_ =	strace $0x8FFFFFFF  }
0x98: {  	s19 =	sld [smem:$0x3FDB];
	_ =	sdelay $0x1  }
0x99: {  	s4 =	simm.s32 $_scs_section_size  }
0x9a: {  	s5 =	simm.s32 $_size__tile_overlayer_lowered;
	s6 =	simm.s32 $_tile_overlayer_lowered  }
0x9b: {  	s22 =	simm.s32 $0x1BFF;
	s21 =	sshll.u32 s6, $0x1;
	s3 =	sadd.s32 s4, s19  }
0x9c: {  	s7 =	simm.s32 $0x0;
	s20 =	sshll.u32 s5, $0x1;
	s5 =	sadd.s32 s21, s3  }
0x9d: {  	[timem:s7], [sflag:s22] =	dma.local [hbm:s5], s20  }
0x9e: {  	_ =	swait.ge [sflag:s22], s20  }
0x9f: {  	s4 =	ssub.s32 $0x0, s20;
	[sflag:s22] =	ssyncset.done $0x0  }
0xa0: {  	[sflag:s22] =	ssyncadd.s32 s4;
	_ =	sdelay $0x1  }
0xa1: {  	s23 =	simm.s32 $0x1B8B  }
0xa2: {  	_ =	swait.ge [sflag:s23], $0x1  }
0xa3: {  	[sflag:s23] =	ssyncset.done $0x0  }
0xa4: {  	s25 =	simm.s32 $0x1B8E;
	s24 =	sld [smem:$0x3FFE];
	[sflag:s23] =	ssyncadd.s32 $0xFFFFFFFF  }
0xa5: {  	s26 =	simm.s32 $execute0_lowered;
	[smem:$0x3FD2] =	sst s25  }
0xa6: {  	s5 =	sshll.u32 s26, $0x1;
	_ =	strace $0x80000046;
	[dreg:$0x1] =	wrdreg $0xFFFFFFFF  }
0xa7: {  	s28 =	simm.s32 $_size_execute0_lowered;
	s3 =	sadd.s32 s3, s5;
	[dreg:$0x0] =	wrdreg $0x0  }
0xa8: {  	s5 =	sshll.u32 s28, $0x1;
	[dreg:$0x2] =	wrdreg s3  }
0xa9: {  	[dreg:$0x3] =	wrdreg s5  }
0xaa: {  	[dreg:$0x4] =	wrdreg $0xC0  }
0xab: {  	_ =	task [dreg:s7], $0x5FFFF  }
0xac: {  	[dreg:$0x1] =	wrdreg $0xFFFFFFFF  }
0xad: {  	[dreg:$0x0] =	wrdreg $0x60  }
0xae: {  	[dreg:$0x2] =	wrdreg s2  }
0xaf: {  	[dreg:$0x3] =	wrdreg s24  }
0xb0: {  	[dreg:$0x4] =	wrdreg $0x9  }
0xb1: {  	_ =	task.clear_ibuf [dreg:s7], $0x5FFFF;
	_ =	strace $0x90000046  }
0xb2: {  	s29 =	simm.s32 $0x9;
	_ =	strace $0x80000048  }
0xb3: {  	_ =	swait.ge [sflag:s29], $0x1  }
0xb4: {  	[sflag:s29] =	ssyncadd.s32 $0xFFFFFFFF  }
0xb5: {  	_ =	strace $0x90000048  }
0xb6: {  	_ =	sfence  }
0xb7: {  	s30 =	sld [smem:$0x0];
	_ =	sdelay $0x2  }
0xb8: {  	s31 =	sshll.u32 s1, $0xD;
	s1 =	sshrl.u32 s1, $0x2  }
0xb9: {  	s3 =	sand.u32 $0x4000, s31;
	s1 =	sadd.s32 s1, s30  }
0xba: {  	s0 =	sor.u32 s3, s0;
	s1 =	sshll.u32 s1, $0x11  }
0xbb: {  	s0 =	sor.u32 s1, s0  }
0xbc: {  	s0 =	sadd.s32 $0x8F2B, s0  }
0xbd: {  	[sflag:s0] =	ssyncadd.remote.s32 $0x1  }
0xbe: {  	_ =	sfence.sel $0xFFFF  }
0xbf: {  	[dreg:$0x0] =	wrdreg $0xFFFFFFFF;
	(pc) =	sbr.abs _section_cstart, $3  }
0xc0: {  	[dreg:$0x1] =	wrdreg $0xFFFFFFFF  }
0xc1: {  	_ =	task.clear_ibuf [dreg:s7], $0x2FFFF;
	_ =	strace $0x9FFFFFFF  }
0xc2: {  	(tm) =	ssettm $0x7FFFFFFF  }
0xc3: {  	_ =	shalt  }
tec
execute0_lowered:
.L_overlay_start_1:
0x0: {  	(tag) =	ssettag $0x1  }
0x1: {  	s2 =	rddreg [dreg:$0x0];
	s1 =	srdreg.scid  }
0x2: {  	s0 =	stileid.u32;
	s10 =	rddreg [dreg:$0x1];
	s3 =	simm.s32 $0x0  }
0x3: {  	s12 =	simm.s32 $0x1000;
	s13 =	simm.s32 $0x7A1400;
	s14 =	simm.s32 $0x8000  }
0x4: {  	s15 =	simm.s32 $0x1;
	s16 =	simm.s32 $0x10000;
	s17 =	simm.s32 $0x2  }
0x5: {  	s18 =	simm.s32 $0x15000;
	s5 =	sand.u32 $0x1, s1;
	s4 =	sshll.u32 s0, $0x1  }
0x6: {  	s20 =	simm.s32 $0x4;
	s21 =	simm.s32 $0x0;
	s19 =	sor.u32 s5, s4  }
0x7: {  	[smem:$0x7FF] =	sst s3;
	s6 =	sadd.s32 $0x1200, s10;
	s4 =	smul.u32 $0x3E, s19  }
.Ltmp0:
0x8: {  	_ =	strace $0x80000047;
	s7 =	ssub.s32 $0x2, s5;
	(pc) =	sbr.rel .LBB2_1-.Ltmp0, $4  }
0x9: {  	s5 =	sadd.s32 $0x1000, s10;
	s10 =	sadd.s32 $0x4C5C00, s10;
	s8 =	smul.u32 $0x7C00, s19  }
0xa: {  	s9 =	sshrl.u32 s7, $0x1;
	p0 =	sne.s32 s19, $0x1F;
	s19 =	simm.s32 $0x3  }
0xb: {  	v0 =	vlaneseq.u32;
	s11 =	ssub.s32 s7, s9;
	s31 =	ssub.s32 $0x7A1, s4;
	s7 =	sadd.s32 s2, s8  }
0xc: {  	v0 =	vmul.u32 $0x28, v0;
	s11 =	smax.u32 s11, $0x1;
	s8 =	smin.u32 s31, $0x3E;
	s9 =	sadd.s32 $0x200, s7  }
.LBB2_11:
0xd: {  	_ =	swait.ge [sflag:s19], $0x5000  }
0xe: {  	[sflag:s19] =	ssyncset.done $0x0  }
0xf: {  	[sflag:s19] =	ssyncadd.s32 $0xFFFFB000  }
0x10: {  	_ =	swait.ge [sflag:s20], $0x5000  }
0x11: {  	s1 =	simm.s32 @!p0 $0x0;
	[sflag:s20] =	ssyncset.done $0x0  }
0x12: {  	s22 =	simm.s32 @!p0 $0x10000;
	s23 =	simm.s32 @!p0 $0x5;
	[sflag:s20] =	ssyncadd.s32 $0xFFFFB000  }
0x13: {  	[tilespmem:s22], [sflag:$0x5] =	stream.linear.gather @!p0 [hbm4b:s5+s1], $0xA00, $0x38;
	[tilespmem:$0x1A000] =	vst v63  }
0x14: {  	s21 =	sadd.s32 $0x1, s21;
	_ =	swait.ge @!p0 [sflag:s23], $0xA00  }
0x15: {  	p1 =	sne.s32 s21, s11;
	[sflag:s23] =	ssyncset.done @!p0 $0x0  }
.Ltmp1:
0x16: {  	[sflag:s23] =	ssyncadd.s32 @!p0 $0xFFFFF600;
	(pc) =	sbr.rel @!p1 .LBB2_12-.Ltmp1, $4  }
0x17: {  	[hbm4b:s10+s1] =	stream.linear.scatter @!p0 [tilespmem:s22], [sflag:$0x5], $0xA00, $0x38;
	[tilespmem:$0x1A000] =	vst v63  }
0x18: {  	_ =	swait.ge @!p0 [sflag:s23], $0xA00  }
0x19: {  	[sflag:s23] =	ssyncset.done @!p0 $0x0  }
0x1a: {  	[sflag:s23] =	ssyncadd.s32 @!p0 $0xFFFFF600  }
.LBB2_1:
.Ltmp2:
0x1b: {  	(pc) =	sbr.rel .LBB2_2-.Ltmp2, $4  }
0x1c: {  	_ = 	snop  }
0x1d: {  	[tilespmem:s3], [sflag:$0x1] =	stream.strided.gather [hbm4b:s7+s12], $0x8000, s13, s12, $0x38;
	[tilespmem:$0x1A000] =	vst v63  }
0x1e: {  	s22 =	simm.s32 $0x0  }
0x1f: {  	[tilespmem:s14], [sflag:$0x2] =	stream.strided.gather [hbm4b:s9+s12], $0x8000, s13, s12, $0x38;
	[tilespmem:$0x1A000] =	vst v63  }
.LBB2_10:
0x20: {  	s22 =	sadd.s32 $0x1, s22  }
0x21: {  	p1 =	sne.s32 s22, $0x1F  }
.Ltmp3:
0x22: {  	_ = 	snop;
	(pc) =	sbr.rel @!p1 .LBB2_11-.Ltmp3, $1  }
0x23: {  	_ =	sdelay $0x3  }
.LBB2_2:
0x24: {  	s23 =	sshll.u32 s22, $0x1  }
0x25: {  	p1 =	sge.u32 s23, s8  }
.Ltmp4:
0x26: {  	_ = 	snop;
	(pc) =	sbr.rel @p1 .LBB2_6-.Ltmp4, $1  }
0x27: {  	_ =	sdelay $0x3  }
0x28: {  	_ =	swait.ge [sflag:s15], $0x8000  }
0x29: {  	p1 =	seq.s32 s22, $0x0;
	[sflag:s15] =	ssyncset.done $0x0  }
0x2a: {  	s25 =	simm.s32 @!p1 $0x3;
	[sflag:s15] =	ssyncadd.s32 $0xFFFF8000  }
0x2b: {  	_ =	swait.ge @!p1 [sflag:s25], $0x5000  }
0x2c: {  	[sflag:s25] =	ssyncset.done @!p1 $0x0  }
0x2d: {  	s24 =	sadd.s32 s4, s23;
	[sflag:s25] =	ssyncadd.s32 @!p1 $0xFFFFB000;
	s25 =	simm.s32 $0x0  }
.LBB2_4:
0x2e: {  	s26 =	sshll.u32 s25, $0xA  }
0x2f: {  	s26 =	sand.u32 $0x3FFFFC00, s26  }
0x30: {  	v1 =	vld [tilespmem:s26+$0x0]  }
0x31: {  	v2 =	vld [tilespmem:s26+$0x80]  }
0x32: {  	v3 =	vadd.s32 s25, v0;
	v4 =	vld [tilespmem:s26+$0x100]  }
0x33: {  	s28 =	sor.u32 $0x1, s25;
	v5 =	vld [tilespmem:s26+$0x180]  }
0x34: {  	v6 =	vadd.s32 s28, v0;
	_ =	sdelay $0x1  }
0x35: {  	v1 =	vpack.i.f32.bf16 v2, v1  }
0x36: {  	[tilespmem:v3+s16+$0x0] =	vst.idx.msk $0xffff, v1  }
0x37: {  	v2 =	vpack.i.f32.bf16 v5, v4;
	v1 =	vld [tilespmem:s26+$0x10]  }
0x38: {  	s29 =	sor.u32 $0x280, s25;
	[tilespmem:v6+s16+$0x0] =	vst.idx.msk $0xffff, v2;
	v3 =	vld [tilespmem:s26+$0x90]  }
0x39: {  	v2 =	vadd.s32 s29, v0;
	v45 =	vld [tilespmem:s26+$0x110]  }
0x3a: {  	s30 =	sor.u32 $0x281, s25;
	v46 =	vld [tilespmem:s26+$0x190]  }
0x3b: {  	v47 =	vadd.s32 s30, v0;
	_ =	sdelay $0x1  }
0x3c: {  	v1 =	vpack.i.f32.bf16 v3, v1  }
0x3d: {  	[tilespmem:v2+s16+$0x0] =	vst.idx.msk $0xffff, v1  }
0x3e: {  	v2 =	vpack.i.f32.bf16 v46, v45;
	v1 =	vld [tilespmem:s26+$0x20]  }
0x3f: {  	s31 =	sor.u32 $0x500, s25;
	v3 =	vld [tilespmem:s26+$0xA0];
	[tilespmem:v47+s16+$0x0] =	vst.idx.msk $0xffff, v2  }
0x40: {  	v2 =	vadd.s32 s31, v0;
	v48 =	vld [tilespmem:s26+$0x120]  }
0x41: {  	s1 =	sor.u32 $0x501, s25;
	v49 =	vld [tilespmem:s26+$0x1A0]  }
0x42: {  	v50 =	vadd.s32 s1, v0;
	_ =	sdelay $0x1  }
0x43: {  	v1 =	vpack.i.f32.bf16 v3, v1  }
0x44: {  	[tilespmem:v2+s16+$0x0] =	vst.idx.msk $0xffff, v1  }
0x45: {  	v2 =	vpack.i.f32.bf16 v49, v48;
	v1 =	vld [tilespmem:s26+$0x30]  }
0x46: {  	s29 =	sor.u32 $0x780, s25;
	v3 =	vld [tilespmem:s26+$0xB0];
	[tilespmem:v50+s16+$0x0] =	vst.idx.msk $0xffff, v2  }
0x47: {  	v2 =	vadd.s32 s29, v0;
	v51 =	vld [tilespmem:s26+$0x130]  }
0x48: {  	s30 =	sor.u32 $0x781, s25;
	v52 =	vld [tilespmem:s26+$0x1B0]  }
0x49: {  	v53 =	vadd.s32 s30, v0;
	_ =	sdelay $0x1  }
0x4a: {  	v1 =	vpack.i.f32.bf16 v3, v1  }
0x4b: {  	[tilespmem:v2+s16+$0x0] =	vst.idx.msk $0xffff, v1  }
0x4c: {  	v2 =	vpack.i.f32.bf16 v52, v51;
	v1 =	vld [tilespmem:s26+$0x40]  }
0x4d: {  	s31 =	sor.u32 $0xA00, s25;
	v3 =	vld [tilespmem:s26+$0xC0];
	[tilespmem:v53+s16+$0x0] =	vst.idx.msk $0xffff, v2  }
0x4e: {  	v2 =	vadd.s32 s31, v0;
	v54 =	vld [tilespmem:s26+$0x140]  }
0x4f: {  	s1 =	sor.u32 $0xA01, s25;
	v55 =	vld [tilespmem:s26+$0x1C0]  }
0x50: {  	v56 =	vadd.s32 s1, v0;
	_ =	sdelay $0x1  }
0x51: {  	v1 =	vpack.i.f32.bf16 v3, v1  }
0x52: {  	[tilespmem:v2+s16+$0x0] =	vst.idx.msk $0xffff, v1  }
0x53: {  	v2 =	vpack.i.f32.bf16 v55, v54;
	v1 =	vld [tilespmem:s26+$0x50]  }
0x54: {  	s29 =	sor.u32 $0xC80, s25;
	v3 =	vld [tilespmem:s26+$0xD0];
	[tilespmem:v56+s16+$0x0] =	vst.idx.msk $0xffff, v2  }
0x55: {  	v2 =	vadd.s32 s29, v0;
	v57 =	vld [tilespmem:s26+$0x150]  }
0x56: {  	s30 =	sor.u32 $0xC81, s25;
	v58 =	vld [tilespmem:s26+$0x1D0]  }
0x57: {  	v59 =	vadd.s32 s30, v0;
	_ =	sdelay $0x1  }
0x58: {  	v1 =	vpack.i.f32.bf16 v3, v1  }
0x59: {  	[tilespmem:v2+s16+$0x0] =	vst.idx.msk $0xffff, v1  }
0x5a: {  	v2 =	vpack.i.f32.bf16 v58, v57;
	v1 =	vld [tilespmem:s26+$0x60]  }
0x5b: {  	s31 =	sor.u32 $0xF00, s25;
	v3 =	vld [tilespmem:s26+$0xE0];
	[tilespmem:v59+s16+$0x0] =	vst.idx.msk $0xffff, v2  }
0x5c: {  	v2 =	vadd.s32 s31, v0;
	v60 =	vld [tilespmem:s26+$0x160]  }
0x5d: {  	s1 =	sor.u32 $0xF01, s25;
	v61 =	vld [tilespmem:s26+$0x1E0]  }
0x5e: {  	v62 =	vadd.s32 s1, v0;
	_ =	sdelay $0x1  }
0x5f: {  	v1 =	vpack.i.f32.bf16 v3, v1  }
0x60: {  	[tilespmem:v2+s16+$0x0] =	vst.idx.msk $0xffff, v1  }
0x61: {  	v2 =	vpack.i.f32.bf16 v61, v60;
	v1 =	vld [tilespmem:s26+$0x70]  }
0x62: {  	s29 =	sor.u32 $0x1180, s25;
	v3 =	vld [tilespmem:s26+$0xF0];
	[tilespmem:v62+s16+$0x0] =	vst.idx.msk $0xffff, v2  }
0x63: {  	v2 =	vadd.s32 s29, v0;
	v63 =	vld [tilespmem:s26+$0x170]  }
0x64: {  	s30 =	sor.u32 $0x1181, s25;
	v12 =	vld [tilespmem:s26+$0x1F0]  }
0x65: {  	v7 =	vld [tilespmem:s26+$0x200];
	v13 =	vadd.s32 s30, v0  }
0x66: {  	v8 =	vld [tilespmem:s26+$0x280];
	s31 =	sor.u32 $0x2, s25  }
0x67: {  	v1 =	vpack.i.f32.bf16 v3, v1;
	v3 =	vadd.s32 s31, v0  }
0x68: {  	[tilespmem:v2+s16+$0x0] =	vst.idx.msk $0xffff, v1  }
0x69: {  	v2 =	vpack.i.f32.bf16 v12, v63;
	v1 =	vld [tilespmem:s26+$0x400]  }
0x6a: {  	s1 =	sor.u32 $0x1400, s25;
	v14 =	vld [tilespmem:s26+$0x480];
	[tilespmem:v13+s16+$0x0] =	vst.idx.msk $0xffff, v2  }
0x6b: {  	v16 =	vpack.i.f32.bf16 v8, v7;
	v2 =	vadd.s32 s1, v0;
	v15 =	vld [tilespmem:s26+$0x500]  }
0x6c: {  	s29 =	sor.u32 $0x1401, s25;
	v17 =	vld [tilespmem:s26+$0x580];
	[tilespmem:v3+s16+$0x0] =	vst.idx.msk $0xffff, v16  }
0x6d: {  	v3 =	vadd.s32 s29, v0;
	v6 =	vld [tilespmem:s26+$0x210]  }
0x6e: {  	s30 =	sor.u32 $0x282, s25;
	v18 =	vld [tilespmem:s26+$0x290]  }
0x6f: {  	v19 =	vadd.s32 s30, v0;
	v1 =	vpack.i.f32.bf16 v14, v1  }
0x70: {  	[tilespmem:v2+s16+$0x0] =	vst.idx.msk $0xffff, v1  }
0x71: {  	v2 =	vpack.i.f32.bf16 v17, v15;
	v1 =	vld [tilespmem:s26+$0x410]  }
0x72: {  	s31 =	sor.u32 $0x1680, s25;
	v20 =	vld [tilespmem:s26+$0x490];
	[tilespmem:v3+s16+$0x0] =	vst.idx.msk $0xffff, v2  }
0x73: {  	v2 =	vadd.s32 s31, v0;
	v3 =	vld [tilespmem:s26+$0x510];
	v6 =	vpack.i.f32.bf16 v18, v6  }
0x74: {  	s1 =	sor.u32 $0x1681, s25;
	v21 =	vld [tilespmem:s26+$0x590];
	[tilespmem:v19+s16+$0x0] =	vst.idx.msk $0xffff, v6  }
0x75: {  	v22 =	vadd.s32 s1, v0;
	v6 =	vld [tilespmem:s26+$0x220]  }
0x76: {  	s29 =	sor.u32 $0x502, s25;
	v23 =	vld [tilespmem:s26+$0x2A0]  }
0x77: {  	v24 =	vadd.s32 s29, v0;
	v1 =	vpack.i.f32.bf16 v20, v1  }
0x78: {  	[tilespmem:v2+s16+$0x0] =	vst.idx.msk $0xffff, v1  }
0x79: {  	v1 =	vld [tilespmem:s26+$0x420];
	v2 =	vpack.i.f32.bf16 v21, v3  }
0x7a: {  	s30 =	sor.u32 $0x1900, s25;
	v3 =	vld [tilespmem:s26+$0x4A0];
	[tilespmem:v22+s16+$0x0] =	vst.idx.msk $0xffff, v2  }
0x7b: {  	v2 =	vadd.s32 s30, v0;
	v4 =	vld [tilespmem:s26+$0x520];
	v6 =	vpack.i.f32.bf16 v23, v6  }
0x7c: {  	s31 =	sor.u32 $0x1901, s25;
	v25 =	vld [tilespmem:s26+$0x5A0];
	[tilespmem:v24+s16+$0x0] =	vst.idx.msk $0xffff, v6  }
0x7d: {  	v26 =	vadd.s32 s31, v0;
	v6 =	vld [tilespmem:s26+$0x230]  }
0x7e: {  	s1 =	sor.u32 $0x782, s25;
	v27 =	vld [tilespmem:s26+$0x2B0]  }
0x7f: {  	v1 =	vpack.i.f32.bf16 v3, v1;
	v3 =	vadd.s32 s1, v0  }
0x80: {  	[tilespmem:v2+s16+$0x0] =	vst.idx.msk $0xffff, v1  }
0x81: {  	v1 =	vld [tilespmem:s26+$0x430];
	v2 =	vpack.i.f32.bf16 v25, v4  }
0x82: {  	s29 =	sor.u32 $0x1B80, s25;
	v28 =	vld [tilespmem:s26+$0x4B0];
	[tilespmem:v26+s16+$0x0] =	vst.idx.msk $0xffff, v2  }
0x83: {  	v2 =	vadd.s32 s29, v0;
	v5 =	vld [tilespmem:s26+$0x530];
	v6 =	vpack.i.f32.bf16 v27, v6  }
0x84: {  	s30 =	sor.u32 $0x1B81, s25;
	v29 =	vld [tilespmem:s26+$0x5B0];
	[tilespmem:v3+s16+$0x0] =	vst.idx.msk $0xffff, v6  }
0x85: {  	v3 =	vadd.s32 s30, v0;
	v6 =	vld [tilespmem:s26+$0x240]  }
0x86: {  	s31 =	sor.u32 $0xA02, s25;
	v30 =	vld [tilespmem:s26+$0x2C0]  }
0x87: {  	v31 =	vadd.s32 s31, v0;
	v1 =	vpack.i.f32.bf16 v28, v1  }
0x88: {  	[tilespmem:v2+s16+$0x0] =	vst.idx.msk $0xffff, v1  }
0x89: {  	v1 =	vld [tilespmem:s26+$0x440];
	v2 =	vpack.i.f32.bf16 v29, v5  }
0x8a: {  	s1 =	sor.u32 $0x1E00, s25;
	v32 =	vld [tilespmem:s26+$0x4C0];
	[tilespmem:v3+s16+$0x0] =	vst.idx.msk $0xffff, v2  }
0x8b: {  	v2 =	vadd.s32 s1, v0;
	v3 =	vld [tilespmem:s26+$0x540];
	v6 =	vpack.i.f32.bf16 v30, v6  }
0x8c: {  	s29 =	sor.u32 $0x1E01, s25;
	v33 =	vld [tilespmem:s26+$0x5C0];
	[tilespmem:v31+s16+$0x0] =	vst.idx.msk $0xffff, v6  }
0x8d: {  	v34 =	vadd.s32 s29, v0;
	v6 =	vld [tilespmem:s26+$0x250]  }
0x8e: {  	s30 =	sor.u32 $0xC82, s25;
	v35 =	vld [tilespmem:s26+$0x2D0]  }
0x8f: {  	v36 =	vadd.s32 s30, v0;
	v1 =	vpack.i.f32.bf16 v32, v1  }
0x90: {  	[tilespmem:v2+s16+$0x0] =	vst.idx.msk $0xffff, v1  }
0x91: {  	v1 =	vld [tilespmem:s26+$0x450];
	v2 =	vpack.i.f32.bf16 v33, v3  }
0x92: {  	s31 =	sor.u32 $0x2080, s25;
	v3 =	vld [tilespmem:s26+$0x4D0];
	[tilespmem:v34+s16+$0x0] =	vst.idx.msk $0xffff, v2  }
0x93: {  	v2 =	vadd.s32 s31, v0;
	v4 =	vld [tilespmem:s26+$0x550];
	v6 =	vpack.i.f32.bf16 v35, v6  }
0x94: {  	s1 =	sor.u32 $0x2081, s25;
	v37 =	vld [tilespmem:s26+$0x5D0];
	[tilespmem:v36+s16+$0x0] =	vst.idx.msk $0xffff, v6  }
0x95: {  	v38 =	vadd.s32 s1, v0;
	v6 =	vld [tilespmem:s26+$0x260]  }
0x96: {  	s29 =	sor.u32 $0xF02, s25;
	v39 =	vld [tilespmem:s26+$0x2E0]  }
0x97: {  	v1 =	vpack.i.f32.bf16 v3, v1;
	v3 =	vadd.s32 s29, v0  }
0x98: {  	[tilespmem:v2+s16+$0x0] =	vst.idx.msk $0xffff, v1  }
0x99: {  	v1 =	vld [tilespmem:s26+$0x460];
	v2 =	vpack.i.f32.bf16 v37, v4  }
0x9a: {  	s30 =	sor.u32 $0x2300, s25;
	v40 =	vld [tilespmem:s26+$0x4E0];
	[tilespmem:v38+s16+$0x0] =	vst.idx.msk $0xffff, v2  }
0x9b: {  	v2 =	vadd.s32 s30, v0;
	v5 =	vld [tilespmem:s26+$0x560];
	v6 =	vpack.i.f32.bf16 v39, v6  }
0x9c: {  	s31 =	sor.u32 $0x2301, s25;
	v41 =	vld [tilespmem:s26+$0x5E0];
	[tilespmem:v3+s16+$0x0] =	vst.idx.msk $0xffff, v6  }
0x9d: {  	v3 =	vadd.s32 s31, v0;
	v6 =	vld [tilespmem:s26+$0x270]  }
0x9e: {  	s1 =	sor.u32 $0x1182, s25;
	v42 =	vld [tilespmem:s26+$0x2F0]  }
0x9f: {  	v43 =	vadd.s32 s1, v0;
	v1 =	vpack.i.f32.bf16 v40, v1  }
0xa0: {  	[tilespmem:v2+s16+$0x0] =	vst.idx.msk $0xffff, v1  }
0xa1: {  	v1 =	vld [tilespmem:s26+$0x470];
	v2 =	vpack.i.f32.bf16 v41, v5  }
0xa2: {  	s29 =	sor.u32 $0x2580, s25;
	v44 =	vld [tilespmem:s26+$0x4F0];
	[tilespmem:v3+s16+$0x0] =	vst.idx.msk $0xffff, v2  }
0xa3: {  	v2 =	vadd.s32 s29, v0;
	v3 =	vld [tilespmem:s26+$0x570];
	v6 =	vpack.i.f32.bf16 v42, v6  }
0xa4: {  	s30 =	sor.u32 $0x2581, s25;
	v45 =	vld [tilespmem:s26+$0x5F0];
	[tilespmem:v43+s16+$0x0] =	vst.idx.msk $0xffff, v6  }
0xa5: {  	v46 =	vadd.s32 s30, v0;
	v6 =	vld [tilespmem:s26+$0x600]  }
0xa6: {  	s31 =	sor.u32 $0x1402, s25;
	v47 =	vld [tilespmem:s26+$0x680]  }
0xa7: {  	v48 =	vadd.s32 s31, v0;
	v1 =	vpack.i.f32.bf16 v44, v1  }
0xa8: {  	[tilespmem:v2+s16+$0x0] =	vst.idx.msk $0xffff, v1  }
0xa9: {  	v1 =	vld [tilespmem:s26+$0x800];
	v2 =	vpack.i.f32.bf16 v45, v3  }
0xaa: {  	s1 =	sor.u32 $0x2800, s25;
	v3 =	vld [tilespmem:s26+$0x880];
	[tilespmem:v46+s16+$0x0] =	vst.idx.msk $0xffff, v2  }
0xab: {  	v2 =	vadd.s32 s1, v0;
	v4 =	vld [tilespmem:s26+$0x900];
	v6 =	vpack.i.f32.bf16 v47, v6  }
0xac: {  	s29 =	sor.u32 $0x2801, s25;
	v49 =	vld [tilespmem:s26+$0x980];
	[tilespmem:v48+s16+$0x0] =	vst.idx.msk $0xffff, v6  }
0xad: {  	v50 =	vadd.s32 s29, v0;
	v6 =	vld [tilespmem:s26+$0x610]  }
0xae: {  	s30 =	sor.u32 $0x1682, s25;
	v51 =	vld [tilespmem:s26+$0x690]  }
0xaf: {  	v1 =	vpack.i.f32.bf16 v3, v1;
	v3 =	vadd.s32 s30, v0  }
0xb0: {  	[tilespmem:v2+s16+$0x0] =	vst.idx.msk $0xffff, v1  }
0xb1: {  	v1 =	vld [tilespmem:s26+$0x810];
	v2 =	vpack.i.f32.bf16 v49, v4  }
0xb2: {  	s31 =	sor.u32 $0x2A80, s25;
	v52 =	vld [tilespmem:s26+$0x890];
	[tilespmem:v50+s16+$0x0] =	vst.idx.msk $0xffff, v2  }
0xb3: {  	v2 =	vadd.s32 s31, v0;
	v5 =	vld [tilespmem:s26+$0x910];
	v6 =	vpack.i.f32.bf16 v51, v6  }
0xb4: {  	s1 =	sor.u32 $0x2A81, s25;
	v53 =	vld [tilespmem:s26+$0x990];
	[tilespmem:v3+s16+$0x0] =	vst.idx.msk $0xffff, v6  }
0xb5: {  	v3 =	vadd.s32 s1, v0;
	v6 =	vld [tilespmem:s26+$0x620]  }
0xb6: {  	s29 =	sor.u32 $0x1902, s25;
	v54 =	vld [tilespmem:s26+$0x6A0]  }
0xb7: {  	v55 =	vadd.s32 s29, v0;
	v1 =	vpack.i.f32.bf16 v52, v1  }
0xb8: {  	[tilespmem:v2+s16+$0x0] =	vst.idx.msk $0xffff, v1  }
0xb9: {  	v1 =	vld [tilespmem:s26+$0x820];
	v2 =	vpack.i.f32.bf16 v53, v5  }
0xba: {  	s30 =	sor.u32 $0x2D00, s25;
	v56 =	vld [tilespmem:s26+$0x8A0];
	[tilespmem:v3+s16+$0x0] =	vst.idx.msk $0xffff, v2  }
0xbb: {  	v2 =	vadd.s32 s30, v0;
	v3 =	vld [tilespmem:s26+$0x920];
	v6 =	vpack.i.f32.bf16 v54, v6  }
0xbc: {  	s31 =	sor.u32 $0x2D01, s25;
	v57 =	vld [tilespmem:s26+$0x9A0];
	[tilespmem:v55+s16+$0x0] =	vst.idx.msk $0xffff, v6  }
0xbd: {  	v58 =	vadd.s32 s31, v0;
	v6 =	vld [tilespmem:s26+$0x630]  }
0xbe: {  	s1 =	sor.u32 $0x1B82, s25;
	v59 =	vld [tilespmem:s26+$0x6B0]  }
0xbf: {  	v60 =	vadd.s32 s1, v0;
	v1 =	vpack.i.f32.bf16 v56, v1  }
0xc0: {  	[tilespmem:v2+s16+$0x0] =	vst.idx.msk $0xffff, v1  }
0xc1: {  	v1 =	vld [tilespmem:s26+$0x830];
	v2 =	vpack.i.f32.bf16 v57, v3  }
0xc2: {  	s29 =	sor.u32 $0x2F80, s25;
	v3 =	vld [tilespmem:s26+$0x8B0];
	[tilespmem:v58+s16+$0x0] =	vst.idx.msk $0xffff, v2  }
0xc3: {  	v2 =	vadd.s32 s29, v0;
	v4 =	vld [tilespmem:s26+$0x930];
	v6 =	vpack.i.f32.bf16 v59, v6  }
0xc4: {  	s30 =	sor.u32 $0x2F81, s25;
	v61 =	vld [tilespmem:s26+$0x9B0];
	[tilespmem:v60+s16+$0x0] =	vst.idx.msk $0xffff, v6  }
0xc5: {  	v62 =	vadd.s32 s30, v0;
	v6 =	vld [tilespmem:s26+$0x640]  }
0xc6: {  	s31 =	sor.u32 $0x1E02, s25;
	v63 =	vld [tilespmem:s26+$0x6C0]  }
0xc7: {  	v1 =	vpack.i.f32.bf16 v3, v1;
	v3 =	vadd.s32 s31, v0  }
0xc8: {  	[tilespmem:v2+s16+$0x0] =	vst.idx.msk $0xffff, v1  }
0xc9: {  	v1 =	vld [tilespmem:s26+$0x840];
	v2 =	vpack.i.f32.bf16 v61, v4  }
0xca: {  	s1 =	sor.u32 $0x3200, s25;
	v12 =	vld [tilespmem:s26+$0x8C0];
	[tilespmem:v62+s16+$0x0] =	vst.idx.msk $0xffff, v2  }
0xcb: {  	v2 =	vadd.s32 s1, v0;
	v5 =	vld [tilespmem:s26+$0x940];
	v6 =	vpack.i.f32.bf16 v63, v6  }
0xcc: {  	s29 =	sor.u32 $0x3201, s25;
	v13 =	vld [tilespmem:s26+$0x9C0];
	[tilespmem:v3+s16+$0x0] =	vst.idx.msk $0xffff, v6  }
0xcd: {  	v3 =	vadd.s32 s29, v0;
	v6 =	vld [tilespmem:s26+$0x650]  }
0xce: {  	s30 =	sor.u32 $0x2082, s25;
	v14 =	vld [tilespmem:s26+$0x6D0]  }
0xcf: {  	v15 =	vadd.s32 s30, v0;
	v1 =	vpack.i.f32.bf16 v12, v1  }
0xd0: {  	[tilespmem:v2+s16+$0x0] =	vst.idx.msk $0xffff, v1  }
0xd1: {  	v1 =	vld [tilespmem:s26+$0x850];
	v2 =	vpack.i.f32.bf16 v13, v5  }
0xd2: {  	s31 =	sor.u32 $0x3480, s25;
	v16 =	vld [tilespmem:s26+$0x8D0];
	[tilespmem:v3+s16+$0x0] =	vst.idx.msk $0xffff, v2  }
0xd3: {  	v2 =	vadd.s32 s31, v0;
	v3 =	vld [tilespmem:s26+$0x950];
	v6 =	vpack.i.f32.bf16 v14, v6  }
0xd4: {  	s1 =	sor.u32 $0x3481, s25;
	v17 =	vld [tilespmem:s26+$0x9D0];
	[tilespmem:v15+s16+$0x0] =	vst.idx.msk $0xffff, v6  }
0xd5: {  	v18 =	vadd.s32 s1, v0;
	v6 =	vld [tilespmem:s26+$0x660]  }
0xd6: {  	s29 =	sor.u32 $0x2302, s25;
	v19 =	vld [tilespmem:s26+$0x6E0]  }
0xd7: {  	v20 =	vadd.s32 s29, v0;
	v1 =	vpack.i.f32.bf16 v16, v1  }
0xd8: {  	[tilespmem:v2+s16+$0x0] =	vst.idx.msk $0xffff, v1  }
0xd9: {  	v1 =	vld [tilespmem:s26+$0x860];
	v2 =	vpack.i.f32.bf16 v17, v3  }
0xda: {  	s30 =	sor.u32 $0x3700, s25;
	v3 =	vld [tilespmem:s26+$0x8E0];
	[tilespmem:v18+s16+$0x0] =	vst.idx.msk $0xffff, v2  }
0xdb: {  	v2 =	vadd.s32 s30, v0;
	v4 =	vld [tilespmem:s26+$0x960];
	v6 =	vpack.i.f32.bf16 v19, v6  }
0xdc: {  	s31 =	sor.u32 $0x3701, s25;
	v21 =	vld [tilespmem:s26+$0x9E0];
	[tilespmem:v20+s16+$0x0] =	vst.idx.msk $0xffff, v6  }
0xdd: {  	v22 =	vadd.s32 s31, v0;
	v6 =	vld [tilespmem:s26+$0x670]  }
0xde: {  	s1 =	sor.u32 $0x2582, s25;
	v23 =	vld [tilespmem:s26+$0x6F0]  }
0xdf: {  	v1 =	vpack.i.f32.bf16 v3, v1;
	v3 =	vadd.s32 s1, v0  }
0xe0: {  	[tilespmem:v2+s16+$0x0] =	vst.idx.msk $0xffff, v1  }
0xe1: {  	v1 =	vld [tilespmem:s26+$0x870];
	v2 =	vpack.i.f32.bf16 v21, v4  }
0xe2: {  	s29 =	sor.u32 $0x3980, s25;
	v24 =	vld [tilespmem:s26+$0x8F0];
	[tilespmem:v22+s16+$0x0] =	vst.idx.msk $0xffff, v2  }
0xe3: {  	v2 =	vadd.s32 s29, v0;
	v5 =	vld [tilespmem:s26+$0x970];
	v6 =	vpack.i.f32.bf16 v23, v6  }
0xe4: {  	s30 =	sor.u32 $0x3981, s25;
	v25 =	vld [tilespmem:s26+$0x9F0];
	[tilespmem:v3+s16+$0x0] =	vst.idx.msk $0xffff, v6  }
0xe5: {  	v3 =	vadd.s32 s30, v0;
	v6 =	vld [tilespmem:s26+$0xA00]  }
0xe6: {  	s31 =	sor.u32 $0x2802, s25;
	v26 =	vld [tilespmem:s26+$0xA80]  }
0xe7: {  	v27 =	vadd.s32 s31, v0;
	v1 =	vpack.i.f32.bf16 v24, v1  }
0xe8: {  	[tilespmem:v2+s16+$0x0] =	vst.idx.msk $0xffff, v1  }
0xe9: {  	v1 =	vld [tilespmem:s26+$0xC00];
	v2 =	vpack.i.f32.bf16 v25, v5  }
0xea: {  	s1 =	sor.u32 $0x3C00, s25;
	v28 =	vld [tilespmem:s26+$0xC80];
	[tilespmem:v3+s16+$0x0] =	vst.idx.msk $0xffff, v2  }
0xeb: {  	v2 =	vadd.s32 s1, v0;
	v3 =	vld [tilespmem:s26+$0xD00];
	v6 =	vpack.i.f32.bf16 v26, v6  }
0xec: {  	s29 =	sor.u32 $0x3C01, s25;
	v29 =	vld [tilespmem:s26+$0xD80];
	[tilespmem:v27+s16+$0x0] =	vst.idx.msk $0xffff, v6  }
0xed: {  	v30 =	vadd.s32 s29, v0;
	v6 =	vld [tilespmem:s26+$0xA10]  }
0xee: {  	s30 =	sor.u32 $0x2A82, s25;
	v31 =	vld [tilespmem:s26+$0xA90]  }
0xef: {  	v32 =	vadd.s32 s30, v0;
	v1 =	vpack.i.f32.bf16 v28, v1  }
0xf0: {  	[tilespmem:v2+s16+$0x0] =	vst.idx.msk $0xffff, v1  }
0xf1: {  	v1 =	vld [tilespmem:s26+$0xC10];
	v2 =	vpack.i.f32.bf16 v29, v3  }
0xf2: {  	s31 =	sor.u32 $0x3E80, s25;
	v3 =	vld [tilespmem:s26+$0xC90];
	[tilespmem:v30+s16+$0x0] =	vst.idx.msk $0xffff, v2  }
0xf3: {  	v2 =	vadd.s32 s31, v0;
	v4 =	vld [tilespmem:s26+$0xD10];
	v6 =	vpack.i.f32.bf16 v31, v6  }
0xf4: {  	s1 =	sor.u32 $0x3E81, s25;
	v33 =	vld [tilespmem:s26+$0xD90];
	[tilespmem:v32+s16+$0x0] =	vst.idx.msk $0xffff, v6  }
0xf5: {  	v34 =	vadd.s32 s1, v0;
	v6 =	vld [tilespmem:s26+$0xA20]  }
0xf6: {  	s29 =	sor.u32 $0x2D02, s25;
	v35 =	vld [tilespmem:s26+$0xAA0]  }
0xf7: {  	v1 =	vpack.i.f32.bf16 v3, v1;
	v3 =	vadd.s32 s29, v0  }
0xf8: {  	[tilespmem:v2+s16+$0x0] =	vst.idx.msk $0xffff, v1  }
0xf9: {  	v1 =	vld [tilespmem:s26+$0xC20];
	v2 =	vpack.i.f32.bf16 v33, v4  }
0xfa: {  	s30 =	sor.u32 $0x4100, s25;
	v36 =	vld [tilespmem:s26+$0xCA0];
	[tilespmem:v34+s16+$0x0] =	vst.idx.msk $0xffff, v2  }
0xfb: {  	v2 =	vadd.s32 s30, v0;
	v5 =	vld [tilespmem:s26+$0xD20];
	v6 =	vpack.i.f32.bf16 v35, v6  }
0xfc: {  	s31 =	sor.u32 $0x4101, s25;
	v37 =	vld [tilespmem:s26+$0xDA0];
	[tilespmem:v3+s16+$0x0] =	vst.idx.msk $0xffff, v6  }
0xfd: {  	v3 =	vadd.s32 s31, v0;
	v6 =	vld [tilespmem:s26+$0xA30]  }
0xfe: {  	s1 =	sor.u32 $0x2F82, s25;
	v38 =	vld [tilespmem:s26+$0xAB0]  }
0xff: {  	v39 =	vadd.s32 s1, v0;
	v1 =	vpack.i.f32.bf16 v36, v1  }
0x100: {  	[tilespmem:v2+s16+$0x0] =	vst.idx.msk $0xffff, v1  }
0x101: {  	v1 =	vld [tilespmem:s26+$0xC30];
	v2 =	vpack.i.f32.bf16 v37, v5  }
0x102: {  	s29 =	sor.u32 $0x4380, s25;
	v40 =	vld [tilespmem:s26+$0xCB0];
	[tilespmem:v3+s16+$0x0] =	vst.idx.msk $0xffff, v2  }
0x103: {  	v2 =	vadd.s32 s29, v0;
	v3 =	vld [tilespmem:s26+$0xD30];
	v6 =	vpack.i.f32.bf16 v38, v6  }
0x104: {  	s30 =	sor.u32 $0x4381, s25;
	v41 =	vld [tilespmem:s26+$0xDB0];
	[tilespmem:v39+s16+$0x0] =	vst.idx.msk $0xffff, v6  }
0x105: {  	v42 =	vadd.s32 s30, v0;
	v6 =	vld [tilespmem:s26+$0xA40]  }
0x106: {  	s31 =	sor.u32 $0x3202, s25;
	v43 =	vld [tilespmem:s26+$0xAC0]  }
0x107: {  	v44 =	vadd.s32 s31, v0;
	v1 =	vpack.i.f32.bf16 v40, v1  }
0x108: {  	[tilespmem:v2+s16+$0x0] =	vst.idx.msk $0xffff, v1  }
0x109: {  	v1 =	vld [tilespmem:s26+$0xC40];
	v2 =	vpack.i.f32.bf16 v41, v3  }
0x10a: {  	s1 =	sor.u32 $0x4600, s25;
	v3 =	vld [tilespmem:s26+$0xCC0];
	[tilespmem:v42+s16+$0x0] =	vst.idx.msk $0xffff, v2  }
0x10b: {  	v2 =	vadd.s32 s1, v0;
	v4 =	vld [tilespmem:s26+$0xD40];
	v6 =	vpack.i.f32.bf16 v43, v6  }
0x10c: {  	s29 =	sor.u32 $0x4601, s25;
	v45 =	vld [tilespmem:s26+$0xDC0];
	[tilespmem:v44+s16+$0x0] =	vst.idx.msk $0xffff, v6  }
0x10d: {  	v46 =	vadd.s32 s29, v0;
	v6 =	vld [tilespmem:s26+$0xA50]  }
0x10e: {  	s30 =	sor.u32 $0x3482, s25;
	v47 =	vld [tilespmem:s26+$0xAD0]  }
0x10f: {  	v1 =	vpack.i.f32.bf16 v3, v1;
	v3 =	vadd.s32 s30, v0  }
0x110: {  	[tilespmem:v2+s16+$0x0] =	vst.idx.msk $0xffff, v1  }
0x111: {  	v1 =	vld [tilespmem:s26+$0xC50];
	v2 =	vpack.i.f32.bf16 v45, v4  }
0x112: {  	s31 =	sor.u32 $0x4880, s25;
	v48 =	vld [tilespmem:s26+$0xCD0];
	[tilespmem:v46+s16+$0x0] =	vst.idx.msk $0xffff, v2  }
0x113: {  	v2 =	vadd.s32 s31, v0;
	v5 =	vld [tilespmem:s26+$0xD50];
	v6 =	vpack.i.f32.bf16 v47, v6  }
0x114: {  	s1 =	sor.u32 $0x4881, s25;
	v49 =	vld [tilespmem:s26+$0xDD0];
	[tilespmem:v3+s16+$0x0] =	vst.idx.msk $0xffff, v6  }
0x115: {  	v3 =	vadd.s32 s1, v0;
	v6 =	vld [tilespmem:s26+$0xA60]  }
0x116: {  	s29 =	sor.u32 $0x3702, s25;
	v50 =	vld [tilespmem:s26+$0xAE0]  }
0x117: {  	v51 =	vadd.s32 s29, v0;
	v1 =	vpack.i.f32.bf16 v48, v1  }
0x118: {  	[tilespmem:v2+s16+$0x0] =	vst.idx.msk $0xffff, v1  }
0x119: {  	v1 =	vld [tilespmem:s26+$0xC60];
	v2 =	vpack.i.f32.bf16 v49, v5  }
0x11a: {  	v52 =	vld [tilespmem:s26+$0xCE0];
	[tilespmem:v3+s16+$0x0] =	vst.idx.msk $0xffff, v2  }
0x11b: {  	s30 =	sor.u32 $0x4B00, s25;
	v2 =	vld [tilespmem:s26+$0xD60];
	v3 =	vpack.i.f32.bf16 v50, v6  }
0x11c: {  	v53 =	vadd.s32 s30, v0;
	v54 =	vld [tilespmem:s26+$0xDE0];
	[tilespmem:v51+s16+$0x0] =	vst.idx.msk $0xffff, v3  }
0x11d: {  	s31 =	sor.u32 $0x4B01, s25;
	v3 =	vld [tilespmem:s26+$0xA70]  }
0x11e: {  	v55 =	vadd.s32 s31, v0;
	s1 =	sor.u32 $0x3982, s25;
	v56 =	vld [tilespmem:s26+$0xAF0]  }
0x11f: {  	v9 =	vadd.s32 s1, v0  }
0x120: {  	v1 =	vpack.i.f32.bf16 v52, v1  }
0x121: {  	[tilespmem:v53+s16+$0x0] =	vst.idx.msk $0xffff, v1  }
0x122: {  	v1 =	vld [tilespmem:s26+$0xC70];
	v2 =	vpack.i.f32.bf16 v54, v2  }
0x123: {  	v57 =	vld [tilespmem:s26+$0xCF0];
	[tilespmem:v55+s16+$0x0] =	vst.idx.msk $0xffff, v2;
	v2 =	vpack.i.f32.bf16 v56, v3  }
0x124: {  	v3 =	vld [tilespmem:s26+$0xD70];
	[tilespmem:v9+s16+$0x0] =	vst.idx.msk $0xffff, v2  }
0x125: {  	s29 =	sor.u32 $0x4D80, s25;
	v2 =	vld [tilespmem:s26+$0xE00]  }
0x126: {  	v58 =	vadd.s32 s29, v0;
	s30 =	sor.u32 $0x3C02, s25;
	v59 =	vld [tilespmem:s26+$0xE80]  }
0x127: {  	s29 =	sor.u32 $0x4D81, s25;
	v61 =	vadd.s32 s30, v0;
	v60 =	vld [tilespmem:s26+$0xDF0]  }
0x128: {  	v62 =	vadd.s32 s29, v0;
	_ =	sdelay $0x1  }
0x129: {  	v1 =	vpack.i.f32.bf16 v57, v1  }
0x12a: {  	[tilespmem:v58+s16+$0x0] =	vst.idx.msk $0xffff, v1;
	v1 =	vpack.i.f32.bf16 v59, v2  }
0x12b: {  	v2 =	vpack.i.f32.bf16 v60, v3;
	[tilespmem:v61+s16+$0x0] =	vst.idx.msk $0xffff, v1  }
0x12c: {  	[tilespmem:v62+s16+$0x0] =	vst.idx.msk $0xffff, v2;
	v1 =	vld [tilespmem:s26+$0xE10]  }
0x12d: {  	v2 =	vld [tilespmem:s26+$0xE90]  }
0x12e: {  	v3 =	vld [tilespmem:s26+$0x300]  }
0x12f: {  	s31 =	sor.u32 $0x3, s25;
	v63 =	vld [tilespmem:s26+$0x380]  }
0x130: {  	v8 =	vadd.s32 s31, v0;
	_ =	sdelay $0x3  }
0x131: {  	v3 =	vpack.i.f32.bf16 v63, v3  }
0x132: {  	[tilespmem:v8+s16+$0x0] =	vst.idx.msk $0xffff, v3  }
0x133: {  	v3 =	vld [tilespmem:s26+$0x310]  }
0x134: {  	s1 =	sor.u32 $0x283, s25;
	v9 =	vld [tilespmem:s26+$0x390]  }
0x135: {  	v10 =	vadd.s32 s1, v0;
	_ =	sdelay $0x3  }
0x136: {  	v3 =	vpack.i.f32.bf16 v9, v3  }
0x137: {  	[tilespmem:v10+s16+$0x0] =	vst.idx.msk $0xffff, v3  }
0x138: {  	v3 =	vld [tilespmem:s26+$0x320]  }
0x139: {  	s29 =	sor.u32 $0x503, s25;
	v11 =	vld [tilespmem:s26+$0x3A0]  }
0x13a: {  	v12 =	vadd.s32 s29, v0;
	_ =	sdelay $0x3  }
0x13b: {  	v3 =	vpack.i.f32.bf16 v11, v3  }
0x13c: {  	[tilespmem:v12+s16+$0x0] =	vst.idx.msk $0xffff, v3  }
0x13d: {  	v3 =	vld [tilespmem:s26+$0x330]  }
0x13e: {  	s30 =	sor.u32 $0x783, s25;
	v13 =	vld [tilespmem:s26+$0x3B0]  }
0x13f: {  	v14 =	vadd.s32 s30, v0;
	_ =	sdelay $0x3  }
0x140: {  	v3 =	vpack.i.f32.bf16 v13, v3  }
0x141: {  	[tilespmem:v14+s16+$0x0] =	vst.idx.msk $0xffff, v3  }
0x142: {  	v3 =	vld [tilespmem:s26+$0x340]  }
0x143: {  	s31 =	sor.u32 $0xA03, s25;
	v15 =	vld [tilespmem:s26+$0x3C0]  }
0x144: {  	v16 =	vadd.s32 s31, v0;
	_ =	sdelay $0x3  }
0x145: {  	v3 =	vpack.i.f32.bf16 v15, v3  }
0x146: {  	[tilespmem:v16+s16+$0x0] =	vst.idx.msk $0xffff, v3  }
0x147: {  	v3 =	vld [tilespmem:s26+$0x350]  }
0x148: {  	s1 =	sor.u32 $0xC83, s25;
	v17 =	vld [tilespmem:s26+$0x3D0]  }
0x149: {  	v18 =	vadd.s32 s1, v0;
	_ =	sdelay $0x3  }
0x14a: {  	v3 =	vpack.i.f32.bf16 v17, v3  }
0x14b: {  	[tilespmem:v18+s16+$0x0] =	vst.idx.msk $0xffff, v3  }
0x14c: {  	v3 =	vld [tilespmem:s26+$0x360]  }
0x14d: {  	s29 =	sor.u32 $0xF03, s25;
	v19 =	vld [tilespmem:s26+$0x3E0]  }
0x14e: {  	v20 =	vadd.s32 s29, v0;
	_ =	sdelay $0x3  }
0x14f: {  	v3 =	vpack.i.f32.bf16 v19, v3  }
0x150: {  	[tilespmem:v20+s16+$0x0] =	vst.idx.msk $0xffff, v3  }
0x151: {  	v3 =	vld [tilespmem:s26+$0x370]  }
0x152: {  	s30 =	sor.u32 $0x1183, s25;
	v21 =	vld [tilespmem:s26+$0x3F0]  }
0x153: {  	v22 =	vadd.s32 s30, v0;
	_ =	sdelay $0x3  }
0x154: {  	v3 =	vpack.i.f32.bf16 v21, v3  }
0x155: {  	[tilespmem:v22+s16+$0x0] =	vst.idx.msk $0xffff, v3  }
0x156: {  	v3 =	vld [tilespmem:s26+$0x700]  }
0x157: {  	s31 =	sor.u32 $0x1403, s25;
	v23 =	vld [tilespmem:s26+$0x780]  }
0x158: {  	v24 =	vadd.s32 s31, v0;
	_ =	sdelay $0x3  }
0x159: {  	v3 =	vpack.i.f32.bf16 v23, v3  }
0x15a: {  	[tilespmem:v24+s16+$0x0] =	vst.idx.msk $0xffff, v3  }
0x15b: {  	v3 =	vld [tilespmem:s26+$0x710]  }
0x15c: {  	s1 =	sor.u32 $0x1683, s25;
	v25 =	vld [tilespmem:s26+$0x790]  }
0x15d: {  	v26 =	vadd.s32 s1, v0;
	_ =	sdelay $0x3  }
0x15e: {  	v3 =	vpack.i.f32.bf16 v25, v3  }
0x15f: {  	[tilespmem:v26+s16+$0x0] =	vst.idx.msk $0xffff, v3  }
0x160: {  	v3 =	vld [tilespmem:s26+$0x720]  }
0x161: {  	s29 =	sor.u32 $0x1903, s25;
	v27 =	vld [tilespmem:s26+$0x7A0]  }
0x162: {  	v28 =	vadd.s32 s29, v0;
	_ =	sdelay $0x3  }
0x163: {  	v3 =	vpack.i.f32.bf16 v27, v3  }
0x164: {  	[tilespmem:v28+s16+$0x0] =	vst.idx.msk $0xffff, v3  }
0x165: {  	v3 =	vld [tilespmem:s26+$0x730]  }
0x166: {  	s30 =	sor.u32 $0x1B83, s25;
	v29 =	vld [tilespmem:s26+$0x7B0]  }
0x167: {  	v30 =	vadd.s32 s30, v0;
	_ =	sdelay $0x3  }
0x168: {  	v3 =	vpack.i.f32.bf16 v29, v3  }
0x169: {  	[tilespmem:v30+s16+$0x0] =	vst.idx.msk $0xffff, v3  }
0x16a: {  	v3 =	vld [tilespmem:s26+$0x740]  }
0x16b: {  	s31 =	sor.u32 $0x1E03, s25;
	v31 =	vld [tilespmem:s26+$0x7C0]  }
0x16c: {  	v32 =	vadd.s32 s31, v0;
	_ =	sdelay $0x3  }
0x16d: {  	v3 =	vpack.i.f32.bf16 v31, v3  }
0x16e: {  	[tilespmem:v32+s16+$0x0] =	vst.idx.msk $0xffff, v3  }
0x16f: {  	v3 =	vld [tilespmem:s26+$0x750]  }
0x170: {  	s1 =	sor.u32 $0x2083, s25;
	v33 =	vld [tilespmem:s26+$0x7D0]  }
0x171: {  	v34 =	vadd.s32 s1, v0;
	_ =	sdelay $0x3  }
0x172: {  	v3 =	vpack.i.f32.bf16 v33, v3  }
0x173: {  	[tilespmem:v34+s16+$0x0] =	vst.idx.msk $0xffff, v3  }
0x174: {  	v3 =	vld [tilespmem:s26+$0x760]  }
0x175: {  	s29 =	sor.u32 $0x2303, s25;
	v35 =	vld [tilespmem:s26+$0x7E0]  }
0x176: {  	v36 =	vadd.s32 s29, v0;
	_ =	sdelay $0x3  }
0x177: {  	v3 =	vpack.i.f32.bf16 v35, v3  }
0x178: {  	[tilespmem:v36+s16+$0x0] =	vst.idx.msk $0xffff, v3  }
0x179: {  	v3 =	vld [tilespmem:s26+$0x770]  }
0x17a: {  	s30 =	sor.u32 $0x2583, s25;
	v37 =	vld [tilespmem:s26+$0x7F0]  }
0x17b: {  	v38 =	vadd.s32 s30, v0;
	_ =	sdelay $0x3  }
0x17c: {  	v3 =	vpack.i.f32.bf16 v37, v3  }
0x17d: {  	[tilespmem:v38+s16+$0x0] =	vst.idx.msk $0xffff, v3  }
0x17e: {  	v3 =	vld [tilespmem:s26+$0xB00]  }
0x17f: {  	s31 =	sor.u32 $0x2803, s25;
	v39 =	vld [tilespmem:s26+$0xB80]  }
0x180: {  	v40 =	vadd.s32 s31, v0;
	_ =	sdelay $0x3  }
0x181: {  	v3 =	vpack.i.f32.bf16 v39, v3  }
0x182: {  	[tilespmem:v40+s16+$0x0] =	vst.idx.msk $0xffff, v3  }
0x183: {  	v3 =	vld [tilespmem:s26+$0xB10]  }
0x184: {  	s1 =	sor.u32 $0x2A83, s25;
	v41 =	vld [tilespmem:s26+$0xB90]  }
0x185: {  	v42 =	vadd.s32 s1, v0;
	_ =	sdelay $0x3  }
0x186: {  	v3 =	vpack.i.f32.bf16 v41, v3  }
0x187: {  	[tilespmem:v42+s16+$0x0] =	vst.idx.msk $0xffff, v3  }
0x188: {  	v3 =	vld [tilespmem:s26+$0xB20]  }
0x189: {  	s29 =	sor.u32 $0x2D03, s25;
	v43 =	vld [tilespmem:s26+$0xBA0]  }
0x18a: {  	v44 =	vadd.s32 s29, v0;
	_ =	sdelay $0x3  }
0x18b: {  	v3 =	vpack.i.f32.bf16 v43, v3  }
0x18c: {  	[tilespmem:v44+s16+$0x0] =	vst.idx.msk $0xffff, v3  }
0x18d: {  	v3 =	vld [tilespmem:s26+$0xB30]  }
0x18e: {  	s30 =	sor.u32 $0x2F83, s25;
	v45 =	vld [tilespmem:s26+$0xBB0]  }
0x18f: {  	v46 =	vadd.s32 s30, v0;
	_ =	sdelay $0x3  }
0x190: {  	v3 =	vpack.i.f32.bf16 v45, v3  }
0x191: {  	[tilespmem:v46+s16+$0x0] =	vst.idx.msk $0xffff, v3  }
0x192: {  	v3 =	vld [tilespmem:s26+$0xB40]  }
0x193: {  	s31 =	sor.u32 $0x3203, s25;
	v47 =	vld [tilespmem:s26+$0xBC0]  }
0x194: {  	v48 =	vadd.s32 s31, v0;
	_ =	sdelay $0x3  }
0x195: {  	v3 =	vpack.i.f32.bf16 v47, v3  }
0x196: {  	[tilespmem:v48+s16+$0x0] =	vst.idx.msk $0xffff, v3  }
0x197: {  	v3 =	vld [tilespmem:s26+$0xB50]  }
0x198: {  	s1 =	sor.u32 $0x3483, s25;
	v49 =	vld [tilespmem:s26+$0xBD0]  }
0x199: {  	v50 =	vadd.s32 s1, v0;
	_ =	sdelay $0x3  }
0x19a: {  	v3 =	vpack.i.f32.bf16 v49, v3  }
0x19b: {  	[tilespmem:v50+s16+$0x0] =	vst.idx.msk $0xffff, v3  }
0x19c: {  	v3 =	vld [tilespmem:s26+$0xB60]  }
0x19d: {  	s29 =	sor.u32 $0x3703, s25;
	v51 =	vld [tilespmem:s26+$0xBE0]  }
0x19e: {  	v52 =	vadd.s32 s29, v0;
	_ =	sdelay $0x3  }
0x19f: {  	v3 =	vpack.i.f32.bf16 v51, v3  }
0x1a0: {  	[tilespmem:v52+s16+$0x0] =	vst.idx.msk $0xffff, v3  }
0x1a1: {  	v3 =	vld [tilespmem:s26+$0xB70]  }
0x1a2: {  	s30 =	sor.u32 $0x3983, s25;
	v53 =	vld [tilespmem:s26+$0xBF0]  }
0x1a3: {  	v54 =	vadd.s32 s30, v0;
	_ =	sdelay $0x3  }
0x1a4: {  	v3 =	vpack.i.f32.bf16 v53, v3  }
0x1a5: {  	[tilespmem:v54+s16+$0x0] =	vst.idx.msk $0xffff, v3  }
0x1a6: {  	v3 =	vld [tilespmem:s26+$0xF00]  }
0x1a7: {  	s31 =	sor.u32 $0x3C03, s25;
	v55 =	vld [tilespmem:s26+$0xF80]  }
0x1a8: {  	v56 =	vadd.s32 s31, v0;
	_ =	sdelay $0x3  }
0x1a9: {  	v3 =	vpack.i.f32.bf16 v55, v3  }
0x1aa: {  	s1 =	sor.u32 $0x3E82, s25;
	[tilespmem:v56+s16+$0x0] =	vst.idx.msk $0xffff, v3  }
0x1ab: {  	v3 =	vadd.s32 s1, v0;
	v57 =	vld [tilespmem:s26+$0xF10]  }
0x1ac: {  	s29 =	sor.u32 $0x3E83, s25;
	v5 =	vld [tilespmem:s26+$0xF90]  }
0x1ad: {  	v58 =	vadd.s32 s29, v0;
	_ =	sdelay $0x1  }
0x1ae: {  	v1 =	vpack.i.f32.bf16 v2, v1  }
0x1af: {  	[tilespmem:v3+s16+$0x0] =	vst.idx.msk $0xffff, v1  }
0x1b0: {  	v1 =	vld [tilespmem:s26+$0xE20];
	v2 =	vpack.i.f32.bf16 v5, v57  }
0x1b1: {  	s30 =	sor.u32 $0x4102, s25;
	v3 =	vld [tilespmem:s26+$0xEA0];
	[tilespmem:v58+s16+$0x0] =	vst.idx.msk $0xffff, v2  }
0x1b2: {  	v2 =	vadd.s32 s30, v0;
	v59 =	vld [tilespmem:s26+$0xF20]  }
0x1b3: {  	s31 =	sor.u32 $0x4103, s25;
	v60 =	vld [tilespmem:s26+$0xFA0]  }
0x1b4: {  	v61 =	vadd.s32 s31, v0;
	_ =	sdelay $0x1  }
0x1b5: {  	v1 =	vpack.i.f32.bf16 v3, v1  }
0x1b6: {  	[tilespmem:v2+s16+$0x0] =	vst.idx.msk $0xffff, v1  }
0x1b7: {  	v1 =	vld [tilespmem:s26+$0xE30];
	v2 =	vpack.i.f32.bf16 v60, v59  }
0x1b8: {  	s1 =	sor.u32 $0x4382, s25;
	v3 =	vld [tilespmem:s26+$0xEB0];
	[tilespmem:v61+s16+$0x0] =	vst.idx.msk $0xffff, v2  }
0x1b9: {  	v2 =	vadd.s32 s1, v0;
	v62 =	vld [tilespmem:s26+$0xF30]  }
0x1ba: {  	s29 =	sor.u32 $0x4383, s25;
	v63 =	vld [tilespmem:s26+$0xFB0]  }
0x1bb: {  	v9 =	vadd.s32 s29, v0;
	_ =	sdelay $0x1  }
0x1bc: {  	v1 =	vpack.i.f32.bf16 v3, v1  }
0x1bd: {  	[tilespmem:v2+s16+$0x0] =	vst.idx.msk $0xffff, v1  }
0x1be: {  	v1 =	vld [tilespmem:s26+$0xE40];
	v2 =	vpack.i.f32.bf16 v63, v62  }
0x1bf: {  	s30 =	sor.u32 $0x4602, s25;
	v3 =	vld [tilespmem:s26+$0xEC0];
	[tilespmem:v9+s16+$0x0] =	vst.idx.msk $0xffff, v2  }
0x1c0: {  	v2 =	vadd.s32 s30, v0;
	v10 =	vld [tilespmem:s26+$0xF40]  }
0x1c1: {  	s31 =	sor.u32 $0x4603, s25;
	v11 =	vld [tilespmem:s26+$0xFC0]  }
0x1c2: {  	v12 =	vadd.s32 s31, v0;
	_ =	sdelay $0x1  }
0x1c3: {  	v1 =	vpack.i.f32.bf16 v3, v1  }
0x1c4: {  	[tilespmem:v2+s16+$0x0] =	vst.idx.msk $0xffff, v1  }
0x1c5: {  	v1 =	vld [tilespmem:s26+$0xE50];
	v2 =	vpack.i.f32.bf16 v11, v10  }
0x1c6: {  	s1 =	sor.u32 $0x4882, s25;
	v3 =	vld [tilespmem:s26+$0xED0];
	[tilespmem:v12+s16+$0x0] =	vst.idx.msk $0xffff, v2  }
0x1c7: {  	v2 =	vadd.s32 s1, v0;
	v13 =	vld [tilespmem:s26+$0xF50]  }
0x1c8: {  	s29 =	sor.u32 $0x4883, s25;
	v14 =	vld [tilespmem:s26+$0xFD0]  }
0x1c9: {  	v15 =	vadd.s32 s29, v0;
	_ =	sdelay $0x1  }
0x1ca: {  	v1 =	vpack.i.f32.bf16 v3, v1  }
0x1cb: {  	[tilespmem:v2+s16+$0x0] =	vst.idx.msk $0xffff, v1  }
0x1cc: {  	v1 =	vld [tilespmem:s26+$0xE60];
	v2 =	vpack.i.f32.bf16 v14, v13  }
0x1cd: {  	s30 =	sor.u32 $0x4B02, s25;
	v3 =	vld [tilespmem:s26+$0xEE0];
	[tilespmem:v15+s16+$0x0] =	vst.idx.msk $0xffff, v2  }
0x1ce: {  	v2 =	vadd.s32 s30, v0;
	v16 =	vld [tilespmem:s26+$0xF60]  }
0x1cf: {  	s31 =	sor.u32 $0x4B03, s25;
	v17 =	vld [tilespmem:s26+$0xFE0]  }
0x1d0: {  	v18 =	vadd.s32 s31, v0;
	_ =	sdelay $0x1  }
0x1d1: {  	v1 =	vpack.i.f32.bf16 v3, v1  }
0x1d2: {  	[tilespmem:v2+s16+$0x0] =	vst.idx.msk $0xffff, v1  }
0x1d3: {  	v1 =	vld [tilespmem:s26+$0xE70];
	v2 =	vpack.i.f32.bf16 v17, v16  }
0x1d4: {  	s1 =	sor.u32 $0x4, s25;
	v3 =	vld [tilespmem:s26+$0xEF0];
	[tilespmem:v18+s16+$0x0] =	vst.idx.msk $0xffff, v2  }
0x1d5: {  	s30 =	sshll.u32 s1, $0xA;
	v2 =	vld [tilespmem:s26+$0xF70]  }
0x1d6: {  	s30 =	sand.u32 $0x3FFFFC00, s30;
	v4 =	vld [tilespmem:s26+$0xFF0];
	s26 =	sor.u32 $0x5, s25  }
0x1d7: {  	v19 =	vld [tilespmem:s30+$0x0];
	s31 =	sshll.u32 s26, $0xA  }
0x1d8: {  	v20 =	vld [tilespmem:s30+$0x80];
	s29 =	sand.u32 $0x1FFFF000, s31;
	s31 =	sor.u32 $0x6, s25  }
0x1d9: {  	v21 =	vadd.s32 s1, v0;
	v22 =	vld [tilespmem:s29+$0x100];
	s1 =	sshll.u32 s31, $0xA  }
0x1da: {  	v23 =	vld [tilespmem:s29+$0x180];
	s28 =	sand.u32 $0x1FFFF000, s1;
	s1 =	sor.u32 $0x7, s25  }
0x1db: {  	v10 =	vadd.s32 s26, v0;
	v11 =	vld [tilespmem:s28+$0x200];
	s26 =	sshll.u32 s1, $0xA  }
0x1dc: {  	v12 =	vld [tilespmem:s28+$0x280];
	s26 =	sand.u32 $0x1FFFF000, s26  }
0x1dd: {  	v5 =	vpack.i.f32.bf16 v20, v19;
	v13 =	vadd.s32 s31, v0;
	v24 =	vld [tilespmem:s26+$0x300]  }
0x1de: {  	[tilespmem:v21+s16+$0x0] =	vst.idx.msk $0xffff, v5;
	v25 =	vld [tilespmem:s26+$0x380]  }
0x1df: {  	v7 =	vld [tilespmem:s30+$0x10];
	v26 =	vadd.s32 s1, v0;
	v8 =	vpack.i.f32.bf16 v23, v22  }
0x1e0: {  	v14 =	vld [tilespmem:s30+$0x90];
	s31 =	sor.u32 $0x284, s25;
	[tilespmem:v10+s16+$0x0] =	vst.idx.msk $0xffff, v8  }
0x1e1: {  	v27 =	vadd.s32 s31, v0;
	v10 =	vld [tilespmem:s29+$0x110];
	v11 =	vpack.i.f32.bf16 v12, v11  }
0x1e2: {  	s31 =	sor.u32 $0x285, s25;
	v28 =	vld [tilespmem:s29+$0x190];
	[tilespmem:v13+s16+$0x0] =	vst.idx.msk $0xffff, v11  }
0x1e3: {  	v29 =	vadd.s32 s31, v0;
	v13 =	vld [tilespmem:s28+$0x210];
	v5 =	vpack.i.f32.bf16 v25, v24  }
0x1e4: {  	s31 =	sor.u32 $0x286, s25;
	v30 =	vld [tilespmem:s28+$0x290];
	[tilespmem:v26+s16+$0x0] =	vst.idx.msk $0xffff, v5  }
0x1e5: {  	v31 =	vpack.i.f32.bf16 v14, v7;
	v32 =	vadd.s32 s31, v0;
	v9 =	vld [tilespmem:s26+$0x310]  }
0x1e6: {  	s31 =	sor.u32 $0x287, s25;
	[tilespmem:v27+s16+$0x0] =	vst.idx.msk $0xffff, v31;
	v33 =	vld [tilespmem:s26+$0x390]  }
0x1e7: {  	v34 =	vadd.s32 s31, v0;
	v8 =	vld [tilespmem:s30+$0x20];
	v10 =	vpack.i.f32.bf16 v28, v10  }
0x1e8: {  	s31 =	sor.u32 $0x504, s25;
	v35 =	vld [tilespmem:s30+$0xA0];
	[tilespmem:v29+s16+$0x0] =	vst.idx.msk $0xffff, v10  }
0x1e9: {  	v36 =	vadd.s32 s31, v0;
	v11 =	vld [tilespmem:s29+$0x120];
	v6 =	vpack.i.f32.bf16 v30, v13  }
0x1ea: {  	s31 =	sor.u32 $0x505, s25;
	v37 =	vld [tilespmem:s29+$0x1A0];
	[tilespmem:v32+s16+$0x0] =	vst.idx.msk $0xffff, v6  }
0x1eb: {  	v38 =	vadd.s32 s31, v0;
	v7 =	vld [tilespmem:s28+$0x220];
	v5 =	vpack.i.f32.bf16 v33, v9  }
0x1ec: {  	s31 =	sor.u32 $0x506, s25;
	v39 =	vld [tilespmem:s28+$0x2A0];
	[tilespmem:v34+s16+$0x0] =	vst.idx.msk $0xffff, v5  }
0x1ed: {  	v41 =	vadd.s32 s31, v0;
	v40 =	vpack.i.f32.bf16 v35, v8;
	v12 =	vld [tilespmem:s26+$0x320]  }
0x1ee: {  	s31 =	sor.u32 $0x507, s25;
	[tilespmem:v36+s16+$0x0] =	vst.idx.msk $0xffff, v40;
	v42 =	vld [tilespmem:s26+$0x3A0]  }
0x1ef: {  	v43 =	vadd.s32 s31, v0;
	v10 =	vld [tilespmem:s30+$0x30];
	v11 =	vpack.i.f32.bf16 v37, v11  }
0x1f0: {  	s31 =	sor.u32 $0x784, s25;
	v44 =	vld [tilespmem:s30+$0xB0];
	[tilespmem:v38+s16+$0x0] =	vst.idx.msk $0xffff, v11  }
0x1f1: {  	v45 =	vadd.s32 s31, v0;
	v11 =	vld [tilespmem:s29+$0x130];
	v7 =	vpack.i.f32.bf16 v39, v7  }
0x1f2: {  	s31 =	sor.u32 $0x785, s25;
	v46 =	vld [tilespmem:s29+$0x1B0];
	[tilespmem:v41+s16+$0x0] =	vst.idx.msk $0xffff, v7  }
0x1f3: {  	v47 =	vadd.s32 s31, v0;
	v8 =	vld [tilespmem:s28+$0x230];
	v5 =	vpack.i.f32.bf16 v42, v12  }
0x1f4: {  	s31 =	sor.u32 $0x786, s25;
	v48 =	vld [tilespmem:s28+$0x2B0];
	[tilespmem:v43+s16+$0x0] =	vst.idx.msk $0xffff, v5  }
0x1f5: {  	v50 =	vadd.s32 s31, v0;
	v49 =	vpack.i.f32.bf16 v44, v10;
	v13 =	vld [tilespmem:s26+$0x330]  }
0x1f6: {  	s31 =	sor.u32 $0x787, s25;
	[tilespmem:v45+s16+$0x0] =	vst.idx.msk $0xffff, v49;
	v51 =	vld [tilespmem:s26+$0x3B0]  }
0x1f7: {  	v52 =	vadd.s32 s31, v0;
	v6 =	vld [tilespmem:s30+$0x40];
	v9 =	vpack.i.f32.bf16 v46, v11  }
0x1f8: {  	s31 =	sor.u32 $0xA04, s25;
	v53 =	vld [tilespmem:s30+$0xC0];
	[tilespmem:v47+s16+$0x0] =	vst.idx.msk $0xffff, v9  }
0x1f9: {  	v54 =	vadd.s32 s31, v0;
	v9 =	vld [tilespmem:s29+$0x140];
	v8 =	vpack.i.f32.bf16 v48, v8  }
0x1fa: {  	s31 =	sor.u32 $0xA05, s25;
	v55 =	vld [tilespmem:s29+$0x1C0];
	[tilespmem:v50+s16+$0x0] =	vst.idx.msk $0xffff, v8  }
0x1fb: {  	v56 =	vadd.s32 s31, v0;
	v10 =	vld [tilespmem:s28+$0x240];
	v5 =	vpack.i.f32.bf16 v51, v13  }
0x1fc: {  	s31 =	sor.u32 $0xA06, s25;
	v57 =	vld [tilespmem:s28+$0x2C0];
	[tilespmem:v52+s16+$0x0] =	vst.idx.msk $0xffff, v5  }
0x1fd: {  	v59 =	vadd.s32 s31, v0;
	v58 =	vpack.i.f32.bf16 v53, v6;
	v11 =	vld [tilespmem:s26+$0x340]  }
0x1fe: {  	s31 =	sor.u32 $0xA07, s25;
	[tilespmem:v54+s16+$0x0] =	vst.idx.msk $0xffff, v58;
	v60 =	vld [tilespmem:s26+$0x3C0]  }
0x1ff: {  	v61 =	vadd.s32 s31, v0;
	v7 =	vld [tilespmem:s30+$0x50];
	v9 =	vpack.i.f32.bf16 v55, v9  }
0x200: {  	s31 =	sor.u32 $0xC84, s25;
	v62 =	vld [tilespmem:s30+$0xD0];
	[tilespmem:v56+s16+$0x0] =	vst.idx.msk $0xffff, v9  }
0x201: {  	v63 =	vadd.s32 s31, v0;
	v9 =	vld [tilespmem:s29+$0x150];
	v10 =	vpack.i.f32.bf16 v57, v10  }
0x202: {  	s31 =	sor.u32 $0xC85, s25;
	v16 =	vld [tilespmem:s29+$0x1D0];
	[tilespmem:v59+s16+$0x0] =	vst.idx.msk $0xffff, v10  }
0x203: {  	v17 =	vadd.s32 s31, v0;
	v10 =	vld [tilespmem:s28+$0x250];
	v5 =	vpack.i.f32.bf16 v60, v11  }
0x204: {  	s31 =	sor.u32 $0xC86, s25;
	v18 =	vld [tilespmem:s28+$0x2D0];
	[tilespmem:v61+s16+$0x0] =	vst.idx.msk $0xffff, v5  }
0x205: {  	v20 =	vadd.s32 s31, v0;
	v19 =	vpack.i.f32.bf16 v62, v7;
	v12 =	vld [tilespmem:s26+$0x350]  }
0x206: {  	s31 =	sor.u32 $0xC87, s25;
	[tilespmem:v63+s16+$0x0] =	vst.idx.msk $0xffff, v19;
	v21 =	vld [tilespmem:s26+$0x3D0]  }
0x207: {  	v22 =	vadd.s32 s31, v0;
	v8 =	vld [tilespmem:s30+$0x60];
	v9 =	vpack.i.f32.bf16 v16, v9  }
0x208: {  	s31 =	sor.u32 $0xF04, s25;
	v23 =	vld [tilespmem:s30+$0xE0];
	[tilespmem:v17+s16+$0x0] =	vst.idx.msk $0xffff, v9  }
0x209: {  	v24 =	vadd.s32 s31, v0;
	v9 =	vld [tilespmem:s29+$0x160];
	v10 =	vpack.i.f32.bf16 v18, v10  }
0x20a: {  	s31 =	sor.u32 $0xF05, s25;
	v25 =	vld [tilespmem:s29+$0x1E0];
	[tilespmem:v20+s16+$0x0] =	vst.idx.msk $0xffff, v10  }
0x20b: {  	v26 =	vadd.s32 s31, v0;
	v10 =	vld [tilespmem:s28+$0x260];
	v5 =	vpack.i.f32.bf16 v21, v12  }
0x20c: {  	s31 =	sor.u32 $0xF06, s25;
	v27 =	vld [tilespmem:s28+$0x2E0];
	[tilespmem:v22+s16+$0x0] =	vst.idx.msk $0xffff, v5  }
0x20d: {  	v29 =	vadd.s32 s31, v0;
	v28 =	vpack.i.f32.bf16 v23, v8;
	v13 =	vld [tilespmem:s26+$0x360]  }
0x20e: {  	s31 =	sor.u32 $0xF07, s25;
	[tilespmem:v24+s16+$0x0] =	vst.idx.msk $0xffff, v28;
	v30 =	vld [tilespmem:s26+$0x3E0]  }
0x20f: {  	v31 =	vadd.s32 s31, v0;
	v6 =	vld [tilespmem:s30+$0x70];
	v9 =	vpack.i.f32.bf16 v25, v9  }
0x210: {  	s31 =	sor.u32 $0x1184, s25;
	v32 =	vld [tilespmem:s30+$0xF0];
	[tilespmem:v26+s16+$0x0] =	vst.idx.msk $0xffff, v9  }
0x211: {  	v33 =	vadd.s32 s31, v0;
	v9 =	vld [tilespmem:s29+$0x170];
	v10 =	vpack.i.f32.bf16 v27, v10  }
0x212: {  	s31 =	sor.u32 $0x1185, s25;
	v34 =	vld [tilespmem:s29+$0x1F0];
	[tilespmem:v29+s16+$0x0] =	vst.idx.msk $0xffff, v10  }
0x213: {  	v35 =	vadd.s32 s31, v0;
	v10 =	vld [tilespmem:s28+$0x270];
	v5 =	vpack.i.f32.bf16 v30, v13  }
0x214: {  	s31 =	sor.u32 $0x1186, s25;
	v36 =	vld [tilespmem:s28+$0x2F0];
	[tilespmem:v31+s16+$0x0] =	vst.idx.msk $0xffff, v5  }
0x215: {  	v38 =	vadd.s32 s31, v0;
	v37 =	vpack.i.f32.bf16 v32, v6;
	v11 =	vld [tilespmem:s26+$0x370]  }
0x216: {  	s31 =	sor.u32 $0x1187, s25;
	[tilespmem:v33+s16+$0x0] =	vst.idx.msk $0xffff, v37;
	v39 =	vld [tilespmem:s26+$0x3F0]  }
0x217: {  	v40 =	vadd.s32 s31, v0;
	v7 =	vld [tilespmem:s30+$0x400];
	v9 =	vpack.i.f32.bf16 v34, v9  }
0x218: {  	s31 =	sor.u32 $0x1404, s25;
	v41 =	vld [tilespmem:s30+$0x480];
	[tilespmem:v35+s16+$0x0] =	vst.idx.msk $0xffff, v9  }
0x219: {  	v42 =	vadd.s32 s31, v0;
	v9 =	vld [tilespmem:s29+$0x500];
	v10 =	vpack.i.f32.bf16 v36, v10  }
0x21a: {  	s31 =	sor.u32 $0x1405, s25;
	v43 =	vld [tilespmem:s29+$0x580];
	[tilespmem:v38+s16+$0x0] =	vst.idx.msk $0xffff, v10  }
0x21b: {  	v44 =	vadd.s32 s31, v0;
	v10 =	vld [tilespmem:s28+$0x600];
	v5 =	vpack.i.f32.bf16 v39, v11  }
0x21c: {  	s31 =	sor.u32 $0x1406, s25;
	v45 =	vld [tilespmem:s28+$0x680];
	[tilespmem:v40+s16+$0x0] =	vst.idx.msk $0xffff, v5  }
0x21d: {  	v47 =	vadd.s32 s31, v0;
	v46 =	vpack.i.f32.bf16 v41, v7;
	v12 =	vld [tilespmem:s26+$0x700]  }
0x21e: {  	s31 =	sor.u32 $0x1407, s25;
	[tilespmem:v42+s16+$0x0] =	vst.idx.msk $0xffff, v46;
	v48 =	vld [tilespmem:s26+$0x780]  }
0x21f: {  	v49 =	vadd.s32 s31, v0;
	v8 =	vld [tilespmem:s30+$0x410];
	v9 =	vpack.i.f32.bf16 v43, v9  }
0x220: {  	s31 =	sor.u32 $0x1684, s25;
	v50 =	vld [tilespmem:s30+$0x490];
	[tilespmem:v44+s16+$0x0] =	vst.idx.msk $0xffff, v9  }
0x221: {  	v51 =	vadd.s32 s31, v0;
	v9 =	vld [tilespmem:s29+$0x510];
	v10 =	vpack.i.f32.bf16 v45, v10  }
0x222: {  	s31 =	sor.u32 $0x1685, s25;
	v52 =	vld [tilespmem:s29+$0x590];
	[tilespmem:v47+s16+$0x0] =	vst.idx.msk $0xffff, v10  }
0x223: {  	v53 =	vadd.s32 s31, v0;
	v10 =	vld [tilespmem:s28+$0x610];
	v5 =	vpack.i.f32.bf16 v48, v12  }
0x224: {  	s31 =	sor.u32 $0x1686, s25;
	v54 =	vld [tilespmem:s28+$0x690];
	[tilespmem:v49+s16+$0x0] =	vst.idx.msk $0xffff, v5  }
0x225: {  	v56 =	vadd.s32 s31, v0;
	v55 =	vpack.i.f32.bf16 v50, v8;
	v13 =	vld [tilespmem:s26+$0x710]  }
0x226: {  	s31 =	sor.u32 $0x1687, s25;
	[tilespmem:v51+s16+$0x0] =	vst.idx.msk $0xffff, v55;
	v57 =	vld [tilespmem:s26+$0x790]  }
0x227: {  	v58 =	vadd.s32 s31, v0;
	v6 =	vld [tilespmem:s30+$0x420];
	v9 =	vpack.i.f32.bf16 v52, v9  }
0x228: {  	s31 =	sor.u32 $0x1904, s25;
	v59 =	vld [tilespmem:s30+$0x4A0];
	[tilespmem:v53+s16+$0x0] =	vst.idx.msk $0xffff, v9  }
0x229: {  	v60 =	vadd.s32 s31, v0;
	v9 =	vld [tilespmem:s29+$0x520];
	v10 =	vpack.i.f32.bf16 v54, v10  }
0x22a: {  	s31 =	sor.u32 $0x1905, s25;
	v61 =	vld [tilespmem:s29+$0x5A0];
	[tilespmem:v56+s16+$0x0] =	vst.idx.msk $0xffff, v10  }
0x22b: {  	v62 =	vadd.s32 s31, v0;
	v10 =	vld [tilespmem:s28+$0x620];
	v5 =	vpack.i.f32.bf16 v57, v13  }
0x22c: {  	s31 =	sor.u32 $0x1906, s25;
	v63 =	vld [tilespmem:s28+$0x6A0];
	[tilespmem:v58+s16+$0x0] =	vst.idx.msk $0xffff, v5  }
0x22d: {  	v17 =	vadd.s32 s31, v0;
	v16 =	vpack.i.f32.bf16 v59, v6;
	v11 =	vld [tilespmem:s26+$0x720]  }
0x22e: {  	s31 =	sor.u32 $0x1907, s25;
	[tilespmem:v60+s16+$0x0] =	vst.idx.msk $0xffff, v16;
	v18 =	vld [tilespmem:s26+$0x7A0]  }
0x22f: {  	v19 =	vadd.s32 s31, v0;
	v7 =	vld [tilespmem:s30+$0x430];
	v9 =	vpack.i.f32.bf16 v61, v9  }
0x230: {  	s31 =	sor.u32 $0x1B84, s25;
	v20 =	vld [tilespmem:s30+$0x4B0];
	[tilespmem:v62+s16+$0x0] =	vst.idx.msk $0xffff, v9  }
0x231: {  	v21 =	vadd.s32 s31, v0;
	v9 =	vld [tilespmem:s29+$0x530];
	v10 =	vpack.i.f32.bf16 v63, v10  }
0x232: {  	s31 =	sor.u32 $0x1B85, s25;
	v22 =	vld [tilespmem:s29+$0x5B0];
	[tilespmem:v17+s16+$0x0] =	vst.idx.msk $0xffff, v10  }
0x233: {  	v23 =	vadd.s32 s31, v0;
	v10 =	vld [tilespmem:s28+$0x630];
	v5 =	vpack.i.f32.bf16 v18, v11  }
0x234: {  	s31 =	sor.u32 $0x1B86, s25;
	v24 =	vld [tilespmem:s28+$0x6B0];
	[tilespmem:v19+s16+$0x0] =	vst.idx.msk $0xffff, v5  }
0x235: {  	v26 =	vadd.s32 s31, v0;
	v25 =	vpack.i.f32.bf16 v20, v7;
	v12 =	vld [tilespmem:s26+$0x730]  }
0x236: {  	s31 =	sor.u32 $0x1B87, s25;
	[tilespmem:v21+s16+$0x0] =	vst.idx.msk $0xffff, v25;
	v27 =	vld [tilespmem:s26+$0x7B0]  }
0x237: {  	v28 =	vadd.s32 s31, v0;
	v8 =	vld [tilespmem:s30+$0x440];
	v9 =	vpack.i.f32.bf16 v22, v9  }
0x238: {  	s31 =	sor.u32 $0x1E04, s25;
	v29 =	vld [tilespmem:s30+$0x4C0];
	[tilespmem:v23+s16+$0x0] =	vst.idx.msk $0xffff, v9  }
0x239: {  	v30 =	vadd.s32 s31, v0;
	v9 =	vld [tilespmem:s29+$0x540];
	v10 =	vpack.i.f32.bf16 v24, v10  }
0x23a: {  	s31 =	sor.u32 $0x1E05, s25;
	v31 =	vld [tilespmem:s29+$0x5C0];
	[tilespmem:v26+s16+$0x0] =	vst.idx.msk $0xffff, v10  }
0x23b: {  	v32 =	vadd.s32 s31, v0;
	v10 =	vld [tilespmem:s28+$0x640];
	v5 =	vpack.i.f32.bf16 v27, v12  }
0x23c: {  	s31 =	sor.u32 $0x1E06, s25;
	v33 =	vld [tilespmem:s28+$0x6C0];
	[tilespmem:v28+s16+$0x0] =	vst.idx.msk $0xffff, v5  }
0x23d: {  	v35 =	vadd.s32 s31, v0;
	v34 =	vpack.i.f32.bf16 v29, v8;
	v13 =	vld [tilespmem:s26+$0x740]  }
0x23e: {  	s31 =	sor.u32 $0x1E07, s25;
	[tilespmem:v30+s16+$0x0] =	vst.idx.msk $0xffff, v34;
	v36 =	vld [tilespmem:s26+$0x7C0]  }
0x23f: {  	v37 =	vadd.s32 s31, v0;
	v6 =	vld [tilespmem:s30+$0x450];
	v9 =	vpack.i.f32.bf16 v31, v9  }
0x240: {  	s31 =	sor.u32 $0x2084, s25;
	v38 =	vld [tilespmem:s30+$0x4D0];
	[tilespmem:v32+s16+$0x0] =	vst.idx.msk $0xffff, v9  }
0x241: {  	v39 =	vadd.s32 s31, v0;
	v9 =	vld [tilespmem:s29+$0x550];
	v10 =	vpack.i.f32.bf16 v33, v10  }
0x242: {  	s31 =	sor.u32 $0x2085, s25;
	v40 =	vld [tilespmem:s29+$0x5D0];
	[tilespmem:v35+s16+$0x0] =	vst.idx.msk $0xffff, v10  }
0x243: {  	v41 =	vadd.s32 s31, v0;
	v10 =	vld [tilespmem:s28+$0x650];
	v5 =	vpack.i.f32.bf16 v36, v13  }
0x244: {  	s31 =	sor.u32 $0x2086, s25;
	v42 =	vld [tilespmem:s28+$0x6D0];
	[tilespmem:v37+s16+$0x0] =	vst.idx.msk $0xffff, v5  }
0x245: {  	v44 =	vadd.s32 s31, v0;
	v43 =	vpack.i.f32.bf16 v38, v6;
	v11 =	vld [tilespmem:s26+$0x750]  }
0x246: {  	s31 =	sor.u32 $0x2087, s25;
	[tilespmem:v39+s16+$0x0] =	vst.idx.msk $0xffff, v43;
	v45 =	vld [tilespmem:s26+$0x7D0]  }
0x247: {  	v46 =	vadd.s32 s31, v0;
	v7 =	vld [tilespmem:s30+$0x460];
	v9 =	vpack.i.f32.bf16 v40, v9  }
0x248: {  	s31 =	sor.u32 $0x2304, s25;
	v47 =	vld [tilespmem:s30+$0x4E0];
	[tilespmem:v41+s16+$0x0] =	vst.idx.msk $0xffff, v9  }
0x249: {  	v48 =	vadd.s32 s31, v0;
	v9 =	vld [tilespmem:s29+$0x560];
	v10 =	vpack.i.f32.bf16 v42, v10  }
0x24a: {  	s31 =	sor.u32 $0x2305, s25;
	v49 =	vld [tilespmem:s29+$0x5E0];
	[tilespmem:v44+s16+$0x0] =	vst.idx.msk $0xffff, v10  }
0x24b: {  	v50 =	vadd.s32 s31, v0;
	v10 =	vld [tilespmem:s28+$0x660];
	v5 =	vpack.i.f32.bf16 v45, v11  }
0x24c: {  	s31 =	sor.u32 $0x2306, s25;
	v51 =	vld [tilespmem:s28+$0x6E0];
	[tilespmem:v46+s16+$0x0] =	vst.idx.msk $0xffff, v5  }
0x24d: {  	v53 =	vadd.s32 s31, v0;
	v52 =	vpack.i.f32.bf16 v47, v7;
	v12 =	vld [tilespmem:s26+$0x760]  }
0x24e: {  	s31 =	sor.u32 $0x2307, s25;
	[tilespmem:v48+s16+$0x0] =	vst.idx.msk $0xffff, v52;
	v54 =	vld [tilespmem:s26+$0x7E0]  }
0x24f: {  	v55 =	vadd.s32 s31, v0;
	v8 =	vld [tilespmem:s30+$0x470];
	v9 =	vpack.i.f32.bf16 v49, v9  }
0x250: {  	s31 =	sor.u32 $0x2584, s25;
	v56 =	vld [tilespmem:s30+$0x4F0];
	[tilespmem:v50+s16+$0x0] =	vst.idx.msk $0xffff, v9  }
0x251: {  	v57 =	vadd.s32 s31, v0;
	v9 =	vld [tilespmem:s29+$0x570];
	v10 =	vpack.i.f32.bf16 v51, v10  }
0x252: {  	s31 =	sor.u32 $0x2585, s25;
	v58 =	vld [tilespmem:s29+$0x5F0];
	[tilespmem:v53+s16+$0x0] =	vst.idx.msk $0xffff, v10  }
0x253: {  	v59 =	vadd.s32 s31, v0;
	v10 =	vld [tilespmem:s28+$0x670];
	v5 =	vpack.i.f32.bf16 v54, v12  }
0x254: {  	s31 =	sor.u32 $0x2586, s25;
	v60 =	vld [tilespmem:s28+$0x6F0];
	[tilespmem:v55+s16+$0x0] =	vst.idx.msk $0xffff, v5  }
0x255: {  	v62 =	vadd.s32 s31, v0;
	v61 =	vpack.i.f32.bf16 v56, v8;
	v13 =	vld [tilespmem:s26+$0x770]  }
0x256: {  	s31 =	sor.u32 $0x2587, s25;
	[tilespmem:v57+s16+$0x0] =	vst.idx.msk $0xffff, v61;
	v63 =	vld [tilespmem:s26+$0x7F0]  }
0x257: {  	v16 =	vadd.s32 s31, v0;
	v6 =	vld [tilespmem:s30+$0x800];
	v9 =	vpack.i.f32.bf16 v58, v9  }
0x258: {  	s31 =	sor.u32 $0x2804, s25;
	v17 =	vld [tilespmem:s30+$0x880];
	[tilespmem:v59+s16+$0x0] =	vst.idx.msk $0xffff, v9  }
0x259: {  	v18 =	vadd.s32 s31, v0;
	v9 =	vld [tilespmem:s29+$0x900];
	v10 =	vpack.i.f32.bf16 v60, v10  }
0x25a: {  	s31 =	sor.u32 $0x2805, s25;
	v19 =	vld [tilespmem:s29+$0x980];
	[tilespmem:v62+s16+$0x0] =	vst.idx.msk $0xffff, v10  }
0x25b: {  	v20 =	vadd.s32 s31, v0;
	v10 =	vld [tilespmem:s28+$0xA00];
	v5 =	vpack.i.f32.bf16 v63, v13  }
0x25c: {  	s31 =	sor.u32 $0x2806, s25;
	v21 =	vld [tilespmem:s28+$0xA80];
	[tilespmem:v16+s16+$0x0] =	vst.idx.msk $0xffff, v5  }
0x25d: {  	v23 =	vadd.s32 s31, v0;
	v22 =	vpack.i.f32.bf16 v17, v6;
	v11 =	vld [tilespmem:s26+$0xB00]  }
0x25e: {  	s31 =	sor.u32 $0x2807, s25;
	[tilespmem:v18+s16+$0x0] =	vst.idx.msk $0xffff, v22;
	v24 =	vld [tilespmem:s26+$0xB80]  }
0x25f: {  	v25 =	vadd.s32 s31, v0;
	v7 =	vld [tilespmem:s30+$0x810];
	v9 =	vpack.i.f32.bf16 v19, v9  }
0x260: {  	s31 =	sor.u32 $0x2A84, s25;
	v26 =	vld [tilespmem:s30+$0x890];
	[tilespmem:v20+s16+$0x0] =	vst.idx.msk $0xffff, v9  }
0x261: {  	v27 =	vadd.s32 s31, v0;
	v9 =	vld [tilespmem:s29+$0x910];
	v10 =	vpack.i.f32.bf16 v21, v10  }
0x262: {  	s31 =	sor.u32 $0x2A85, s25;
	v28 =	vld [tilespmem:s29+$0x990];
	[tilespmem:v23+s16+$0x0] =	vst.idx.msk $0xffff, v10  }
0x263: {  	v29 =	vadd.s32 s31, v0;
	v10 =	vld [tilespmem:s28+$0xA10];
	v5 =	vpack.i.f32.bf16 v24, v11  }
0x264: {  	s31 =	sor.u32 $0x2A86, s25;
	v30 =	vld [tilespmem:s28+$0xA90];
	[tilespmem:v25+s16+$0x0] =	vst.idx.msk $0xffff, v5  }
0x265: {  	v32 =	vadd.s32 s31, v0;
	v31 =	vpack.i.f32.bf16 v26, v7;
	v12 =	vld [tilespmem:s26+$0xB10]  }
0x266: {  	s31 =	sor.u32 $0x2A87, s25;
	[tilespmem:v27+s16+$0x0] =	vst.idx.msk $0xffff, v31;
	v33 =	vld [tilespmem:s26+$0xB90]  }
0x267: {  	v34 =	vadd.s32 s31, v0;
	v8 =	vld [tilespmem:s30+$0x820];
	v9 =	vpack.i.f32.bf16 v28, v9  }
0x268: {  	s31 =	sor.u32 $0x2D04, s25;
	v35 =	vld [tilespmem:s30+$0x8A0];
	[tilespmem:v29+s16+$0x0] =	vst.idx.msk $0xffff, v9  }
0x269: {  	v36 =	vadd.s32 s31, v0;
	v9 =	vld [tilespmem:s29+$0x920];
	v10 =	vpack.i.f32.bf16 v30, v10  }
0x26a: {  	s31 =	sor.u32 $0x2D05, s25;
	v37 =	vld [tilespmem:s29+$0x9A0];
	[tilespmem:v32+s16+$0x0] =	vst.idx.msk $0xffff, v10  }
0x26b: {  	v38 =	vadd.s32 s31, v0;
	v10 =	vld [tilespmem:s28+$0xA20];
	v5 =	vpack.i.f32.bf16 v33, v12  }
0x26c: {  	s31 =	sor.u32 $0x2D06, s25;
	v39 =	vld [tilespmem:s28+$0xAA0];
	[tilespmem:v34+s16+$0x0] =	vst.idx.msk $0xffff, v5  }
0x26d: {  	v41 =	vadd.s32 s31, v0;
	v40 =	vpack.i.f32.bf16 v35, v8;
	v13 =	vld [tilespmem:s26+$0xB20]  }
0x26e: {  	s31 =	sor.u32 $0x2D07, s25;
	[tilespmem:v36+s16+$0x0] =	vst.idx.msk $0xffff, v40;
	v42 =	vld [tilespmem:s26+$0xBA0]  }
0x26f: {  	v43 =	vadd.s32 s31, v0;
	v6 =	vld [tilespmem:s30+$0x830];
	v9 =	vpack.i.f32.bf16 v37, v9  }
0x270: {  	s31 =	sor.u32 $0x2F84, s25;
	v44 =	vld [tilespmem:s30+$0x8B0];
	[tilespmem:v38+s16+$0x0] =	vst.idx.msk $0xffff, v9  }
0x271: {  	v45 =	vadd.s32 s31, v0;
	v9 =	vld [tilespmem:s29+$0x930];
	v10 =	vpack.i.f32.bf16 v39, v10  }
0x272: {  	s31 =	sor.u32 $0x2F85, s25;
	v46 =	vld [tilespmem:s29+$0x9B0];
	[tilespmem:v41+s16+$0x0] =	vst.idx.msk $0xffff, v10  }
0x273: {  	v47 =	vadd.s32 s31, v0;
	v10 =	vld [tilespmem:s28+$0xA30];
	v5 =	vpack.i.f32.bf16 v42, v13  }
0x274: {  	s31 =	sor.u32 $0x2F86, s25;
	v48 =	vld [tilespmem:s28+$0xAB0];
	[tilespmem:v43+s16+$0x0] =	vst.idx.msk $0xffff, v5  }
0x275: {  	v50 =	vadd.s32 s31, v0;
	v49 =	vpack.i.f32.bf16 v44, v6;
	v11 =	vld [tilespmem:s26+$0xB30]  }
0x276: {  	s31 =	sor.u32 $0x2F87, s25;
	[tilespmem:v45+s16+$0x0] =	vst.idx.msk $0xffff, v49;
	v51 =	vld [tilespmem:s26+$0xBB0]  }
0x277: {  	v52 =	vadd.s32 s31, v0;
	v7 =	vld [tilespmem:s30+$0x840];
	v9 =	vpack.i.f32.bf16 v46, v9  }
0x278: {  	s31 =	sor.u32 $0x3204, s25;
	v53 =	vld [tilespmem:s30+$0x8C0];
	[tilespmem:v47+s16+$0x0] =	vst.idx.msk $0xffff, v9  }
0x279: {  	v54 =	vadd.s32 s31, v0;
	v9 =	vld [tilespmem:s29+$0x940];
	v10 =	vpack.i.f32.bf16 v48, v10  }
0x27a: {  	s31 =	sor.u32 $0x3205, s25;
	v55 =	vld [tilespmem:s29+$0x9C0];
	[tilespmem:v50+s16+$0x0] =	vst.idx.msk $0xffff, v10  }
0x27b: {  	v56 =	vadd.s32 s31, v0;
	v10 =	vld [tilespmem:s28+$0xA40];
	v5 =	vpack.i.f32.bf16 v51, v11  }
0x27c: {  	s31 =	sor.u32 $0x3206, s25;
	v57 =	vld [tilespmem:s28+$0xAC0];
	[tilespmem:v52+s16+$0x0] =	vst.idx.msk $0xffff, v5  }
0x27d: {  	v59 =	vadd.s32 s31, v0;
	v58 =	vpack.i.f32.bf16 v53, v7;
	v12 =	vld [tilespmem:s26+$0xB40]  }
0x27e: {  	s31 =	sor.u32 $0x3207, s25;
	[tilespmem:v54+s16+$0x0] =	vst.idx.msk $0xffff, v58;
	v60 =	vld [tilespmem:s26+$0xBC0]  }
0x27f: {  	v61 =	vadd.s32 s31, v0;
	v8 =	vld [tilespmem:s30+$0x850];
	v9 =	vpack.i.f32.bf16 v55, v9  }
0x280: {  	s31 =	sor.u32 $0x3484, s25;
	v62 =	vld [tilespmem:s30+$0x8D0];
	[tilespmem:v56+s16+$0x0] =	vst.idx.msk $0xffff, v9  }
0x281: {  	v63 =	vadd.s32 s31, v0;
	v9 =	vld [tilespmem:s29+$0x950];
	v10 =	vpack.i.f32.bf16 v57, v10  }
0x282: {  	s31 =	sor.u32 $0x3485, s25;
	v16 =	vld [tilespmem:s29+$0x9D0];
	[tilespmem:v59+s16+$0x0] =	vst.idx.msk $0xffff, v10  }
0x283: {  	v17 =	vadd.s32 s31, v0;
	v10 =	vld [tilespmem:s28+$0xA50];
	v5 =	vpack.i.f32.bf16 v60, v12  }
0x284: {  	s31 =	sor.u32 $0x3486, s25;
	v18 =	vld [tilespmem:s28+$0xAD0];
	[tilespmem:v61+s16+$0x0] =	vst.idx.msk $0xffff, v5  }
0x285: {  	v20 =	vadd.s32 s31, v0;
	v19 =	vpack.i.f32.bf16 v62, v8;
	v13 =	vld [tilespmem:s26+$0xB50]  }
0x286: {  	s31 =	sor.u32 $0x3487, s25;
	[tilespmem:v63+s16+$0x0] =	vst.idx.msk $0xffff, v19;
	v21 =	vld [tilespmem:s26+$0xBD0]  }
0x287: {  	v22 =	vadd.s32 s31, v0;
	v6 =	vld [tilespmem:s30+$0x860];
	v9 =	vpack.i.f32.bf16 v16, v9  }
0x288: {  	s31 =	sor.u32 $0x3704, s25;
	v23 =	vld [tilespmem:s30+$0x8E0];
	[tilespmem:v17+s16+$0x0] =	vst.idx.msk $0xffff, v9  }
0x289: {  	v24 =	vadd.s32 s31, v0;
	v9 =	vld [tilespmem:s29+$0x960];
	v10 =	vpack.i.f32.bf16 v18, v10  }
0x28a: {  	s31 =	sor.u32 $0x3705, s25;
	v25 =	vld [tilespmem:s29+$0x9E0];
	[tilespmem:v20+s16+$0x0] =	vst.idx.msk $0xffff, v10  }
0x28b: {  	v26 =	vadd.s32 s31, v0;
	v10 =	vld [tilespmem:s28+$0xA60];
	v5 =	vpack.i.f32.bf16 v21, v13  }
0x28c: {  	s31 =	sor.u32 $0x3706, s25;
	v27 =	vld [tilespmem:s28+$0xAE0];
	[tilespmem:v22+s16+$0x0] =	vst.idx.msk $0xffff, v5  }
0x28d: {  	v29 =	vadd.s32 s31, v0;
	v28 =	vpack.i.f32.bf16 v23, v6;
	v11 =	vld [tilespmem:s26+$0xB60]  }
0x28e: {  	s31 =	sor.u32 $0x3707, s25;
	[tilespmem:v24+s16+$0x0] =	vst.idx.msk $0xffff, v28;
	v30 =	vld [tilespmem:s26+$0xBE0]  }
0x28f: {  	v31 =	vadd.s32 s31, v0;
	v7 =	vld [tilespmem:s30+$0x870];
	v9 =	vpack.i.f32.bf16 v25, v9  }
0x290: {  	s31 =	sor.u32 $0x3984, s25;
	v32 =	vld [tilespmem:s30+$0x8F0];
	[tilespmem:v26+s16+$0x0] =	vst.idx.msk $0xffff, v9  }
0x291: {  	v33 =	vadd.s32 s31, v0;
	v9 =	vld [tilespmem:s29+$0x970];
	v10 =	vpack.i.f32.bf16 v27, v10  }
0x292: {  	s31 =	sor.u32 $0x3985, s25;
	v34 =	vld [tilespmem:s29+$0x9F0];
	[tilespmem:v29+s16+$0x0] =	vst.idx.msk $0xffff, v10  }
0x293: {  	v35 =	vadd.s32 s31, v0;
	v10 =	vld [tilespmem:s28+$0xA70];
	v5 =	vpack.i.f32.bf16 v30, v11  }
0x294: {  	s31 =	sor.u32 $0x3986, s25;
	v36 =	vld [tilespmem:s28+$0xAF0];
	[tilespmem:v31+s16+$0x0] =	vst.idx.msk $0xffff, v5  }
0x295: {  	v38 =	vadd.s32 s31, v0;
	v37 =	vpack.i.f32.bf16 v32, v7;
	v12 =	vld [tilespmem:s26+$0xB70]  }
0x296: {  	s31 =	sor.u32 $0x3987, s25;
	[tilespmem:v33+s16+$0x0] =	vst.idx.msk $0xffff, v37;
	v39 =	vld [tilespmem:s26+$0xBF0]  }
0x297: {  	v40 =	vadd.s32 s31, v0;
	v8 =	vld [tilespmem:s30+$0xC00];
	v9 =	vpack.i.f32.bf16 v34, v9  }
0x298: {  	s31 =	sor.u32 $0x3C04, s25;
	v41 =	vld [tilespmem:s30+$0xC80];
	[tilespmem:v35+s16+$0x0] =	vst.idx.msk $0xffff, v9  }
0x299: {  	v42 =	vadd.s32 s31, v0;
	v9 =	vld [tilespmem:s29+$0xD00];
	v10 =	vpack.i.f32.bf16 v36, v10  }
0x29a: {  	s31 =	sor.u32 $0x3C05, s25;
	v43 =	vld [tilespmem:s29+$0xD80];
	[tilespmem:v38+s16+$0x0] =	vst.idx.msk $0xffff, v10  }
0x29b: {  	v44 =	vadd.s32 s31, v0;
	v10 =	vld [tilespmem:s28+$0xE00];
	v5 =	vpack.i.f32.bf16 v39, v12  }
0x29c: {  	s31 =	sor.u32 $0x3C06, s25;
	v45 =	vld [tilespmem:s28+$0xE80];
	[tilespmem:v40+s16+$0x0] =	vst.idx.msk $0xffff, v5  }
0x29d: {  	v47 =	vadd.s32 s31, v0;
	v46 =	vpack.i.f32.bf16 v41, v8;
	v13 =	vld [tilespmem:s26+$0xF00]  }
0x29e: {  	s31 =	sor.u32 $0x3C07, s25;
	[tilespmem:v42+s16+$0x0] =	vst.idx.msk $0xffff, v46;
	v48 =	vld [tilespmem:s26+$0xF80]  }
0x29f: {  	v49 =	vadd.s32 s31, v0;
	v6 =	vld [tilespmem:s30+$0xC10];
	v9 =	vpack.i.f32.bf16 v43, v9  }
0x2a0: {  	s31 =	sor.u32 $0x3E84, s25;
	v50 =	vld [tilespmem:s30+$0xC90];
	[tilespmem:v44+s16+$0x0] =	vst.idx.msk $0xffff, v9  }
0x2a1: {  	v51 =	vadd.s32 s31, v0;
	v9 =	vld [tilespmem:s29+$0xD10];
	v10 =	vpack.i.f32.bf16 v45, v10  }
0x2a2: {  	s31 =	sor.u32 $0x3E85, s25;
	v52 =	vld [tilespmem:s29+$0xD90];
	[tilespmem:v47+s16+$0x0] =	vst.idx.msk $0xffff, v10  }
0x2a3: {  	v53 =	vadd.s32 s31, v0;
	v10 =	vld [tilespmem:s28+$0xE10];
	v5 =	vpack.i.f32.bf16 v48, v13  }
0x2a4: {  	s31 =	sor.u32 $0x3E86, s25;
	v54 =	vld [tilespmem:s28+$0xE90];
	[tilespmem:v49+s16+$0x0] =	vst.idx.msk $0xffff, v5  }
0x2a5: {  	v56 =	vadd.s32 s31, v0;
	v55 =	vpack.i.f32.bf16 v50, v6;
	v11 =	vld [tilespmem:s26+$0xF10]  }
0x2a6: {  	s31 =	sor.u32 $0x3E87, s25;
	[tilespmem:v51+s16+$0x0] =	vst.idx.msk $0xffff, v55;
	v57 =	vld [tilespmem:s26+$0xF90]  }
0x2a7: {  	v58 =	vadd.s32 s31, v0;
	v7 =	vld [tilespmem:s30+$0xC20];
	v9 =	vpack.i.f32.bf16 v52, v9  }
0x2a8: {  	s31 =	sor.u32 $0x4104, s25;
	v59 =	vld [tilespmem:s30+$0xCA0];
	[tilespmem:v53+s16+$0x0] =	vst.idx.msk $0xffff, v9  }
0x2a9: {  	v60 =	vadd.s32 s31, v0;
	v9 =	vld [tilespmem:s29+$0xD20];
	v10 =	vpack.i.f32.bf16 v54, v10  }
0x2aa: {  	s31 =	sor.u32 $0x4105, s25;
	v61 =	vld [tilespmem:s29+$0xDA0];
	[tilespmem:v56+s16+$0x0] =	vst.idx.msk $0xffff, v10  }
0x2ab: {  	v62 =	vadd.s32 s31, v0;
	v10 =	vld [tilespmem:s28+$0xE20];
	v5 =	vpack.i.f32.bf16 v57, v11  }
0x2ac: {  	s31 =	sor.u32 $0x4106, s25;
	v63 =	vld [tilespmem:s28+$0xEA0];
	[tilespmem:v58+s16+$0x0] =	vst.idx.msk $0xffff, v5  }
0x2ad: {  	v17 =	vadd.s32 s31, v0;
	v16 =	vpack.i.f32.bf16 v59, v7;
	v12 =	vld [tilespmem:s26+$0xF20]  }
0x2ae: {  	s31 =	sor.u32 $0x4107, s25;
	[tilespmem:v60+s16+$0x0] =	vst.idx.msk $0xffff, v16;
	v18 =	vld [tilespmem:s26+$0xFA0]  }
0x2af: {  	v19 =	vadd.s32 s31, v0;
	v8 =	vld [tilespmem:s30+$0xC30];
	v9 =	vpack.i.f32.bf16 v61, v9  }
0x2b0: {  	s31 =	sor.u32 $0x4384, s25;
	v20 =	vld [tilespmem:s30+$0xCB0];
	[tilespmem:v62+s16+$0x0] =	vst.idx.msk $0xffff, v9  }
0x2b1: {  	v21 =	vadd.s32 s31, v0;
	v9 =	vld [tilespmem:s29+$0xD30];
	v10 =	vpack.i.f32.bf16 v63, v10  }
0x2b2: {  	s31 =	sor.u32 $0x4385, s25;
	v22 =	vld [tilespmem:s29+$0xDB0];
	[tilespmem:v17+s16+$0x0] =	vst.idx.msk $0xffff, v10  }
0x2b3: {  	v23 =	vadd.s32 s31, v0;
	v10 =	vld [tilespmem:s28+$0xE30];
	v5 =	vpack.i.f32.bf16 v18, v12  }
0x2b4: {  	s31 =	sor.u32 $0x4386, s25;
	v24 =	vld [tilespmem:s28+$0xEB0];
	[tilespmem:v19+s16+$0x0] =	vst.idx.msk $0xffff, v5  }
0x2b5: {  	v26 =	vadd.s32 s31, v0;
	v25 =	vpack.i.f32.bf16 v20, v8;
	v13 =	vld [tilespmem:s26+$0xF30]  }
0x2b6: {  	s31 =	sor.u32 $0x4387, s25;
	[tilespmem:v21+s16+$0x0] =	vst.idx.msk $0xffff, v25;
	v27 =	vld [tilespmem:s26+$0xFB0]  }
0x2b7: {  	v28 =	vadd.s32 s31, v0;
	v6 =	vld [tilespmem:s30+$0xC40];
	v9 =	vpack.i.f32.bf16 v22, v9  }
0x2b8: {  	s31 =	sor.u32 $0x4604, s25;
	v29 =	vld [tilespmem:s30+$0xCC0];
	[tilespmem:v23+s16+$0x0] =	vst.idx.msk $0xffff, v9  }
0x2b9: {  	v30 =	vadd.s32 s31, v0;
	v9 =	vld [tilespmem:s29+$0xD40];
	v10 =	vpack.i.f32.bf16 v24, v10  }
0x2ba: {  	s31 =	sor.u32 $0x4605, s25;
	v31 =	vld [tilespmem:s29+$0xDC0];
	[tilespmem:v26+s16+$0x0] =	vst.idx.msk $0xffff, v10  }
0x2bb: {  	v32 =	vadd.s32 s31, v0;
	v10 =	vld [tilespmem:s28+$0xE40];
	v5 =	vpack.i.f32.bf16 v27, v13  }
0x2bc: {  	s31 =	sor.u32 $0x4606, s25;
	v33 =	vld [tilespmem:s28+$0xEC0];
	[tilespmem:v28+s16+$0x0] =	vst.idx.msk $0xffff, v5  }
0x2bd: {  	v35 =	vadd.s32 s31, v0;
	v34 =	vpack.i.f32.bf16 v29, v6;
	v11 =	vld [tilespmem:s26+$0xF40]  }
0x2be: {  	s31 =	sor.u32 $0x4607, s25;
	[tilespmem:v30+s16+$0x0] =	vst.idx.msk $0xffff, v34;
	v36 =	vld [tilespmem:s26+$0xFC0]  }
0x2bf: {  	v37 =	vadd.s32 s31, v0;
	v7 =	vld [tilespmem:s30+$0xC50];
	v9 =	vpack.i.f32.bf16 v31, v9  }
0x2c0: {  	s31 =	sor.u32 $0x4884, s25;
	v38 =	vld [tilespmem:s30+$0xCD0];
	[tilespmem:v32+s16+$0x0] =	vst.idx.msk $0xffff, v9  }
0x2c1: {  	v39 =	vadd.s32 s31, v0;
	v9 =	vld [tilespmem:s29+$0xD50];
	v10 =	vpack.i.f32.bf16 v33, v10  }
0x2c2: {  	s31 =	sor.u32 $0x4885, s25;
	v40 =	vld [tilespmem:s29+$0xDD0];
	[tilespmem:v35+s16+$0x0] =	vst.idx.msk $0xffff, v10  }
0x2c3: {  	v41 =	vadd.s32 s31, v0;
	v10 =	vld [tilespmem:s28+$0xE50];
	v5 =	vpack.i.f32.bf16 v36, v11  }
0x2c4: {  	s31 =	sor.u32 $0x4886, s25;
	v42 =	vld [tilespmem:s28+$0xED0];
	[tilespmem:v37+s16+$0x0] =	vst.idx.msk $0xffff, v5  }
0x2c5: {  	v44 =	vadd.s32 s31, v0;
	v43 =	vpack.i.f32.bf16 v38, v7;
	v12 =	vld [tilespmem:s26+$0xF50]  }
0x2c6: {  	s31 =	sor.u32 $0x4887, s25;
	[tilespmem:v39+s16+$0x0] =	vst.idx.msk $0xffff, v43;
	v45 =	vld [tilespmem:s26+$0xFD0]  }
0x2c7: {  	v46 =	vadd.s32 s31, v0;
	v8 =	vld [tilespmem:s30+$0xC60];
	v9 =	vpack.i.f32.bf16 v40, v9  }
0x2c8: {  	s31 =	sor.u32 $0x4B04, s25;
	v47 =	vld [tilespmem:s30+$0xCE0];
	[tilespmem:v41+s16+$0x0] =	vst.idx.msk $0xffff, v9  }
0x2c9: {  	v48 =	vadd.s32 s31, v0;
	v9 =	vld [tilespmem:s29+$0xD60];
	v10 =	vpack.i.f32.bf16 v42, v10  }
0x2ca: {  	s31 =	sor.u32 $0x4B05, s25;
	v49 =	vld [tilespmem:s29+$0xDE0];
	[tilespmem:v44+s16+$0x0] =	vst.idx.msk $0xffff, v10  }
0x2cb: {  	v50 =	vadd.s32 s31, v0;
	v10 =	vld [tilespmem:s28+$0xE60];
	v5 =	vpack.i.f32.bf16 v45, v12  }
0x2cc: {  	s31 =	sor.u32 $0x4B06, s25;
	v51 =	vld [tilespmem:s28+$0xEE0];
	[tilespmem:v46+s16+$0x0] =	vst.idx.msk $0xffff, v5  }
0x2cd: {  	v53 =	vadd.s32 s31, v0;
	v52 =	vpack.i.f32.bf16 v47, v8;
	v13 =	vld [tilespmem:s26+$0xF60]  }
0x2ce: {  	s31 =	sor.u32 $0x4B07, s25;
	[tilespmem:v48+s16+$0x0] =	vst.idx.msk $0xffff, v52;
	v54 =	vld [tilespmem:s26+$0xFE0]  }
0x2cf: {  	v55 =	vadd.s32 s31, v0;
	v56 =	vld [tilespmem:s30+$0xC70];
	v9 =	vpack.i.f32.bf16 v49, v9  }
0x2d0: {  	v57 =	vld [tilespmem:s30+$0xCF0];
	[tilespmem:v50+s16+$0x0] =	vst.idx.msk $0xffff, v9  }
0x2d1: {  	s31 =	sor.u32 $0x4D82, s25;
	v7 =	vld [tilespmem:s29+$0xD70];
	v58 =	vpack.i.f32.bf16 v51, v10  }
0x2d2: {  	v59 =	vadd.s32 s31, v0;
	s30 =	sor.u32 $0x4D83, s25;
	v60 =	vld [tilespmem:s29+$0xDF0];
	[tilespmem:v53+s16+$0x0] =	vst.idx.msk $0xffff, v58  }
0x2d3: {  	s31 =	sor.u32 $0x4D84, s25;
	v61 =	vadd.s32 s30, v0;
	v9 =	vld [tilespmem:s28+$0xE70];
	v5 =	vpack.i.f32.bf16 v54, v13  }
0x2d4: {  	v62 =	vadd.s32 s31, v0;
	v15 =	vld [tilespmem:s28+$0xEF0];
	s28 =	sor.u32 $0x4D85, s25;
	[tilespmem:v55+s16+$0x0] =	vst.idx.msk $0xffff, v5  }
0x2d5: {  	s29 =	sor.u32 $0x4D86, s25;
	v63 =	vadd.s32 s28, v0;
	v6 =	vld [tilespmem:s26+$0xF70]  }
0x2d6: {  	v1 =	vpack.i.f32.bf16 v3, v1;
	s30 =	sor.u32 $0x4D87, s25;
	v3 =	vadd.s32 s29, v0;
	v16 =	vld [tilespmem:s26+$0xFF0]  }
0x2d7: {  	p1 =	slt.u32 s25, $0x18;
	[tilespmem:v59+s16+$0x0] =	vst.idx.msk $0xffff, v1;
	v1 =	vpack.i.f32.bf16 v4, v2;
	v2 =	vadd.s32 s30, v0  }
.Ltmp5:
0x2d8: {  	[tilespmem:v61+s16+$0x0] =	vst.idx.msk $0xffff, v1;
	v1 =	vpack.i.f32.bf16 v57, v56;
	(pc) =	sbr.rel @p1 .LBB2_4-.Ltmp5, $4  }
0x2d9: {  	[tilespmem:v62+s16+$0x0] =	vst.idx.msk $0xffff, v1;
	v1 =	vpack.i.f32.bf16 v60, v7  }
0x2da: {  	[tilespmem:v63+s16+$0x0] =	vst.idx.msk $0xffff, v1;
	v1 =	vpack.i.f32.bf16 v15, v9  }
0x2db: {  	s31 =	sadd.s32 $0x8, s25;
	[tilespmem:v3+s16+$0x0] =	vst.idx.msk $0xffff, v1;
	v1 =	vpack.i.f32.bf16 v16, v6  }
0x2dc: {  	s25 =	smov.u32 s31;
	[tilespmem:v2+s16+$0x0] =	vst.idx.msk $0xffff, v1  }
0x2dd: {  	s1 =	smul.u32 $0xA00, s24;
	_ =	sdelay $0x1  }
0x2de: {  	s1 =	sadd.s32 s6, s1  }
0x2df: {  	[hbm4b:s1+s3] =	stream.linear.scatter [tilespmem:s16], [sflag:$0x3], $0x5000, $0x38;
	[tilespmem:$0x1A000] =	vst v63  }
0x2e0: {  	s1 =	sadd.s32 $0x2, s23  }
0x2e1: {  	p1 =	sge.u32 s1, s8  }
0x2e2: {  	s1 =	sadd.s32 @!p1 s4, s1  }
0x2e3: {  	s1 =	sshll.u32 @!p1 s1, $0x9  }
0x2e4: {  	s24 =	simm.s32 @!p1 $0x1000;
	s1 =	sand.u32 @!p1 $0x1FFFFC00, s1  }
0x2e5: {  	s25 =	simm.s32 @!p1 $0x7A1400;
	s26 =	simm.s32 @!p1 $0x0;
	s1 =	sadd.s32 @!p1 s2, s1  }
0x2e6: {  	[tilespmem:s26], [sflag:$0x1] =	stream.strided.gather @!p1 [hbm4b:s1+s24], $0x8000, s25, s24, $0x38;
	[tilespmem:$0x1A000] =	vst v63  }
.LBB2_6:
0x2e7: {  	s24 =	sor.u32 $0x1, s23  }
0x2e8: {  	p1 =	sge.u32 s24, s8  }
.Ltmp6:
0x2e9: {  	_ = 	snop;
	(pc) =	sbr.rel @p1 .LBB2_10-.Ltmp6, $1  }
0x2ea: {  	_ =	sdelay $0x3  }
0x2eb: {  	_ =	swait.ge [sflag:s17], $0x8000  }
0x2ec: {  	p1 =	seq.s32 s22, $0x0;
	[sflag:s17] =	ssyncset.done $0x0  }
0x2ed: {  	s1 =	simm.s32 @!p1 $0x4;
	[sflag:s17] =	ssyncadd.s32 $0xFFFF8000  }
0x2ee: {  	_ =	swait.ge @!p1 [sflag:s1], $0x5000  }
0x2ef: {  	[sflag:s1] =	ssyncset.done @!p1 $0x0  }
0x2f0: {  	s24 =	sadd.s32 s4, s24;
	s25 =	simm.s32 $0x0;
	[sflag:s1] =	ssyncadd.s32 @!p1 $0xFFFFB000  }
.LBB2_8:
0x2f1: {  	s1 =	sshll.u32 s25, $0xA  }
0x2f2: {  	s26 =	sand.u32 $0x3FFFFC00, s1  }
0x2f3: {  	v1 =	vld [tilespmem:s26+$0x8000]  }
0x2f4: {  	v2 =	vld [tilespmem:s26+$0x8080]  }
0x2f5: {  	v3 =	vadd.s32 s25, v0;
	v4 =	vld [tilespmem:s26+$0x8100]  }
0x2f6: {  	s29 =	sor.u32 $0x1, s25;
	v5 =	vld [tilespmem:s26+$0x8180]  }
0x2f7: {  	v6 =	vadd.s32 s29, v0;
	_ =	sdelay $0x1  }
0x2f8: {  	v1 =	vpack.i.f32.bf16 v2, v1  }
0x2f9: {  	[tilespmem:v3+s18+$0x0] =	vst.idx.msk $0xffff, v1  }
0x2fa: {  	v2 =	vpack.i.f32.bf16 v5, v4;
	v1 =	vld [tilespmem:s26+$0x8010]  }
0x2fb: {  	s30 =	sor.u32 $0x280, s25;
	[tilespmem:v6+s18+$0x0] =	vst.idx.msk $0xffff, v2;
	v3 =	vld [tilespmem:s26+$0x8090]  }
0x2fc: {  	v2 =	vadd.s32 s30, v0;
	v45 =	vld [tilespmem:s26+$0x8110]  }
0x2fd: {  	s31 =	sor.u32 $0x281, s25;
	v46 =	vld [tilespmem:s26+$0x8190]  }
0x2fe: {  	v47 =	vadd.s32 s31, v0;
	_ =	sdelay $0x1  }
0x2ff: {  	v1 =	vpack.i.f32.bf16 v3, v1  }
0x300: {  	[tilespmem:v2+s18+$0x0] =	vst.idx.msk $0xffff, v1  }
0x301: {  	v2 =	vpack.i.f32.bf16 v46, v45;
	v1 =	vld [tilespmem:s26+$0x8020]  }
0x302: {  	s28 =	sor.u32 $0x500, s25;
	v3 =	vld [tilespmem:s26+$0x80A0];
	[tilespmem:v47+s18+$0x0] =	vst.idx.msk $0xffff, v2  }
0x303: {  	v2 =	vadd.s32 s28, v0;
	v48 =	vld [tilespmem:s26+$0x8120]  }
0x304: {  	s29 =	sor.u32 $0x501, s25;
	v49 =	vld [tilespmem:s26+$0x81A0]  }
0x305: {  	v50 =	vadd.s32 s29, v0;
	_ =	sdelay $0x1  }
0x306: {  	v1 =	vpack.i.f32.bf16 v3, v1  }
0x307: {  	[tilespmem:v2+s18+$0x0] =	vst.idx.msk $0xffff, v1  }
0x308: {  	v2 =	vpack.i.f32.bf16 v49, v48;
	v1 =	vld [tilespmem:s26+$0x8030]  }
0x309: {  	s30 =	sor.u32 $0x780, s25;
	v3 =	vld [tilespmem:s26+$0x80B0];
	[tilespmem:v50+s18+$0x0] =	vst.idx.msk $0xffff, v2  }
0x30a: {  	v2 =	vadd.s32 s30, v0;
	v51 =	vld [tilespmem:s26+$0x8130]  }
0x30b: {  	s31 =	sor.u32 $0x781, s25;
	v52 =	vld [tilespmem:s26+$0x81B0]  }
0x30c: {  	v53 =	vadd.s32 s31, v0;
	_ =	sdelay $0x1  }
0x30d: {  	v1 =	vpack.i.f32.bf16 v3, v1  }
0x30e: {  	[tilespmem:v2+s18+$0x0] =	vst.idx.msk $0xffff, v1  }
0x30f: {  	v2 =	vpack.i.f32.bf16 v52, v51;
	v1 =	vld [tilespmem:s26+$0x8040]  }
0x310: {  	s28 =	sor.u32 $0xA00, s25;
	v3 =	vld [tilespmem:s26+$0x80C0];
	[tilespmem:v53+s18+$0x0] =	vst.idx.msk $0xffff, v2  }
0x311: {  	v2 =	vadd.s32 s28, v0;
	v54 =	vld [tilespmem:s26+$0x8140]  }
0x312: {  	s29 =	sor.u32 $0xA01, s25;
	v55 =	vld [tilespmem:s26+$0x81C0]  }
0x313: {  	v56 =	vadd.s32 s29, v0;
	_ =	sdelay $0x1  }
0x314: {  	v1 =	vpack.i.f32.bf16 v3, v1  }
0x315: {  	[tilespmem:v2+s18+$0x0] =	vst.idx.msk $0xffff, v1  }
0x316: {  	v2 =	vpack.i.f32.bf16 v55, v54;
	v1 =	vld [tilespmem:s26+$0x8050]  }
0x317: {  	s30 =	sor.u32 $0xC80, s25;
	v3 =	vld [tilespmem:s26+$0x80D0];
	[tilespmem:v56+s18+$0x0] =	vst.idx.msk $0xffff, v2  }
0x318: {  	v2 =	vadd.s32 s30, v0;
	v57 =	vld [tilespmem:s26+$0x8150]  }
0x319: {  	s31 =	sor.u32 $0xC81, s25;
	v58 =	vld [tilespmem:s26+$0x81D0]  }
0x31a: {  	v59 =	vadd.s32 s31, v0;
	_ =	sdelay $0x1  }
0x31b: {  	v1 =	vpack.i.f32.bf16 v3, v1  }
0x31c: {  	[tilespmem:v2+s18+$0x0] =	vst.idx.msk $0xffff, v1  }
0x31d: {  	v2 =	vpack.i.f32.bf16 v58, v57;
	v1 =	vld [tilespmem:s26+$0x8060]  }
0x31e: {  	s28 =	sor.u32 $0xF00, s25;
	v3 =	vld [tilespmem:s26+$0x80E0];
	[tilespmem:v59+s18+$0x0] =	vst.idx.msk $0xffff, v2  }
0x31f: {  	v2 =	vadd.s32 s28, v0;
	v60 =	vld [tilespmem:s26+$0x8160]  }
0x320: {  	s29 =	sor.u32 $0xF01, s25;
	v61 =	vld [tilespmem:s26+$0x81E0]  }
0x321: {  	v62 =	vadd.s32 s29, v0;
	_ =	sdelay $0x1  }
0x322: {  	v1 =	vpack.i.f32.bf16 v3, v1  }
0x323: {  	[tilespmem:v2+s18+$0x0] =	vst.idx.msk $0xffff, v1  }
0x324: {  	v2 =	vpack.i.f32.bf16 v61, v60;
	v1 =	vld [tilespmem:s26+$0x8070]  }
0x325: {  	s30 =	sor.u32 $0x1180, s25;
	v3 =	vld [tilespmem:s26+$0x80F0];
	[tilespmem:v62+s18+$0x0] =	vst.idx.msk $0xffff, v2  }
0x326: {  	v2 =	vadd.s32 s30, v0;
	v63 =	vld [tilespmem:s26+$0x8170]  }
0x327: {  	s31 =	sor.u32 $0x1181, s25;
	v12 =	vld [tilespmem:s26+$0x81F0]  }
0x328: {  	v7 =	vld [tilespmem:s26+$0x8200];
	v13 =	vadd.s32 s31, v0  }
0x329: {  	v8 =	vld [tilespmem:s26+$0x8280];
	s28 =	sor.u32 $0x2, s25  }
0x32a: {  	v1 =	vpack.i.f32.bf16 v3, v1;
	v3 =	vadd.s32 s28, v0  }
0x32b: {  	[tilespmem:v2+s18+$0x0] =	vst.idx.msk $0xffff, v1  }
0x32c: {  	v2 =	vpack.i.f32.bf16 v12, v63;
	v1 =	vld [tilespmem:s26+$0x8400]  }
0x32d: {  	s29 =	sor.u32 $0x1400, s25;
	v14 =	vld [tilespmem:s26+$0x8480];
	[tilespmem:v13+s18+$0x0] =	vst.idx.msk $0xffff, v2  }
0x32e: {  	v16 =	vpack.i.f32.bf16 v8, v7;
	v2 =	vadd.s32 s29, v0;
	v15 =	vld [tilespmem:s26+$0x8500]  }
0x32f: {  	s30 =	sor.u32 $0x1401, s25;
	v17 =	vld [tilespmem:s26+$0x8580];
	[tilespmem:v3+s18+$0x0] =	vst.idx.msk $0xffff, v16  }
0x330: {  	v3 =	vadd.s32 s30, v0;
	v6 =	vld [tilespmem:s26+$0x8210]  }
0x331: {  	s31 =	sor.u32 $0x282, s25;
	v18 =	vld [tilespmem:s26+$0x8290]  }
0x332: {  	v19 =	vadd.s32 s31, v0;
	v1 =	vpack.i.f32.bf16 v14, v1  }
0x333: {  	[tilespmem:v2+s18+$0x0] =	vst.idx.msk $0xffff, v1  }
0x334: {  	v2 =	vpack.i.f32.bf16 v17, v15;
	v1 =	vld [tilespmem:s26+$0x8410]  }
0x335: {  	s28 =	sor.u32 $0x1680, s25;
	v20 =	vld [tilespmem:s26+$0x8490];
	[tilespmem:v3+s18+$0x0] =	vst.idx.msk $0xffff, v2  }
0x336: {  	v2 =	vadd.s32 s28, v0;
	v3 =	vld [tilespmem:s26+$0x8510];
	v6 =	vpack.i.f32.bf16 v18, v6  }
0x337: {  	s29 =	sor.u32 $0x1681, s25;
	v21 =	vld [tilespmem:s26+$0x8590];
	[tilespmem:v19+s18+$0x0] =	vst.idx.msk $0xffff, v6  }
0x338: {  	v22 =	vadd.s32 s29, v0;
	v6 =	vld [tilespmem:s26+$0x8220]  }
0x339: {  	s30 =	sor.u32 $0x502, s25;
	v23 =	vld [tilespmem:s26+$0x82A0]  }
0x33a: {  	v24 =	vadd.s32 s30, v0;
	v1 =	vpack.i.f32.bf16 v20, v1  }
0x33b: {  	[tilespmem:v2+s18+$0x0] =	vst.idx.msk $0xffff, v1  }
0x33c: {  	v1 =	vld [tilespmem:s26+$0x8420];
	v2 =	vpack.i.f32.bf16 v21, v3  }
0x33d: {  	s31 =	sor.u32 $0x1900, s25;
	v3 =	vld [tilespmem:s26+$0x84A0];
	[tilespmem:v22+s18+$0x0] =	vst.idx.msk $0xffff, v2  }
0x33e: {  	v2 =	vadd.s32 s31, v0;
	v4 =	vld [tilespmem:s26+$0x8520];
	v6 =	vpack.i.f32.bf16 v23, v6  }
0x33f: {  	s28 =	sor.u32 $0x1901, s25;
	v25 =	vld [tilespmem:s26+$0x85A0];
	[tilespmem:v24+s18+$0x0] =	vst.idx.msk $0xffff, v6  }
0x340: {  	v26 =	vadd.s32 s28, v0;
	v6 =	vld [tilespmem:s26+$0x8230]  }
0x341: {  	s29 =	sor.u32 $0x782, s25;
	v27 =	vld [tilespmem:s26+$0x82B0]  }
0x342: {  	v1 =	vpack.i.f32.bf16 v3, v1;
	v3 =	vadd.s32 s29, v0  }
0x343: {  	[tilespmem:v2+s18+$0x0] =	vst.idx.msk $0xffff, v1  }
0x344: {  	v1 =	vld [tilespmem:s26+$0x8430];
	v2 =	vpack.i.f32.bf16 v25, v4  }
0x345: {  	s30 =	sor.u32 $0x1B80, s25;
	v28 =	vld [tilespmem:s26+$0x84B0];
	[tilespmem:v26+s18+$0x0] =	vst.idx.msk $0xffff, v2  }
0x346: {  	v2 =	vadd.s32 s30, v0;
	v5 =	vld [tilespmem:s26+$0x8530];
	v6 =	vpack.i.f32.bf16 v27, v6  }
0x347: {  	s31 =	sor.u32 $0x1B81, s25;
	v29 =	vld [tilespmem:s26+$0x85B0];
	[tilespmem:v3+s18+$0x0] =	vst.idx.msk $0xffff, v6  }
0x348: {  	v3 =	vadd.s32 s31, v0;
	v6 =	vld [tilespmem:s26+$0x8240]  }
0x349: {  	s28 =	sor.u32 $0xA02, s25;
	v30 =	vld [tilespmem:s26+$0x82C0]  }
0x34a: {  	v31 =	vadd.s32 s28, v0;
	v1 =	vpack.i.f32.bf16 v28, v1  }
0x34b: {  	[tilespmem:v2+s18+$0x0] =	vst.idx.msk $0xffff, v1  }
0x34c: {  	v1 =	vld [tilespmem:s26+$0x8440];
	v2 =	vpack.i.f32.bf16 v29, v5  }
0x34d: {  	s29 =	sor.u32 $0x1E00, s25;
	v32 =	vld [tilespmem:s26+$0x84C0];
	[tilespmem:v3+s18+$0x0] =	vst.idx.msk $0xffff, v2  }
0x34e: {  	v2 =	vadd.s32 s29, v0;
	v3 =	vld [tilespmem:s26+$0x8540];
	v6 =	vpack.i.f32.bf16 v30, v6  }
0x34f: {  	s30 =	sor.u32 $0x1E01, s25;
	v33 =	vld [tilespmem:s26+$0x85C0];
	[tilespmem:v31+s18+$0x0] =	vst.idx.msk $0xffff, v6  }
0x350: {  	v34 =	vadd.s32 s30, v0;
	v6 =	vld [tilespmem:s26+$0x8250]  }
0x351: {  	s31 =	sor.u32 $0xC82, s25;
	v35 =	vld [tilespmem:s26+$0x82D0]  }
0x352: {  	v36 =	vadd.s32 s31, v0;
	v1 =	vpack.i.f32.bf16 v32, v1  }
0x353: {  	[tilespmem:v2+s18+$0x0] =	vst.idx.msk $0xffff, v1  }
0x354: {  	v1 =	vld [tilespmem:s26+$0x8450];
	v2 =	vpack.i.f32.bf16 v33, v3  }
0x355: {  	s28 =	sor.u32 $0x2080, s25;
	v3 =	vld [tilespmem:s26+$0x84D0];
	[tilespmem:v34+s18+$0x0] =	vst.idx.msk $0xffff, v2  }
0x356: {  	v2 =	vadd.s32 s28, v0;
	v4 =	vld [tilespmem:s26+$0x8550];
	v6 =	vpack.i.f32.bf16 v35, v6  }
0x357: {  	s29 =	sor.u32 $0x2081, s25;
	v37 =	vld [tilespmem:s26+$0x85D0];
	[tilespmem:v36+s18+$0x0] =	vst.idx.msk $0xffff, v6  }
0x358: {  	v38 =	vadd.s32 s29, v0;
	v6 =	vld [tilespmem:s26+$0x8260]  }
0x359: {  	s30 =	sor.u32 $0xF02, s25;
	v39 =	vld [tilespmem:s26+$0x82E0]  }
0x35a: {  	v1 =	vpack.i.f32.bf16 v3, v1;
	v3 =	vadd.s32 s30, v0  }
0x35b: {  	[tilespmem:v2+s18+$0x0] =	vst.idx.msk $0xffff, v1  }
0x35c: {  	v1 =	vld [tilespmem:s26+$0x8460];
	v2 =	vpack.i.f32.bf16 v37, v4  }
0x35d: {  	s31 =	sor.u32 $0x2300, s25;
	v40 =	vld [tilespmem:s26+$0x84E0];
	[tilespmem:v38+s18+$0x0] =	vst.idx.msk $0xffff, v2  }
0x35e: {  	v2 =	vadd.s32 s31, v0;
	v5 =	vld [tilespmem:s26+$0x8560];
	v6 =	vpack.i.f32.bf16 v39, v6  }
0x35f: {  	s28 =	sor.u32 $0x2301, s25;
	v41 =	vld [tilespmem:s26+$0x85E0];
	[tilespmem:v3+s18+$0x0] =	vst.idx.msk $0xffff, v6  }
0x360: {  	v3 =	vadd.s32 s28, v0;
	v6 =	vld [tilespmem:s26+$0x8270]  }
0x361: {  	s29 =	sor.u32 $0x1182, s25;
	v42 =	vld [tilespmem:s26+$0x82F0]  }
0x362: {  	v43 =	vadd.s32 s29, v0;
	v1 =	vpack.i.f32.bf16 v40, v1  }
0x363: {  	[tilespmem:v2+s18+$0x0] =	vst.idx.msk $0xffff, v1  }
0x364: {  	v1 =	vld [tilespmem:s26+$0x8470];
	v2 =	vpack.i.f32.bf16 v41, v5  }
0x365: {  	s30 =	sor.u32 $0x2580, s25;
	v44 =	vld [tilespmem:s26+$0x84F0];
	[tilespmem:v3+s18+$0x0] =	vst.idx.msk $0xffff, v2  }
0x366: {  	v2 =	vadd.s32 s30, v0;
	v3 =	vld [tilespmem:s26+$0x8570];
	v6 =	vpack.i.f32.bf16 v42, v6  }
0x367: {  	s31 =	sor.u32 $0x2581, s25;
	v45 =	vld [tilespmem:s26+$0x85F0];
	[tilespmem:v43+s18+$0x0] =	vst.idx.msk $0xffff, v6  }
0x368: {  	v46 =	vadd.s32 s31, v0;
	v6 =	vld [tilespmem:s26+$0x8600]  }
0x369: {  	s28 =	sor.u32 $0x1402, s25;
	v47 =	vld [tilespmem:s26+$0x8680]  }
0x36a: {  	v48 =	vadd.s32 s28, v0;
	v1 =	vpack.i.f32.bf16 v44, v1  }
0x36b: {  	[tilespmem:v2+s18+$0x0] =	vst.idx.msk $0xffff, v1  }
0x36c: {  	v1 =	vld [tilespmem:s26+$0x8800];
	v2 =	vpack.i.f32.bf16 v45, v3  }
0x36d: {  	s29 =	sor.u32 $0x2800, s25;
	v3 =	vld [tilespmem:s26+$0x8880];
	[tilespmem:v46+s18+$0x0] =	vst.idx.msk $0xffff, v2  }
0x36e: {  	v2 =	vadd.s32 s29, v0;
	v4 =	vld [tilespmem:s26+$0x8900];
	v6 =	vpack.i.f32.bf16 v47, v6  }
0x36f: {  	s30 =	sor.u32 $0x2801, s25;
	v49 =	vld [tilespmem:s26+$0x8980];
	[tilespmem:v48+s18+$0x0] =	vst.idx.msk $0xffff, v6  }
0x370: {  	v50 =	vadd.s32 s30, v0;
	v6 =	vld [tilespmem:s26+$0x8610]  }
0x371: {  	s31 =	sor.u32 $0x1682, s25;
	v51 =	vld [tilespmem:s26+$0x8690]  }
0x372: {  	v1 =	vpack.i.f32.bf16 v3, v1;
	v3 =	vadd.s32 s31, v0  }
0x373: {  	[tilespmem:v2+s18+$0x0] =	vst.idx.msk $0xffff, v1  }
0x374: {  	v1 =	vld [tilespmem:s26+$0x8810];
	v2 =	vpack.i.f32.bf16 v49, v4  }
0x375: {  	s28 =	sor.u32 $0x2A80, s25;
	v52 =	vld [tilespmem:s26+$0x8890];
	[tilespmem:v50+s18+$0x0] =	vst.idx.msk $0xffff, v2  }
0x376: {  	v2 =	vadd.s32 s28, v0;
	v5 =	vld [tilespmem:s26+$0x8910];
	v6 =	vpack.i.f32.bf16 v51, v6  }
0x377: {  	s29 =	sor.u32 $0x2A81, s25;
	v53 =	vld [tilespmem:s26+$0x8990];
	[tilespmem:v3+s18+$0x0] =	vst.idx.msk $0xffff, v6  }
0x378: {  	v3 =	vadd.s32 s29, v0;
	v6 =	vld [tilespmem:s26+$0x8620]  }
0x379: {  	s30 =	sor.u32 $0x1902, s25;
	v54 =	vld [tilespmem:s26+$0x86A0]  }
0x37a: {  	v55 =	vadd.s32 s30, v0;
	v1 =	vpack.i.f32.bf16 v52, v1  }
0x37b: {  	[tilespmem:v2+s18+$0x0] =	vst.idx.msk $0xffff, v1  }
0x37c: {  	v1 =	vld [tilespmem:s26+$0x8820];
	v2 =	vpack.i.f32.bf16 v53, v5  }
0x37d: {  	s31 =	sor.u32 $0x2D00, s25;
	v56 =	vld [tilespmem:s26+$0x88A0];
	[tilespmem:v3+s18+$0x0] =	vst.idx.msk $0xffff, v2  }
0x37e: {  	v2 =	vadd.s32 s31, v0;
	v3 =	vld [tilespmem:s26+$0x8920];
	v6 =	vpack.i.f32.bf16 v54, v6  }
0x37f: {  	s28 =	sor.u32 $0x2D01, s25;
	v57 =	vld [tilespmem:s26+$0x89A0];
	[tilespmem:v55+s18+$0x0] =	vst.idx.msk $0xffff, v6  }
0x380: {  	v58 =	vadd.s32 s28, v0;
	v6 =	vld [tilespmem:s26+$0x8630]  }
0x381: {  	s29 =	sor.u32 $0x1B82, s25;
	v59 =	vld [tilespmem:s26+$0x86B0]  }
0x382: {  	v60 =	vadd.s32 s29, v0;
	v1 =	vpack.i.f32.bf16 v56, v1  }
0x383: {  	[tilespmem:v2+s18+$0x0] =	vst.idx.msk $0xffff, v1  }
0x384: {  	v1 =	vld [tilespmem:s26+$0x8830];
	v2 =	vpack.i.f32.bf16 v57, v3  }
0x385: {  	s30 =	sor.u32 $0x2F80, s25;
	v3 =	vld [tilespmem:s26+$0x88B0];
	[tilespmem:v58+s18+$0x0] =	vst.idx.msk $0xffff, v2  }
0x386: {  	v2 =	vadd.s32 s30, v0;
	v4 =	vld [tilespmem:s26+$0x8930];
	v6 =	vpack.i.f32.bf16 v59, v6  }
0x387: {  	s31 =	sor.u32 $0x2F81, s25;
	v61 =	vld [tilespmem:s26+$0x89B0];
	[tilespmem:v60+s18+$0x0] =	vst.idx.msk $0xffff, v6  }
0x388: {  	v62 =	vadd.s32 s31, v0;
	v6 =	vld [tilespmem:s26+$0x8640]  }
0x389: {  	s28 =	sor.u32 $0x1E02, s25;
	v63 =	vld [tilespmem:s26+$0x86C0]  }
0x38a: {  	v1 =	vpack.i.f32.bf16 v3, v1;
	v3 =	vadd.s32 s28, v0  }
0x38b: {  	[tilespmem:v2+s18+$0x0] =	vst.idx.msk $0xffff, v1  }
0x38c: {  	v1 =	vld [tilespmem:s26+$0x8840];
	v2 =	vpack.i.f32.bf16 v61, v4  }
0x38d: {  	s29 =	sor.u32 $0x3200, s25;
	v12 =	vld [tilespmem:s26+$0x88C0];
	[tilespmem:v62+s18+$0x0] =	vst.idx.msk $0xffff, v2  }
0x38e: {  	v2 =	vadd.s32 s29, v0;
	v5 =	vld [tilespmem:s26+$0x8940];
	v6 =	vpack.i.f32.bf16 v63, v6  }
0x38f: {  	s30 =	sor.u32 $0x3201, s25;
	v13 =	vld [tilespmem:s26+$0x89C0];
	[tilespmem:v3+s18+$0x0] =	vst.idx.msk $0xffff, v6  }
0x390: {  	v3 =	vadd.s32 s30, v0;
	v6 =	vld [tilespmem:s26+$0x8650]  }
0x391: {  	s31 =	sor.u32 $0x2082, s25;
	v14 =	vld [tilespmem:s26+$0x86D0]  }
0x392: {  	v15 =	vadd.s32 s31, v0;
	v1 =	vpack.i.f32.bf16 v12, v1  }
0x393: {  	[tilespmem:v2+s18+$0x0] =	vst.idx.msk $0xffff, v1  }
0x394: {  	v1 =	vld [tilespmem:s26+$0x8850];
	v2 =	vpack.i.f32.bf16 v13, v5  }
0x395: {  	s28 =	sor.u32 $0x3480, s25;
	v16 =	vld [tilespmem:s26+$0x88D0];
	[tilespmem:v3+s18+$0x0] =	vst.idx.msk $0xffff, v2  }
0x396: {  	v2 =	vadd.s32 s28, v0;
	v3 =	vld [tilespmem:s26+$0x8950];
	v6 =	vpack.i.f32.bf16 v14, v6  }
0x397: {  	s29 =	sor.u32 $0x3481, s25;
	v17 =	vld [tilespmem:s26+$0x89D0];
	[tilespmem:v15+s18+$0x0] =	vst.idx.msk $0xffff, v6  }
0x398: {  	v18 =	vadd.s32 s29, v0;
	v6 =	vld [tilespmem:s26+$0x8660]  }
0x399: {  	s30 =	sor.u32 $0x2302, s25;
	v19 =	vld [tilespmem:s26+$0x86E0]  }
0x39a: {  	v20 =	vadd.s32 s30, v0;
	v1 =	vpack.i.f32.bf16 v16, v1  }
0x39b: {  	[tilespmem:v2+s18+$0x0] =	vst.idx.msk $0xffff, v1  }
0x39c: {  	v1 =	vld [tilespmem:s26+$0x8860];
	v2 =	vpack.i.f32.bf16 v17, v3  }
0x39d: {  	s31 =	sor.u32 $0x3700, s25;
	v3 =	vld [tilespmem:s26+$0x88E0];
	[tilespmem:v18+s18+$0x0] =	vst.idx.msk $0xffff, v2  }
0x39e: {  	v2 =	vadd.s32 s31, v0;
	v4 =	vld [tilespmem:s26+$0x8960];
	v6 =	vpack.i.f32.bf16 v19, v6  }
0x39f: {  	s28 =	sor.u32 $0x3701, s25;
	v21 =	vld [tilespmem:s26+$0x89E0];
	[tilespmem:v20+s18+$0x0] =	vst.idx.msk $0xffff, v6  }
0x3a0: {  	v22 =	vadd.s32 s28, v0;
	v6 =	vld [tilespmem:s26+$0x8670]  }
0x3a1: {  	s29 =	sor.u32 $0x2582, s25;
	v23 =	vld [tilespmem:s26+$0x86F0]  }
0x3a2: {  	v1 =	vpack.i.f32.bf16 v3, v1;
	v3 =	vadd.s32 s29, v0  }
0x3a3: {  	[tilespmem:v2+s18+$0x0] =	vst.idx.msk $0xffff, v1  }
0x3a4: {  	v1 =	vld [tilespmem:s26+$0x8870];
	v2 =	vpack.i.f32.bf16 v21, v4  }
0x3a5: {  	s30 =	sor.u32 $0x3980, s25;
	v24 =	vld [tilespmem:s26+$0x88F0];
	[tilespmem:v22+s18+$0x0] =	vst.idx.msk $0xffff, v2  }
0x3a6: {  	v2 =	vadd.s32 s30, v0;
	v5 =	vld [tilespmem:s26+$0x8970];
	v6 =	vpack.i.f32.bf16 v23, v6  }
0x3a7: {  	s31 =	sor.u32 $0x3981, s25;
	v25 =	vld [tilespmem:s26+$0x89F0];
	[tilespmem:v3+s18+$0x0] =	vst.idx.msk $0xffff, v6  }
0x3a8: {  	v3 =	vadd.s32 s31, v0;
	v6 =	vld [tilespmem:s26+$0x8A00]  }
0x3a9: {  	s28 =	sor.u32 $0x2802, s25;
	v26 =	vld [tilespmem:s26+$0x8A80]  }
0x3aa: {  	v27 =	vadd.s32 s28, v0;
	v1 =	vpack.i.f32.bf16 v24, v1  }
0x3ab: {  	[tilespmem:v2+s18+$0x0] =	vst.idx.msk $0xffff, v1  }
0x3ac: {  	v1 =	vld [tilespmem:s26+$0x8C00];
	v2 =	vpack.i.f32.bf16 v25, v5  }
0x3ad: {  	s29 =	sor.u32 $0x3C00, s25;
	v28 =	vld [tilespmem:s26+$0x8C80];
	[tilespmem:v3+s18+$0x0] =	vst.idx.msk $0xffff, v2  }
0x3ae: {  	v2 =	vadd.s32 s29, v0;
	v3 =	vld [tilespmem:s26+$0x8D00];
	v6 =	vpack.i.f32.bf16 v26, v6  }
0x3af: {  	s30 =	sor.u32 $0x3C01, s25;
	v29 =	vld [tilespmem:s26+$0x8D80];
	[tilespmem:v27+s18+$0x0] =	vst.idx.msk $0xffff, v6  }
0x3b0: {  	v30 =	vadd.s32 s30, v0;
	v6 =	vld [tilespmem:s26+$0x8A10]  }
0x3b1: {  	s31 =	sor.u32 $0x2A82, s25;
	v31 =	vld [tilespmem:s26+$0x8A90]  }
0x3b2: {  	v32 =	vadd.s32 s31, v0;
	v1 =	vpack.i.f32.bf16 v28, v1  }
0x3b3: {  	[tilespmem:v2+s18+$0x0] =	vst.idx.msk $0xffff, v1  }
0x3b4: {  	v1 =	vld [tilespmem:s26+$0x8C10];
	v2 =	vpack.i.f32.bf16 v29, v3  }
0x3b5: {  	s28 =	sor.u32 $0x3E80, s25;
	v3 =	vld [tilespmem:s26+$0x8C90];
	[tilespmem:v30+s18+$0x0] =	vst.idx.msk $0xffff, v2  }
0x3b6: {  	v2 =	vadd.s32 s28, v0;
	v4 =	vld [tilespmem:s26+$0x8D10];
	v6 =	vpack.i.f32.bf16 v31, v6  }
0x3b7: {  	s29 =	sor.u32 $0x3E81, s25;
	v33 =	vld [tilespmem:s26+$0x8D90];
	[tilespmem:v32+s18+$0x0] =	vst.idx.msk $0xffff, v6  }
0x3b8: {  	v34 =	vadd.s32 s29, v0;
	v6 =	vld [tilespmem:s26+$0x8A20]  }
0x3b9: {  	s30 =	sor.u32 $0x2D02, s25;
	v35 =	vld [tilespmem:s26+$0x8AA0]  }
0x3ba: {  	v1 =	vpack.i.f32.bf16 v3, v1;
	v3 =	vadd.s32 s30, v0  }
0x3bb: {  	[tilespmem:v2+s18+$0x0] =	vst.idx.msk $0xffff, v1  }
0x3bc: {  	v1 =	vld [tilespmem:s26+$0x8C20];
	v2 =	vpack.i.f32.bf16 v33, v4  }
0x3bd: {  	s31 =	sor.u32 $0x4100, s25;
	v36 =	vld [tilespmem:s26+$0x8CA0];
	[tilespmem:v34+s18+$0x0] =	vst.idx.msk $0xffff, v2  }
0x3be: {  	v2 =	vadd.s32 s31, v0;
	v5 =	vld [tilespmem:s26+$0x8D20];
	v6 =	vpack.i.f32.bf16 v35, v6  }
0x3bf: {  	s28 =	sor.u32 $0x4101, s25;
	v37 =	vld [tilespmem:s26+$0x8DA0];
	[tilespmem:v3+s18+$0x0] =	vst.idx.msk $0xffff, v6  }
0x3c0: {  	v3 =	vadd.s32 s28, v0;
	v6 =	vld [tilespmem:s26+$0x8A30]  }
0x3c1: {  	s29 =	sor.u32 $0x2F82, s25;
	v38 =	vld [tilespmem:s26+$0x8AB0]  }
0x3c2: {  	v39 =	vadd.s32 s29, v0;
	v1 =	vpack.i.f32.bf16 v36, v1  }
0x3c3: {  	[tilespmem:v2+s18+$0x0] =	vst.idx.msk $0xffff, v1  }
0x3c4: {  	v1 =	vld [tilespmem:s26+$0x8C30];
	v2 =	vpack.i.f32.bf16 v37, v5  }
0x3c5: {  	s30 =	sor.u32 $0x4380, s25;
	v40 =	vld [tilespmem:s26+$0x8CB0];
	[tilespmem:v3+s18+$0x0] =	vst.idx.msk $0xffff, v2  }
0x3c6: {  	v2 =	vadd.s32 s30, v0;
	v3 =	vld [tilespmem:s26+$0x8D30];
	v6 =	vpack.i.f32.bf16 v38, v6  }
0x3c7: {  	s31 =	sor.u32 $0x4381, s25;
	v41 =	vld [tilespmem:s26+$0x8DB0];
	[tilespmem:v39+s18+$0x0] =	vst.idx.msk $0xffff, v6  }
0x3c8: {  	v42 =	vadd.s32 s31, v0;
	v6 =	vld [tilespmem:s26+$0x8A40]  }
0x3c9: {  	s28 =	sor.u32 $0x3202, s25;
	v43 =	vld [tilespmem:s26+$0x8AC0]  }
0x3ca: {  	v44 =	vadd.s32 s28, v0;
	v1 =	vpack.i.f32.bf16 v40, v1  }
0x3cb: {  	[tilespmem:v2+s18+$0x0] =	vst.idx.msk $0xffff, v1  }
0x3cc: {  	v1 =	vld [tilespmem:s26+$0x8C40];
	v2 =	vpack.i.f32.bf16 v41, v3  }
0x3cd: {  	s29 =	sor.u32 $0x4600, s25;
	v3 =	vld [tilespmem:s26+$0x8CC0];
	[tilespmem:v42+s18+$0x0] =	vst.idx.msk $0xffff, v2  }
0x3ce: {  	v2 =	vadd.s32 s29, v0;
	v4 =	vld [tilespmem:s26+$0x8D40];
	v6 =	vpack.i.f32.bf16 v43, v6  }
0x3cf: {  	s30 =	sor.u32 $0x4601, s25;
	v45 =	vld [tilespmem:s26+$0x8DC0];
	[tilespmem:v44+s18+$0x0] =	vst.idx.msk $0xffff, v6  }
0x3d0: {  	v46 =	vadd.s32 s30, v0;
	v6 =	vld [tilespmem:s26+$0x8A50]  }
0x3d1: {  	s31 =	sor.u32 $0x3482, s25;
	v47 =	vld [tilespmem:s26+$0x8AD0]  }
0x3d2: {  	v1 =	vpack.i.f32.bf16 v3, v1;
	v3 =	vadd.s32 s31, v0  }
0x3d3: {  	[tilespmem:v2+s18+$0x0] =	vst.idx.msk $0xffff, v1  }
0x3d4: {  	v1 =	vld [tilespmem:s26+$0x8C50];
	v2 =	vpack.i.f32.bf16 v45, v4  }
0x3d5: {  	s28 =	sor.u32 $0x4880, s25;
	v48 =	vld [tilespmem:s26+$0x8CD0];
	[tilespmem:v46+s18+$0x0] =	vst.idx.msk $0xffff, v2  }
0x3d6: {  	v2 =	vadd.s32 s28, v0;
	v5 =	vld [tilespmem:s26+$0x8D50];
	v6 =	vpack.i.f32.bf16 v47, v6  }
0x3d7: {  	s29 =	sor.u32 $0x4881, s25;
	v49 =	vld [tilespmem:s26+$0x8DD0];
	[tilespmem:v3+s18+$0x0] =	vst.idx.msk $0xffff, v6  }
0x3d8: {  	v3 =	vadd.s32 s29, v0;
	v6 =	vld [tilespmem:s26+$0x8A60]  }
0x3d9: {  	s30 =	sor.u32 $0x3702, s25;
	v50 =	vld [tilespmem:s26+$0x8AE0]  }
0x3da: {  	v51 =	vadd.s32 s30, v0;
	v1 =	vpack.i.f32.bf16 v48, v1  }
0x3db: {  	[tilespmem:v2+s18+$0x0] =	vst.idx.msk $0xffff, v1  }
0x3dc: {  	v1 =	vld [tilespmem:s26+$0x8C60];
	v2 =	vpack.i.f32.bf16 v49, v5  }
0x3dd: {  	v52 =	vld [tilespmem:s26+$0x8CE0];
	[tilespmem:v3+s18+$0x0] =	vst.idx.msk $0xffff, v2  }
0x3de: {  	s31 =	sor.u32 $0x4B00, s25;
	v2 =	vld [tilespmem:s26+$0x8D60];
	v3 =	vpack.i.f32.bf16 v50, v6  }
0x3df: {  	v53 =	vadd.s32 s31, v0;
	v54 =	vld [tilespmem:s26+$0x8DE0];
	[tilespmem:v51+s18+$0x0] =	vst.idx.msk $0xffff, v3  }
0x3e0: {  	s28 =	sor.u32 $0x4B01, s25;
	v3 =	vld [tilespmem:s26+$0x8A70]  }
0x3e1: {  	v55 =	vadd.s32 s28, v0;
	s29 =	sor.u32 $0x3982, s25;
	v56 =	vld [tilespmem:s26+$0x8AF0]  }
0x3e2: {  	v9 =	vadd.s32 s29, v0  }
0x3e3: {  	v1 =	vpack.i.f32.bf16 v52, v1  }
0x3e4: {  	[tilespmem:v53+s18+$0x0] =	vst.idx.msk $0xffff, v1  }
0x3e5: {  	v1 =	vld [tilespmem:s26+$0x8C70];
	v2 =	vpack.i.f32.bf16 v54, v2  }
0x3e6: {  	v57 =	vld [tilespmem:s26+$0x8CF0];
	[tilespmem:v55+s18+$0x0] =	vst.idx.msk $0xffff, v2;
	v2 =	vpack.i.f32.bf16 v56, v3  }
0x3e7: {  	v3 =	vld [tilespmem:s26+$0x8D70];
	[tilespmem:v9+s18+$0x0] =	vst.idx.msk $0xffff, v2  }
0x3e8: {  	s30 =	sor.u32 $0x4D80, s25;
	v2 =	vld [tilespmem:s26+$0x8E00]  }
0x3e9: {  	v58 =	vadd.s32 s30, v0;
	s31 =	sor.u32 $0x3C02, s25;
	v59 =	vld [tilespmem:s26+$0x8E80]  }
0x3ea: {  	v61 =	vadd.s32 s31, v0;
	s28 =	sor.u32 $0x4D81, s25;
	v60 =	vld [tilespmem:s26+$0x8DF0]  }
0x3eb: {  	v62 =	vadd.s32 s28, v0;
	_ =	sdelay $0x1  }
0x3ec: {  	v1 =	vpack.i.f32.bf16 v57, v1  }
0x3ed: {  	[tilespmem:v58+s18+$0x0] =	vst.idx.msk $0xffff, v1;
	v1 =	vpack.i.f32.bf16 v59, v2  }
0x3ee: {  	v2 =	vpack.i.f32.bf16 v60, v3;
	[tilespmem:v61+s18+$0x0] =	vst.idx.msk $0xffff, v1  }
0x3ef: {  	[tilespmem:v62+s18+$0x0] =	vst.idx.msk $0xffff, v2;
	v1 =	vld [tilespmem:s26+$0x8E10]  }
0x3f0: {  	v2 =	vld [tilespmem:s26+$0x8E90]  }
0x3f1: {  	v3 =	vld [tilespmem:s26+$0x8300]  }
0x3f2: {  	s29 =	sor.u32 $0x3, s25;
	v63 =	vld [tilespmem:s26+$0x8380]  }
0x3f3: {  	v8 =	vadd.s32 s29, v0;
	_ =	sdelay $0x3  }
0x3f4: {  	v3 =	vpack.i.f32.bf16 v63, v3  }
0x3f5: {  	[tilespmem:v8+s18+$0x0] =	vst.idx.msk $0xffff, v3  }
0x3f6: {  	v3 =	vld [tilespmem:s26+$0x8310]  }
0x3f7: {  	s30 =	sor.u32 $0x283, s25;
	v9 =	vld [tilespmem:s26+$0x8390]  }
0x3f8: {  	v10 =	vadd.s32 s30, v0;
	_ =	sdelay $0x3  }
0x3f9: {  	v3 =	vpack.i.f32.bf16 v9, v3  }
0x3fa: {  	[tilespmem:v10+s18+$0x0] =	vst.idx.msk $0xffff, v3  }
0x3fb: {  	v3 =	vld [tilespmem:s26+$0x8320]  }
0x3fc: {  	s31 =	sor.u32 $0x503, s25;
	v11 =	vld [tilespmem:s26+$0x83A0]  }
0x3fd: {  	v12 =	vadd.s32 s31, v0;
	_ =	sdelay $0x3  }
0x3fe: {  	v3 =	vpack.i.f32.bf16 v11, v3  }
0x3ff: {  	[tilespmem:v12+s18+$0x0] =	vst.idx.msk $0xffff, v3  }
0x400: {  	v3 =	vld [tilespmem:s26+$0x8330]  }
0x401: {  	s28 =	sor.u32 $0x783, s25;
	v13 =	vld [tilespmem:s26+$0x83B0]  }
0x402: {  	v14 =	vadd.s32 s28, v0;
	_ =	sdelay $0x3  }
0x403: {  	v3 =	vpack.i.f32.bf16 v13, v3  }
0x404: {  	[tilespmem:v14+s18+$0x0] =	vst.idx.msk $0xffff, v3  }
0x405: {  	v3 =	vld [tilespmem:s26+$0x8340]  }
0x406: {  	s29 =	sor.u32 $0xA03, s25;
	v15 =	vld [tilespmem:s26+$0x83C0]  }
0x407: {  	v16 =	vadd.s32 s29, v0;
	_ =	sdelay $0x3  }
0x408: {  	v3 =	vpack.i.f32.bf16 v15, v3  }
0x409: {  	[tilespmem:v16+s18+$0x0] =	vst.idx.msk $0xffff, v3  }
0x40a: {  	v3 =	vld [tilespmem:s26+$0x8350]  }
0x40b: {  	s30 =	sor.u32 $0xC83, s25;
	v17 =	vld [tilespmem:s26+$0x83D0]  }
0x40c: {  	v18 =	vadd.s32 s30, v0;
	_ =	sdelay $0x3  }
0x40d: {  	v3 =	vpack.i.f32.bf16 v17, v3  }
0x40e: {  	[tilespmem:v18+s18+$0x0] =	vst.idx.msk $0xffff, v3  }
0x40f: {  	v3 =	vld [tilespmem:s26+$0x8360]  }
0x410: {  	s31 =	sor.u32 $0xF03, s25;
	v19 =	vld [tilespmem:s26+$0x83E0]  }
0x411: {  	v20 =	vadd.s32 s31, v0;
	_ =	sdelay $0x3  }
0x412: {  	v3 =	vpack.i.f32.bf16 v19, v3  }
0x413: {  	[tilespmem:v20+s18+$0x0] =	vst.idx.msk $0xffff, v3  }
0x414: {  	v3 =	vld [tilespmem:s26+$0x8370]  }
0x415: {  	s28 =	sor.u32 $0x1183, s25;
	v21 =	vld [tilespmem:s26+$0x83F0]  }
0x416: {  	v22 =	vadd.s32 s28, v0;
	_ =	sdelay $0x3  }
0x417: {  	v3 =	vpack.i.f32.bf16 v21, v3  }
0x418: {  	[tilespmem:v22+s18+$0x0] =	vst.idx.msk $0xffff, v3  }
0x419: {  	v3 =	vld [tilespmem:s26+$0x8700]  }
0x41a: {  	s29 =	sor.u32 $0x1403, s25;
	v23 =	vld [tilespmem:s26+$0x8780]  }
0x41b: {  	v24 =	vadd.s32 s29, v0;
	_ =	sdelay $0x3  }
0x41c: {  	v3 =	vpack.i.f32.bf16 v23, v3  }
0x41d: {  	[tilespmem:v24+s18+$0x0] =	vst.idx.msk $0xffff, v3  }
0x41e: {  	v3 =	vld [tilespmem:s26+$0x8710]  }
0x41f: {  	s30 =	sor.u32 $0x1683, s25;
	v25 =	vld [tilespmem:s26+$0x8790]  }
0x420: {  	v26 =	vadd.s32 s30, v0;
	_ =	sdelay $0x3  }
0x421: {  	v3 =	vpack.i.f32.bf16 v25, v3  }
0x422: {  	[tilespmem:v26+s18+$0x0] =	vst.idx.msk $0xffff, v3  }
0x423: {  	v3 =	vld [tilespmem:s26+$0x8720]  }
0x424: {  	s31 =	sor.u32 $0x1903, s25;
	v27 =	vld [tilespmem:s26+$0x87A0]  }
0x425: {  	v28 =	vadd.s32 s31, v0;
	_ =	sdelay $0x3  }
0x426: {  	v3 =	vpack.i.f32.bf16 v27, v3  }
0x427: {  	[tilespmem:v28+s18+$0x0] =	vst.idx.msk $0xffff, v3  }
0x428: {  	v3 =	vld [tilespmem:s26+$0x8730]  }
0x429: {  	s28 =	sor.u32 $0x1B83, s25;
	v29 =	vld [tilespmem:s26+$0x87B0]  }
0x42a: {  	v30 =	vadd.s32 s28, v0;
	_ =	sdelay $0x3  }
0x42b: {  	v3 =	vpack.i.f32.bf16 v29, v3  }
0x42c: {  	[tilespmem:v30+s18+$0x0] =	vst.idx.msk $0xffff, v3  }
0x42d: {  	v3 =	vld [tilespmem:s26+$0x8740]  }
0x42e: {  	s29 =	sor.u32 $0x1E03, s25;
	v31 =	vld [tilespmem:s26+$0x87C0]  }
0x42f: {  	v32 =	vadd.s32 s29, v0;
	_ =	sdelay $0x3  }
0x430: {  	v3 =	vpack.i.f32.bf16 v31, v3  }
0x431: {  	[tilespmem:v32+s18+$0x0] =	vst.idx.msk $0xffff, v3  }
0x432: {  	v3 =	vld [tilespmem:s26+$0x8750]  }
0x433: {  	s30 =	sor.u32 $0x2083, s25;
	v33 =	vld [tilespmem:s26+$0x87D0]  }
0x434: {  	v34 =	vadd.s32 s30, v0;
	_ =	sdelay $0x3  }
0x435: {  	v3 =	vpack.i.f32.bf16 v33, v3  }
0x436: {  	[tilespmem:v34+s18+$0x0] =	vst.idx.msk $0xffff, v3  }
0x437: {  	v3 =	vld [tilespmem:s26+$0x8760]  }
0x438: {  	s31 =	sor.u32 $0x2303, s25;
	v35 =	vld [tilespmem:s26+$0x87E0]  }
0x439: {  	v36 =	vadd.s32 s31, v0;
	_ =	sdelay $0x3  }
0x43a: {  	v3 =	vpack.i.f32.bf16 v35, v3  }
0x43b: {  	[tilespmem:v36+s18+$0x0] =	vst.idx.msk $0xffff, v3  }
0x43c: {  	v3 =	vld [tilespmem:s26+$0x8770]  }
0x43d: {  	s28 =	sor.u32 $0x2583, s25;
	v37 =	vld [tilespmem:s26+$0x87F0]  }
0x43e: {  	v38 =	vadd.s32 s28, v0;
	_ =	sdelay $0x3  }
0x43f: {  	v3 =	vpack.i.f32.bf16 v37, v3  }
0x440: {  	[tilespmem:v38+s18+$0x0] =	vst.idx.msk $0xffff, v3  }
0x441: {  	v3 =	vld [tilespmem:s26+$0x8B00]  }
0x442: {  	s29 =	sor.u32 $0x2803, s25;
	v39 =	vld [tilespmem:s26+$0x8B80]  }
0x443: {  	v40 =	vadd.s32 s29, v0;
	_ =	sdelay $0x3  }
0x444: {  	v3 =	vpack.i.f32.bf16 v39, v3  }
0x445: {  	[tilespmem:v40+s18+$0x0] =	vst.idx.msk $0xffff, v3  }
0x446: {  	v3 =	vld [tilespmem:s26+$0x8B10]  }
0x447: {  	s30 =	sor.u32 $0x2A83, s25;
	v41 =	vld [tilespmem:s26+$0x8B90]  }
0x448: {  	v42 =	vadd.s32 s30, v0;
	_ =	sdelay $0x3  }
0x449: {  	v3 =	vpack.i.f32.bf16 v41, v3  }
0x44a: {  	[tilespmem:v42+s18+$0x0] =	vst.idx.msk $0xffff, v3  }
0x44b: {  	v3 =	vld [tilespmem:s26+$0x8B20]  }
0x44c: {  	s31 =	sor.u32 $0x2D03, s25;
	v43 =	vld [tilespmem:s26+$0x8BA0]  }
0x44d: {  	v44 =	vadd.s32 s31, v0;
	_ =	sdelay $0x3  }
0x44e: {  	v3 =	vpack.i.f32.bf16 v43, v3  }
0x44f: {  	[tilespmem:v44+s18+$0x0] =	vst.idx.msk $0xffff, v3  }
0x450: {  	v3 =	vld [tilespmem:s26+$0x8B30]  }
0x451: {  	s28 =	sor.u32 $0x2F83, s25;
	v45 =	vld [tilespmem:s26+$0x8BB0]  }
0x452: {  	v46 =	vadd.s32 s28, v0;
	_ =	sdelay $0x3  }
0x453: {  	v3 =	vpack.i.f32.bf16 v45, v3  }
0x454: {  	[tilespmem:v46+s18+$0x0] =	vst.idx.msk $0xffff, v3  }
0x455: {  	v3 =	vld [tilespmem:s26+$0x8B40]  }
0x456: {  	s29 =	sor.u32 $0x3203, s25;
	v47 =	vld [tilespmem:s26+$0x8BC0]  }
0x457: {  	v48 =	vadd.s32 s29, v0;
	_ =	sdelay $0x3  }
0x458: {  	v3 =	vpack.i.f32.bf16 v47, v3  }
0x459: {  	[tilespmem:v48+s18+$0x0] =	vst.idx.msk $0xffff, v3  }
0x45a: {  	v3 =	vld [tilespmem:s26+$0x8B50]  }
0x45b: {  	s30 =	sor.u32 $0x3483, s25;
	v49 =	vld [tilespmem:s26+$0x8BD0]  }
0x45c: {  	v50 =	vadd.s32 s30, v0;
	_ =	sdelay $0x3  }
0x45d: {  	v3 =	vpack.i.f32.bf16 v49, v3  }
0x45e: {  	[tilespmem:v50+s18+$0x0] =	vst.idx.msk $0xffff, v3  }
0x45f: {  	v3 =	vld [tilespmem:s26+$0x8B60]  }
0x460: {  	s31 =	sor.u32 $0x3703, s25;
	v51 =	vld [tilespmem:s26+$0x8BE0]  }
0x461: {  	v52 =	vadd.s32 s31, v0;
	_ =	sdelay $0x3  }
0x462: {  	v3 =	vpack.i.f32.bf16 v51, v3  }
0x463: {  	[tilespmem:v52+s18+$0x0] =	vst.idx.msk $0xffff, v3  }
0x464: {  	v3 =	vld [tilespmem:s26+$0x8B70]  }
0x465: {  	s28 =	sor.u32 $0x3983, s25;
	v53 =	vld [tilespmem:s26+$0x8BF0]  }
0x466: {  	v54 =	vadd.s32 s28, v0;
	_ =	sdelay $0x3  }
0x467: {  	v3 =	vpack.i.f32.bf16 v53, v3  }
0x468: {  	[tilespmem:v54+s18+$0x0] =	vst.idx.msk $0xffff, v3  }
0x469: {  	v3 =	vld [tilespmem:s26+$0x8F00]  }
0x46a: {  	s29 =	sor.u32 $0x3C03, s25;
	v55 =	vld [tilespmem:s26+$0x8F80]  }
0x46b: {  	v56 =	vadd.s32 s29, v0;
	_ =	sdelay $0x3  }
0x46c: {  	v3 =	vpack.i.f32.bf16 v55, v3  }
0x46d: {  	s30 =	sor.u32 $0x3E82, s25;
	[tilespmem:v56+s18+$0x0] =	vst.idx.msk $0xffff, v3  }
0x46e: {  	v3 =	vadd.s32 s30, v0;
	v57 =	vld [tilespmem:s26+$0x8F10]  }
0x46f: {  	s31 =	sor.u32 $0x3E83, s25;
	v5 =	vld [tilespmem:s26+$0x8F90]  }
0x470: {  	v58 =	vadd.s32 s31, v0;
	_ =	sdelay $0x1  }
0x471: {  	v1 =	vpack.i.f32.bf16 v2, v1  }
0x472: {  	[tilespmem:v3+s18+$0x0] =	vst.idx.msk $0xffff, v1  }
0x473: {  	v1 =	vld [tilespmem:s26+$0x8E20];
	v2 =	vpack.i.f32.bf16 v5, v57  }
0x474: {  	s28 =	sor.u32 $0x4102, s25;
	v3 =	vld [tilespmem:s26+$0x8EA0];
	[tilespmem:v58+s18+$0x0] =	vst.idx.msk $0xffff, v2  }
0x475: {  	v2 =	vadd.s32 s28, v0;
	v59 =	vld [tilespmem:s26+$0x8F20]  }
0x476: {  	s29 =	sor.u32 $0x4103, s25;
	v60 =	vld [tilespmem:s26+$0x8FA0]  }
0x477: {  	v61 =	vadd.s32 s29, v0;
	_ =	sdelay $0x1  }
0x478: {  	v1 =	vpack.i.f32.bf16 v3, v1  }
0x479: {  	[tilespmem:v2+s18+$0x0] =	vst.idx.msk $0xffff, v1  }
0x47a: {  	v1 =	vld [tilespmem:s26+$0x8E30];
	v2 =	vpack.i.f32.bf16 v60, v59  }
0x47b: {  	s30 =	sor.u32 $0x4382, s25;
	v3 =	vld [tilespmem:s26+$0x8EB0];
	[tilespmem:v61+s18+$0x0] =	vst.idx.msk $0xffff, v2  }
0x47c: {  	v2 =	vadd.s32 s30, v0;
	v62 =	vld [tilespmem:s26+$0x8F30]  }
0x47d: {  	s31 =	sor.u32 $0x4383, s25;
	v63 =	vld [tilespmem:s26+$0x8FB0]  }
0x47e: {  	v9 =	vadd.s32 s31, v0;
	_ =	sdelay $0x1  }
0x47f: {  	v1 =	vpack.i.f32.bf16 v3, v1  }
0x480: {  	[tilespmem:v2+s18+$0x0] =	vst.idx.msk $0xffff, v1  }
0x481: {  	v1 =	vld [tilespmem:s26+$0x8E40];
	v2 =	vpack.i.f32.bf16 v63, v62  }
0x482: {  	s28 =	sor.u32 $0x4602, s25;
	v3 =	vld [tilespmem:s26+$0x8EC0];
	[tilespmem:v9+s18+$0x0] =	vst.idx.msk $0xffff, v2  }
0x483: {  	v2 =	vadd.s32 s28, v0;
	v10 =	vld [tilespmem:s26+$0x8F40]  }
0x484: {  	s29 =	sor.u32 $0x4603, s25;
	v11 =	vld [tilespmem:s26+$0x8FC0]  }
0x485: {  	v12 =	vadd.s32 s29, v0;
	_ =	sdelay $0x1  }
0x486: {  	v1 =	vpack.i.f32.bf16 v3, v1  }
0x487: {  	[tilespmem:v2+s18+$0x0] =	vst.idx.msk $0xffff, v1  }
0x488: {  	v1 =	vld [tilespmem:s26+$0x8E50];
	v2 =	vpack.i.f32.bf16 v11, v10  }
0x489: {  	s30 =	sor.u32 $0x4882, s25;
	v3 =	vld [tilespmem:s26+$0x8ED0];
	[tilespmem:v12+s18+$0x0] =	vst.idx.msk $0xffff, v2  }
0x48a: {  	v2 =	vadd.s32 s30, v0;
	v13 =	vld [tilespmem:s26+$0x8F50]  }
0x48b: {  	s31 =	sor.u32 $0x4883, s25;
	v14 =	vld [tilespmem:s26+$0x8FD0]  }
0x48c: {  	v15 =	vadd.s32 s31, v0;
	_ =	sdelay $0x1  }
0x48d: {  	v1 =	vpack.i.f32.bf16 v3, v1  }
0x48e: {  	[tilespmem:v2+s18+$0x0] =	vst.idx.msk $0xffff, v1  }
0x48f: {  	v1 =	vld [tilespmem:s26+$0x8E60];
	v2 =	vpack.i.f32.bf16 v14, v13  }
0x490: {  	s28 =	sor.u32 $0x4B02, s25;
	v3 =	vld [tilespmem:s26+$0x8EE0];
	[tilespmem:v15+s18+$0x0] =	vst.idx.msk $0xffff, v2  }
0x491: {  	v2 =	vadd.s32 s28, v0;
	v16 =	vld [tilespmem:s26+$0x8F60]  }
0x492: {  	s29 =	sor.u32 $0x4B03, s25;
	v17 =	vld [tilespmem:s26+$0x8FE0]  }
0x493: {  	v18 =	vadd.s32 s29, v0;
	_ =	sdelay $0x1  }
0x494: {  	v1 =	vpack.i.f32.bf16 v3, v1  }
0x495: {  	[tilespmem:v2+s18+$0x0] =	vst.idx.msk $0xffff, v1  }
0x496: {  	v1 =	vld [tilespmem:s26+$0x8E70];
	v2 =	vpack.i.f32.bf16 v17, v16  }
0x497: {  	s1 =	sor.u32 $0x4, s25;
	v3 =	vld [tilespmem:s26+$0x8EF0];
	[tilespmem:v18+s18+$0x0] =	vst.idx.msk $0xffff, v2  }
0x498: {  	s30 =	sshll.u32 s1, $0xA;
	v2 =	vld [tilespmem:s26+$0x8F70]  }
0x499: {  	s30 =	sand.u32 $0x3FFFFC00, s30;
	v4 =	vld [tilespmem:s26+$0x8FF0];
	s26 =	sor.u32 $0x5, s25  }
0x49a: {  	v19 =	vld [tilespmem:s30+$0x8000];
	s31 =	sshll.u32 s26, $0xA  }
0x49b: {  	v20 =	vld [tilespmem:s30+$0x8080];
	s29 =	sand.u32 $0x1FFFF000, s31;
	s31 =	sor.u32 $0x6, s25  }
0x49c: {  	v21 =	vadd.s32 s1, v0;
	v22 =	vld [tilespmem:s29+$0x8100];
	s28 =	sshll.u32 s31, $0xA  }
0x49d: {  	s1 =	sor.u32 $0x7, s25;
	v23 =	vld [tilespmem:s29+$0x8180];
	s28 =	sand.u32 $0x1FFFF000, s28  }
0x49e: {  	v10 =	vadd.s32 s26, v0;
	s26 =	sshll.u32 s1, $0xA;
	v11 =	vld [tilespmem:s28+$0x8200]  }
0x49f: {  	s26 =	sand.u32 $0x1FFFF000, s26;
	v12 =	vld [tilespmem:s28+$0x8280]  }
0x4a0: {  	v5 =	vpack.i.f32.bf16 v20, v19;
	v13 =	vadd.s32 s31, v0;
	v24 =	vld [tilespmem:s26+$0x8300]  }
0x4a1: {  	[tilespmem:v21+s18+$0x0] =	vst.idx.msk $0xffff, v5;
	v25 =	vld [tilespmem:s26+$0x8380]  }
0x4a2: {  	v26 =	vadd.s32 s1, v0;
	v7 =	vld [tilespmem:s30+$0x8010];
	v8 =	vpack.i.f32.bf16 v23, v22  }
0x4a3: {  	v14 =	vld [tilespmem:s30+$0x8090];
	s31 =	sor.u32 $0x284, s25;
	[tilespmem:v10+s18+$0x0] =	vst.idx.msk $0xffff, v8  }
0x4a4: {  	v27 =	vadd.s32 s31, v0;
	v10 =	vld [tilespmem:s29+$0x8110];
	v11 =	vpack.i.f32.bf16 v12, v11  }
0x4a5: {  	s31 =	sor.u32 $0x285, s25;
	v28 =	vld [tilespmem:s29+$0x8190];
	[tilespmem:v13+s18+$0x0] =	vst.idx.msk $0xffff, v11  }
0x4a6: {  	v29 =	vadd.s32 s31, v0;
	v5 =	vpack.i.f32.bf16 v25, v24;
	v13 =	vld [tilespmem:s28+$0x8210]  }
0x4a7: {  	s31 =	sor.u32 $0x286, s25;
	[tilespmem:v26+s18+$0x0] =	vst.idx.msk $0xffff, v5;
	v30 =	vld [tilespmem:s28+$0x8290]  }
0x4a8: {  	v31 =	vpack.i.f32.bf16 v14, v7;
	v32 =	vadd.s32 s31, v0;
	v9 =	vld [tilespmem:s26+$0x8310]  }
0x4a9: {  	s31 =	sor.u32 $0x287, s25;
	[tilespmem:v27+s18+$0x0] =	vst.idx.msk $0xffff, v31;
	v33 =	vld [tilespmem:s26+$0x8390]  }
0x4aa: {  	v34 =	vadd.s32 s31, v0;
	v8 =	vld [tilespmem:s30+$0x8020];
	v10 =	vpack.i.f32.bf16 v28, v10  }
0x4ab: {  	s31 =	sor.u32 $0x504, s25;
	v35 =	vld [tilespmem:s30+$0x80A0];
	[tilespmem:v29+s18+$0x0] =	vst.idx.msk $0xffff, v10  }
0x4ac: {  	v36 =	vadd.s32 s31, v0;
	v11 =	vld [tilespmem:s29+$0x8120];
	v6 =	vpack.i.f32.bf16 v30, v13  }
0x4ad: {  	s31 =	sor.u32 $0x505, s25;
	v37 =	vld [tilespmem:s29+$0x81A0];
	[tilespmem:v32+s18+$0x0] =	vst.idx.msk $0xffff, v6  }
0x4ae: {  	v38 =	vadd.s32 s31, v0;
	v5 =	vpack.i.f32.bf16 v33, v9;
	v7 =	vld [tilespmem:s28+$0x8220]  }
0x4af: {  	s31 =	sor.u32 $0x506, s25;
	[tilespmem:v34+s18+$0x0] =	vst.idx.msk $0xffff, v5;
	v39 =	vld [tilespmem:s28+$0x82A0]  }
0x4b0: {  	v41 =	vadd.s32 s31, v0;
	v40 =	vpack.i.f32.bf16 v35, v8;
	v12 =	vld [tilespmem:s26+$0x8320]  }
0x4b1: {  	s31 =	sor.u32 $0x507, s25;
	[tilespmem:v36+s18+$0x0] =	vst.idx.msk $0xffff, v40;
	v42 =	vld [tilespmem:s26+$0x83A0]  }
0x4b2: {  	v43 =	vadd.s32 s31, v0;
	v10 =	vld [tilespmem:s30+$0x8030];
	v11 =	vpack.i.f32.bf16 v37, v11  }
0x4b3: {  	s31 =	sor.u32 $0x784, s25;
	v44 =	vld [tilespmem:s30+$0x80B0];
	[tilespmem:v38+s18+$0x0] =	vst.idx.msk $0xffff, v11  }
0x4b4: {  	v45 =	vadd.s32 s31, v0;
	v11 =	vld [tilespmem:s29+$0x8130];
	v7 =	vpack.i.f32.bf16 v39, v7  }
0x4b5: {  	s31 =	sor.u32 $0x785, s25;
	v46 =	vld [tilespmem:s29+$0x81B0];
	[tilespmem:v41+s18+$0x0] =	vst.idx.msk $0xffff, v7  }
0x4b6: {  	v47 =	vadd.s32 s31, v0;
	v5 =	vpack.i.f32.bf16 v42, v12;
	v8 =	vld [tilespmem:s28+$0x8230]  }
0x4b7: {  	s31 =	sor.u32 $0x786, s25;
	[tilespmem:v43+s18+$0x0] =	vst.idx.msk $0xffff, v5;
	v48 =	vld [tilespmem:s28+$0x82B0]  }
0x4b8: {  	v50 =	vadd.s32 s31, v0;
	v49 =	vpack.i.f32.bf16 v44, v10;
	v13 =	vld [tilespmem:s26+$0x8330]  }
0x4b9: {  	s31 =	sor.u32 $0x787, s25;
	[tilespmem:v45+s18+$0x0] =	vst.idx.msk $0xffff, v49;
	v51 =	vld [tilespmem:s26+$0x83B0]  }
0x4ba: {  	v52 =	vadd.s32 s31, v0;
	v6 =	vld [tilespmem:s30+$0x8040];
	v9 =	vpack.i.f32.bf16 v46, v11  }
0x4bb: {  	s31 =	sor.u32 $0xA04, s25;
	v53 =	vld [tilespmem:s30+$0x80C0];
	[tilespmem:v47+s18+$0x0] =	vst.idx.msk $0xffff, v9  }
0x4bc: {  	v54 =	vadd.s32 s31, v0;
	v9 =	vld [tilespmem:s29+$0x8140];
	v8 =	vpack.i.f32.bf16 v48, v8  }
0x4bd: {  	s31 =	sor.u32 $0xA05, s25;
	v55 =	vld [tilespmem:s29+$0x81C0];
	[tilespmem:v50+s18+$0x0] =	vst.idx.msk $0xffff, v8  }
0x4be: {  	v56 =	vadd.s32 s31, v0;
	v5 =	vpack.i.f32.bf16 v51, v13;
	v10 =	vld [tilespmem:s28+$0x8240]  }
0x4bf: {  	s31 =	sor.u32 $0xA06, s25;
	[tilespmem:v52+s18+$0x0] =	vst.idx.msk $0xffff, v5;
	v57 =	vld [tilespmem:s28+$0x82C0]  }
0x4c0: {  	v59 =	vadd.s32 s31, v0;
	v58 =	vpack.i.f32.bf16 v53, v6;
	v11 =	vld [tilespmem:s26+$0x8340]  }
0x4c1: {  	s31 =	sor.u32 $0xA07, s25;
	[tilespmem:v54+s18+$0x0] =	vst.idx.msk $0xffff, v58;
	v60 =	vld [tilespmem:s26+$0x83C0]  }
0x4c2: {  	v61 =	vadd.s32 s31, v0;
	v7 =	vld [tilespmem:s30+$0x8050];
	v9 =	vpack.i.f32.bf16 v55, v9  }
0x4c3: {  	s31 =	sor.u32 $0xC84, s25;
	v62 =	vld [tilespmem:s30+$0x80D0];
	[tilespmem:v56+s18+$0x0] =	vst.idx.msk $0xffff, v9  }
0x4c4: {  	v63 =	vadd.s32 s31, v0;
	v9 =	vld [tilespmem:s29+$0x8150];
	v10 =	vpack.i.f32.bf16 v57, v10  }
0x4c5: {  	s31 =	sor.u32 $0xC85, s25;
	v16 =	vld [tilespmem:s29+$0x81D0];
	[tilespmem:v59+s18+$0x0] =	vst.idx.msk $0xffff, v10  }
0x4c6: {  	v17 =	vadd.s32 s31, v0;
	v5 =	vpack.i.f32.bf16 v60, v11;
	v10 =	vld [tilespmem:s28+$0x8250]  }
0x4c7: {  	s31 =	sor.u32 $0xC86, s25;
	[tilespmem:v61+s18+$0x0] =	vst.idx.msk $0xffff, v5;
	v18 =	vld [tilespmem:s28+$0x82D0]  }
0x4c8: {  	v20 =	vadd.s32 s31, v0;
	v19 =	vpack.i.f32.bf16 v62, v7;
	v12 =	vld [tilespmem:s26+$0x8350]  }
0x4c9: {  	s31 =	sor.u32 $0xC87, s25;
	[tilespmem:v63+s18+$0x0] =	vst.idx.msk $0xffff, v19;
	v21 =	vld [tilespmem:s26+$0x83D0]  }
0x4ca: {  	v22 =	vadd.s32 s31, v0;
	v8 =	vld [tilespmem:s30+$0x8060];
	v9 =	vpack.i.f32.bf16 v16, v9  }
0x4cb: {  	s31 =	sor.u32 $0xF04, s25;
	v23 =	vld [tilespmem:s30+$0x80E0];
	[tilespmem:v17+s18+$0x0] =	vst.idx.msk $0xffff, v9  }
0x4cc: {  	v24 =	vadd.s32 s31, v0;
	v9 =	vld [tilespmem:s29+$0x8160];
	v10 =	vpack.i.f32.bf16 v18, v10  }
0x4cd: {  	s31 =	sor.u32 $0xF05, s25;
	v25 =	vld [tilespmem:s29+$0x81E0];
	[tilespmem:v20+s18+$0x0] =	vst.idx.msk $0xffff, v10  }
0x4ce: {  	v26 =	vadd.s32 s31, v0;
	v5 =	vpack.i.f32.bf16 v21, v12;
	v10 =	vld [tilespmem:s28+$0x8260]  }
0x4cf: {  	s31 =	sor.u32 $0xF06, s25;
	[tilespmem:v22+s18+$0x0] =	vst.idx.msk $0xffff, v5;
	v27 =	vld [tilespmem:s28+$0x82E0]  }
0x4d0: {  	v29 =	vadd.s32 s31, v0;
	v28 =	vpack.i.f32.bf16 v23, v8;
	v13 =	vld [tilespmem:s26+$0x8360]  }
0x4d1: {  	s31 =	sor.u32 $0xF07, s25;
	[tilespmem:v24+s18+$0x0] =	vst.idx.msk $0xffff, v28;
	v30 =	vld [tilespmem:s26+$0x83E0]  }
0x4d2: {  	v31 =	vadd.s32 s31, v0;
	v6 =	vld [tilespmem:s30+$0x8070];
	v9 =	vpack.i.f32.bf16 v25, v9  }
0x4d3: {  	s31 =	sor.u32 $0x1184, s25;
	v32 =	vld [tilespmem:s30+$0x80F0];
	[tilespmem:v26+s18+$0x0] =	vst.idx.msk $0xffff, v9  }
0x4d4: {  	v33 =	vadd.s32 s31, v0;
	v9 =	vld [tilespmem:s29+$0x8170];
	v10 =	vpack.i.f32.bf16 v27, v10  }
0x4d5: {  	s31 =	sor.u32 $0x1185, s25;
	v34 =	vld [tilespmem:s29+$0x81F0];
	[tilespmem:v29+s18+$0x0] =	vst.idx.msk $0xffff, v10  }
0x4d6: {  	v35 =	vadd.s32 s31, v0;
	v5 =	vpack.i.f32.bf16 v30, v13;
	v10 =	vld [tilespmem:s28+$0x8270]  }
0x4d7: {  	s31 =	sor.u32 $0x1186, s25;
	[tilespmem:v31+s18+$0x0] =	vst.idx.msk $0xffff, v5;
	v36 =	vld [tilespmem:s28+$0x82F0]  }
0x4d8: {  	v38 =	vadd.s32 s31, v0;
	v37 =	vpack.i.f32.bf16 v32, v6;
	v11 =	vld [tilespmem:s26+$0x8370]  }
0x4d9: {  	s31 =	sor.u32 $0x1187, s25;
	[tilespmem:v33+s18+$0x0] =	vst.idx.msk $0xffff, v37;
	v39 =	vld [tilespmem:s26+$0x83F0]  }
0x4da: {  	v40 =	vadd.s32 s31, v0;
	v7 =	vld [tilespmem:s30+$0x8400];
	v9 =	vpack.i.f32.bf16 v34, v9  }
0x4db: {  	s31 =	sor.u32 $0x1404, s25;
	v41 =	vld [tilespmem:s30+$0x8480];
	[tilespmem:v35+s18+$0x0] =	vst.idx.msk $0xffff, v9  }
0x4dc: {  	v42 =	vadd.s32 s31, v0;
	v9 =	vld [tilespmem:s29+$0x8500];
	v10 =	vpack.i.f32.bf16 v36, v10  }
0x4dd: {  	s31 =	sor.u32 $0x1405, s25;
	v43 =	vld [tilespmem:s29+$0x8580];
	[tilespmem:v38+s18+$0x0] =	vst.idx.msk $0xffff, v10  }
0x4de: {  	v44 =	vadd.s32 s31, v0;
	v5 =	vpack.i.f32.bf16 v39, v11;
	v10 =	vld [tilespmem:s28+$0x8600]  }
0x4df: {  	s31 =	sor.u32 $0x1406, s25;
	[tilespmem:v40+s18+$0x0] =	vst.idx.msk $0xffff, v5;
	v45 =	vld [tilespmem:s28+$0x8680]  }
0x4e0: {  	v47 =	vadd.s32 s31, v0;
	v46 =	vpack.i.f32.bf16 v41, v7;
	v12 =	vld [tilespmem:s26+$0x8700]  }
0x4e1: {  	s31 =	sor.u32 $0x1407, s25;
	[tilespmem:v42+s18+$0x0] =	vst.idx.msk $0xffff, v46;
	v48 =	vld [tilespmem:s26+$0x8780]  }
0x4e2: {  	v49 =	vadd.s32 s31, v0;
	v8 =	vld [tilespmem:s30+$0x8410];
	v9 =	vpack.i.f32.bf16 v43, v9  }
0x4e3: {  	s31 =	sor.u32 $0x1684, s25;
	v50 =	vld [tilespmem:s30+$0x8490];
	[tilespmem:v44+s18+$0x0] =	vst.idx.msk $0xffff, v9  }
0x4e4: {  	v51 =	vadd.s32 s31, v0;
	v9 =	vld [tilespmem:s29+$0x8510];
	v10 =	vpack.i.f32.bf16 v45, v10  }
0x4e5: {  	s31 =	sor.u32 $0x1685, s25;
	v52 =	vld [tilespmem:s29+$0x8590];
	[tilespmem:v47+s18+$0x0] =	vst.idx.msk $0xffff, v10  }
0x4e6: {  	v53 =	vadd.s32 s31, v0;
	v5 =	vpack.i.f32.bf16 v48, v12;
	v10 =	vld [tilespmem:s28+$0x8610]  }
0x4e7: {  	s31 =	sor.u32 $0x1686, s25;
	[tilespmem:v49+s18+$0x0] =	vst.idx.msk $0xffff, v5;
	v54 =	vld [tilespmem:s28+$0x8690]  }
0x4e8: {  	v56 =	vadd.s32 s31, v0;
	v55 =	vpack.i.f32.bf16 v50, v8;
	v13 =	vld [tilespmem:s26+$0x8710]  }
0x4e9: {  	s31 =	sor.u32 $0x1687, s25;
	[tilespmem:v51+s18+$0x0] =	vst.idx.msk $0xffff, v55;
	v57 =	vld [tilespmem:s26+$0x8790]  }
0x4ea: {  	v58 =	vadd.s32 s31, v0;
	v6 =	vld [tilespmem:s30+$0x8420];
	v9 =	vpack.i.f32.bf16 v52, v9  }
0x4eb: {  	s31 =	sor.u32 $0x1904, s25;
	v59 =	vld [tilespmem:s30+$0x84A0];
	[tilespmem:v53+s18+$0x0] =	vst.idx.msk $0xffff, v9  }
0x4ec: {  	v60 =	vadd.s32 s31, v0;
	v9 =	vld [tilespmem:s29+$0x8520];
	v10 =	vpack.i.f32.bf16 v54, v10  }
0x4ed: {  	s31 =	sor.u32 $0x1905, s25;
	v61 =	vld [tilespmem:s29+$0x85A0];
	[tilespmem:v56+s18+$0x0] =	vst.idx.msk $0xffff, v10  }
0x4ee: {  	v62 =	vadd.s32 s31, v0;
	v5 =	vpack.i.f32.bf16 v57, v13;
	v10 =	vld [tilespmem:s28+$0x8620]  }
0x4ef: {  	s31 =	sor.u32 $0x1906, s25;
	[tilespmem:v58+s18+$0x0] =	vst.idx.msk $0xffff, v5;
	v63 =	vld [tilespmem:s28+$0x86A0]  }
0x4f0: {  	v17 =	vadd.s32 s31, v0;
	v16 =	vpack.i.f32.bf16 v59, v6;
	v11 =	vld [tilespmem:s26+$0x8720]  }
0x4f1: {  	s31 =	sor.u32 $0x1907, s25;
	[tilespmem:v60+s18+$0x0] =	vst.idx.msk $0xffff, v16;
	v18 =	vld [tilespmem:s26+$0x87A0]  }
0x4f2: {  	v19 =	vadd.s32 s31, v0;
	v7 =	vld [tilespmem:s30+$0x8430];
	v9 =	vpack.i.f32.bf16 v61, v9  }
0x4f3: {  	s31 =	sor.u32 $0x1B84, s25;
	v20 =	vld [tilespmem:s30+$0x84B0];
	[tilespmem:v62+s18+$0x0] =	vst.idx.msk $0xffff, v9  }
0x4f4: {  	v21 =	vadd.s32 s31, v0;
	v9 =	vld [tilespmem:s29+$0x8530];
	v10 =	vpack.i.f32.bf16 v63, v10  }
0x4f5: {  	s31 =	sor.u32 $0x1B85, s25;
	v22 =	vld [tilespmem:s29+$0x85B0];
	[tilespmem:v17+s18+$0x0] =	vst.idx.msk $0xffff, v10  }
0x4f6: {  	v23 =	vadd.s32 s31, v0;
	v5 =	vpack.i.f32.bf16 v18, v11;
	v10 =	vld [tilespmem:s28+$0x8630]  }
0x4f7: {  	s31 =	sor.u32 $0x1B86, s25;
	[tilespmem:v19+s18+$0x0] =	vst.idx.msk $0xffff, v5;
	v24 =	vld [tilespmem:s28+$0x86B0]  }
0x4f8: {  	v26 =	vadd.s32 s31, v0;
	v25 =	vpack.i.f32.bf16 v20, v7;
	v12 =	vld [tilespmem:s26+$0x8730]  }
0x4f9: {  	s31 =	sor.u32 $0x1B87, s25;
	[tilespmem:v21+s18+$0x0] =	vst.idx.msk $0xffff, v25;
	v27 =	vld [tilespmem:s26+$0x87B0]  }
0x4fa: {  	v28 =	vadd.s32 s31, v0;
	v8 =	vld [tilespmem:s30+$0x8440];
	v9 =	vpack.i.f32.bf16 v22, v9  }
0x4fb: {  	s31 =	sor.u32 $0x1E04, s25;
	v29 =	vld [tilespmem:s30+$0x84C0];
	[tilespmem:v23+s18+$0x0] =	vst.idx.msk $0xffff, v9  }
0x4fc: {  	v30 =	vadd.s32 s31, v0;
	v9 =	vld [tilespmem:s29+$0x8540];
	v10 =	vpack.i.f32.bf16 v24, v10  }
0x4fd: {  	s31 =	sor.u32 $0x1E05, s25;
	v31 =	vld [tilespmem:s29+$0x85C0];
	[tilespmem:v26+s18+$0x0] =	vst.idx.msk $0xffff, v10  }
0x4fe: {  	v32 =	vadd.s32 s31, v0;
	v5 =	vpack.i.f32.bf16 v27, v12;
	v10 =	vld [tilespmem:s28+$0x8640]  }
0x4ff: {  	s31 =	sor.u32 $0x1E06, s25;
	[tilespmem:v28+s18+$0x0] =	vst.idx.msk $0xffff, v5;
	v33 =	vld [tilespmem:s28+$0x86C0]  }
0x500: {  	v35 =	vadd.s32 s31, v0;
	v34 =	vpack.i.f32.bf16 v29, v8;
	v13 =	vld [tilespmem:s26+$0x8740]  }
0x501: {  	s31 =	sor.u32 $0x1E07, s25;
	[tilespmem:v30+s18+$0x0] =	vst.idx.msk $0xffff, v34;
	v36 =	vld [tilespmem:s26+$0x87C0]  }
0x502: {  	v37 =	vadd.s32 s31, v0;
	v6 =	vld [tilespmem:s30+$0x8450];
	v9 =	vpack.i.f32.bf16 v31, v9  }
0x503: {  	s31 =	sor.u32 $0x2084, s25;
	v38 =	vld [tilespmem:s30+$0x84D0];
	[tilespmem:v32+s18+$0x0] =	vst.idx.msk $0xffff, v9  }
0x504: {  	v39 =	vadd.s32 s31, v0;
	v9 =	vld [tilespmem:s29+$0x8550];
	v10 =	vpack.i.f32.bf16 v33, v10  }
0x505: {  	s31 =	sor.u32 $0x2085, s25;
	v40 =	vld [tilespmem:s29+$0x85D0];
	[tilespmem:v35+s18+$0x0] =	vst.idx.msk $0xffff, v10  }
0x506: {  	v41 =	vadd.s32 s31, v0;
	v5 =	vpack.i.f32.bf16 v36, v13;
	v10 =	vld [tilespmem:s28+$0x8650]  }
0x507: {  	s31 =	sor.u32 $0x2086, s25;
	[tilespmem:v37+s18+$0x0] =	vst.idx.msk $0xffff, v5;
	v42 =	vld [tilespmem:s28+$0x86D0]  }
0x508: {  	v44 =	vadd.s32 s31, v0;
	v43 =	vpack.i.f32.bf16 v38, v6;
	v11 =	vld [tilespmem:s26+$0x8750]  }
0x509: {  	s31 =	sor.u32 $0x2087, s25;
	[tilespmem:v39+s18+$0x0] =	vst.idx.msk $0xffff, v43;
	v45 =	vld [tilespmem:s26+$0x87D0]  }
0x50a: {  	v46 =	vadd.s32 s31, v0;
	v7 =	vld [tilespmem:s30+$0x8460];
	v9 =	vpack.i.f32.bf16 v40, v9  }
0x50b: {  	s31 =	sor.u32 $0x2304, s25;
	v47 =	vld [tilespmem:s30+$0x84E0];
	[tilespmem:v41+s18+$0x0] =	vst.idx.msk $0xffff, v9  }
0x50c: {  	v48 =	vadd.s32 s31, v0;
	v9 =	vld [tilespmem:s29+$0x8560];
	v10 =	vpack.i.f32.bf16 v42, v10  }
0x50d: {  	s31 =	sor.u32 $0x2305, s25;
	v49 =	vld [tilespmem:s29+$0x85E0];
	[tilespmem:v44+s18+$0x0] =	vst.idx.msk $0xffff, v10  }
0x50e: {  	v50 =	vadd.s32 s31, v0;
	v5 =	vpack.i.f32.bf16 v45, v11;
	v10 =	vld [tilespmem:s28+$0x8660]  }
0x50f: {  	s31 =	sor.u32 $0x2306, s25;
	[tilespmem:v46+s18+$0x0] =	vst.idx.msk $0xffff, v5;
	v51 =	vld [tilespmem:s28+$0x86E0]  }
0x510: {  	v53 =	vadd.s32 s31, v0;
	v52 =	vpack.i.f32.bf16 v47, v7;
	v12 =	vld [tilespmem:s26+$0x8760]  }
0x511: {  	s31 =	sor.u32 $0x2307, s25;
	[tilespmem:v48+s18+$0x0] =	vst.idx.msk $0xffff, v52;
	v54 =	vld [tilespmem:s26+$0x87E0]  }
0x512: {  	v55 =	vadd.s32 s31, v0;
	v8 =	vld [tilespmem:s30+$0x8470];
	v9 =	vpack.i.f32.bf16 v49, v9  }
0x513: {  	s31 =	sor.u32 $0x2584, s25;
	v56 =	vld [tilespmem:s30+$0x84F0];
	[tilespmem:v50+s18+$0x0] =	vst.idx.msk $0xffff, v9  }
0x514: {  	v57 =	vadd.s32 s31, v0;
	v9 =	vld [tilespmem:s29+$0x8570];
	v10 =	vpack.i.f32.bf16 v51, v10  }
0x515: {  	s31 =	sor.u32 $0x2585, s25;
	v58 =	vld [tilespmem:s29+$0x85F0];
	[tilespmem:v53+s18+$0x0] =	vst.idx.msk $0xffff, v10  }
0x516: {  	v59 =	vadd.s32 s31, v0;
	v5 =	vpack.i.f32.bf16 v54, v12;
	v10 =	vld [tilespmem:s28+$0x8670]  }
0x517: {  	s31 =	sor.u32 $0x2586, s25;
	[tilespmem:v55+s18+$0x0] =	vst.idx.msk $0xffff, v5;
	v60 =	vld [tilespmem:s28+$0x86F0]  }
0x518: {  	v62 =	vadd.s32 s31, v0;
	v61 =	vpack.i.f32.bf16 v56, v8;
	v13 =	vld [tilespmem:s26+$0x8770]  }
0x519: {  	s31 =	sor.u32 $0x2587, s25;
	[tilespmem:v57+s18+$0x0] =	vst.idx.msk $0xffff, v61;
	v63 =	vld [tilespmem:s26+$0x87F0]  }
0x51a: {  	v16 =	vadd.s32 s31, v0;
	v6 =	vld [tilespmem:s30+$0x8800];
	v9 =	vpack.i.f32.bf16 v58, v9  }
0x51b: {  	s31 =	sor.u32 $0x2804, s25;
	v17 =	vld [tilespmem:s30+$0x8880];
	[tilespmem:v59+s18+$0x0] =	vst.idx.msk $0xffff, v9  }
0x51c: {  	v18 =	vadd.s32 s31, v0;
	v9 =	vld [tilespmem:s29+$0x8900];
	v10 =	vpack.i.f32.bf16 v60, v10  }
0x51d: {  	s31 =	sor.u32 $0x2805, s25;
	v19 =	vld [tilespmem:s29+$0x8980];
	[tilespmem:v62+s18+$0x0] =	vst.idx.msk $0xffff, v10  }
0x51e: {  	v20 =	vadd.s32 s31, v0;
	v5 =	vpack.i.f32.bf16 v63, v13;
	v10 =	vld [tilespmem:s28+$0x8A00]  }
0x51f: {  	s31 =	sor.u32 $0x2806, s25;
	[tilespmem:v16+s18+$0x0] =	vst.idx.msk $0xffff, v5;
	v21 =	vld [tilespmem:s28+$0x8A80]  }
0x520: {  	v23 =	vadd.s32 s31, v0;
	v22 =	vpack.i.f32.bf16 v17, v6;
	v11 =	vld [tilespmem:s26+$0x8B00]  }
0x521: {  	s31 =	sor.u32 $0x2807, s25;
	[tilespmem:v18+s18+$0x0] =	vst.idx.msk $0xffff, v22;
	v24 =	vld [tilespmem:s26+$0x8B80]  }
0x522: {  	v25 =	vadd.s32 s31, v0;
	v7 =	vld [tilespmem:s30+$0x8810];
	v9 =	vpack.i.f32.bf16 v19, v9  }
0x523: {  	s31 =	sor.u32 $0x2A84, s25;
	v26 =	vld [tilespmem:s30+$0x8890];
	[tilespmem:v20+s18+$0x0] =	vst.idx.msk $0xffff, v9  }
0x524: {  	v27 =	vadd.s32 s31, v0;
	v9 =	vld [tilespmem:s29+$0x8910];
	v10 =	vpack.i.f32.bf16 v21, v10  }
0x525: {  	s31 =	sor.u32 $0x2A85, s25;
	v28 =	vld [tilespmem:s29+$0x8990];
	[tilespmem:v23+s18+$0x0] =	vst.idx.msk $0xffff, v10  }
0x526: {  	v29 =	vadd.s32 s31, v0;
	v5 =	vpack.i.f32.bf16 v24, v11;
	v10 =	vld [tilespmem:s28+$0x8A10]  }
0x527: {  	s31 =	sor.u32 $0x2A86, s25;
	[tilespmem:v25+s18+$0x0] =	vst.idx.msk $0xffff, v5;
	v30 =	vld [tilespmem:s28+$0x8A90]  }
0x528: {  	v32 =	vadd.s32 s31, v0;
	v31 =	vpack.i.f32.bf16 v26, v7;
	v12 =	vld [tilespmem:s26+$0x8B10]  }
0x529: {  	s31 =	sor.u32 $0x2A87, s25;
	[tilespmem:v27+s18+$0x0] =	vst.idx.msk $0xffff, v31;
	v33 =	vld [tilespmem:s26+$0x8B90]  }
0x52a: {  	v34 =	vadd.s32 s31, v0;
	v8 =	vld [tilespmem:s30+$0x8820];
	v9 =	vpack.i.f32.bf16 v28, v9  }
0x52b: {  	s31 =	sor.u32 $0x2D04, s25;
	v35 =	vld [tilespmem:s30+$0x88A0];
	[tilespmem:v29+s18+$0x0] =	vst.idx.msk $0xffff, v9  }
0x52c: {  	v36 =	vadd.s32 s31, v0;
	v9 =	vld [tilespmem:s29+$0x8920];
	v10 =	vpack.i.f32.bf16 v30, v10  }
0x52d: {  	s31 =	sor.u32 $0x2D05, s25;
	v37 =	vld [tilespmem:s29+$0x89A0];
	[tilespmem:v32+s18+$0x0] =	vst.idx.msk $0xffff, v10  }
0x52e: {  	v38 =	vadd.s32 s31, v0;
	v5 =	vpack.i.f32.bf16 v33, v12;
	v10 =	vld [tilespmem:s28+$0x8A20]  }
0x52f: {  	s31 =	sor.u32 $0x2D06, s25;
	[tilespmem:v34+s18+$0x0] =	vst.idx.msk $0xffff, v5;
	v39 =	vld [tilespmem:s28+$0x8AA0]  }
0x530: {  	v41 =	vadd.s32 s31, v0;
	v40 =	vpack.i.f32.bf16 v35, v8;
	v13 =	vld [tilespmem:s26+$0x8B20]  }
0x531: {  	s31 =	sor.u32 $0x2D07, s25;
	[tilespmem:v36+s18+$0x0] =	vst.idx.msk $0xffff, v40;
	v42 =	vld [tilespmem:s26+$0x8BA0]  }
0x532: {  	v43 =	vadd.s32 s31, v0;
	v6 =	vld [tilespmem:s30+$0x8830];
	v9 =	vpack.i.f32.bf16 v37, v9  }
0x533: {  	s31 =	sor.u32 $0x2F84, s25;
	v44 =	vld [tilespmem:s30+$0x88B0];
	[tilespmem:v38+s18+$0x0] =	vst.idx.msk $0xffff, v9  }
0x534: {  	v45 =	vadd.s32 s31, v0;
	v9 =	vld [tilespmem:s29+$0x8930];
	v10 =	vpack.i.f32.bf16 v39, v10  }
0x535: {  	s31 =	sor.u32 $0x2F85, s25;
	v46 =	vld [tilespmem:s29+$0x89B0];
	[tilespmem:v41+s18+$0x0] =	vst.idx.msk $0xffff, v10  }
0x536: {  	v47 =	vadd.s32 s31, v0;
	v5 =	vpack.i.f32.bf16 v42, v13;
	v10 =	vld [tilespmem:s28+$0x8A30]  }
0x537: {  	s31 =	sor.u32 $0x2F86, s25;
	[tilespmem:v43+s18+$0x0] =	vst.idx.msk $0xffff, v5;
	v48 =	vld [tilespmem:s28+$0x8AB0]  }
0x538: {  	v50 =	vadd.s32 s31, v0;
	v49 =	vpack.i.f32.bf16 v44, v6;
	v11 =	vld [tilespmem:s26+$0x8B30]  }
0x539: {  	s31 =	sor.u32 $0x2F87, s25;
	[tilespmem:v45+s18+$0x0] =	vst.idx.msk $0xffff, v49;
	v51 =	vld [tilespmem:s26+$0x8BB0]  }
0x53a: {  	v52 =	vadd.s32 s31, v0;
	v7 =	vld [tilespmem:s30+$0x8840];
	v9 =	vpack.i.f32.bf16 v46, v9  }
0x53b: {  	s31 =	sor.u32 $0x3204, s25;
	v53 =	vld [tilespmem:s30+$0x88C0];
	[tilespmem:v47+s18+$0x0] =	vst.idx.msk $0xffff, v9  }
0x53c: {  	v54 =	vadd.s32 s31, v0;
	v9 =	vld [tilespmem:s29+$0x8940];
	v10 =	vpack.i.f32.bf16 v48, v10  }
0x53d: {  	s31 =	sor.u32 $0x3205, s25;
	v55 =	vld [tilespmem:s29+$0x89C0];
	[tilespmem:v50+s18+$0x0] =	vst.idx.msk $0xffff, v10  }
0x53e: {  	v56 =	vadd.s32 s31, v0;
	v5 =	vpack.i.f32.bf16 v51, v11;
	v10 =	vld [tilespmem:s28+$0x8A40]  }
0x53f: {  	s31 =	sor.u32 $0x3206, s25;
	[tilespmem:v52+s18+$0x0] =	vst.idx.msk $0xffff, v5;
	v57 =	vld [tilespmem:s28+$0x8AC0]  }
0x540: {  	v59 =	vadd.s32 s31, v0;
	v58 =	vpack.i.f32.bf16 v53, v7;
	v12 =	vld [tilespmem:s26+$0x8B40]  }
0x541: {  	s31 =	sor.u32 $0x3207, s25;
	[tilespmem:v54+s18+$0x0] =	vst.idx.msk $0xffff, v58;
	v60 =	vld [tilespmem:s26+$0x8BC0]  }
0x542: {  	v61 =	vadd.s32 s31, v0;
	v8 =	vld [tilespmem:s30+$0x8850];
	v9 =	vpack.i.f32.bf16 v55, v9  }
0x543: {  	s31 =	sor.u32 $0x3484, s25;
	v62 =	vld [tilespmem:s30+$0x88D0];
	[tilespmem:v56+s18+$0x0] =	vst.idx.msk $0xffff, v9  }
0x544: {  	v63 =	vadd.s32 s31, v0;
	v9 =	vld [tilespmem:s29+$0x8950];
	v10 =	vpack.i.f32.bf16 v57, v10  }
0x545: {  	s31 =	sor.u32 $0x3485, s25;
	v16 =	vld [tilespmem:s29+$0x89D0];
	[tilespmem:v59+s18+$0x0] =	vst.idx.msk $0xffff, v10  }
0x546: {  	v17 =	vadd.s32 s31, v0;
	v5 =	vpack.i.f32.bf16 v60, v12;
	v10 =	vld [tilespmem:s28+$0x8A50]  }
0x547: {  	s31 =	sor.u32 $0x3486, s25;
	[tilespmem:v61+s18+$0x0] =	vst.idx.msk $0xffff, v5;
	v18 =	vld [tilespmem:s28+$0x8AD0]  }
0x548: {  	v20 =	vadd.s32 s31, v0;
	v19 =	vpack.i.f32.bf16 v62, v8;
	v13 =	vld [tilespmem:s26+$0x8B50]  }
0x549: {  	s31 =	sor.u32 $0x3487, s25;
	[tilespmem:v63+s18+$0x0] =	vst.idx.msk $0xffff, v19;
	v21 =	vld [tilespmem:s26+$0x8BD0]  }
0x54a: {  	v22 =	vadd.s32 s31, v0;
	v6 =	vld [tilespmem:s30+$0x8860];
	v9 =	vpack.i.f32.bf16 v16, v9  }
0x54b: {  	s31 =	sor.u32 $0x3704, s25;
	v23 =	vld [tilespmem:s30+$0x88E0];
	[tilespmem:v17+s18+$0x0] =	vst.idx.msk $0xffff, v9  }
0x54c: {  	v24 =	vadd.s32 s31, v0;
	v9 =	vld [tilespmem:s29+$0x8960];
	v10 =	vpack.i.f32.bf16 v18, v10  }
0x54d: {  	s31 =	sor.u32 $0x3705, s25;
	v25 =	vld [tilespmem:s29+$0x89E0];
	[tilespmem:v20+s18+$0x0] =	vst.idx.msk $0xffff, v10  }
0x54e: {  	v26 =	vadd.s32 s31, v0;
	v5 =	vpack.i.f32.bf16 v21, v13;
	v10 =	vld [tilespmem:s28+$0x8A60]  }
0x54f: {  	s31 =	sor.u32 $0x3706, s25;
	[tilespmem:v22+s18+$0x0] =	vst.idx.msk $0xffff, v5;
	v27 =	vld [tilespmem:s28+$0x8AE0]  }
0x550: {  	v29 =	vadd.s32 s31, v0;
	v28 =	vpack.i.f32.bf16 v23, v6;
	v11 =	vld [tilespmem:s26+$0x8B60]  }
0x551: {  	s31 =	sor.u32 $0x3707, s25;
	[tilespmem:v24+s18+$0x0] =	vst.idx.msk $0xffff, v28;
	v30 =	vld [tilespmem:s26+$0x8BE0]  }
0x552: {  	v31 =	vadd.s32 s31, v0;
	v7 =	vld [tilespmem:s30+$0x8870];
	v9 =	vpack.i.f32.bf16 v25, v9  }
0x553: {  	s31 =	sor.u32 $0x3984, s25;
	v32 =	vld [tilespmem:s30+$0x88F0];
	[tilespmem:v26+s18+$0x0] =	vst.idx.msk $0xffff, v9  }
0x554: {  	v33 =	vadd.s32 s31, v0;
	v9 =	vld [tilespmem:s29+$0x8970];
	v10 =	vpack.i.f32.bf16 v27, v10  }
0x555: {  	s31 =	sor.u32 $0x3985, s25;
	v34 =	vld [tilespmem:s29+$0x89F0];
	[tilespmem:v29+s18+$0x0] =	vst.idx.msk $0xffff, v10  }
0x556: {  	v35 =	vadd.s32 s31, v0;
	v5 =	vpack.i.f32.bf16 v30, v11;
	v10 =	vld [tilespmem:s28+$0x8A70]  }
0x557: {  	s31 =	sor.u32 $0x3986, s25;
	[tilespmem:v31+s18+$0x0] =	vst.idx.msk $0xffff, v5;
	v36 =	vld [tilespmem:s28+$0x8AF0]  }
0x558: {  	v38 =	vadd.s32 s31, v0;
	v37 =	vpack.i.f32.bf16 v32, v7;
	v12 =	vld [tilespmem:s26+$0x8B70]  }
0x559: {  	s31 =	sor.u32 $0x3987, s25;
	[tilespmem:v33+s18+$0x0] =	vst.idx.msk $0xffff, v37;
	v39 =	vld [tilespmem:s26+$0x8BF0]  }
0x55a: {  	v40 =	vadd.s32 s31, v0;
	v8 =	vld [tilespmem:s30+$0x8C00];
	v9 =	vpack.i.f32.bf16 v34, v9  }
0x55b: {  	s31 =	sor.u32 $0x3C04, s25;
	v41 =	vld [tilespmem:s30+$0x8C80];
	[tilespmem:v35+s18+$0x0] =	vst.idx.msk $0xffff, v9  }
0x55c: {  	v42 =	vadd.s32 s31, v0;
	v9 =	vld [tilespmem:s29+$0x8D00];
	v10 =	vpack.i.f32.bf16 v36, v10  }
0x55d: {  	s31 =	sor.u32 $0x3C05, s25;
	v43 =	vld [tilespmem:s29+$0x8D80];
	[tilespmem:v38+s18+$0x0] =	vst.idx.msk $0xffff, v10  }
0x55e: {  	v44 =	vadd.s32 s31, v0;
	v5 =	vpack.i.f32.bf16 v39, v12;
	v10 =	vld [tilespmem:s28+$0x8E00]  }
0x55f: {  	s31 =	sor.u32 $0x3C06, s25;
	[tilespmem:v40+s18+$0x0] =	vst.idx.msk $0xffff, v5;
	v45 =	vld [tilespmem:s28+$0x8E80]  }
0x560: {  	v47 =	vadd.s32 s31, v0;
	v46 =	vpack.i.f32.bf16 v41, v8;
	v13 =	vld [tilespmem:s26+$0x8F00]  }
0x561: {  	s31 =	sor.u32 $0x3C07, s25;
	[tilespmem:v42+s18+$0x0] =	vst.idx.msk $0xffff, v46;
	v48 =	vld [tilespmem:s26+$0x8F80]  }
0x562: {  	v49 =	vadd.s32 s31, v0;
	v6 =	vld [tilespmem:s30+$0x8C10];
	v9 =	vpack.i.f32.bf16 v43, v9  }
0x563: {  	s31 =	sor.u32 $0x3E84, s25;
	v50 =	vld [tilespmem:s30+$0x8C90];
	[tilespmem:v44+s18+$0x0] =	vst.idx.msk $0xffff, v9  }
0x564: {  	v51 =	vadd.s32 s31, v0;
	v9 =	vld [tilespmem:s29+$0x8D10];
	v10 =	vpack.i.f32.bf16 v45, v10  }
0x565: {  	s31 =	sor.u32 $0x3E85, s25;
	v52 =	vld [tilespmem:s29+$0x8D90];
	[tilespmem:v47+s18+$0x0] =	vst.idx.msk $0xffff, v10  }
0x566: {  	v53 =	vadd.s32 s31, v0;
	v5 =	vpack.i.f32.bf16 v48, v13;
	v10 =	vld [tilespmem:s28+$0x8E10]  }
0x567: {  	s31 =	sor.u32 $0x3E86, s25;
	[tilespmem:v49+s18+$0x0] =	vst.idx.msk $0xffff, v5;
	v54 =	vld [tilespmem:s28+$0x8E90]  }
0x568: {  	v56 =	vadd.s32 s31, v0;
	v55 =	vpack.i.f32.bf16 v50, v6;
	v11 =	vld [tilespmem:s26+$0x8F10]  }
0x569: {  	s31 =	sor.u32 $0x3E87, s25;
	[tilespmem:v51+s18+$0x0] =	vst.idx.msk $0xffff, v55;
	v57 =	vld [tilespmem:s26+$0x8F90]  }
0x56a: {  	v58 =	vadd.s32 s31, v0;
	v7 =	vld [tilespmem:s30+$0x8C20];
	v9 =	vpack.i.f32.bf16 v52, v9  }
0x56b: {  	s31 =	sor.u32 $0x4104, s25;
	v59 =	vld [tilespmem:s30+$0x8CA0];
	[tilespmem:v53+s18+$0x0] =	vst.idx.msk $0xffff, v9  }
0x56c: {  	v60 =	vadd.s32 s31, v0;
	v9 =	vld [tilespmem:s29+$0x8D20];
	v10 =	vpack.i.f32.bf16 v54, v10  }
0x56d: {  	s31 =	sor.u32 $0x4105, s25;
	v61 =	vld [tilespmem:s29+$0x8DA0];
	[tilespmem:v56+s18+$0x0] =	vst.idx.msk $0xffff, v10  }
0x56e: {  	v62 =	vadd.s32 s31, v0;
	v5 =	vpack.i.f32.bf16 v57, v11;
	v10 =	vld [tilespmem:s28+$0x8E20]  }
0x56f: {  	s31 =	sor.u32 $0x4106, s25;
	[tilespmem:v58+s18+$0x0] =	vst.idx.msk $0xffff, v5;
	v63 =	vld [tilespmem:s28+$0x8EA0]  }
0x570: {  	v17 =	vadd.s32 s31, v0;
	v16 =	vpack.i.f32.bf16 v59, v7;
	v12 =	vld [tilespmem:s26+$0x8F20]  }
0x571: {  	s31 =	sor.u32 $0x4107, s25;
	[tilespmem:v60+s18+$0x0] =	vst.idx.msk $0xffff, v16;
	v18 =	vld [tilespmem:s26+$0x8FA0]  }
0x572: {  	v19 =	vadd.s32 s31, v0;
	v8 =	vld [tilespmem:s30+$0x8C30];
	v9 =	vpack.i.f32.bf16 v61, v9  }
0x573: {  	s31 =	sor.u32 $0x4384, s25;
	v20 =	vld [tilespmem:s30+$0x8CB0];
	[tilespmem:v62+s18+$0x0] =	vst.idx.msk $0xffff, v9  }
0x574: {  	v21 =	vadd.s32 s31, v0;
	v9 =	vld [tilespmem:s29+$0x8D30];
	v10 =	vpack.i.f32.bf16 v63, v10  }
0x575: {  	s31 =	sor.u32 $0x4385, s25;
	v22 =	vld [tilespmem:s29+$0x8DB0];
	[tilespmem:v17+s18+$0x0] =	vst.idx.msk $0xffff, v10  }
0x576: {  	v23 =	vadd.s32 s31, v0;
	v5 =	vpack.i.f32.bf16 v18, v12;
	v10 =	vld [tilespmem:s28+$0x8E30]  }
0x577: {  	s31 =	sor.u32 $0x4386, s25;
	[tilespmem:v19+s18+$0x0] =	vst.idx.msk $0xffff, v5;
	v24 =	vld [tilespmem:s28+$0x8EB0]  }
0x578: {  	v26 =	vadd.s32 s31, v0;
	v25 =	vpack.i.f32.bf16 v20, v8;
	v13 =	vld [tilespmem:s26+$0x8F30]  }
0x579: {  	s31 =	sor.u32 $0x4387, s25;
	[tilespmem:v21+s18+$0x0] =	vst.idx.msk $0xffff, v25;
	v27 =	vld [tilespmem:s26+$0x8FB0]  }
0x57a: {  	v28 =	vadd.s32 s31, v0;
	v6 =	vld [tilespmem:s30+$0x8C40];
	v9 =	vpack.i.f32.bf16 v22, v9  }
0x57b: {  	s31 =	sor.u32 $0x4604, s25;
	v29 =	vld [tilespmem:s30+$0x8CC0];
	[tilespmem:v23+s18+$0x0] =	vst.idx.msk $0xffff, v9  }
0x57c: {  	v30 =	vadd.s32 s31, v0;
	v9 =	vld [tilespmem:s29+$0x8D40];
	v10 =	vpack.i.f32.bf16 v24, v10  }
0x57d: {  	s31 =	sor.u32 $0x4605, s25;
	v31 =	vld [tilespmem:s29+$0x8DC0];
	[tilespmem:v26+s18+$0x0] =	vst.idx.msk $0xffff, v10  }
0x57e: {  	v32 =	vadd.s32 s31, v0;
	v5 =	vpack.i.f32.bf16 v27, v13;
	v10 =	vld [tilespmem:s28+$0x8E40]  }
0x57f: {  	s31 =	sor.u32 $0x4606, s25;
	[tilespmem:v28+s18+$0x0] =	vst.idx.msk $0xffff, v5;
	v33 =	vld [tilespmem:s28+$0x8EC0]  }
0x580: {  	v35 =	vadd.s32 s31, v0;
	v34 =	vpack.i.f32.bf16 v29, v6;
	v11 =	vld [tilespmem:s26+$0x8F40]  }
0x581: {  	s31 =	sor.u32 $0x4607, s25;
	[tilespmem:v30+s18+$0x0] =	vst.idx.msk $0xffff, v34;
	v36 =	vld [tilespmem:s26+$0x8FC0]  }
0x582: {  	v37 =	vadd.s32 s31, v0;
	v7 =	vld [tilespmem:s30+$0x8C50];
	v9 =	vpack.i.f32.bf16 v31, v9  }
0x583: {  	s31 =	sor.u32 $0x4884, s25;
	v38 =	vld [tilespmem:s30+$0x8CD0];
	[tilespmem:v32+s18+$0x0] =	vst.idx.msk $0xffff, v9  }
0x584: {  	v39 =	vadd.s32 s31, v0;
	v9 =	vld [tilespmem:s29+$0x8D50];
	v10 =	vpack.i.f32.bf16 v33, v10  }
0x585: {  	s31 =	sor.u32 $0x4885, s25;
	v40 =	vld [tilespmem:s29+$0x8DD0];
	[tilespmem:v35+s18+$0x0] =	vst.idx.msk $0xffff, v10  }
0x586: {  	v41 =	vadd.s32 s31, v0;
	v5 =	vpack.i.f32.bf16 v36, v11;
	v10 =	vld [tilespmem:s28+$0x8E50]  }
0x587: {  	s31 =	sor.u32 $0x4886, s25;
	[tilespmem:v37+s18+$0x0] =	vst.idx.msk $0xffff, v5;
	v42 =	vld [tilespmem:s28+$0x8ED0]  }
0x588: {  	v44 =	vadd.s32 s31, v0;
	v43 =	vpack.i.f32.bf16 v38, v7;
	v12 =	vld [tilespmem:s26+$0x8F50]  }
0x589: {  	s31 =	sor.u32 $0x4887, s25;
	[tilespmem:v39+s18+$0x0] =	vst.idx.msk $0xffff, v43;
	v45 =	vld [tilespmem:s26+$0x8FD0]  }
0x58a: {  	v46 =	vadd.s32 s31, v0;
	v8 =	vld [tilespmem:s30+$0x8C60];
	v9 =	vpack.i.f32.bf16 v40, v9  }
0x58b: {  	s31 =	sor.u32 $0x4B04, s25;
	v47 =	vld [tilespmem:s30+$0x8CE0];
	[tilespmem:v41+s18+$0x0] =	vst.idx.msk $0xffff, v9  }
0x58c: {  	v48 =	vadd.s32 s31, v0;
	v9 =	vld [tilespmem:s29+$0x8D60];
	v10 =	vpack.i.f32.bf16 v42, v10  }
0x58d: {  	s31 =	sor.u32 $0x4B05, s25;
	v49 =	vld [tilespmem:s29+$0x8DE0];
	[tilespmem:v44+s18+$0x0] =	vst.idx.msk $0xffff, v10  }
0x58e: {  	v50 =	vadd.s32 s31, v0;
	v5 =	vpack.i.f32.bf16 v45, v12;
	v10 =	vld [tilespmem:s28+$0x8E60]  }
0x58f: {  	s31 =	sor.u32 $0x4B06, s25;
	[tilespmem:v46+s18+$0x0] =	vst.idx.msk $0xffff, v5;
	v51 =	vld [tilespmem:s28+$0x8EE0]  }
0x590: {  	v53 =	vadd.s32 s31, v0;
	v52 =	vpack.i.f32.bf16 v47, v8;
	v13 =	vld [tilespmem:s26+$0x8F60]  }
0x591: {  	s31 =	sor.u32 $0x4B07, s25;
	[tilespmem:v48+s18+$0x0] =	vst.idx.msk $0xffff, v52;
	v54 =	vld [tilespmem:s26+$0x8FE0]  }
0x592: {  	v55 =	vadd.s32 s31, v0;
	v56 =	vld [tilespmem:s30+$0x8C70];
	v9 =	vpack.i.f32.bf16 v49, v9  }
0x593: {  	v57 =	vld [tilespmem:s30+$0x8CF0];
	[tilespmem:v50+s18+$0x0] =	vst.idx.msk $0xffff, v9  }
0x594: {  	s31 =	sor.u32 $0x4D82, s25;
	v7 =	vld [tilespmem:s29+$0x8D70];
	v58 =	vpack.i.f32.bf16 v51, v10  }
0x595: {  	v59 =	vadd.s32 s31, v0;
	s30 =	sor.u32 $0x4D83, s25;
	v60 =	vld [tilespmem:s29+$0x8DF0];
	[tilespmem:v53+s18+$0x0] =	vst.idx.msk $0xffff, v58  }
0x596: {  	s31 =	sor.u32 $0x4D84, s25;
	v61 =	vadd.s32 s30, v0;
	v5 =	vpack.i.f32.bf16 v54, v13;
	v9 =	vld [tilespmem:s28+$0x8E70]  }
0x597: {  	v62 =	vadd.s32 s31, v0;
	[tilespmem:v55+s18+$0x0] =	vst.idx.msk $0xffff, v5;
	v15 =	vld [tilespmem:s28+$0x8EF0];
	s28 =	sor.u32 $0x4D85, s25  }
0x598: {  	s29 =	sor.u32 $0x4D86, s25;
	v6 =	vld [tilespmem:s26+$0x8F70];
	v63 =	vadd.s32 s28, v0  }
0x599: {  	v1 =	vpack.i.f32.bf16 v3, v1;
	s30 =	sor.u32 $0x4D87, s25;
	v16 =	vld [tilespmem:s26+$0x8FF0];
	v3 =	vadd.s32 s29, v0  }
0x59a: {  	p1 =	slt.u32 s25, $0x18;
	[tilespmem:v59+s18+$0x0] =	vst.idx.msk $0xffff, v1;
	v1 =	vpack.i.f32.bf16 v4, v2;
	v2 =	vadd.s32 s30, v0  }
.Ltmp7:
0x59b: {  	[tilespmem:v61+s18+$0x0] =	vst.idx.msk $0xffff, v1;
	v1 =	vpack.i.f32.bf16 v57, v56;
	(pc) =	sbr.rel @p1 .LBB2_8-.Ltmp7, $4  }
0x59c: {  	[tilespmem:v62+s18+$0x0] =	vst.idx.msk $0xffff, v1;
	v1 =	vpack.i.f32.bf16 v60, v7  }
0x59d: {  	[tilespmem:v63+s18+$0x0] =	vst.idx.msk $0xffff, v1;
	v1 =	vpack.i.f32.bf16 v15, v9  }
0x59e: {  	s31 =	sadd.s32 $0x8, s25;
	[tilespmem:v3+s18+$0x0] =	vst.idx.msk $0xffff, v1;
	v1 =	vpack.i.f32.bf16 v16, v6  }
0x59f: {  	s25 =	smov.u32 s31;
	[tilespmem:v2+s18+$0x0] =	vst.idx.msk $0xffff, v1  }
0x5a0: {  	s1 =	smul.u32 $0xA00, s24;
	_ =	sdelay $0x1  }
0x5a1: {  	s1 =	sadd.s32 s6, s1  }
0x5a2: {  	[hbm4b:s1+s3] =	stream.linear.scatter [tilespmem:s18], [sflag:$0x4], $0x5000, $0x38;
	[tilespmem:$0x1A000] =	vst v63  }
0x5a3: {  	s1 =	sadd.s32 $0x3, s23  }
0x5a4: {  	p1 =	sge.u32 s1, s8  }
.Ltmp8:
0x5a5: {  	s1 =	sadd.s32 @!p1 s4, s1;
	(pc) =	sbr.rel .LBB2_10-.Ltmp8, $4  }
0x5a6: {  	s1 =	sshll.u32 @!p1 s1, $0x9  }
0x5a7: {  	s23 =	simm.s32 @!p1 $0x1000;
	s1 =	sand.u32 @!p1 $0x1FFFFE00, s1  }
0x5a8: {  	s24 =	simm.s32 @!p1 $0x7A1400;
	s25 =	simm.s32 @!p1 $0x8000;
	s1 =	sadd.s32 @!p1 s2, s1  }
0x5a9: {  	[tilespmem:s25], [sflag:$0x2] =	stream.strided.gather @!p1 [hbm4b:s1+s23], $0x8000, s24, s23, $0x38;
	[tilespmem:$0x1A000] =	vst v63  }
.LBB2_12:
0x5aa: {  	_ =	sfence.sel $0x180000  }
0x5ab: {  	[bflag:$0x0] =	sbarrier.arrive $0xFFFF  }
0x5ac: {  	_ =	strace $0x90000047  }
0x5ad: {  	[bflag:$0x2] =	sbarrier.arrive $0xFFFF  }
0x5ae: {  	p0 =	sne.s32 s0, $0x0;
	s0 =	rddreg [dreg:$0x2]  }
0x5af: {  	s0 =	sadd.s32 @!p0 $0x100000, s0  }
0x5b0: {  	[sflag:s0] =	ssyncadd.tile.s32 @!p0 $0x1;
	_ =	shalt  }
.Lfunc_end2:
_tile_overlayer_lowered:
.L_overlay_start_2:
0x5b1: {  	(tag) =	ssettag $0x2  }
0x5b2: {  	s0 =	rddreg [dreg:$0x0];
	s2 =	stileid.u32  }
0x5b3: {  	s1 =	rddreg [dreg:$0x1];
	p0 =	sne.s32 s2, $0x0  }
0x5b4: {  	s3 =	rddreg [dreg:$0x2];
	[bflag:$0x3] =	sbarrier.arrive $0xFFFF;
	s2 =	simm.s32 @!p0 $0x1C05  }
0x5b5: {  	[timem:s3], [sflag:s2] =	dma.local @!p0 [hbm:s0], s1  }
0x5b6: {  	s0 =	simm.s32 @!p0 $0x5  }
0x5b7: {  	_ =	swait.ge @!p0 [sflag:s0], s1  }
0x5b8: {  	s1 =	ssub.s32 @!p0 $0x0, s1;
	[sflag:s0] =	ssyncset.done @!p0 $0x0  }
0x5b9: {  	[sflag:s0] =	ssyncadd.s32 @!p0 s1  }
0x5ba: {  	[bflag:$0x3] =	sbarrier.arrive $0xFFFF  }
0x5bb: {  	_ =	shalt  }

// kernel: kernel.8.cloned.1.call-start
scs
__scs_entry_jumppad:
0x0: {  	(pc) =	sbr.rel $0x88, $3  }
0x1: {  	(tag) =	ssettag $0x0;
	lr =	simm.s32 $0x1  }
0x2: {  	[smem:$0x3F9A] =	sst lr;
	_ =	strace $0xD0000000  }
0x3: {  	_ = 	snop  }
0x4: {  	_ = 	snop  }
0x5: {  	_ = 	snop  }
0x6: {  	_ = 	snop  }
0x7: {  	_ = 	snop  }
__scs_overlays_trampoline_lowered:
0x8: {  	[smem:$0x3FA9] =	sst s0  }
0x9: {  	[smem:$0x3FAA] =	sst s1  }
0xa: {  	[smem:$0x3FAB] =	sst s2  }
0xb: {  	[smem:$0x3FAC] =	sst s3  }
0xc: {  	[smem:$0x3FAD] =	sst s4  }
0xd: {  	[smem:$0x3FAE] =	sst s5  }
0xe: {  	[smem:$0x3FAF] =	sst s6  }
0xf: {  	[smem:$0x3FB0] =	sst s7  }
0x10: {  	[smem:$0x3FB1] =	sst s8  }
0x11: {  	[smem:$0x3FB2] =	sst s9;
	s0 =	simm.s32 @!p0 $0x0  }
0x12: {  	s1 =	sld [smem:$0x3F98];
	s0 =	simm.s32 @p0 $0x1  }
0x13: {  	[smem:$0x3FB3] =	sst s0;
	s0 =	simm.s32 @!p1 $0x0  }
0x14: {  	s2 =	sld [smem:$0x3F97];
	s0 =	simm.s32 @p1 $0x1  }
0x15: {  	[smem:$0x3FB4] =	sst s0;
	s0 =	simm.s32 @!p2 $0x0  }
0x16: {  	s3 =	sld [smem:$0x3FDB];
	s0 =	simm.s32 @p2 $0x1  }
0x17: {  	s4 =	simm.s32 $0x1BF5;
	[smem:$0x3FB6] =	sst s0  }
0x18: {  	s0 =	sld [smem:$0x3F99];
	_ =	swait.ge [sflag:s4], $0x0  }
0x19: {  	s7 =	sld [smem:$0x3F9A]  }
0x1a: {  	s8 =	sadd.s32 $0xFFFFE003, lr  }
0x1b: {  	s9 =	sadd.s32 $0xFFFFFEF7, lr;
	s5 =	simm.s32 $0xFFFFFFFF;
	p2 =	slt.u32 s8, $0xFFFFF086  }
0x1c: {  	p1 =	slt.u32 s9, $0xF7A;
	s5 =	simm.s32 @!p2 $0x0  }
0x1d: {  	s5 =	simm.s32 @p1 $0x1;
	p0 =	seq.s32 s7, s2  }
0x1e: {  	s7 =	smul.u32 @!p0 $0xF7A, s2;
	p2 =	seq.s32 @!p0 s5, $0x0  }
0x1f: {  	s9 =	smul.u32 $0xF7A, s1;
	s8 =	simm.s32 @!p0 $0x1BF5;
	p2 =	por !p2, p0  }
0x20: {  	[sflag:s8] =	ssyncset.s32 @!p0 $0xFFFFF086;
	s6 =	sadd.s32 @!p0 s3, s7;
	s7 =	simm.s32 @!p0 $0x108  }
0x21: {  	s3 =	sadd.s32 s3, s9;
	s6 =	sadd.s32 @!p0 $0x88, s6;
	s7 =	simm.s32 @p2 $0x1082  }
0x22: {  	[simem:s7], [sflag:s8] =	dma.local @!p0 [hbm:s6], $0xF7A  }
0x23: {  	s9 =	sor.u32 $0xD0000000, s2;
	s6 =	simm.s32 $0x108;
	_ =	swait.ge @!p0 [sflag:s8], $0x0  }
0x24: {  	s3 =	sadd.s32 $0x88, s3;
	s6 =	simm.s32 @!p1 $0x1082;
	[sflag:s4] =	ssyncset.s32 $0xFFFFF086  }
0x25: {  	[simem:s6], [sflag:s4] =	dma.local [hbm:s3], $0xF7A  }
0x26: {  	[smem:$0x3F9A] =	sst s1;
	(tag) =	ssettag s2;
	_ =	strace s9  }
0x27: {  	s1 =	sld [smem:$0x3FAA]  }
0x28: {  	s2 =	sld [smem:$0x3FAB]  }
0x29: {  	s4 =	sld [smem:$0x3FAD]  }
0x2a: {  	p0 =	seq.s32 s5, $0x0;
	s5 =	sld [smem:$0x3FAE]  }
0x2b: {  	s6 =	sld [smem:$0x3FAF]  }
0x2c: {  	s7 =	sld [smem:$0x3FB0]  }
0x2d: {  	s3 =	simm.s32 $0x108;
	s8 =	sld [smem:$0x3FB1]  }
0x2e: {  	s3 =	simm.s32 @!p0 $0x1082;
	s9 =	sld [smem:$0x3FB2]  }
0x2f: {  	lr =	sadd.s32 s0, s3;
	s0 =	sld [smem:$0x3FA9]  }
0x30: {  	s3 =	sld [smem:$0x3FAC]  }
0x31: {  	[smem:$0x3FB5] =	sst s10  }
0x32: {  	s10 =	sld [smem:$0x3FB3];
	_ =	sdelay $0x3  }
0x33: {  	p0 =	seq.s32 s10, $0x1;
	s10 =	sld [smem:$0x3FB5];
	_ =	sdelay $0x3  }
0x34: {  	[smem:$0x3FB5] =	sst s10  }
0x35: {  	s10 =	sld [smem:$0x3FB4];
	_ =	sdelay $0x3  }
0x36: {  	p1 =	seq.s32 s10, $0x1;
	s10 =	sld [smem:$0x3FB5];
	_ =	sdelay $0x3  }
0x37: {  	[smem:$0x3FB5] =	sst s10  }
0x38: {  	s10 =	sld [smem:$0x3FB6]  }
0x39: {  	_ = 	snop;
	(pc) =	sbr.ind lr, $3  }
0x3a: {  	_ = 	snop  }
0x3b: {  	_ = 	snop  }
0x3c: {  	p2 =	seq.s32 s10, $0x1;
	s10 =	sld [smem:$0x3FB5]  }
0x3d: {  	_ =	shalt  }
0x3e: {  	_ =	shalt  }
0x3f: {  	_ =	shalt  }
0x40: {  	_ =	shalt  }
0x41: {  	_ =	shalt  }
0x42: {  	_ =	shalt  }
0x43: {  	_ =	shalt  }
0x44: {  	_ =	shalt  }
0x45: {  	_ =	shalt  }
0x46: {  	_ =	shalt  }
0x47: {  	_ =	shalt  }
0x48: {  	_ =	shalt  }
0x49: {  	_ =	shalt  }
0x4a: {  	_ =	shalt  }
0x4b: {  	_ =	shalt  }
0x4c: {  	_ =	shalt  }
0x4d: {  	_ =	shalt  }
0x4e: {  	_ =	shalt  }
0x4f: {  	_ =	shalt  }
0x50: {  	_ =	shalt  }
0x51: {  	_ =	shalt  }
0x52: {  	_ =	shalt  }
0x53: {  	_ =	shalt  }
0x54: {  	_ =	shalt  }
0x55: {  	_ =	shalt  }
0x56: {  	_ =	shalt  }
0x57: {  	_ =	shalt  }
0x58: {  	_ =	shalt  }
0x59: {  	_ =	shalt  }
0x5a: {  	_ =	shalt  }
0x5b: {  	_ =	shalt  }
0x5c: {  	_ =	shalt  }
0x5d: {  	_ =	shalt  }
0x5e: {  	_ =	shalt  }
0x5f: {  	_ =	shalt  }
0x60: {  	_ =	shalt  }
0x61: {  	_ =	shalt  }
0x62: {  	_ =	shalt  }
0x63: {  	_ =	shalt  }
0x64: {  	_ =	shalt  }
0x65: {  	_ =	shalt  }
0x66: {  	_ =	shalt  }
0x67: {  	_ =	shalt  }
0x68: {  	_ =	shalt  }
0x69: {  	_ =	shalt  }
0x6a: {  	_ =	shalt  }
0x6b: {  	_ =	shalt  }
0x6c: {  	_ =	shalt  }
0x6d: {  	_ =	shalt  }
0x6e: {  	_ =	shalt  }
0x6f: {  	_ =	shalt  }
0x70: {  	_ =	shalt  }
0x71: {  	_ =	shalt  }
0x72: {  	_ =	shalt  }
0x73: {  	_ =	shalt  }
0x74: {  	_ =	shalt  }
0x75: {  	_ =	shalt  }
0x76: {  	_ =	shalt  }
0x77: {  	_ =	shalt  }
0x78: {  	_ =	shalt  }
0x79: {  	_ =	shalt  }
0x7a: {  	_ =	shalt  }
0x7b: {  	_ =	shalt  }
0x7c: {  	_ =	shalt  }
0x7d: {  	_ =	shalt  }
0x7e: {  	_ =	shalt  }
0x7f: {  	_ =	shalt  }
0x80: {  	_ =	shalt  }
0x81: {  	_ =	shalt  }
0x82: {  	_ =	shalt  }
0x83: {  	_ =	shalt  }
0x84: {  	_ =	shalt  }
0x85: {  	_ =	shalt  }
0x86: {  	_ =	shalt  }
0x87: {  	_ =	shalt  }
.Lfunc_end0:
.L_simem_size_0:
called_computation.1_lowered:
.L_overlay_start_0:
0x88: {  	s2 =	sld [smem:$0x3FD9]  }
0x89: {  	s3 =	sld [smem:$0x3FFE];
	_ =	sdelay $0x1  }
0x8a: {  	s1 =	srdreg.scid  }
0x8b: {  	s0 =	sand.u32 $0x1, s1  }
0x8c: {  	s17 =	sshll.u32 s0, $0xA;
	s2 =	sadd.s32 s3, s2  }
0x8d: {  	s2 =	sadd.s32 s2, s17  }
0x8e: {  	[smem:$0x3FC1] =	sst s2  }
0x8f: {  	_ = 	snop  }
0x90: {  	s2 =	sld [smem:$0x3FD0];
	(tm) =	ssettm $0x1  }
0x91: {  	s18 =	sld [smem:$0x3FFB];
	_ =	sdelay $0x3  }
0x92: {  	_ =	strace s18  }
0x93: {  	s3 =	sld [smem:$0x3FFC];
	_ =	sdelay $0x3  }
0x94: {  	_ =	strace s3  }
0x95: {  	s3 =	sld [smem:$0x3FFD];
	_ =	sdelay $0x3  }
0x96: {  	_ =	strace s3  }
0x97: {  	_ =	strace $0x8FFFFFFF  }
0x98: {  	s19 =	sld [smem:$0x3FDB];
	_ =	sdelay $0x1  }
0x99: {  	s4 =	simm.s32 $_scs_section_size  }
0x9a: {  	s5 =	simm.s32 $_size__tile_overlayer_lowered;
	s6 =	simm.s32 $_tile_overlayer_lowered  }
0x9b: {  	s22 =	simm.s32 $0x1BFF;
	s21 =	sshll.u32 s6, $0x1;
	s3 =	sadd.s32 s4, s19  }
0x9c: {  	s7 =	simm.s32 $0x0;
	s20 =	sshll.u32 s5, $0x1;
	s5 =	sadd.s32 s21, s3  }
0x9d: {  	[timem:s7], [sflag:s22] =	dma.local [hbm:s5], s20  }
0x9e: {  	_ =	swait.ge [sflag:s22], s20  }
0x9f: {  	s4 =	ssub.s32 $0x0, s20;
	[sflag:s22] =	ssyncset.done $0x0  }
0xa0: {  	[sflag:s22] =	ssyncadd.s32 s4;
	_ =	sdelay $0x1  }
0xa1: {  	s23 =	simm.s32 $0x1B8B  }
0xa2: {  	_ =	swait.ge [sflag:s23], $0x1  }
0xa3: {  	[sflag:s23] =	ssyncset.done $0x0  }
0xa4: {  	s25 =	simm.s32 $0x1B8E;
	s24 =	sld [smem:$0x3FFE];
	[sflag:s23] =	ssyncadd.s32 $0xFFFFFFFF  }
0xa5: {  	s26 =	simm.s32 $execute0_lowered;
	[smem:$0x3FD2] =	sst s25  }
0xa6: {  	s5 =	sshll.u32 s26, $0x1;
	_ =	strace $0x80000049;
	[dreg:$0x1] =	wrdreg $0xFFFFFFFF  }
0xa7: {  	s28 =	simm.s32 $_size_execute0_lowered;
	s3 =	sadd.s32 s3, s5;
	[dreg:$0x0] =	wrdreg $0x0  }
0xa8: {  	s5 =	sshll.u32 s28, $0x1;
	[dreg:$0x2] =	wrdreg s3  }
0xa9: {  	[dreg:$0x3] =	wrdreg s5  }
0xaa: {  	[dreg:$0x4] =	wrdreg $0xC0  }
0xab: {  	_ =	task [dreg:s7], $0x5FFFF  }
0xac: {  	[dreg:$0x1] =	wrdreg $0xFFFFFFFF  }
0xad: {  	[dreg:$0x0] =	wrdreg $0x60  }
0xae: {  	[dreg:$0x2] =	wrdreg s2  }
0xaf: {  	[dreg:$0x3] =	wrdreg s24  }
0xb0: {  	[dreg:$0x4] =	wrdreg $0x9  }
0xb1: {  	_ =	task.clear_ibuf [dreg:s7], $0x5FFFF;
	_ =	strace $0x90000049  }
0xb2: {  	s29 =	simm.s32 $0x9;
	_ =	strace $0x8000004B  }
0xb3: {  	_ =	swait.ge [sflag:s29], $0x1  }
0xb4: {  	[sflag:s29] =	ssyncadd.s32 $0xFFFFFFFF  }
0xb5: {  	_ =	strace $0x9000004B  }
0xb6: {  	_ =	sfence  }
0xb7: {  	s30 =	sld [smem:$0x0];
	_ =	sdelay $0x2  }
0xb8: {  	s31 =	sshll.u32 s1, $0xD;
	s1 =	sshrl.u32 s1, $0x2  }
0xb9: {  	s3 =	sand.u32 $0x4000, s31;
	s1 =	sadd.s32 s1, s30  }
0xba: {  	s0 =	sor.u32 s3, s0;
	s1 =	sshll.u32 s1, $0x11  }
0xbb: {  	s0 =	sor.u32 s1, s0  }
0xbc: {  	s0 =	sadd.s32 $0x8F2B, s0  }
0xbd: {  	[sflag:s0] =	ssyncadd.remote.s32 $0x1  }
0xbe: {  	_ =	sfence.sel $0xFFFF  }
0xbf: {  	[dreg:$0x0] =	wrdreg $0xFFFFFFFF;
	(pc) =	sbr.abs _section_cstart, $3  }
0xc0: {  	[dreg:$0x1] =	wrdreg $0xFFFFFFFF  }
0xc1: {  	_ =	task.clear_ibuf [dreg:s7], $0x2FFFF;
	_ =	strace $0x9FFFFFFF  }
0xc2: {  	(tm) =	ssettm $0x7FFFFFFF  }
0xc3: {  	_ =	shalt  }
tec
execute0_lowered:
.L_overlay_start_1:
0x0: {  	(tag) =	ssettag $0x1  }
0x1: {  	s0 =	rddreg [dreg:$0x0]  }
0x2: {  	s1 =	rddreg [dreg:$0x1]  }
0x3: {  	s2 =	srdreg.scid;
	s4 =	stileid.u32;
	s9 =	simm.s32 $0x6400  }
0x4: {  	s10 =	simm.s32 $0x80;
	s12 =	simm.s32 $0x48;
	s17 =	simm.s32 $0x97C0  }
0x5: {  	s18 =	simm.s32 $0x190;
	s19 =	simm.s32 $0xA300;
	s20 =	simm.s32 $0x210  }
0x6: {  	s21 =	simm.s32 $0xB700;
	s22 =	simm.s32 $0x258;
	s23 =	simm.s32 $0xC240  }
0x7: {  	s24 =	simm.s32 $0x2D8;
	s25 =	simm.s32 $0xD640;
	s26 =	simm.s32 $0x1  }
0x8: {  	s28 =	simm.s32 $0xE180;
	s29 =	simm.s32 $0x2;
	s30 =	simm.s32 $0x3  }
0x9: {  	s31 =	simm.s32 $0x4;
	s3 =	sand.u32 $0x1, s2;
	s2 =	simm.s32 $0x0  }
0xa: {  	s4 =	sshll.u32 s4, $0x8;
	s5 =	sshll.u32 s3, $0x7;
	[smem:$0x7FF] =	sst s2  }
0xb: {  	s6 =	ssub.s32 $0x2, s3;
	s3 =	sadd.s32 $0x1200, s1;
	s4 =	sor.u32 s5, s4  }
.Ltmp0:
0xc: {  	_ =	strace $0x8000004A;
	s8 =	sshrl.u32 s6, $0x1;
	(pc) =	sbr.rel .LBB2_1-.Ltmp0, $4  }
0xd: {  	v0 =	vlaneseq.u32;
	s5 =	sshrl.u32 s4, $0x3;
	s7 =	smul.u32 $0x19, s4;
	s4 =	sshll.u32 s4, $0x3  }
0xe: {  	v0 =	vmul.u32 $0x2, v0;
	s8 =	ssub.s32 s6, s8;
	s5 =	sadd.s32 s5, s1;
	s1 =	sadd.s32 s4, s1  }
0xf: {  	s4 =	sadd.s32 s0, s7;
	s5 =	sadd.s32 $0x4C5E00, s5;
	s6 =	sadd.s32 $0x4C6000, s1  }
0x10: {  	v1 =	vor.u32 $0x1, v0;
	v2 =	vor.u32 $0x20, v0;
	v3 =	vor.u32 $0x21, v0;
	s7 =	smax.u32 s8, $0x1;
	s8 =	simm.s32 $0x5;
	s0 =	simm.s32 $0x0  }
.LBB2_12:
0x11: {  	s0 =	sadd.s32 $0x1, s0  }
0x12: {  	p0 =	sne.s32 s0, s7  }
.Ltmp1:
0x13: {  	_ = 	snop;
	(pc) =	sbr.rel @!p0 .LBB2_13-.Ltmp1, $4  }
0x14: {  	[hbm4b:s6+s2] =	stream.linear.scatter [tilespmem:s28], [sflag:$0x5], $0x2000, $0x38;
	[tilespmem:$0x10180] =	vst v63  }
0x15: {  	_ =	swait.ge [sflag:s8], $0x2000  }
0x16: {  	[sflag:s8] =	ssyncset.done $0x0  }
0x17: {  	[sflag:s8] =	ssyncadd.s32 $0xFFFFE000  }
.LBB2_1:
0x18: {  	[tilespmem:s2], [sflag:$0x5] =	stream.linear.gather [hbm4b:s4+s2], $0x6400, $0x38;
	[tilespmem:$0x10180] =	vst v63  }
0x19: {  	_ =	swait.ge [sflag:s8], $0x6400  }
0x1a: {  	[sflag:s8] =	ssyncset.done $0x0  }
0x1b: {  	[sflag:s8] =	ssyncadd.s32 $0xFFFF9C00  }
0x1c: {  	[tilespmem:s9], [sflag:$0x5] =	stream.linear.gather [hbm4b:s5+s2], $0x80, $0x38;
	[tilespmem:$0x10180] =	vst v63  }
0x1d: {  	_ =	swait.ge [sflag:s8], $0x80  }
0x1e: {  	[sflag:s8] =	ssyncset.done $0x0  }
0x1f: {  	s1 =	simm.s32 $0x6480;
	[sflag:s8] =	ssyncadd.s32 $0xFFFFFF80  }
0x20: {  	[tilespmem:s1], [sflag:$0x1] =	stream.indirect.gather [hbm4b:s3+s10], $0x28, s2, s10, $0xb8;
	[tilespmem:$0x10180] =	vst v63  }
0x21: {  	s14 =	simm.s32 $0x7880  }
0x22: {  	[tilespmem:s14], [sflag:$0x1] =	stream.indirect.gather [hbm4b:s3+s12], $0x28, s10, s12, $0xb8;
	[tilespmem:$0x10180] =	vst v63  }
0x23: {  	s15 =	simm.s32 $0xC8;
	s11 =	simm.s32 $0x83C0  }
0x24: {  	[tilespmem:s11], [sflag:$0x2] =	stream.indirect.gather [hbm4b:s3+s10], $0x28, s15, s10, $0xb8;
	[tilespmem:$0x10180] =	vst v63  }
0x25: {  	s16 =	simm.s32 $0x148  }
0x26: {  	[tilespmem:s17], [sflag:$0x2] =	stream.indirect.gather [hbm4b:s3+s12], $0x28, s16, s12, $0xb8;
	[tilespmem:$0x10180] =	vst v63  }
0x27: {  	_ = 	snop  }
0x28: {  	[tilespmem:s19], [sflag:$0x3] =	stream.indirect.gather [hbm4b:s3+s10], $0x28, s18, s10, $0xb8;
	[tilespmem:$0x10180] =	vst v63  }
0x29: {  	_ = 	snop  }
0x2a: {  	[tilespmem:s21], [sflag:$0x3] =	stream.indirect.gather [hbm4b:s3+s12], $0x28, s20, s12, $0xb8;
	[tilespmem:$0x10180] =	vst v63  }
0x2b: {  	_ = 	snop  }
0x2c: {  	[tilespmem:s23], [sflag:$0x4] =	stream.indirect.gather [hbm4b:s3+s10], $0x28, s22, s10, $0xb8;
	[tilespmem:$0x10180] =	vst v63  }
0x2d: {  	s1 =	simm.s32 $0x0  }
0x2e: {  	[tilespmem:s25], [sflag:$0x4] =	stream.indirect.gather [hbm4b:s3+s12], $0x28, s24, s12, $0xb8;
	[tilespmem:$0x10180] =	vst v63  }
.LBB2_2:
0x2f: {  	_ =	swait.ge [sflag:s26], $0x1400  }
0x30: {  	[sflag:s26] =	ssyncset.done $0x0  }
0x31: {  	[sflag:s26] =	ssyncadd.s32 $0xFFFFEC00  }
0x32: {  	_ =	swait.ge [sflag:s26], $0xB40  }
0x33: {  	[sflag:s26] =	ssyncset.done $0x0  }
0x34: {  	s13 =	simm.s32 $0x6520;
	[sflag:s26] =	ssyncadd.s32 $0xFFFFF4C0  }
0x35: {  	v5 =	vld [tilespmem:s13+$0x78]  }
0x36: {  	v7 =	vld [tilespmem:s13+$0x50]  }
0x37: {  	v9 =	vld [tilespmem:s13+$0x28]  }
0x38: {  	v11 =	vld [tilespmem:s13+$0x0]  }
0x39: {  	v12 =	vld [tilespmem:s13+$0xFFFFFFD8]  }
0x3a: {  	v13 =	vld [tilespmem:s13+$0xFFFFFFB0]  }
0x3b: {  	v14 =	vld [tilespmem:s13+$0xFFFFFF88]  }
0x3c: {  	v15 =	vld [tilespmem:s13+$0xFFFFFF60]  }
0x3d: {  	v16 =	vimm.f32 $0.0e+00;
	v17 =	vld [tilespmem:s13+$0xFFFFFF70];
	v4 =	vunpack.i.u.bf16.f32 v5;
	v5 =	vunpack.i.l.bf16.f32 v5  }
0x3e: {  	v8 =	vunpack.i.u.bf16.f32 v9;
	v6 =	vunpack.i.u.bf16.f32 v7;
	v7 =	vunpack.i.l.bf16.f32 v7  }
0x3f: {  	v18 =	vld [tilespmem:s13+$0xFFFFFF98];
	v10 =	vunpack.i.u.bf16.f32 v11;
	v11 =	vunpack.i.l.bf16.f32 v11;
	v9 =	vunpack.i.l.bf16.f32 v9  }
0x40: {  	v19 =	vunpack.i.u.bf16.f32 v13;
	v20 =	vunpack.i.u.bf16.f32 v12;
	v12 =	vunpack.i.l.bf16.f32 v12  }
0x41: {  	v22 =	vld [tilespmem:s13+$0xFFFFFFC0];
	v21 =	vunpack.i.u.bf16.f32 v14;
	v23 =	vunpack.i.u.bf16.f32 v15;
	v15 =	vunpack.i.l.bf16.f32 v15  }
0x42: {  	v24 =	vunpack.i.u.bf16.f32 v17;
	v17 =	vunpack.i.l.bf16.f32 v17;
	v15 =	vadd.f32 v15, v16  }
0x43: {  	v25 =	vld [tilespmem:s13+$0xFFFFFFE8];
	v14 =	vunpack.i.l.bf16.f32 v14;
	v23 =	vadd.f32 v23, v16;
	v17 =	vadd.f32 v17, v16  }
0x44: {  	v16 =	vadd.f32 v24, v16;
	v15 =	vadd.f32 v14, v15;
	v14 =	vunpack.i.l.bf16.f32 v18  }
0x45: {  	v63 =	vunpack.i.u.bf16.f32 v18;
	v21 =	vadd.f32 v21, v23;
	v17 =	vadd.f32 v14, v17;
	v14 =	vld [tilespmem:s13+$0x10]  }
0x46: {  	v13 =	vunpack.i.l.bf16.f32 v13;
	v16 =	vadd.f32 v63, v16;
	v18 =	vunpack.i.u.bf16.f32 v22  }
0x47: {  	v23 =	vadd.f32 v13, v15;
	v21 =	vadd.f32 v19, v21;
	v15 =	vunpack.i.l.bf16.f32 v22;
	v13 =	vld [tilespmem:s13+$0x38]  }
0x48: {  	v17 =	vadd.f32 v15, v17;
	v15 =	vadd.f32 v18, v16;
	v18 =	vunpack.i.u.bf16.f32 v25  }
0x49: {  	s11 =	simm.s32 $0x0;
	s14 =	simm.s32 $0x6660;
	v19 =	vadd.f32 v12, v23;
	v16 =	vadd.f32 v20, v21;
	v20 =	vunpack.i.l.bf16.f32 v25;
	v12 =	vld [tilespmem:s13+$0x60]  }
.LBB2_3:
0x4a: {  	v21 =	vld [tilespmem:s14+$0x78];
	v17 =	vadd.f32 v20, v17;
	v15 =	vadd.f32 v18, v15;
	v18 =	vunpack.i.u.bf16.f32 v14  }
0x4b: {  	v14 =	vunpack.i.l.bf16.f32 v14;
	v11 =	vadd.f32 v11, v19;
	v10 =	vadd.f32 v10, v16;
	v16 =	vld [tilespmem:s13+$0x88];
	s13 =	smov.u32 s14  }
0x4c: {  	v19 =	vld [tilespmem:s14+$0x50];
	v14 =	vadd.f32 v14, v17;
	v15 =	vadd.f32 v18, v15;
	v17 =	vunpack.i.u.bf16.f32 v13  }
0x4d: {  	v18 =	vld [tilespmem:s14+$0x28];
	v9 =	vadd.f32 v9, v11;
	v8 =	vadd.f32 v8, v10;
	v10 =	vunpack.i.l.bf16.f32 v13  }
0x4e: {  	v11 =	vld [tilespmem:s14+$0x0];
	v10 =	vadd.f32 v10, v14;
	v13 =	vadd.f32 v17, v15;
	v14 =	vunpack.i.u.bf16.f32 v12  }
0x4f: {  	v15 =	vld [tilespmem:s14+$0xFFFFFFD8];
	v7 =	vadd.f32 v7, v9;
	v6 =	vadd.f32 v6, v8;
	v8 =	vunpack.i.l.bf16.f32 v12  }
0x50: {  	v12 =	vld [tilespmem:s14+$0xFFFFFFB0];
	v8 =	vadd.f32 v8, v10;
	v9 =	vadd.f32 v14, v13;
	v10 =	vunpack.i.u.bf16.f32 v16  }
0x51: {  	v13 =	vld [tilespmem:s14+$0xFFFFFF88];
	v14 =	vadd.f32 v5, v7;
	v17 =	vadd.f32 v4, v6;
	v4 =	vunpack.i.l.bf16.f32 v16  }
0x52: {  	v16 =	vld [tilespmem:s14+$0xFFFFFF60];
	v20 =	vadd.f32 v4, v8;
	v22 =	vadd.f32 v10, v9  }
0x53: {  	v5 =	vunpack.i.l.bf16.f32 v21;
	v4 =	vunpack.i.u.bf16.f32 v21;
	v23 =	vld [tilespmem:s14+$0xFFFFFF70]  }
0x54: {  	s11 =	sadd.s32 $0x8, s11;
	v6 =	vunpack.i.u.bf16.f32 v19;
	v7 =	vunpack.i.l.bf16.f32 v19;
	v8 =	vunpack.i.u.bf16.f32 v18  }
0x55: {  	p0 =	slt.u32 s11, $0xC0;
	v9 =	vunpack.i.l.bf16.f32 v18;
	v10 =	vunpack.i.u.bf16.f32 v11;
	v11 =	vunpack.i.l.bf16.f32 v11;
	v19 =	vld [tilespmem:s14+$0xFFFFFF98]  }
0x56: {  	v21 =	vunpack.i.u.bf16.f32 v15;
	v24 =	vunpack.i.l.bf16.f32 v15;
	v18 =	vunpack.i.u.bf16.f32 v12  }
0x57: {  	v12 =	vunpack.i.l.bf16.f32 v12;
	v15 =	vunpack.i.u.bf16.f32 v13;
	v13 =	vunpack.i.l.bf16.f32 v13;
	v25 =	vld [tilespmem:s14+$0xFFFFFFC0]  }
0x58: {  	v26 =	vunpack.i.u.bf16.f32 v16;
	v16 =	vunpack.i.l.bf16.f32 v16;
	v27 =	vunpack.i.u.bf16.f32 v23  }
0x59: {  	v14 =	vadd.f32 v16, v14;
	v16 =	vadd.f32 v26, v17;
	v17 =	vunpack.i.l.bf16.f32 v23;
	v23 =	vld [tilespmem:s14+$0xFFFFFFE8]  }
0x5a: {  	v17 =	vadd.f32 v17, v20;
	v20 =	vadd.f32 v27, v22;
	v22 =	vunpack.i.u.bf16.f32 v19  }
.Ltmp2:
0x5b: {  	v13 =	vadd.f32 v13, v14;
	v15 =	vadd.f32 v15, v16;
	v16 =	vunpack.i.l.bf16.f32 v19;
	v14 =	vld [tilespmem:s14+$0x10];
	(pc) =	sbr.rel @p0 .LBB2_3-.Ltmp2, $4  }
0x5c: {  	v16 =	vadd.f32 v16, v17;
	v19 =	vadd.f32 v22, v20;
	v20 =	vunpack.i.u.bf16.f32 v25  }
0x5d: {  	v12 =	vadd.f32 v12, v13;
	v22 =	vadd.f32 v18, v15;
	v15 =	vunpack.i.l.bf16.f32 v25;
	v13 =	vld [tilespmem:s14+$0x38]  }
0x5e: {  	v17 =	vadd.f32 v15, v16;
	v15 =	vadd.f32 v20, v19;
	v18 =	vunpack.i.u.bf16.f32 v23  }
0x5f: {  	s14 =	sadd.s32 $0x140, s14;
	v19 =	vadd.f32 v24, v12;
	v16 =	vadd.f32 v21, v22;
	v20 =	vunpack.i.l.bf16.f32 v23;
	v12 =	vld [tilespmem:s13+$0x60]  }
0x60: {  	s11 =	sshll.u32 s1, $0x2  }
0x61: {  	v17 =	vadd.f32 v20, v17;
	v20 =	vmov s11  }
0x62: {  	v15 =	vadd.f32 v18, v15;
	v18 =	vunpack.i.l.bf16.f32 v14;
	v11 =	vadd.f32 v11, v19  }
0x63: {  	v14 =	vunpack.i.u.bf16.f32 v14;
	v10 =	vadd.f32 v10, v16;
	v16 =	vadd.f32 v18, v17  }
0x64: {  	v14 =	vadd.f32 v14, v15;
	v9 =	vadd.f32 v9, v11;
	v11 =	vunpack.i.l.bf16.f32 v13  }
0x65: {  	v17 =	vld [tilespmem:s13+$0x88];
	v13 =	vunpack.i.u.bf16.f32 v13;
	v8 =	vadd.f32 v8, v10;
	v10 =	vadd.f32 v11, v16  }
0x66: {  	v11 =	vadd.f32 v13, v14;
	v13 =	vunpack.i.u.bf16.f32 v12;
	v7 =	vadd.f32 v7, v9;
	v9 =	vld.idx.msk [tilespmem:v20+s9+$0x0], $0xffff  }
0x67: {  	v6 =	vadd.f32 v6, v8;
	v8 =	vunpack.i.l.bf16.f32 v12;
	v12 =	vshll.u32 v20, $0x6  }
0x68: {  	v8 =	vadd.f32 v8, v10;
	v10 =	vadd.f32 v13, v11;
	v11 =	vor.u32 v0, v12  }
0x69: {  	v14 =	vor.u32 v2, v12;
	v5 =	vadd.f32 v5, v7;
	v7 =	vor.u32 v1, v12  }
0x6a: {  	v13 =	vunpack.i.u.bf16.f32 v17;
	v4 =	vadd.f32 v4, v6;
	v6 =	vunpack.i.l.bf16.f32 v17  }
0x6b: {  	v6 =	vadd.f32 v6, v8;
	v8 =	vor.u32 v3, v12;
	v5 =	vmul.f32 v9, v5  }
0x6c: {  	p0 =	seq.s32 s1, $0x1F;
	v10 =	vadd.f32 v13, v10;
	v4 =	vmul.f32 v9, v4  }
0x6d: {  	s13 =	smul.u32 @!p0 $0xC80, s1;
	[tilespmem:v11+s28+$0x0] =	vst.idx.msk $0xffff, v5;
	v5 =	vmul.f32 v9, v6  }
0x6e: {  	[tilespmem:v7+s28+$0x0] =	vst.idx.msk $0xffff, v4;
	v4 =	vmul.f32 v9, v10  }
0x6f: {  	s13 =	sshra.s32 @!p0 s13, $0x2;
	[tilespmem:v14+s28+$0x0] =	vst.idx.msk $0xffff, v5  }
0x70: {  	s15 =	simm.s32 @!p0 $0x80;
	s16 =	simm.s32 @!p0 $0x6480;
	s14 =	sadd.s32 @!p0 $0x320, s13;
	[tilespmem:v8+s28+$0x0] =	vst.idx.msk $0xffff, v4  }
0x71: {  	[tilespmem:s16], [sflag:$0x1] =	stream.indirect.gather @!p0 [hbm4b:s3+s15], $0x28, s14, s15, $0xb8;
	[tilespmem:$0x10180] =	vst v63  }
0x72: {  	s14 =	sadd.s32 @!p0 $0x3A0, s13;
	s15 =	simm.s32 @!p0 $0x48;
	s16 =	simm.s32 @!p0 $0x7880  }
0x73: {  	[tilespmem:s16], [sflag:$0x1] =	stream.indirect.gather @!p0 [hbm4b:s3+s15], $0x28, s14, s15, $0xb8;
	[tilespmem:$0x10180] =	vst v63  }
0x74: {  	_ =	swait.ge [sflag:s29], $0x1400  }
0x75: {  	[sflag:s29] =	ssyncset.done $0x0  }
0x76: {  	[sflag:s29] =	ssyncadd.s32 $0xFFFFEC00  }
0x77: {  	_ =	swait.ge [sflag:s29], $0xB40  }
0x78: {  	[sflag:s29] =	ssyncset.done $0x0  }
0x79: {  	s14 =	simm.s32 $0x8460;
	[sflag:s29] =	ssyncadd.s32 $0xFFFFF4C0  }
0x7a: {  	v5 =	vld [tilespmem:s14+$0x78]  }
0x7b: {  	v7 =	vld [tilespmem:s14+$0x50]  }
0x7c: {  	v9 =	vld [tilespmem:s14+$0x28]  }
0x7d: {  	v11 =	vld [tilespmem:s14+$0x0]  }
0x7e: {  	v12 =	vld [tilespmem:s14+$0xFFFFFFD8]  }
0x7f: {  	v13 =	vld [tilespmem:s14+$0xFFFFFFB0]  }
0x80: {  	v14 =	vld [tilespmem:s14+$0xFFFFFF88]  }
0x81: {  	v15 =	vld [tilespmem:s14+$0xFFFFFF60]  }
0x82: {  	v16 =	vimm.f32 $0.0e+00;
	v17 =	vld [tilespmem:s14+$0xFFFFFF70];
	v4 =	vunpack.i.u.bf16.f32 v5;
	v5 =	vunpack.i.l.bf16.f32 v5  }
0x83: {  	v8 =	vunpack.i.u.bf16.f32 v9;
	v6 =	vunpack.i.u.bf16.f32 v7;
	v7 =	vunpack.i.l.bf16.f32 v7  }
0x84: {  	v18 =	vld [tilespmem:s14+$0xFFFFFF98];
	v10 =	vunpack.i.u.bf16.f32 v11;
	v11 =	vunpack.i.l.bf16.f32 v11;
	v9 =	vunpack.i.l.bf16.f32 v9  }
0x85: {  	v19 =	vunpack.i.u.bf16.f32 v13;
	v20 =	vunpack.i.u.bf16.f32 v12;
	v12 =	vunpack.i.l.bf16.f32 v12  }
0x86: {  	v22 =	vld [tilespmem:s14+$0xFFFFFFC0];
	v21 =	vunpack.i.u.bf16.f32 v14;
	v23 =	vunpack.i.u.bf16.f32 v15;
	v15 =	vunpack.i.l.bf16.f32 v15  }
0x87: {  	v24 =	vunpack.i.u.bf16.f32 v17;
	v17 =	vunpack.i.l.bf16.f32 v17;
	v15 =	vadd.f32 v15, v16  }
0x88: {  	v25 =	vld [tilespmem:s14+$0xFFFFFFE8];
	v14 =	vunpack.i.l.bf16.f32 v14;
	v23 =	vadd.f32 v23, v16;
	v17 =	vadd.f32 v17, v16  }
0x89: {  	v16 =	vadd.f32 v24, v16;
	v15 =	vadd.f32 v14, v15;
	v14 =	vunpack.i.l.bf16.f32 v18  }
0x8a: {  	v63 =	vunpack.i.u.bf16.f32 v18;
	v21 =	vadd.f32 v21, v23;
	v17 =	vadd.f32 v14, v17;
	v14 =	vld [tilespmem:s14+$0x10]  }
0x8b: {  	v13 =	vunpack.i.l.bf16.f32 v13;
	v16 =	vadd.f32 v63, v16;
	v18 =	vunpack.i.u.bf16.f32 v22  }
0x8c: {  	v23 =	vadd.f32 v13, v15;
	v21 =	vadd.f32 v19, v21;
	v15 =	vunpack.i.l.bf16.f32 v22;
	v13 =	vld [tilespmem:s14+$0x38]  }
0x8d: {  	v17 =	vadd.f32 v15, v17;
	v15 =	vadd.f32 v18, v16;
	v18 =	vunpack.i.u.bf16.f32 v25  }
0x8e: {  	s15 =	simm.s32 $0x0;
	s16 =	simm.s32 $0x85A0;
	v19 =	vadd.f32 v12, v23;
	v16 =	vadd.f32 v20, v21;
	v20 =	vunpack.i.l.bf16.f32 v25;
	v12 =	vld [tilespmem:s14+$0x60]  }
.LBB2_5:
0x8f: {  	v21 =	vld [tilespmem:s16+$0x78];
	v17 =	vadd.f32 v20, v17;
	v15 =	vadd.f32 v18, v15;
	v18 =	vunpack.i.u.bf16.f32 v14  }
0x90: {  	v14 =	vunpack.i.l.bf16.f32 v14;
	v11 =	vadd.f32 v11, v19;
	v10 =	vadd.f32 v10, v16;
	v16 =	vld [tilespmem:s14+$0x88];
	s14 =	smov.u32 s16  }
0x91: {  	v19 =	vld [tilespmem:s16+$0x50];
	v14 =	vadd.f32 v14, v17;
	v15 =	vadd.f32 v18, v15;
	v17 =	vunpack.i.u.bf16.f32 v13  }
0x92: {  	v18 =	vld [tilespmem:s16+$0x28];
	v9 =	vadd.f32 v9, v11;
	v8 =	vadd.f32 v8, v10;
	v10 =	vunpack.i.l.bf16.f32 v13  }
0x93: {  	v11 =	vld [tilespmem:s16+$0x0];
	v10 =	vadd.f32 v10, v14;
	v13 =	vadd.f32 v17, v15;
	v14 =	vunpack.i.u.bf16.f32 v12  }
0x94: {  	v15 =	vld [tilespmem:s16+$0xFFFFFFD8];
	v7 =	vadd.f32 v7, v9;
	v6 =	vadd.f32 v6, v8;
	v8 =	vunpack.i.l.bf16.f32 v12  }
0x95: {  	v12 =	vld [tilespmem:s16+$0xFFFFFFB0];
	v8 =	vadd.f32 v8, v10;
	v9 =	vadd.f32 v14, v13;
	v10 =	vunpack.i.u.bf16.f32 v16  }
0x96: {  	v13 =	vld [tilespmem:s16+$0xFFFFFF88];
	v14 =	vadd.f32 v5, v7;
	v17 =	vadd.f32 v4, v6;
	v4 =	vunpack.i.l.bf16.f32 v16  }
0x97: {  	v16 =	vld [tilespmem:s16+$0xFFFFFF60];
	v20 =	vadd.f32 v4, v8;
	v22 =	vadd.f32 v10, v9  }
0x98: {  	v5 =	vunpack.i.l.bf16.f32 v21;
	v4 =	vunpack.i.u.bf16.f32 v21;
	v23 =	vld [tilespmem:s16+$0xFFFFFF70]  }
0x99: {  	s15 =	sadd.s32 $0x8, s15;
	v6 =	vunpack.i.u.bf16.f32 v19;
	v7 =	vunpack.i.l.bf16.f32 v19;
	v8 =	vunpack.i.u.bf16.f32 v18  }
0x9a: {  	p1 =	slt.u32 s15, $0xC0;
	v9 =	vunpack.i.l.bf16.f32 v18;
	v10 =	vunpack.i.u.bf16.f32 v11;
	v11 =	vunpack.i.l.bf16.f32 v11;
	v19 =	vld [tilespmem:s16+$0xFFFFFF98]  }
0x9b: {  	v21 =	vunpack.i.u.bf16.f32 v15;
	v24 =	vunpack.i.l.bf16.f32 v15;
	v18 =	vunpack.i.u.bf16.f32 v12  }
0x9c: {  	v12 =	vunpack.i.l.bf16.f32 v12;
	v15 =	vunpack.i.u.bf16.f32 v13;
	v13 =	vunpack.i.l.bf16.f32 v13;
	v25 =	vld [tilespmem:s16+$0xFFFFFFC0]  }
0x9d: {  	v26 =	vunpack.i.u.bf16.f32 v16;
	v16 =	vunpack.i.l.bf16.f32 v16;
	v27 =	vunpack.i.u.bf16.f32 v23  }
0x9e: {  	v14 =	vadd.f32 v16, v14;
	v16 =	vadd.f32 v26, v17;
	v17 =	vunpack.i.l.bf16.f32 v23;
	v23 =	vld [tilespmem:s16+$0xFFFFFFE8]  }
0x9f: {  	v17 =	vadd.f32 v17, v20;
	v20 =	vadd.f32 v27, v22;
	v22 =	vunpack.i.u.bf16.f32 v19  }
.Ltmp3:
0xa0: {  	v13 =	vadd.f32 v13, v14;
	v15 =	vadd.f32 v15, v16;
	v16 =	vunpack.i.l.bf16.f32 v19;
	v14 =	vld [tilespmem:s16+$0x10];
	(pc) =	sbr.rel @p1 .LBB2_5-.Ltmp3, $4  }
0xa1: {  	v16 =	vadd.f32 v16, v17;
	v19 =	vadd.f32 v22, v20;
	v20 =	vunpack.i.u.bf16.f32 v25  }
0xa2: {  	v12 =	vadd.f32 v12, v13;
	v22 =	vadd.f32 v18, v15;
	v15 =	vunpack.i.l.bf16.f32 v25;
	v13 =	vld [tilespmem:s16+$0x38]  }
0xa3: {  	v17 =	vadd.f32 v15, v16;
	v15 =	vadd.f32 v20, v19;
	v18 =	vunpack.i.u.bf16.f32 v23  }
0xa4: {  	s16 =	sadd.s32 $0x140, s16;
	v19 =	vadd.f32 v24, v12;
	v16 =	vadd.f32 v21, v22;
	v20 =	vunpack.i.l.bf16.f32 v23;
	v12 =	vld [tilespmem:s14+$0x60]  }
0xa5: {  	s15 =	sor.u32 $0x1, s11  }
0xa6: {  	v17 =	vadd.f32 v20, v17;
	v20 =	vmov s15  }
0xa7: {  	v15 =	vadd.f32 v18, v15;
	v18 =	vunpack.i.l.bf16.f32 v14;
	v11 =	vadd.f32 v11, v19  }
0xa8: {  	v14 =	vunpack.i.u.bf16.f32 v14;
	v10 =	vadd.f32 v10, v16;
	v16 =	vadd.f32 v18, v17  }
0xa9: {  	v14 =	vadd.f32 v14, v15;
	v9 =	vadd.f32 v9, v11;
	v11 =	vunpack.i.l.bf16.f32 v13  }
0xaa: {  	v17 =	vld [tilespmem:s14+$0x88];
	v13 =	vunpack.i.u.bf16.f32 v13;
	v8 =	vadd.f32 v8, v10;
	v10 =	vadd.f32 v11, v16  }
0xab: {  	v11 =	vadd.f32 v13, v14;
	v13 =	vunpack.i.u.bf16.f32 v12;
	v7 =	vadd.f32 v7, v9;
	v9 =	vld.idx.msk [tilespmem:v20+s9+$0x0], $0xffff  }
0xac: {  	v6 =	vadd.f32 v6, v8;
	v8 =	vunpack.i.l.bf16.f32 v12;
	v12 =	vshll.u32 v20, $0x6  }
0xad: {  	v8 =	vadd.f32 v8, v10;
	v10 =	vadd.f32 v13, v11;
	v11 =	vor.u32 v0, v12  }
0xae: {  	v14 =	vor.u32 v2, v12;
	v5 =	vadd.f32 v5, v7;
	v7 =	vor.u32 v1, v12  }
0xaf: {  	v13 =	vunpack.i.u.bf16.f32 v17;
	v4 =	vadd.f32 v4, v6;
	v6 =	vunpack.i.l.bf16.f32 v17  }
0xb0: {  	v6 =	vadd.f32 v6, v8;
	v8 =	vor.u32 v3, v12;
	v5 =	vmul.f32 v9, v5  }
0xb1: {  	v10 =	vadd.f32 v13, v10;
	v4 =	vmul.f32 v9, v4  }
0xb2: {  	[tilespmem:v11+s28+$0x0] =	vst.idx.msk $0xffff, v5;
	v5 =	vmul.f32 v9, v6  }
0xb3: {  	[tilespmem:v7+s28+$0x0] =	vst.idx.msk $0xffff, v4;
	v4 =	vmul.f32 v9, v10  }
0xb4: {  	[tilespmem:v14+s28+$0x0] =	vst.idx.msk $0xffff, v5  }
0xb5: {  	s16 =	simm.s32 @!p0 $0x83C0;
	s15 =	simm.s32 @!p0 $0x80;
	s14 =	sadd.s32 @!p0 $0x3E8, s13;
	[tilespmem:v8+s28+$0x0] =	vst.idx.msk $0xffff, v4  }
0xb6: {  	[tilespmem:s16], [sflag:$0x2] =	stream.indirect.gather @!p0 [hbm4b:s3+s15], $0x28, s14, s15, $0xb8;
	[tilespmem:$0x10180] =	vst v63  }
0xb7: {  	s14 =	sadd.s32 @!p0 $0x468, s13;
	s15 =	simm.s32 @!p0 $0x48;
	s16 =	simm.s32 @!p0 $0x97C0  }
0xb8: {  	[tilespmem:s16], [sflag:$0x2] =	stream.indirect.gather @!p0 [hbm4b:s3+s15], $0x28, s14, s15, $0xb8;
	[tilespmem:$0x10180] =	vst v63  }
0xb9: {  	_ =	swait.ge [sflag:s30], $0x1400  }
0xba: {  	[sflag:s30] =	ssyncset.done $0x0  }
0xbb: {  	[sflag:s30] =	ssyncadd.s32 $0xFFFFEC00  }
0xbc: {  	_ =	swait.ge [sflag:s30], $0xB40  }
0xbd: {  	[sflag:s30] =	ssyncset.done $0x0  }
0xbe: {  	s14 =	simm.s32 $0xA3A0;
	[sflag:s30] =	ssyncadd.s32 $0xFFFFF4C0  }
0xbf: {  	v5 =	vld [tilespmem:s14+$0x78]  }
0xc0: {  	v7 =	vld [tilespmem:s14+$0x50]  }
0xc1: {  	v9 =	vld [tilespmem:s14+$0x28]  }
0xc2: {  	v11 =	vld [tilespmem:s14+$0x0]  }
0xc3: {  	v12 =	vld [tilespmem:s14+$0xFFFFFFD8]  }
0xc4: {  	v13 =	vld [tilespmem:s14+$0xFFFFFFB0]  }
0xc5: {  	v14 =	vld [tilespmem:s14+$0xFFFFFF88]  }
0xc6: {  	v15 =	vld [tilespmem:s14+$0xFFFFFF60]  }
0xc7: {  	v16 =	vimm.f32 $0.0e+00;
	v17 =	vld [tilespmem:s14+$0xFFFFFF70];
	v4 =	vunpack.i.u.bf16.f32 v5;
	v5 =	vunpack.i.l.bf16.f32 v5  }
0xc8: {  	v8 =	vunpack.i.u.bf16.f32 v9;
	v6 =	vunpack.i.u.bf16.f32 v7;
	v7 =	vunpack.i.l.bf16.f32 v7  }
0xc9: {  	v18 =	vld [tilespmem:s14+$0xFFFFFF98];
	v10 =	vunpack.i.u.bf16.f32 v11;
	v11 =	vunpack.i.l.bf16.f32 v11;
	v9 =	vunpack.i.l.bf16.f32 v9  }
0xca: {  	v19 =	vunpack.i.u.bf16.f32 v13;
	v20 =	vunpack.i.u.bf16.f32 v12;
	v12 =	vunpack.i.l.bf16.f32 v12  }
0xcb: {  	v22 =	vld [tilespmem:s14+$0xFFFFFFC0];
	v21 =	vunpack.i.u.bf16.f32 v14;
	v23 =	vunpack.i.u.bf16.f32 v15;
	v15 =	vunpack.i.l.bf16.f32 v15  }
0xcc: {  	v24 =	vunpack.i.u.bf16.f32 v17;
	v17 =	vunpack.i.l.bf16.f32 v17;
	v15 =	vadd.f32 v15, v16  }
0xcd: {  	v25 =	vld [tilespmem:s14+$0xFFFFFFE8];
	v14 =	vunpack.i.l.bf16.f32 v14;
	v23 =	vadd.f32 v23, v16;
	v17 =	vadd.f32 v17, v16  }
0xce: {  	v16 =	vadd.f32 v24, v16;
	v15 =	vadd.f32 v14, v15;
	v14 =	vunpack.i.l.bf16.f32 v18  }
0xcf: {  	v63 =	vunpack.i.u.bf16.f32 v18;
	v21 =	vadd.f32 v21, v23;
	v17 =	vadd.f32 v14, v17;
	v14 =	vld [tilespmem:s14+$0x10]  }
0xd0: {  	v13 =	vunpack.i.l.bf16.f32 v13;
	v16 =	vadd.f32 v63, v16;
	v18 =	vunpack.i.u.bf16.f32 v22  }
0xd1: {  	v23 =	vadd.f32 v13, v15;
	v21 =	vadd.f32 v19, v21;
	v15 =	vunpack.i.l.bf16.f32 v22;
	v13 =	vld [tilespmem:s14+$0x38]  }
0xd2: {  	v17 =	vadd.f32 v15, v17;
	v15 =	vadd.f32 v18, v16;
	v18 =	vunpack.i.u.bf16.f32 v25  }
0xd3: {  	s15 =	simm.s32 $0x0;
	s16 =	simm.s32 $0xA4E0;
	v19 =	vadd.f32 v12, v23;
	v16 =	vadd.f32 v20, v21;
	v20 =	vunpack.i.l.bf16.f32 v25;
	v12 =	vld [tilespmem:s14+$0x60]  }
.LBB2_7:
0xd4: {  	v21 =	vld [tilespmem:s16+$0x78];
	v17 =	vadd.f32 v20, v17;
	v15 =	vadd.f32 v18, v15;
	v18 =	vunpack.i.u.bf16.f32 v14  }
0xd5: {  	v14 =	vunpack.i.l.bf16.f32 v14;
	v11 =	vadd.f32 v11, v19;
	v10 =	vadd.f32 v10, v16;
	v16 =	vld [tilespmem:s14+$0x88];
	s14 =	smov.u32 s16  }
0xd6: {  	v19 =	vld [tilespmem:s16+$0x50];
	v14 =	vadd.f32 v14, v17;
	v15 =	vadd.f32 v18, v15;
	v17 =	vunpack.i.u.bf16.f32 v13  }
0xd7: {  	v18 =	vld [tilespmem:s16+$0x28];
	v9 =	vadd.f32 v9, v11;
	v8 =	vadd.f32 v8, v10;
	v10 =	vunpack.i.l.bf16.f32 v13  }
0xd8: {  	v11 =	vld [tilespmem:s16+$0x0];
	v10 =	vadd.f32 v10, v14;
	v13 =	vadd.f32 v17, v15;
	v14 =	vunpack.i.u.bf16.f32 v12  }
0xd9: {  	v15 =	vld [tilespmem:s16+$0xFFFFFFD8];
	v7 =	vadd.f32 v7, v9;
	v6 =	vadd.f32 v6, v8;
	v8 =	vunpack.i.l.bf16.f32 v12  }
0xda: {  	v12 =	vld [tilespmem:s16+$0xFFFFFFB0];
	v8 =	vadd.f32 v8, v10;
	v9 =	vadd.f32 v14, v13;
	v10 =	vunpack.i.u.bf16.f32 v16  }
0xdb: {  	v13 =	vld [tilespmem:s16+$0xFFFFFF88];
	v14 =	vadd.f32 v5, v7;
	v17 =	vadd.f32 v4, v6;
	v4 =	vunpack.i.l.bf16.f32 v16  }
0xdc: {  	v16 =	vld [tilespmem:s16+$0xFFFFFF60];
	v20 =	vadd.f32 v4, v8;
	v22 =	vadd.f32 v10, v9  }
0xdd: {  	v5 =	vunpack.i.l.bf16.f32 v21;
	v4 =	vunpack.i.u.bf16.f32 v21;
	v23 =	vld [tilespmem:s16+$0xFFFFFF70]  }
0xde: {  	s15 =	sadd.s32 $0x8, s15;
	v6 =	vunpack.i.u.bf16.f32 v19;
	v7 =	vunpack.i.l.bf16.f32 v19;
	v8 =	vunpack.i.u.bf16.f32 v18  }
0xdf: {  	p1 =	slt.u32 s15, $0xC0;
	v9 =	vunpack.i.l.bf16.f32 v18;
	v10 =	vunpack.i.u.bf16.f32 v11;
	v11 =	vunpack.i.l.bf16.f32 v11;
	v19 =	vld [tilespmem:s16+$0xFFFFFF98]  }
0xe0: {  	v21 =	vunpack.i.u.bf16.f32 v15;
	v24 =	vunpack.i.l.bf16.f32 v15;
	v18 =	vunpack.i.u.bf16.f32 v12  }
0xe1: {  	v12 =	vunpack.i.l.bf16.f32 v12;
	v15 =	vunpack.i.u.bf16.f32 v13;
	v13 =	vunpack.i.l.bf16.f32 v13;
	v25 =	vld [tilespmem:s16+$0xFFFFFFC0]  }
0xe2: {  	v26 =	vunpack.i.u.bf16.f32 v16;
	v16 =	vunpack.i.l.bf16.f32 v16;
	v27 =	vunpack.i.u.bf16.f32 v23  }
0xe3: {  	v14 =	vadd.f32 v16, v14;
	v16 =	vadd.f32 v26, v17;
	v17 =	vunpack.i.l.bf16.f32 v23;
	v23 =	vld [tilespmem:s16+$0xFFFFFFE8]  }
0xe4: {  	v17 =	vadd.f32 v17, v20;
	v20 =	vadd.f32 v27, v22;
	v22 =	vunpack.i.u.bf16.f32 v19  }
.Ltmp4:
0xe5: {  	v13 =	vadd.f32 v13, v14;
	v15 =	vadd.f32 v15, v16;
	v16 =	vunpack.i.l.bf16.f32 v19;
	v14 =	vld [tilespmem:s16+$0x10];
	(pc) =	sbr.rel @p1 .LBB2_7-.Ltmp4, $4  }
0xe6: {  	v16 =	vadd.f32 v16, v17;
	v19 =	vadd.f32 v22, v20;
	v20 =	vunpack.i.u.bf16.f32 v25  }
0xe7: {  	v12 =	vadd.f32 v12, v13;
	v22 =	vadd.f32 v18, v15;
	v15 =	vunpack.i.l.bf16.f32 v25;
	v13 =	vld [tilespmem:s16+$0x38]  }
0xe8: {  	v17 =	vadd.f32 v15, v16;
	v15 =	vadd.f32 v20, v19;
	v18 =	vunpack.i.u.bf16.f32 v23  }
0xe9: {  	s16 =	sadd.s32 $0x140, s16;
	v19 =	vadd.f32 v24, v12;
	v16 =	vadd.f32 v21, v22;
	v20 =	vunpack.i.l.bf16.f32 v23;
	v12 =	vld [tilespmem:s14+$0x60]  }
0xea: {  	s15 =	sor.u32 $0x2, s11  }
0xeb: {  	v17 =	vadd.f32 v20, v17;
	v20 =	vmov s15  }
0xec: {  	v15 =	vadd.f32 v18, v15;
	v18 =	vunpack.i.l.bf16.f32 v14;
	v11 =	vadd.f32 v11, v19  }
0xed: {  	v14 =	vunpack.i.u.bf16.f32 v14;
	v10 =	vadd.f32 v10, v16;
	v16 =	vadd.f32 v18, v17  }
0xee: {  	v14 =	vadd.f32 v14, v15;
	v9 =	vadd.f32 v9, v11;
	v11 =	vunpack.i.l.bf16.f32 v13  }
0xef: {  	v17 =	vld [tilespmem:s14+$0x88];
	v13 =	vunpack.i.u.bf16.f32 v13;
	v8 =	vadd.f32 v8, v10;
	v10 =	vadd.f32 v11, v16  }
0xf0: {  	v11 =	vadd.f32 v13, v14;
	v13 =	vunpack.i.u.bf16.f32 v12;
	v7 =	vadd.f32 v7, v9;
	v9 =	vld.idx.msk [tilespmem:v20+s9+$0x0], $0xffff  }
0xf1: {  	v6 =	vadd.f32 v6, v8;
	v8 =	vunpack.i.l.bf16.f32 v12;
	v12 =	vshll.u32 v20, $0x6  }
0xf2: {  	v8 =	vadd.f32 v8, v10;
	v10 =	vadd.f32 v13, v11;
	v11 =	vor.u32 v0, v12  }
0xf3: {  	v14 =	vor.u32 v2, v12;
	v5 =	vadd.f32 v5, v7;
	v7 =	vor.u32 v1, v12  }
0xf4: {  	v13 =	vunpack.i.u.bf16.f32 v17;
	v4 =	vadd.f32 v4, v6;
	v6 =	vunpack.i.l.bf16.f32 v17  }
0xf5: {  	v6 =	vadd.f32 v6, v8;
	v8 =	vor.u32 v3, v12;
	v5 =	vmul.f32 v9, v5  }
0xf6: {  	v10 =	vadd.f32 v13, v10;
	v4 =	vmul.f32 v9, v4  }
0xf7: {  	[tilespmem:v11+s28+$0x0] =	vst.idx.msk $0xffff, v5;
	v5 =	vmul.f32 v9, v6  }
0xf8: {  	[tilespmem:v7+s28+$0x0] =	vst.idx.msk $0xffff, v4;
	v4 =	vmul.f32 v9, v10  }
0xf9: {  	[tilespmem:v14+s28+$0x0] =	vst.idx.msk $0xffff, v5  }
0xfa: {  	s16 =	simm.s32 @!p0 $0xA300;
	s15 =	simm.s32 @!p0 $0x80;
	s14 =	sadd.s32 @!p0 $0x4B0, s13;
	[tilespmem:v8+s28+$0x0] =	vst.idx.msk $0xffff, v4  }
0xfb: {  	[tilespmem:s16], [sflag:$0x3] =	stream.indirect.gather @!p0 [hbm4b:s3+s15], $0x28, s14, s15, $0xb8;
	[tilespmem:$0x10180] =	vst v63  }
0xfc: {  	s13 =	sadd.s32 @!p0 $0x530, s13;
	s14 =	simm.s32 @!p0 $0x48;
	s15 =	simm.s32 @!p0 $0xB700  }
0xfd: {  	[tilespmem:s15], [sflag:$0x3] =	stream.indirect.gather @!p0 [hbm4b:s3+s14], $0x28, s13, s14, $0xb8;
	[tilespmem:$0x10180] =	vst v63  }
0xfe: {  	_ =	swait.ge [sflag:s31], $0x1400  }
0xff: {  	[sflag:s31] =	ssyncset.done $0x0  }
0x100: {  	[sflag:s31] =	ssyncadd.s32 $0xFFFFEC00  }
0x101: {  	_ =	swait.ge [sflag:s31], $0xB40  }
0x102: {  	[sflag:s31] =	ssyncset.done $0x0  }
0x103: {  	s13 =	simm.s32 $0xC2E0;
	[sflag:s31] =	ssyncadd.s32 $0xFFFFF4C0  }
0x104: {  	v5 =	vld [tilespmem:s13+$0x78]  }
0x105: {  	v7 =	vld [tilespmem:s13+$0x50]  }
0x106: {  	v9 =	vld [tilespmem:s13+$0x28]  }
0x107: {  	v11 =	vld [tilespmem:s13+$0x0]  }
0x108: {  	v12 =	vld [tilespmem:s13+$0xFFFFFFD8]  }
0x109: {  	v13 =	vld [tilespmem:s13+$0xFFFFFFB0]  }
0x10a: {  	v14 =	vld [tilespmem:s13+$0xFFFFFF88]  }
0x10b: {  	v15 =	vld [tilespmem:s13+$0xFFFFFF60]  }
0x10c: {  	v16 =	vimm.f32 $0.0e+00;
	v17 =	vld [tilespmem:s13+$0xFFFFFF70];
	v4 =	vunpack.i.u.bf16.f32 v5;
	v5 =	vunpack.i.l.bf16.f32 v5  }
0x10d: {  	v8 =	vunpack.i.u.bf16.f32 v9;
	v6 =	vunpack.i.u.bf16.f32 v7;
	v7 =	vunpack.i.l.bf16.f32 v7  }
0x10e: {  	v18 =	vld [tilespmem:s13+$0xFFFFFF98];
	v10 =	vunpack.i.u.bf16.f32 v11;
	v11 =	vunpack.i.l.bf16.f32 v11;
	v9 =	vunpack.i.l.bf16.f32 v9  }
0x10f: {  	v19 =	vunpack.i.u.bf16.f32 v13;
	v20 =	vunpack.i.u.bf16.f32 v12;
	v12 =	vunpack.i.l.bf16.f32 v12  }
0x110: {  	v22 =	vld [tilespmem:s13+$0xFFFFFFC0];
	v21 =	vunpack.i.u.bf16.f32 v14;
	v23 =	vunpack.i.u.bf16.f32 v15;
	v15 =	vunpack.i.l.bf16.f32 v15  }
0x111: {  	v24 =	vunpack.i.u.bf16.f32 v17;
	v17 =	vunpack.i.l.bf16.f32 v17;
	v15 =	vadd.f32 v15, v16  }
0x112: {  	v25 =	vld [tilespmem:s13+$0xFFFFFFE8];
	v14 =	vunpack.i.l.bf16.f32 v14;
	v23 =	vadd.f32 v23, v16;
	v17 =	vadd.f32 v17, v16  }
0x113: {  	v16 =	vadd.f32 v24, v16;
	v15 =	vadd.f32 v14, v15;
	v14 =	vunpack.i.l.bf16.f32 v18  }
0x114: {  	v63 =	vunpack.i.u.bf16.f32 v18;
	v21 =	vadd.f32 v21, v23;
	v17 =	vadd.f32 v14, v17;
	v14 =	vld [tilespmem:s13+$0x10]  }
0x115: {  	v13 =	vunpack.i.l.bf16.f32 v13;
	v16 =	vadd.f32 v63, v16;
	v18 =	vunpack.i.u.bf16.f32 v22  }
0x116: {  	v23 =	vadd.f32 v13, v15;
	v21 =	vadd.f32 v19, v21;
	v15 =	vunpack.i.l.bf16.f32 v22;
	v13 =	vld [tilespmem:s13+$0x38]  }
0x117: {  	v17 =	vadd.f32 v15, v17;
	v15 =	vadd.f32 v18, v16;
	v18 =	vunpack.i.u.bf16.f32 v25  }
0x118: {  	s14 =	simm.s32 $0x0;
	s15 =	simm.s32 $0xC420;
	v19 =	vadd.f32 v12, v23;
	v16 =	vadd.f32 v20, v21;
	v20 =	vunpack.i.l.bf16.f32 v25;
	v12 =	vld [tilespmem:s13+$0x60]  }
.LBB2_9:
0x119: {  	v21 =	vld [tilespmem:s15+$0x78];
	v17 =	vadd.f32 v20, v17;
	v15 =	vadd.f32 v18, v15;
	v18 =	vunpack.i.u.bf16.f32 v14  }
0x11a: {  	v14 =	vunpack.i.l.bf16.f32 v14;
	v11 =	vadd.f32 v11, v19;
	v10 =	vadd.f32 v10, v16;
	v16 =	vld [tilespmem:s13+$0x88];
	s13 =	smov.u32 s15  }
0x11b: {  	v19 =	vld [tilespmem:s15+$0x50];
	v14 =	vadd.f32 v14, v17;
	v15 =	vadd.f32 v18, v15;
	v17 =	vunpack.i.u.bf16.f32 v13  }
0x11c: {  	v18 =	vld [tilespmem:s15+$0x28];
	v9 =	vadd.f32 v9, v11;
	v8 =	vadd.f32 v8, v10;
	v10 =	vunpack.i.l.bf16.f32 v13  }
0x11d: {  	v11 =	vld [tilespmem:s15+$0x0];
	v10 =	vadd.f32 v10, v14;
	v13 =	vadd.f32 v17, v15;
	v14 =	vunpack.i.u.bf16.f32 v12  }
0x11e: {  	v15 =	vld [tilespmem:s15+$0xFFFFFFD8];
	v7 =	vadd.f32 v7, v9;
	v6 =	vadd.f32 v6, v8;
	v8 =	vunpack.i.l.bf16.f32 v12  }
0x11f: {  	v12 =	vld [tilespmem:s15+$0xFFFFFFB0];
	v8 =	vadd.f32 v8, v10;
	v9 =	vadd.f32 v14, v13;
	v10 =	vunpack.i.u.bf16.f32 v16  }
0x120: {  	v13 =	vld [tilespmem:s15+$0xFFFFFF88];
	v14 =	vadd.f32 v5, v7;
	v17 =	vadd.f32 v4, v6;
	v4 =	vunpack.i.l.bf16.f32 v16  }
0x121: {  	v16 =	vld [tilespmem:s15+$0xFFFFFF60];
	v20 =	vadd.f32 v4, v8;
	v22 =	vadd.f32 v10, v9  }
0x122: {  	v5 =	vunpack.i.l.bf16.f32 v21;
	v4 =	vunpack.i.u.bf16.f32 v21;
	v23 =	vld [tilespmem:s15+$0xFFFFFF70]  }
0x123: {  	s14 =	sadd.s32 $0x8, s14;
	v6 =	vunpack.i.u.bf16.f32 v19;
	v7 =	vunpack.i.l.bf16.f32 v19;
	v8 =	vunpack.i.u.bf16.f32 v18  }
0x124: {  	p1 =	slt.u32 s14, $0xC0;
	v9 =	vunpack.i.l.bf16.f32 v18;
	v10 =	vunpack.i.u.bf16.f32 v11;
	v11 =	vunpack.i.l.bf16.f32 v11;
	v19 =	vld [tilespmem:s15+$0xFFFFFF98]  }
0x125: {  	v21 =	vunpack.i.u.bf16.f32 v15;
	v24 =	vunpack.i.l.bf16.f32 v15;
	v18 =	vunpack.i.u.bf16.f32 v12  }
0x126: {  	v12 =	vunpack.i.l.bf16.f32 v12;
	v15 =	vunpack.i.u.bf16.f32 v13;
	v13 =	vunpack.i.l.bf16.f32 v13;
	v25 =	vld [tilespmem:s15+$0xFFFFFFC0]  }
0x127: {  	v26 =	vunpack.i.u.bf16.f32 v16;
	v16 =	vunpack.i.l.bf16.f32 v16;
	v27 =	vunpack.i.u.bf16.f32 v23  }
0x128: {  	v14 =	vadd.f32 v16, v14;
	v16 =	vadd.f32 v26, v17;
	v17 =	vunpack.i.l.bf16.f32 v23;
	v23 =	vld [tilespmem:s15+$0xFFFFFFE8]  }
0x129: {  	v17 =	vadd.f32 v17, v20;
	v20 =	vadd.f32 v27, v22;
	v22 =	vunpack.i.u.bf16.f32 v19  }
.Ltmp5:
0x12a: {  	v13 =	vadd.f32 v13, v14;
	v15 =	vadd.f32 v15, v16;
	v16 =	vunpack.i.l.bf16.f32 v19;
	v14 =	vld [tilespmem:s15+$0x10];
	(pc) =	sbr.rel @p1 .LBB2_9-.Ltmp5, $4  }
0x12b: {  	v16 =	vadd.f32 v16, v17;
	v19 =	vadd.f32 v22, v20;
	v20 =	vunpack.i.u.bf16.f32 v25  }
0x12c: {  	v12 =	vadd.f32 v12, v13;
	v22 =	vadd.f32 v18, v15;
	v15 =	vunpack.i.l.bf16.f32 v25;
	v13 =	vld [tilespmem:s15+$0x38]  }
0x12d: {  	v17 =	vadd.f32 v15, v16;
	v15 =	vadd.f32 v20, v19;
	v18 =	vunpack.i.u.bf16.f32 v23  }
0x12e: {  	s15 =	sadd.s32 $0x140, s15;
	v19 =	vadd.f32 v24, v12;
	v16 =	vadd.f32 v21, v22;
	v20 =	vunpack.i.l.bf16.f32 v23;
	v12 =	vld [tilespmem:s13+$0x60]  }
0x12f: {  	s11 =	sor.u32 $0x3, s11  }
0x130: {  	v17 =	vadd.f32 v20, v17;
	v44 =	vmov s11  }
0x131: {  	v15 =	vadd.f32 v18, v15;
	v45 =	vunpack.i.l.bf16.f32 v14;
	v11 =	vadd.f32 v11, v19  }
0x132: {  	v46 =	vunpack.i.u.bf16.f32 v14;
	v10 =	vadd.f32 v10, v16;
	v47 =	vadd.f32 v45, v17  }
0x133: {  	v14 =	vadd.f32 v46, v15;
	v49 =	vunpack.i.l.bf16.f32 v13;
	v50 =	vunpack.i.u.bf16.f32 v13  }
0x134: {  	v48 =	vld [tilespmem:s13+$0x88];
	v56 =	vshll.u32 v44, $0x6;
	v9 =	vadd.f32 v9, v11;
	v8 =	vadd.f32 v8, v10  }
0x135: {  	v58 =	vor.u32 v0, v56;
	v60 =	vor.u32 v1, v56;
	v62 =	vor.u32 v2, v56;
	v54 =	vld.idx.msk [tilespmem:v44+s9+$0x0], $0xffff  }
0x136: {  	v63 =	vor.u32 v3, v56;
	v51 =	vadd.f32 v49, v47;
	v7 =	vadd.f32 v7, v9  }
0x137: {  	v52 =	vadd.f32 v50, v14;
	v55 =	vunpack.i.l.bf16.f32 v12;
	v6 =	vadd.f32 v6, v8  }
0x138: {  	v53 =	vunpack.i.u.bf16.f32 v12;
	v8 =	vadd.f32 v55, v51;
	v5 =	vadd.f32 v5, v7  }
0x139: {  	v61 =	vunpack.i.l.bf16.f32 v48;
	v57 =	vadd.f32 v53, v52;
	v4 =	vadd.f32 v4, v6  }
0x13a: {  	v59 =	vunpack.i.u.bf16.f32 v48;
	v6 =	vadd.f32 v61, v8;
	v5 =	vmul.f32 v54, v5  }
.Ltmp6:
0x13b: {  	v10 =	vadd.f32 v59, v57;
	v4 =	vmul.f32 v54, v4;
	(pc) =	sbr.rel @p0 .LBB2_12-.Ltmp6, $4  }
0x13c: {  	[tilespmem:v58+s28+$0x0] =	vst.idx.msk $0xffff, v5;
	v5 =	vmul.f32 v54, v6  }
0x13d: {  	[tilespmem:v60+s28+$0x0] =	vst.idx.msk $0xffff, v4;
	v4 =	vmul.f32 v54, v10  }
0x13e: {  	[tilespmem:v62+s28+$0x0] =	vst.idx.msk $0xffff, v5  }
0x13f: {  	[tilespmem:v63+s28+$0x0] =	vst.idx.msk $0xffff, v4  }
0x140: {  	s11 =	smul.u32 $0xC80, s1;
	_ =	sdelay $0x1  }
.Ltmp7:
0x141: {  	s11 =	sshra.s32 s11, $0x2;
	(pc) =	sbr.rel .LBB2_2-.Ltmp7, $4  }
0x142: {  	s13 =	sadd.s32 $0x578, s11  }
0x143: {  	[tilespmem:s23], [sflag:$0x4] =	stream.indirect.gather [hbm4b:s3+s10], $0x28, s13, s10, $0xb8;
	[tilespmem:$0x10180] =	vst v63  }
0x144: {  	s1 =	sadd.s32 $0x1, s1;
	s11 =	sadd.s32 $0x5F8, s11  }
0x145: {  	[tilespmem:s25], [sflag:$0x4] =	stream.indirect.gather [hbm4b:s3+s12], $0x28, s11, s12, $0xb8;
	[tilespmem:$0x10180] =	vst v63  }
.LBB2_13:
0x146: {  	_ =	sfence.sel $0x180000  }
0x147: {  	[bflag:$0x0] =	sbarrier.arrive $0xFFFF  }
0x148: {  	_ =	strace $0x9000004A  }
0x149: {  	s0 =	stileid.u32;
	[bflag:$0x2] =	sbarrier.arrive $0xFFFF  }
0x14a: {  	p0 =	sne.s32 s0, $0x0;
	s0 =	rddreg [dreg:$0x2]  }
0x14b: {  	s0 =	sadd.s32 @!p0 $0x100000, s0  }
0x14c: {  	[sflag:s0] =	ssyncadd.tile.s32 @!p0 $0x1;
	_ =	shalt  }
.Lfunc_end2:
_tile_overlayer_lowered:
.L_overlay_start_2:
0x14d: {  	(tag) =	ssettag $0x2  }
0x14e: {  	s0 =	rddreg [dreg:$0x0];
	s2 =	stileid.u32  }
0x14f: {  	s1 =	rddreg [dreg:$0x1];
	p0 =	sne.s32 s2, $0x0  }
0x150: {  	s3 =	rddreg [dreg:$0x2];
	[bflag:$0x3] =	sbarrier.arrive $0xFFFF;
	s2 =	simm.s32 @!p0 $0x1C05  }
0x151: {  	[timem:s3], [sflag:s2] =	dma.local @!p0 [hbm:s0], s1  }
0x152: {  	s0 =	simm.s32 @!p0 $0x5  }
0x153: {  	_ =	swait.ge @!p0 [sflag:s0], s1  }
0x154: {  	s1 =	ssub.s32 @!p0 $0x0, s1;
	[sflag:s0] =	ssyncset.done @!p0 $0x0  }
0x155: {  	[sflag:s0] =	ssyncadd.s32 @!p0 s1  }
0x156: {  	[bflag:$0x3] =	sbarrier.arrive $0xFFFF  }
0x157: {  	_ =	shalt  }

</sc_bundles>
